<compile_context>
chip_gen: v7x
topology: tpu7x:2x2x1
jax: 0.10.2.dev20260603
libtpu: 0.0.44.dev20260713+nightly
codegen_flags: <defaults>
</compile_context>

<pallas_src>
import functools
import jax
import jax.numpy as jnp
from jax import lax
from jax.experimental import pallas as pl
from jax.experimental.pallas import tpu as pltpu
from jax.experimental.pallas import tpu_sc as plsc

B = 16384
D = 128
L = 16
NW = 32
B_PER_W = B // NW
CH = 64
N_CHUNK = B_PER_W // CH
NBUF = 4


def _bpr_body(user_hbm, pos_hbm, neg_hbm, utab_hbm, itab_hbm, out_hbm,
              idx_u, idx_i, idx_j,
              ru0, ri0, rj0, ru1, ri1, rj1, ru2, ri2, rj2, ru3, ri3, rj3,
              out_v,
              su0, si0, sj0, su1, si1, sj1, su2, si2, sj2, su3, si3, sj3,
              so):
    wid = lax.axis_index("s") * 2 + lax.axis_index("c")
    base = wid * B_PER_W

    cxu = pltpu.async_copy(user_hbm.at[pl.ds(base, B_PER_W)], idx_u, so)
    cxi = pltpu.async_copy(pos_hbm.at[pl.ds(base, B_PER_W)], idx_i, su1)
    cxj = pltpu.async_copy(neg_hbm.at[pl.ds(base, B_PER_W)], idx_j, si1)

    bufs = [(ru0, ri0, rj0, su0, si0, sj0), (ru1, ri1, rj1, su1, si1, sj1),
            (ru2, ri2, rj2, su2, si2, sj2), (ru3, ri3, rj3, su3, si3, sj3)]

    def issue(k_dyn, b):
        ru, ri, rj, su, si, sj = bufs[b]
        off = k_dyn * CH
        pltpu.async_copy(utab_hbm.at[idx_u.at[pl.ds(off, CH)]], ru, su)
        pltpu.async_copy(itab_hbm.at[idx_i.at[pl.ds(off, CH)]], ri, si)
        pltpu.async_copy(itab_hbm.at[idx_j.at[pl.ds(off, CH)]], rj, sj)

    def wait_chunk(b):
        ru, ri, rj, su, si, sj = bufs[b]
        pltpu.make_async_copy(utab_hbm.at[idx_u.at[pl.ds(0, CH)]], ru, su).wait()
        pltpu.make_async_copy(itab_hbm.at[idx_i.at[pl.ds(0, CH)]], ri, si).wait()
        pltpu.make_async_copy(itab_hbm.at[idx_j.at[pl.ds(0, CH)]], rj, sj).wait()

    lane = lax.iota(jnp.int32, L)
    cxu.wait()
    cxi.wait()
    cxj.wait()
    for k in range(NBUF):
        issue(k, k)

    def compute(b, off):
        ru, ri, rj = bufs[b][:3]

        @plsc.parallel_loop(0, CH // L)
        def group_body(g):
            def row_body(r16, res):
                r = g * L + r16
                acc = jnp.zeros((L,), jnp.float32)
                for c in range(D // L):
                    uv = ru[r, pl.ds(c * L, L)]
                    iv = ri[r, pl.ds(c * L, L)]
                    jv = rj[r, pl.ds(c * L, L)]
                    acc = acc + uv * (iv - jv)
                return jnp.where(lane == r16, jnp.sum(acc), res)

            res = lax.fori_loop(0, L, row_body, jnp.zeros((L,), jnp.float32),
                                unroll=4)
            out_v[pl.ds(off + g * L, L)] = res

    def quad_body(t, _):
        for q in range(NBUF):
            k = t * NBUF + q
            wait_chunk(q)
            compute(q, k * CH)

            @pl.when(k + NBUF < N_CHUNK)
            def _(k=k, q=q):
                issue(k + NBUF, q)

        return 0

    lax.fori_loop(0, N_CHUNK // NBUF, quad_body, 0)
    pltpu.async_copy(out_v, out_hbm.at[pl.ds(base, B_PER_W)], so).wait()


@jax.jit
def _bpr(user, pos_item, neg_item, user_table, item_table):
    mesh = plsc.VectorSubcoreMesh(core_axis_name="c", subcore_axis_name="s")
    f = functools.partial(
        pl.kernel,
        mesh=mesh,
        compiler_params=pltpu.CompilerParams(
            needs_layout_passes=False, disable_bounds_checks=True),
        out_type=jax.ShapeDtypeStruct((B,), jnp.float32),
        scratch_types=[
            pltpu.VMEM((B_PER_W,), jnp.int32),
            pltpu.VMEM((B_PER_W,), jnp.int32),
            pltpu.VMEM((B_PER_W,), jnp.int32),
        ] + [pltpu.VMEM((CH, D), jnp.float32)] * 12 + [
            pltpu.VMEM((B_PER_W,), jnp.float32),
        ] + [pltpu.SemaphoreType.DMA] * 13,
    )(_bpr_body)
    return f(user, pos_item, neg_item, user_table, item_table)


def kernel(user, pos_item, neg_item, user_table, item_table):
    return _bpr(user, pos_item, neg_item, user_table, item_table)

# --- scband reference (transcript-rebuilt; emitter-appended) ---
"""Pipeline reference for scband-bpr-88510686036049 (READ-ONLY COPY).

The authoritative reference and input builder live on the scoring server;
editing this copy changes nothing except your own understanding.
"""

import jax, jax.numpy as jnp
import numpy as np

N_USER = 100000
N_ITEM = 1000000
LATENT_DIM = 128
BATCH = 16384

def setup_inputs(seed: int = 0) -> dict:
    key = jax.random.key(seed)
    k1, k2, k3, k4, k5 = jax.random.split(key, 5)
    user = jax.random.randint(k1, (BATCH,), 0, N_USER, dtype=jnp.int64 if jax.config.jax_enable_x64 else jnp.int32).astype(jnp.int32)
    pos_item = jax.random.randint(k2, (BATCH,), 0, N_ITEM).astype(jnp.int32)
    neg_item = jax.random.randint(k3, (BATCH,), 0, N_ITEM).astype(jnp.int32)
    user_table = jax.random.normal(k4, (N_USER, LATENT_DIM), dtype=jnp.float32)
    item_table = jax.random.normal(k5, (N_ITEM, LATENT_DIM), dtype=jnp.float32)
    return {"user": user, "pos_item": pos_item, "neg_item": neg_item,
            "user_table": user_table, "item_table": item_table}

def reference(user, pos_item, neg_item, user_table, item_table):
    # BPR forward: gather embeddings, score positive and negative items,
    # return pairwise preference score x_uij = <u, i> - <u, j>
    u_e = jnp.take(user_table, user, axis=0)        # [B, D]
    i_e = jnp.take(item_table, pos_item, axis=0)    # [B, D]
    j_e = jnp.take(item_table, neg_item, axis=0)    # [B, D]
    pred_i = jnp.sum(u_e * i_e, axis=-1)            # [B]
    pred_j = jnp.sum(u_e * j_e, axis=-1)            # [B]
    return pred_i - pred_j

if __name__ == "__main__":
    import jax
    _d = setup_inputs()
    print(jax.jit(kernel)(*tuple(_d.values())))

</pallas_src>

<mosaic_0001>
#map = affine_map<(d0, d1) -> (0)>
#map1 = affine_map<(d0, d1) -> (0, 0)>
module attributes {stable_mosaic.version = 14 : i64} {
  func.func @_bpr_body(%arg0: i32, %arg1: i32, %arg2: memref<16384xi32, #tpu.memory_space<hbm>>, %arg3: memref<16384xi32, #tpu.memory_space<hbm>>, %arg4: memref<16384xi32, #tpu.memory_space<hbm>>, %arg5: memref<100000x128xf32, #tpu.memory_space<hbm>>, %arg6: memref<1000000x128xf32, #tpu.memory_space<hbm>>, %arg7: memref<16384xf32, #tpu.memory_space<hbm>>, %arg8: memref<512xi32, #tpu.memory_space<vmem>>, %arg9: memref<512xi32, #tpu.memory_space<vmem>>, %arg10: memref<512xi32, #tpu.memory_space<vmem>>, %arg11: memref<64x128xf32, #tpu.memory_space<vmem>>, %arg12: memref<64x128xf32, #tpu.memory_space<vmem>>, %arg13: memref<64x128xf32, #tpu.memory_space<vmem>>, %arg14: memref<64x128xf32, #tpu.memory_space<vmem>>, %arg15: memref<64x128xf32, #tpu.memory_space<vmem>>, %arg16: memref<64x128xf32, #tpu.memory_space<vmem>>, %arg17: memref<64x128xf32, #tpu.memory_space<vmem>>, %arg18: memref<64x128xf32, #tpu.memory_space<vmem>>, %arg19: memref<64x128xf32, #tpu.memory_space<vmem>>, %arg20: memref<64x128xf32, #tpu.memory_space<vmem>>, %arg21: memref<64x128xf32, #tpu.memory_space<vmem>>, %arg22: memref<64x128xf32, #tpu.memory_space<vmem>>, %arg23: memref<512xf32, #tpu.memory_space<vmem>>, %arg24: memref<!tpu.dma_semaphore, #tpu.memory_space<semaphore_mem>>, %arg25: memref<!tpu.dma_semaphore, #tpu.memory_space<semaphore_mem>>, %arg26: memref<!tpu.dma_semaphore, #tpu.memory_space<semaphore_mem>>, %arg27: memref<!tpu.dma_semaphore, #tpu.memory_space<semaphore_mem>>, %arg28: memref<!tpu.dma_semaphore, #tpu.memory_space<semaphore_mem>>, %arg29: memref<!tpu.dma_semaphore, #tpu.memory_space<semaphore_mem>>, %arg30: memref<!tpu.dma_semaphore, #tpu.memory_space<semaphore_mem>>, %arg31: memref<!tpu.dma_semaphore, #tpu.memory_space<semaphore_mem>>, %arg32: memref<!tpu.dma_semaphore, #tpu.memory_space<semaphore_mem>>, %arg33: memref<!tpu.dma_semaphore, #tpu.memory_space<semaphore_mem>>, %arg34: memref<!tpu.dma_semaphore, #tpu.memory_space<semaphore_mem>>, %arg35: memref<!tpu.dma_semaphore, #tpu.memory_space<semaphore_mem>>, %arg36: memref<!tpu.dma_semaphore, #tpu.memory_space<semaphore_mem>>) attributes {dimension_semantics = [#tpu.dimension_semantics<core_parallel>, #tpu.dimension_semantics<subcore_parallel>], iteration_bounds = array<i64: 2, 16>, scalar_prefetch = 0 : i64, scratch_operands = 29 : i64, tpu.core_type = #tpu.core_type<sc_vector_subcore>, window_params = [{transform_indices = #map}, {transform_indices = #map}, {transform_indices = #map}, {transform_indices = #map1}, {transform_indices = #map1}, {transform_indices = #map}]} {
    %mul3A = arith.constant 2 : i32
    %mul3A_0 = arith.muli %arg1, %mul3A : i32
    %add3A = arith.addi %mul3A_0, %arg0 : i32
    %mul3A_1 = arith.constant 512 : i32
    %mul3A_2 = arith.muli %add3A, %mul3A_1 : i32
    %dma_start3A = tpu.memref_slice %arg2[%mul3A_2] : memref<16384xi32, #tpu.memory_space<hbm>> -> memref<512xi32, #tpu.memory_space<hbm>>
    %dma_start3A_3 = tpu.memref_slice %arg2[%mul3A_2] : memref<16384xi32, #tpu.memory_space<hbm>> -> memref<512xi32, #tpu.memory_space<hbm>>
    tpu.enqueue_dma source(%dma_start3A_3 : memref<512xi32, #tpu.memory_space<hbm>>) target(%arg8 : memref<512xi32, #tpu.memory_space<vmem>>) target_semaphore(%arg36 : memref<!tpu.dma_semaphore, #tpu.memory_space<semaphore_mem>>)
    %dma_start3A_4 = tpu.memref_slice %arg3[%mul3A_2] : memref<16384xi32, #tpu.memory_space<hbm>> -> memref<512xi32, #tpu.memory_space<hbm>>
    %dma_start3A_5 = tpu.memref_slice %arg3[%mul3A_2] : memref<16384xi32, #tpu.memory_space<hbm>> -> memref<512xi32, #tpu.memory_space<hbm>>
    tpu.enqueue_dma source(%dma_start3A_5 : memref<512xi32, #tpu.memory_space<hbm>>) target(%arg9 : memref<512xi32, #tpu.memory_space<vmem>>) target_semaphore(%arg27 : memref<!tpu.dma_semaphore, #tpu.memory_space<semaphore_mem>>)
    %dma_start3A_6 = tpu.memref_slice %arg4[%mul3A_2] : memref<16384xi32, #tpu.memory_space<hbm>> -> memref<512xi32, #tpu.memory_space<hbm>>
    %dma_start3A_7 = tpu.memref_slice %arg4[%mul3A_2] : memref<16384xi32, #tpu.memory_space<hbm>> -> memref<512xi32, #tpu.memory_space<hbm>>
    tpu.enqueue_dma source(%dma_start3A_7 : memref<512xi32, #tpu.memory_space<hbm>>) target(%arg10 : memref<512xi32, #tpu.memory_space<vmem>>) target_semaphore(%arg28 : memref<!tpu.dma_semaphore, #tpu.memory_space<semaphore_mem>>)
    %iota3A = tpu.iota {dimensions = array<i32: 0>} : vector<16xi32>
    %dma_wait3A = tpu.memref_slice %arg2[%mul3A_2] : memref<16384xi32, #tpu.memory_space<hbm>> -> memref<512xi32, #tpu.memory_space<hbm>>
    %dma_wait3A_8 = tpu.memref_slice %arg2[%mul3A_2] : memref<16384xi32, #tpu.memory_space<hbm>> -> memref<512xi32, #tpu.memory_space<hbm>>
    tpu.wait_dma2 semaphore(%arg36 : memref<!tpu.dma_semaphore, #tpu.memory_space<semaphore_mem>>) src(%dma_wait3A_8 : memref<512xi32, #tpu.memory_space<hbm>>) dst(%arg8 : memref<512xi32, #tpu.memory_space<vmem>>)
    %dma_wait3A_9 = tpu.memref_slice %arg3[%mul3A_2] : memref<16384xi32, #tpu.memory_space<hbm>> -> memref<512xi32, #tpu.memory_space<hbm>>
    %dma_wait3A_10 = tpu.memref_slice %arg3[%mul3A_2] : memref<16384xi32, #tpu.memory_space<hbm>> -> memref<512xi32, #tpu.memory_space<hbm>>
    tpu.wait_dma2 semaphore(%arg27 : memref<!tpu.dma_semaphore, #tpu.memory_space<semaphore_mem>>) src(%dma_wait3A_10 : memref<512xi32, #tpu.memory_space<hbm>>) dst(%arg9 : memref<512xi32, #tpu.memory_space<vmem>>)
    %dma_wait3A_11 = tpu.memref_slice %arg4[%mul3A_2] : memref<16384xi32, #tpu.memory_space<hbm>> -> memref<512xi32, #tpu.memory_space<hbm>>
    %dma_wait3A_12 = tpu.memref_slice %arg4[%mul3A_2] : memref<16384xi32, #tpu.memory_space<hbm>> -> memref<512xi32, #tpu.memory_space<hbm>>
    tpu.wait_dma2 semaphore(%arg28 : memref<!tpu.dma_semaphore, #tpu.memory_space<semaphore_mem>>) src(%dma_wait3A_12 : memref<512xi32, #tpu.memory_space<hbm>>) dst(%arg10 : memref<512xi32, #tpu.memory_space<vmem>>)
    %dma_start3A_13 = arith.constant 0 : i32
    %dma_start3A_14 = tpu.memref_slice %arg8[%dma_start3A_13] : memref<512xi32, #tpu.memory_space<vmem>> -> memref<64xi32, #tpu.memory_space<vmem>>
    %dma_start3A_15 = arith.constant 0 : i32
    %dma_start3A_16 = arith.constant 0 : i32
    %dma_start3A_17 = tpu.memref_slice %arg5[%dma_start3A_15, %dma_start3A_16] : memref<100000x128xf32, #tpu.memory_space<hbm>> -> memref<100000x128xf32, #tpu.memory_space<hbm>>
    tpu.enqueue_indirect_dma source(%dma_start3A_17 : memref<100000x128xf32, #tpu.memory_space<hbm>>) target(%arg11 : memref<64x128xf32, #tpu.memory_space<vmem>>) offsets(%dma_start3A_14 : memref<64xi32, #tpu.memory_space<vmem>>) semaphore(%arg24 : memref<!tpu.dma_semaphore, #tpu.memory_space<semaphore_mem>>)
    %dma_start3A_18 = arith.constant 0 : i32
    %dma_start3A_19 = tpu.memref_slice %arg9[%dma_start3A_18] : memref<512xi32, #tpu.memory_space<vmem>> -> memref<64xi32, #tpu.memory_space<vmem>>
    %dma_start3A_20 = arith.constant 0 : i32
    %dma_start3A_21 = arith.constant 0 : i32
    %dma_start3A_22 = tpu.memref_slice %arg6[%dma_start3A_20, %dma_start3A_21] : memref<1000000x128xf32, #tpu.memory_space<hbm>> -> memref<1000000x128xf32, #tpu.memory_space<hbm>>
    tpu.enqueue_indirect_dma source(%dma_start3A_22 : memref<1000000x128xf32, #tpu.memory_space<hbm>>) target(%arg12 : memref<64x128xf32, #tpu.memory_space<vmem>>) offsets(%dma_start3A_19 : memref<64xi32, #tpu.memory_space<vmem>>) semaphore(%arg25 : memref<!tpu.dma_semaphore, #tpu.memory_space<semaphore_mem>>)
    %dma_start3A_23 = arith.constant 0 : i32
    %dma_start3A_24 = tpu.memref_slice %arg10[%dma_start3A_23] : memref<512xi32, #tpu.memory_space<vmem>> -> memref<64xi32, #tpu.memory_space<vmem>>
    %dma_start3A_25 = arith.constant 0 : i32
    %dma_start3A_26 = arith.constant 0 : i32
    %dma_start3A_27 = tpu.memref_slice %arg6[%dma_start3A_25, %dma_start3A_26] : memref<1000000x128xf32, #tpu.memory_space<hbm>> -> memref<1000000x128xf32, #tpu.memory_space<hbm>>
    tpu.enqueue_indirect_dma source(%dma_start3A_27 : memref<1000000x128xf32, #tpu.memory_space<hbm>>) target(%arg13 : memref<64x128xf32, #tpu.memory_space<vmem>>) offsets(%dma_start3A_24 : memref<64xi32, #tpu.memory_space<vmem>>) semaphore(%arg26 : memref<!tpu.dma_semaphore, #tpu.memory_space<semaphore_mem>>)
    %dma_start3A_28 = arith.constant 64 : i32
    %dma_start3A_29 = tpu.memref_slice %arg8[%dma_start3A_28] : memref<512xi32, #tpu.memory_space<vmem>> -> memref<64xi32, #tpu.memory_space<vmem>>
    %dma_start3A_30 = arith.constant 0 : i32
    %dma_start3A_31 = arith.constant 0 : i32
    %dma_start3A_32 = tpu.memref_slice %arg5[%dma_start3A_30, %dma_start3A_31] : memref<100000x128xf32, #tpu.memory_space<hbm>> -> memref<100000x128xf32, #tpu.memory_space<hbm>>
    tpu.enqueue_indirect_dma source(%dma_start3A_32 : memref<100000x128xf32, #tpu.memory_space<hbm>>) target(%arg14 : memref<64x128xf32, #tpu.memory_space<vmem>>) offsets(%dma_start3A_29 : memref<64xi32, #tpu.memory_space<vmem>>) semaphore(%arg27 : memref<!tpu.dma_semaphore, #tpu.memory_space<semaphore_mem>>)
    %dma_start3A_33 = arith.constant 64 : i32
    %dma_start3A_34 = tpu.memref_slice %arg9[%dma_start3A_33] : memref<512xi32, #tpu.memory_space<vmem>> -> memref<64xi32, #tpu.memory_space<vmem>>
    %dma_start3A_35 = arith.constant 0 : i32
    %dma_start3A_36 = arith.constant 0 : i32
    %dma_start3A_37 = tpu.memref_slice %arg6[%dma_start3A_35, %dma_start3A_36] : memref<1000000x128xf32, #tpu.memory_space<hbm>> -> memref<1000000x128xf32, #tpu.memory_space<hbm>>
    tpu.enqueue_indirect_dma source(%dma_start3A_37 : memref<1000000x128xf32, #tpu.memory_space<hbm>>) target(%arg15 : memref<64x128xf32, #tpu.memory_space<vmem>>) offsets(%dma_start3A_34 : memref<64xi32, #tpu.memory_space<vmem>>) semaphore(%arg28 : memref<!tpu.dma_semaphore, #tpu.memory_space<semaphore_mem>>)
    %dma_start3A_38 = arith.constant 64 : i32
    %dma_start3A_39 = tpu.memref_slice %arg10[%dma_start3A_38] : memref<512xi32, #tpu.memory_space<vmem>> -> memref<64xi32, #tpu.memory_space<vmem>>
    %dma_start3A_40 = arith.constant 0 : i32
    %dma_start3A_41 = arith.constant 0 : i32
    %dma_start3A_42 = tpu.memref_slice %arg6[%dma_start3A_40, %dma_start3A_41] : memref<1000000x128xf32, #tpu.memory_space<hbm>> -> memref<1000000x128xf32, #tpu.memory_space<hbm>>
    tpu.enqueue_indirect_dma source(%dma_start3A_42 : memref<1000000x128xf32, #tpu.memory_space<hbm>>) target(%arg16 : memref<64x128xf32, #tpu.memory_space<vmem>>) offsets(%dma_start3A_39 : memref<64xi32, #tpu.memory_space<vmem>>) semaphore(%arg29 : memref<!tpu.dma_semaphore, #tpu.memory_space<semaphore_mem>>)
    %dma_start3A_43 = arith.constant 128 : i32
    %dma_start3A_44 = tpu.memref_slice %arg8[%dma_start3A_43] : memref<512xi32, #tpu.memory_space<vmem>> -> memref<64xi32, #tpu.memory_space<vmem>>
    %dma_start3A_45 = arith.constant 0 : i32
    %dma_start3A_46 = arith.constant 0 : i32
    %dma_start3A_47 = tpu.memref_slice %arg5[%dma_start3A_45, %dma_start3A_46] : memref<100000x128xf32, #tpu.memory_space<hbm>> -> memref<100000x128xf32, #tpu.memory_space<hbm>>
    tpu.enqueue_indirect_dma source(%dma_start3A_47 : memref<100000x128xf32, #tpu.memory_space<hbm>>) target(%arg17 : memref<64x128xf32, #tpu.memory_space<vmem>>) offsets(%dma_start3A_44 : memref<64xi32, #tpu.memory_space<vmem>>) semaphore(%arg30 : memref<!tpu.dma_semaphore, #tpu.memory_space<semaphore_mem>>)
    %dma_start3A_48 = arith.constant 128 : i32
    %dma_start3A_49 = tpu.memref_slice %arg9[%dma_start3A_48] : memref<512xi32, #tpu.memory_space<vmem>> -> memref<64xi32, #tpu.memory_space<vmem>>
    %dma_start3A_50 = arith.constant 0 : i32
    %dma_start3A_51 = arith.constant 0 : i32
    %dma_start3A_52 = tpu.memref_slice %arg6[%dma_start3A_50, %dma_start3A_51] : memref<1000000x128xf32, #tpu.memory_space<hbm>> -> memref<1000000x128xf32, #tpu.memory_space<hbm>>
    tpu.enqueue_indirect_dma source(%dma_start3A_52 : memref<1000000x128xf32, #tpu.memory_space<hbm>>) target(%arg18 : memref<64x128xf32, #tpu.memory_space<vmem>>) offsets(%dma_start3A_49 : memref<64xi32, #tpu.memory_space<vmem>>) semaphore(%arg31 : memref<!tpu.dma_semaphore, #tpu.memory_space<semaphore_mem>>)
    %dma_start3A_53 = arith.constant 128 : i32
    %dma_start3A_54 = tpu.memref_slice %arg10[%dma_start3A_53] : memref<512xi32, #tpu.memory_space<vmem>> -> memref<64xi32, #tpu.memory_space<vmem>>
    %dma_start3A_55 = arith.constant 0 : i32
    %dma_start3A_56 = arith.constant 0 : i32
    %dma_start3A_57 = tpu.memref_slice %arg6[%dma_start3A_55, %dma_start3A_56] : memref<1000000x128xf32, #tpu.memory_space<hbm>> -> memref<1000000x128xf32, #tpu.memory_space<hbm>>
    tpu.enqueue_indirect_dma source(%dma_start3A_57 : memref<1000000x128xf32, #tpu.memory_space<hbm>>) target(%arg19 : memref<64x128xf32, #tpu.memory_space<vmem>>) offsets(%dma_start3A_54 : memref<64xi32, #tpu.memory_space<vmem>>) semaphore(%arg32 : memref<!tpu.dma_semaphore, #tpu.memory_space<semaphore_mem>>)
    %dma_start3A_58 = arith.constant 192 : i32
    %dma_start3A_59 = tpu.memref_slice %arg8[%dma_start3A_58] : memref<512xi32, #tpu.memory_space<vmem>> -> memref<64xi32, #tpu.memory_space<vmem>>
    %dma_start3A_60 = arith.constant 0 : i32
    %dma_start3A_61 = arith.constant 0 : i32
    %dma_start3A_62 = tpu.memref_slice %arg5[%dma_start3A_60, %dma_start3A_61] : memref<100000x128xf32, #tpu.memory_space<hbm>> -> memref<100000x128xf32, #tpu.memory_space<hbm>>
    tpu.enqueue_indirect_dma source(%dma_start3A_62 : memref<100000x128xf32, #tpu.memory_space<hbm>>) target(%arg20 : memref<64x128xf32, #tpu.memory_space<vmem>>) offsets(%dma_start3A_59 : memref<64xi32, #tpu.memory_space<vmem>>) semaphore(%arg33 : memref<!tpu.dma_semaphore, #tpu.memory_space<semaphore_mem>>)
    %dma_start3A_63 = arith.constant 192 : i32
    %dma_start3A_64 = tpu.memref_slice %arg9[%dma_start3A_63] : memref<512xi32, #tpu.memory_space<vmem>> -> memref<64xi32, #tpu.memory_space<vmem>>
    %dma_start3A_65 = arith.constant 0 : i32
    %dma_start3A_66 = arith.constant 0 : i32
    %dma_start3A_67 = tpu.memref_slice %arg6[%dma_start3A_65, %dma_start3A_66] : memref<1000000x128xf32, #tpu.memory_space<hbm>> -> memref<1000000x128xf32, #tpu.memory_space<hbm>>
    tpu.enqueue_indirect_dma source(%dma_start3A_67 : memref<1000000x128xf32, #tpu.memory_space<hbm>>) target(%arg21 : memref<64x128xf32, #tpu.memory_space<vmem>>) offsets(%dma_start3A_64 : memref<64xi32, #tpu.memory_space<vmem>>) semaphore(%arg34 : memref<!tpu.dma_semaphore, #tpu.memory_space<semaphore_mem>>)
    %dma_start3A_68 = arith.constant 192 : i32
    %dma_start3A_69 = tpu.memref_slice %arg10[%dma_start3A_68] : memref<512xi32, #tpu.memory_space<vmem>> -> memref<64xi32, #tpu.memory_space<vmem>>
    %dma_start3A_70 = arith.constant 0 : i32
    %dma_start3A_71 = arith.constant 0 : i32
    %dma_start3A_72 = tpu.memref_slice %arg6[%dma_start3A_70, %dma_start3A_71] : memref<1000000x128xf32, #tpu.memory_space<hbm>> -> memref<1000000x128xf32, #tpu.memory_space<hbm>>
    tpu.enqueue_indirect_dma source(%dma_start3A_72 : memref<1000000x128xf32, #tpu.memory_space<hbm>>) target(%arg22 : memref<64x128xf32, #tpu.memory_space<vmem>>) offsets(%dma_start3A_69 : memref<64xi32, #tpu.memory_space<vmem>>) semaphore(%arg35 : memref<!tpu.dma_semaphore, #tpu.memory_space<semaphore_mem>>)
    %scan3A = arith.constant 0 : i32
    %scan3A_73 = arith.constant 0 : i32
    %scan3A_74 = arith.constant 2 : i32
    %scan3A_75 = arith.addi %scan3A_73, %scan3A_74 : i32
    %scan3A_76 = arith.constant 1 : i32
    %scan3A_77 = scf.for %scan3A_83 = %scan3A_73 to %scan3A_75 step %scan3A_76 iter_args(%scan3A_84 = %scan3A) -> (i32)  : i32 {
      %mul3A_85 = arith.constant 4 : i32
      %mul3A_86 = arith.muli %scan3A_83, %mul3A_85 : i32
      %add3A_87 = arith.constant 0 : i32
      %add3A_88 = arith.addi %mul3A_86, %add3A_87 : i32
      %dma_wait3A_89 = arith.constant 0 : i32
      %dma_wait3A_90 = tpu.memref_slice %arg8[%dma_wait3A_89] : memref<512xi32, #tpu.memory_space<vmem>> -> memref<64xi32, #tpu.memory_space<vmem>>
      %dma_wait3A_91 = arith.constant 0 : i32
      %dma_wait3A_92 = arith.constant 0 : i32
      %dma_wait3A_93 = tpu.memref_slice %arg5[%dma_wait3A_91, %dma_wait3A_92] : memref<100000x128xf32, #tpu.memory_space<hbm>> -> memref<100000x128xf32, #tpu.memory_space<hbm>>
      tpu.wait_indirect_dma semaphore(%arg24 : memref<!tpu.dma_semaphore, #tpu.memory_space<semaphore_mem>>) src(%dma_wait3A_93 : memref<100000x128xf32, #tpu.memory_space<hbm>>) dst(%arg11 : memref<64x128xf32, #tpu.memory_space<vmem>>)
      %dma_wait3A_94 = arith.constant 0 : i32
      %dma_wait3A_95 = tpu.memref_slice %arg9[%dma_wait3A_94] : memref<512xi32, #tpu.memory_space<vmem>> -> memref<64xi32, #tpu.memory_space<vmem>>
      %dma_wait3A_96 = arith.constant 0 : i32
      %dma_wait3A_97 = arith.constant 0 : i32
      %dma_wait3A_98 = tpu.memref_slice %arg6[%dma_wait3A_96, %dma_wait3A_97] : memref<1000000x128xf32, #tpu.memory_space<hbm>> -> memref<1000000x128xf32, #tpu.memory_space<hbm>>
      tpu.wait_indirect_dma semaphore(%arg25 : memref<!tpu.dma_semaphore, #tpu.memory_space<semaphore_mem>>) src(%dma_wait3A_98 : memref<1000000x128xf32, #tpu.memory_space<hbm>>) dst(%arg12 : memref<64x128xf32, #tpu.memory_space<vmem>>)
      %dma_wait3A_99 = arith.constant 0 : i32
      %dma_wait3A_100 = tpu.memref_slice %arg10[%dma_wait3A_99] : memref<512xi32, #tpu.memory_space<vmem>> -> memref<64xi32, #tpu.memory_space<vmem>>
      %dma_wait3A_101 = arith.constant 0 : i32
      %dma_wait3A_102 = arith.constant 0 : i32
      %dma_wait3A_103 = tpu.memref_slice %arg6[%dma_wait3A_101, %dma_wait3A_102] : memref<1000000x128xf32, #tpu.memory_space<hbm>> -> memref<1000000x128xf32, #tpu.memory_space<hbm>>
      tpu.wait_indirect_dma semaphore(%arg26 : memref<!tpu.dma_semaphore, #tpu.memory_space<semaphore_mem>>) src(%dma_wait3A_103 : memref<1000000x128xf32, #tpu.memory_space<hbm>>) dst(%arg13 : memref<64x128xf32, #tpu.memory_space<vmem>>)
      %mul3A_104 = arith.constant 64 : i32
      %mul3A_105 = arith.muli %add3A_88, %mul3A_104 : i32
      %parallel_loop3A = arith.constant 0 : i32
      %parallel_loop3A_106 = arith.constant 4 : i32
      %parallel_loop3A_107 = arith.constant 1 : i32
      scf.for %parallel_loop3A_206 = %parallel_loop3A to %parallel_loop3A_106 step %parallel_loop3A_107  : i32 {
        %parallel_loop3A_207 = arith.constant 0.000000e+00 : f32
        %parallel_loop3A_208 = vector.broadcast %parallel_loop3A_207 : f32 to vector<16xf32>
        %parallel_loop3A_209 = arith.constant 0 : i32
        %parallel_loop3A_210 = arith.constant 16 : i32
        %parallel_loop3A_211 = arith.addi %parallel_loop3A_209, %parallel_loop3A_210 : i32
        %parallel_loop3A_212 = arith.constant 4 : i32
        %parallel_loop3A_213 = scf.for %scan3A_220 = %parallel_loop3A_209 to %parallel_loop3A_211 step %parallel_loop3A_212 iter_args(%scan3A_221 = %parallel_loop3A_208) -> (vector<16xf32>)  : i32 {
          %parallel_loop3A_222 = arith.constant 16 : i32
          %parallel_loop3A_223 = arith.muli %parallel_loop3A_206, %parallel_loop3A_222 : i32
          %parallel_loop3A_224 = arith.addi %parallel_loop3A_223, %scan3A_220 : i32
          %parallel_loop3A_225 = arith.constant 0.000000e+00 : f32
          %parallel_loop3A_226 = vector.broadcast %parallel_loop3A_225 : f32 to vector<16xf32>
          %parallel_loop3A_227 = arith.index_cast %parallel_loop3A_224 : i32 to index
          %parallel_loop3A_228 = arith.constant 0 : index
          %parallel_loop3A_229 = tpu.vector_load %arg11[%parallel_loop3A_227, %parallel_loop3A_228] {strides = array<i32>} : memref<64x128xf32, #tpu.memory_space<vmem>>, vector<16xf32>,
          %parallel_loop3A_230 = arith.index_cast %parallel_loop3A_224 : i32 to index
          %parallel_loop3A_231 = arith.constant 0 : index
          %parallel_loop3A_232 = tpu.vector_load %arg12[%parallel_loop3A_230, %parallel_loop3A_231] {strides = array<i32>} : memref<64x128xf32, #tpu.memory_space<vmem>>, vector<16xf32>,
          %parallel_loop3A_233 = arith.index_cast %parallel_loop3A_224 : i32 to index
          %parallel_loop3A_234 = arith.constant 0 : index
          %parallel_loop3A_235 = tpu.vector_load %arg13[%parallel_loop3A_233, %parallel_loop3A_234] {strides = array<i32>} : memref<64x128xf32, #tpu.memory_space<vmem>>, vector<16xf32>,
          %parallel_loop3A_236 = arith.subf %parallel_loop3A_232, %parallel_loop3A_235 : vector<16xf32>
          %parallel_loop3A_237 = arith.mulf %parallel_loop3A_229, %parallel_loop3A_236 : vector<16xf32>
          %parallel_loop3A_238 = arith.addf %parallel_loop3A_226, %parallel_loop3A_237 : vector<16xf32>
          %parallel_loop3A_239 = arith.index_cast %parallel_loop3A_224 : i32 to index
          %parallel_loop3A_240 = arith.constant 16 : index
          %parallel_loop3A_241 = tpu.vector_load %arg11[%parallel_loop3A_239, %parallel_loop3A_240] {strides = array<i32>} : memref<64x128xf32, #tpu.memory_space<vmem>>, vector<16xf32>,
          %parallel_loop3A_242 = arith.index_cast %parallel_loop3A_224 : i32 to index
          %parallel_loop3A_243 = arith.constant 16 : index
          %parallel_loop3A_244 = tpu.vector_load %arg12[%parallel_loop3A_242, %parallel_loop3A_243] {strides = array<i32>} : memref<64x128xf32, #tpu.memory_space<vmem>>, vector<16xf32>,
          %parallel_loop3A_245 = arith.index_cast %parallel_loop3A_224 : i32 to index
          %parallel_loop3A_246 = arith.constant 16 : index
          %parallel_loop3A_247 = tpu.vector_load %arg13[%parallel_loop3A_245, %parallel_loop3A_246] {strides = array<i32>} : memref<64x128xf32, #tpu.memory_space<vmem>>, vector<16xf32>,
          %parallel_loop3A_248 = arith.subf %parallel_loop3A_244, %parallel_loop3A_247 : vector<16xf32>
          %parallel_loop3A_249 = arith.mulf %parallel_loop3A_241, %parallel_loop3A_248 : vector<16xf32>
          %parallel_loop3A_250 = arith.addf %parallel_loop3A_238, %parallel_loop3A_249 : vector<16xf32>
          %parallel_loop3A_251 = arith.index_cast %parallel_loop3A_224 : i32 to index
          %parallel_loop3A_252 = arith.constant 32 : index
          %parallel_loop3A_253 = tpu.vector_load %arg11[%parallel_loop3A_251, %parallel_loop3A_252] {strides = array<i32>} : memref<64x128xf32, #tpu.memory_space<vmem>>, vector<16xf32>,
          %parallel_loop3A_254 = arith.index_cast %parallel_loop3A_224 : i32 to index
          %parallel_loop3A_255 = arith.constant 32 : index
          %parallel_loop3A_256 = tpu.vector_load %arg12[%parallel_loop3A_254, %parallel_loop3A_255] {strides = array<i32>} : memref<64x128xf32, #tpu.memory_space<vmem>>, vector<16xf32>,
          %parallel_loop3A_257 = arith.index_cast %parallel_loop3A_224 : i32 to index
          %parallel_loop3A_258 = arith.constant 32 : index
          %parallel_loop3A_259 = tpu.vector_load %arg13[%parallel_loop3A_257, %parallel_loop3A_258] {strides = array<i32>} : memref<64x128xf32, #tpu.memory_space<vmem>>, vector<16xf32>,
          %parallel_loop3A_260 = arith.subf %parallel_loop3A_256, %parallel_loop3A_259 : vector<16xf32>
          %parallel_loop3A_261 = arith.mulf %parallel_loop3A_253, %parallel_loop3A_260 : vector<16xf32>
          %parallel_loop3A_262 = arith.addf %parallel_loop3A_250, %parallel_loop3A_261 : vector<16xf32>
          %parallel_loop3A_263 = arith.index_cast %parallel_loop3A_224 : i32 to index
          %parallel_loop3A_264 = arith.constant 48 : index
          %parallel_loop3A_265 = tpu.vector_load %arg11[%parallel_loop3A_263, %parallel_loop3A_264] {strides = array<i32>} : memref<64x128xf32, #tpu.memory_space<vmem>>, vector<16xf32>,
          %parallel_loop3A_266 = arith.index_cast %parallel_loop3A_224 : i32 to index
          %parallel_loop3A_267 = arith.constant 48 : index
          %parallel_loop3A_268 = tpu.vector_load %arg12[%parallel_loop3A_266, %parallel_loop3A_267] {strides = array<i32>} : memref<64x128xf32, #tpu.memory_space<vmem>>, vector<16xf32>,
          %parallel_loop3A_269 = arith.index_cast %parallel_loop3A_224 : i32 to index
          %parallel_loop3A_270 = arith.constant 48 : index
          %parallel_loop3A_271 = tpu.vector_load %arg13[%parallel_loop3A_269, %parallel_loop3A_270] {strides = array<i32>} : memref<64x128xf32, #tpu.memory_space<vmem>>, vector<16xf32>,
          %parallel_loop3A_272 = arith.subf %parallel_loop3A_268, %parallel_loop3A_271 : vector<16xf32>
          %parallel_loop3A_273 = arith.mulf %parallel_loop3A_265, %parallel_loop3A_272 : vector<16xf32>
          %parallel_loop3A_274 = arith.addf %parallel_loop3A_262, %parallel_loop3A_273 : vector<16xf32>
          %parallel_loop3A_275 = arith.index_cast %parallel_loop3A_224 : i32 to index
          %parallel_loop3A_276 = arith.constant 64 : index
          %parallel_loop3A_277 = tpu.vector_load %arg11[%parallel_loop3A_275, %parallel_loop3A_276] {strides = array<i32>} : memref<64x128xf32, #tpu.memory_space<vmem>>, vector<16xf32>,
          %parallel_loop3A_278 = arith.index_cast %parallel_loop3A_224 : i32 to index
          %parallel_loop3A_279 = arith.constant 64 : index
          %parallel_loop3A_280 = tpu.vector_load %arg12[%parallel_loop3A_278, %parallel_loop3A_279] {strides = array<i32>} : memref<64x128xf32, #tpu.memory_space<vmem>>, vector<16xf32>,
          %parallel_loop3A_281 = arith.index_cast %parallel_loop3A_224 : i32 to index
          %parallel_loop3A_282 = arith.constant 64 : index
          %parallel_loop3A_283 = tpu.vector_load %arg13[%parallel_loop3A_281, %parallel_loop3A_282] {strides = array<i32>} : memref<64x128xf32, #tpu.memory_space<vmem>>, vector<16xf32>,
          %parallel_loop3A_284 = arith.subf %parallel_loop3A_280, %parallel_loop3A_283 : vector<16xf32>
          %parallel_loop3A_285 = arith.mulf %parallel_loop3A_277, %parallel_loop3A_284 : vector<16xf32>
          %parallel_loop3A_286 = arith.addf %parallel_loop3A_274, %parallel_loop3A_285 : vector<16xf32>
          %parallel_loop3A_287 = arith.index_cast %parallel_loop3A_224 : i32 to index
          %parallel_loop3A_288 = arith.constant 80 : index
          %parallel_loop3A_289 = tpu.vector_load %arg11[%parallel_loop3A_287, %parallel_loop3A_288] {strides = array<i32>} : memref<64x128xf32, #tpu.memory_space<vmem>>, vector<16xf32>,
          %parallel_loop3A_290 = arith.index_cast %parallel_loop3A_224 : i32 to index
          %parallel_loop3A_291 = arith.constant 80 : index
          %parallel_loop3A_292 = tpu.vector_load %arg12[%parallel_loop3A_290, %parallel_loop3A_291] {strides = array<i32>} : memref<64x128xf32, #tpu.memory_space<vmem>>, vector<16xf32>,
          %parallel_loop3A_293 = arith.index_cast %parallel_loop3A_224 : i32 to index
          %parallel_loop3A_294 = arith.constant 80 : index
          %parallel_loop3A_295 = tpu.vector_load %arg13[%parallel_loop3A_293, %parallel_loop3A_294] {strides = array<i32>} : memref<64x128xf32, #tpu.memory_space<vmem>>, vector<16xf32>,
          %parallel_loop3A_296 = arith.subf %parallel_loop3A_292, %parallel_loop3A_295 : vector<16xf32>
          %parallel_loop3A_297 = arith.mulf %parallel_loop3A_289, %parallel_loop3A_296 : vector<16xf32>
          %parallel_loop3A_298 = arith.addf %parallel_loop3A_286, %parallel_loop3A_297 : vector<16xf32>
          %parallel_loop3A_299 = arith.index_cast %parallel_loop3A_224 : i32 to index
          %parallel_loop3A_300 = arith.constant 96 : index
          %parallel_loop3A_301 = tpu.vector_load %arg11[%parallel_loop3A_299, %parallel_loop3A_300] {strides = array<i32>} : memref<64x128xf32, #tpu.memory_space<vmem>>, vector<16xf32>,
          %parallel_loop3A_302 = arith.index_cast %parallel_loop3A_224 : i32 to index
          %parallel_loop3A_303 = arith.constant 96 : index
          %parallel_loop3A_304 = tpu.vector_load %arg12[%parallel_loop3A_302, %parallel_loop3A_303] {strides = array<i32>} : memref<64x128xf32, #tpu.memory_space<vmem>>, vector<16xf32>,
          %parallel_loop3A_305 = arith.index_cast %parallel_loop3A_224 : i32 to index
          %parallel_loop3A_306 = arith.constant 96 : index
          %parallel_loop3A_307 = tpu.vector_load %arg13[%parallel_loop3A_305, %parallel_loop3A_306] {strides = array<i32>} : memref<64x128xf32, #tpu.memory_space<vmem>>, vector<16xf32>,
          %parallel_loop3A_308 = arith.subf %parallel_loop3A_304, %parallel_loop3A_307 : vector<16xf32>
          %parallel_loop3A_309 = arith.mulf %parallel_loop3A_301, %parallel_loop3A_308 : vector<16xf32>
          %parallel_loop3A_310 = arith.addf %parallel_loop3A_298, %parallel_loop3A_309 : vector<16xf32>
          %parallel_loop3A_311 = arith.index_cast %parallel_loop3A_224 : i32 to index
          %parallel_loop3A_312 = arith.constant 112 : index
          %parallel_loop3A_313 = tpu.vector_load %arg11[%parallel_loop3A_311, %parallel_loop3A_312] {strides = array<i32>} : memref<64x128xf32, #tpu.memory_space<vmem>>, vector<16xf32>,
          %parallel_loop3A_314 = arith.index_cast %parallel_loop3A_224 : i32 to index
          %parallel_loop3A_315 = arith.constant 112 : index
          %parallel_loop3A_316 = tpu.vector_load %arg12[%parallel_loop3A_314, %parallel_loop3A_315] {strides = array<i32>} : memref<64x128xf32, #tpu.memory_space<vmem>>, vector<16xf32>,
          %parallel_loop3A_317 = arith.index_cast %parallel_loop3A_224 : i32 to index
          %parallel_loop3A_318 = arith.constant 112 : index
          %parallel_loop3A_319 = tpu.vector_load %arg13[%parallel_loop3A_317, %parallel_loop3A_318] {strides = array<i32>} : memref<64x128xf32, #tpu.memory_space<vmem>>, vector<16xf32>,
          %parallel_loop3A_320 = arith.subf %parallel_loop3A_316, %parallel_loop3A_319 : vector<16xf32>
          %parallel_loop3A_321 = arith.mulf %parallel_loop3A_313, %parallel_loop3A_320 : vector<16xf32>
          %parallel_loop3A_322 = arith.addf %parallel_loop3A_310, %parallel_loop3A_321 : vector<16xf32>
          %parallel_loop3A_323 = vector.broadcast %scan3A_220 : i32 to vector<16xi32>
          %parallel_loop3A_324 = arith.cmpi eq, %iota3A, %parallel_loop3A_323 : vector<16xi32>
          %parallel_loop3A_325 = arith.constant true
          %parallel_loop3A_326 = vector.broadcast %parallel_loop3A_325 : i1 to vector<16xi1>
          %parallel_loop3A_327 = tpu.scan <sum>, %parallel_loop3A_322 masked %parallel_loop3A_326 : vector<16xf32>, vector<16xi1> -> vector<16xf32>
          %parallel_loop3A_328 = vector.extract %parallel_loop3A_327[15] : f32 from vector<16xf32>
          %parallel_loop3A_329 = vector.broadcast %parallel_loop3A_328 : f32 to vector<16xf32>
          %parallel_loop3A_330 = arith.select %parallel_loop3A_324, %parallel_loop3A_329, %scan3A_221 : vector<16xi1>, vector<16xf32>
          %parallel_loop3A_331 = arith.constant 1 : i32
          %parallel_loop3A_332 = arith.addi %scan3A_220, %parallel_loop3A_331 : i32
          %parallel_loop3A_333 = arith.constant 16 : i32
          %parallel_loop3A_334 = arith.muli %parallel_loop3A_206, %parallel_loop3A_333 : i32
          %parallel_loop3A_335 = arith.addi %parallel_loop3A_334, %parallel_loop3A_332 : i32
          %parallel_loop3A_336 = arith.constant 0.000000e+00 : f32
          %parallel_loop3A_337 = vector.broadcast %parallel_loop3A_336 : f32 to vector<16xf32>
          %parallel_loop3A_338 = arith.index_cast %parallel_loop3A_335 : i32 to index
          %parallel_loop3A_339 = arith.constant 0 : index
          %parallel_loop3A_340 = tpu.vector_load %arg11[%parallel_loop3A_338, %parallel_loop3A_339] {strides = array<i32>} : memref<64x128xf32, #tpu.memory_space<vmem>>, vector<16xf32>,
          %parallel_loop3A_341 = arith.index_cast %parallel_loop3A_335 : i32 to index
          %parallel_loop3A_342 = arith.constant 0 : index
          %parallel_loop3A_343 = tpu.vector_load %arg12[%parallel_loop3A_341, %parallel_loop3A_342] {strides = array<i32>} : memref<64x128xf32, #tpu.memory_space<vmem>>, vector<16xf32>,
          %parallel_loop3A_344 = arith.index_cast %parallel_loop3A_335 : i32 to index
          %parallel_loop3A_345 = arith.constant 0 : index
          %parallel_loop3A_346 = tpu.vector_load %arg13[%parallel_loop3A_344, %parallel_loop3A_345] {strides = array<i32>} : memref<64x128xf32, #tpu.memory_space<vmem>>, vector<16xf32>,
          %parallel_loop3A_347 = arith.subf %parallel_loop3A_343, %parallel_loop3A_346 : vector<16xf32>
          %parallel_loop3A_348 = arith.mulf %parallel_loop3A_340, %parallel_loop3A_347 : vector<16xf32>
          %parallel_loop3A_349 = arith.addf %parallel_loop3A_337, %parallel_loop3A_348 : vector<16xf32>
          %parallel_loop3A_350 = arith.index_cast %parallel_loop3A_335 : i32 to index
          %parallel_loop3A_351 = arith.constant 16 : index
          %parallel_loop3A_352 = tpu.vector_load %arg11[%parallel_loop3A_350, %parallel_loop3A_351] {strides = array<i32>} : memref<64x128xf32, #tpu.memory_space<vmem>>, vector<16xf32>,
          %parallel_loop3A_353 = arith.index_cast %parallel_loop3A_335 : i32 to index
          %parallel_loop3A_354 = arith.constant 16 : index
          %parallel_loop3A_355 = tpu.vector_load %arg12[%parallel_loop3A_353, %parallel_loop3A_354] {strides = array<i32>} : memref<64x128xf32, #tpu.memory_space<vmem>>, vector<16xf32>,
          %parallel_loop3A_356 = arith.index_cast %parallel_loop3A_335 : i32 to index
          %parallel_loop3A_357 = arith.constant 16 : index
          %parallel_loop3A_358 = tpu.vector_load %arg13[%parallel_loop3A_356, %parallel_loop3A_357] {strides = array<i32>} : memref<64x128xf32, #tpu.memory_space<vmem>>, vector<16xf32>,
          %parallel_loop3A_359 = arith.subf %parallel_loop3A_355, %parallel_loop3A_358 : vector<16xf32>
          %parallel_loop3A_360 = arith.mulf %parallel_loop3A_352, %parallel_loop3A_359 : vector<16xf32>
          %parallel_loop3A_361 = arith.addf %parallel_loop3A_349, %parallel_loop3A_360 : vector<16xf32>
          %parallel_loop3A_362 = arith.index_cast %parallel_loop3A_335 : i32 to index
          %parallel_loop3A_363 = arith.constant 32 : index
          %parallel_loop3A_364 = tpu.vector_load %arg11[%parallel_loop3A_362, %parallel_loop3A_363] {strides = array<i32>} : memref<64x128xf32, #tpu.memory_space<vmem>>, vector<16xf32>,
          %parallel_loop3A_365 = arith.index_cast %parallel_loop3A_335 : i32 to index
          %parallel_loop3A_366 = arith.constant 32 : index
          %parallel_loop3A_367 = tpu.vector_load %arg12[%parallel_loop3A_365, %parallel_loop3A_366] {strides = array<i32>} : memref<64x128xf32, #tpu.memory_space<vmem>>, vector<16xf32>,
          %parallel_loop3A_368 = arith.index_cast %parallel_loop3A_335 : i32 to index
          %parallel_loop3A_369 = arith.constant 32 : index
          %parallel_loop3A_370 = tpu.vector_load %arg13[%parallel_loop3A_368, %parallel_loop3A_369] {strides = array<i32>} : memref<64x128xf32, #tpu.memory_space<vmem>>, vector<16xf32>,
          %parallel_loop3A_371 = arith.subf %parallel_loop3A_367, %parallel_loop3A_370 : vector<16xf32>
          %parallel_loop3A_372 = arith.mulf %parallel_loop3A_364, %parallel_loop3A_371 : vector<16xf32>
          %parallel_loop3A_373 = arith.addf %parallel_loop3A_361, %parallel_loop3A_372 : vector<16xf32>
          %parallel_loop3A_374 = arith.index_cast %parallel_loop3A_335 : i32 to index
          %parallel_loop3A_375 = arith.constant 48 : index
          %parallel_loop3A_376 = tpu.vector_load %arg11[%parallel_loop3A_374, %parallel_loop3A_375] {strides = array<i32>} : memref<64x128xf32, #tpu.memory_space<vmem>>, vector<16xf32>,
          %parallel_loop3A_377 = arith.index_cast %parallel_loop3A_335 : i32 to index
          %parallel_loop3A_378 = arith.constant 48 : index
          %parallel_loop3A_379 = tpu.vector_load %arg12[%parallel_loop3A_377, %parallel_loop3A_378] {strides = array<i32>} : memref<64x128xf32, #tpu.memory_space<vmem>>, vector<16xf32>,
          %parallel_loop3A_380 = arith.index_cast %parallel_loop3A_335 : i32 to index
          %parallel_loop3A_381 = arith.constant 48 : index
          %parallel_loop3A_382 = tpu.vector_load %arg13[%parallel_loop3A_380, %parallel_loop3A_381] {strides = array<i32>} : memref<64x128xf32, #tpu.memory_space<vmem>>, vector<16xf32>,
          %parallel_loop3A_383 = arith.subf %parallel_loop3A_379, %parallel_loop3A_382 : vector<16xf32>
          %parallel_loop3A_384 = arith.mulf %parallel_loop3A_376, %parallel_loop3A_383 : vector<16xf32>
          %parallel_loop3A_385 = arith.addf %parallel_loop3A_373, %parallel_loop3A_384 : vector<16xf32>
          %parallel_loop3A_386 = arith.index_cast %parallel_loop3A_335 : i32 to index
          %parallel_loop3A_387 = arith.constant 64 : index
          %parallel_loop3A_388 = tpu.vector_load %arg11[%parallel_loop3A_386, %parallel_loop3A_387] {strides = array<i32>} : memref<64x128xf32, #tpu.memory_space<vmem>>, vector<16xf32>,
          %parallel_loop3A_389 = arith.index_cast %parallel_loop3A_335 : i32 to index
          %parallel_loop3A_390 = arith.constant 64 : index
          %parallel_loop3A_391 = tpu.vector_load %arg12[%parallel_loop3A_389, %parallel_loop3A_390] {strides = array<i32>} : memref<64x128xf32, #tpu.memory_space<vmem>>, vector<16xf32>,
          %parallel_loop3A_392 = arith.index_cast %parallel_loop3A_335 : i32 to index
          %parallel_loop3A_393 = arith.constant 64 : index
          %parallel_loop3A_394 = tpu.vector_load %arg13[%parallel_loop3A_392, %parallel_loop3A_393] {strides = array<i32>} : memref<64x128xf32, #tpu.memory_space<vmem>>, vector<16xf32>,
          %parallel_loop3A_395 = arith.subf %parallel_loop3A_391, %parallel_loop3A_394 : vector<16xf32>
          %parallel_loop3A_396 = arith.mulf %parallel_loop3A_388, %parallel_loop3A_395 : vector<16xf32>
          %parallel_loop3A_397 = arith.addf %parallel_loop3A_385, %parallel_loop3A_396 : vector<16xf32>
          %parallel_loop3A_398 = arith.index_cast %parallel_loop3A_335 : i32 to index
          %parallel_loop3A_399 = arith.constant 80 : index
          %parallel_loop3A_400 = tpu.vector_load %arg11[%parallel_loop3A_398, %parallel_loop3A_399] {strides = array<i32>} : memref<64x128xf32, #tpu.memory_space<vmem>>, vector<16xf32>,
          %parallel_loop3A_401 = arith.index_cast %parallel_loop3A_335 : i32 to index
          %parallel_loop3A_402 = arith.constant 80 : index
          %parallel_loop3A_403 = tpu.vector_load %arg12[%parallel_loop3A_401, %parallel_loop3A_402] {strides = array<i32>} : memref<64x128xf32, #tpu.memory_space<vmem>>, vector<16xf32>,
          %parallel_loop3A_404 = arith.index_cast %parallel_loop3A_335 : i32 to index
          %parallel_loop3A_405 = arith.constant 80 : index
          %parallel_loop3A_406 = tpu.vector_load %arg13[%parallel_loop3A_404, %parallel_loop3A_405] {strides = array<i32>} : memref<64x128xf32, #tpu.memory_space<vmem>>, vector<16xf32>,
          %parallel_loop3A_407 = arith.subf %parallel_loop3A_403, %parallel_loop3A_406 : vector<16xf32>
          %parallel_loop3A_408 = arith.mulf %parallel_loop3A_400, %parallel_loop3A_407 : vector<16xf32>
          %parallel_loop3A_409 = arith.addf %parallel_loop3A_397, %parallel_loop3A_408 : vector<16xf32>
          %parallel_loop3A_410 = arith.index_cast %parallel_loop3A_335 : i32 to index
          %parallel_loop3A_411 = arith.constant 96 : index
          %parallel_loop3A_412 = tpu.vector_load %arg11[%parallel_loop3A_410, %parallel_loop3A_411] {strides = array<i32>} : memref<64x128xf32, #tpu.memory_space<vmem>>, vector<16xf32>,
          %parallel_loop3A_413 = arith.index_cast %parallel_loop3A_335 : i32 to index
          %parallel_loop3A_414 = arith.constant 96 : index
          %parallel_loop3A_415 = tpu.vector_load %arg12[%parallel_loop3A_413, %parallel_loop3A_414] {strides = array<i32>} : memref<64x128xf32, #tpu.memory_space<vmem>>, vector<16xf32>,
          %parallel_loop3A_416 = arith.index_cast %parallel_loop3A_335 : i32 to index
          %parallel_loop3A_417 = arith.constant 96 : index
          %parallel_loop3A_418 = tpu.vector_load %arg13[%parallel_loop3A_416, %parallel_loop3A_417] {strides = array<i32>} : memref<64x128xf32, #tpu.memory_space<vmem>>, vector<16xf32>,
          %parallel_loop3A_419 = arith.subf %parallel_loop3A_415, %parallel_loop3A_418 : vector<16xf32>
          %parallel_loop3A_420 = arith.mulf %parallel_loop3A_412, %parallel_loop3A_419 : vector<16xf32>
          %parallel_loop3A_421 = arith.addf %parallel_loop3A_409, %parallel_loop3A_420 : vector<16xf32>
          %parallel_loop3A_422 = arith.index_cast %parallel_loop3A_335 : i32 to index
          %parallel_loop3A_423 = arith.constant 112 : index
          %parallel_loop3A_424 = tpu.vector_load %arg11[%parallel_loop3A_422, %parallel_loop3A_423] {strides = array<i32>} : memref<64x128xf32, #tpu.memory_space<vmem>>, vector<16xf32>,
          %parallel_loop3A_425 = arith.index_cast %parallel_loop3A_335 : i32 to index
          %parallel_loop3A_426 = arith.constant 112 : index
          %parallel_loop3A_427 = tpu.vector_load %arg12[%parallel_loop3A_425, %parallel_loop3A_426] {strides = array<i32>} : memref<64x128xf32, #tpu.memory_space<vmem>>, vector<16xf32>,
          %parallel_loop3A_428 = arith.index_cast %parallel_loop3A_335 : i32 to index
          %parallel_loop3A_429 = arith.constant 112 : index
          %parallel_loop3A_430 = tpu.vector_load %arg13[%parallel_loop3A_428, %parallel_loop3A_429] {strides = array<i32>} : memref<64x128xf32, #tpu.memory_space<vmem>>, vector<16xf32>,
          %parallel_loop3A_431 = arith.subf %parallel_loop3A_427, %parallel_loop3A_430 : vector<16xf32>
          %parallel_loop3A_432 = arith.mulf %parallel_loop3A_424, %parallel_loop3A_431 : vector<16xf32>
          %parallel_loop3A_433 = arith.addf %parallel_loop3A_421, %parallel_loop3A_432 : vector<16xf32>
          %parallel_loop3A_434 = vector.broadcast %parallel_loop3A_332 : i32 to vector<16xi32>
          %parallel_loop3A_435 = arith.cmpi eq, %iota3A, %parallel_loop3A_434 : vector<16xi32>
          %parallel_loop3A_436 = arith.constant true
          %parallel_loop3A_437 = vector.broadcast %parallel_loop3A_436 : i1 to vector<16xi1>
          %parallel_loop3A_438 = tpu.scan <sum>, %parallel_loop3A_433 masked %parallel_loop3A_437 : vector<16xf32>, vector<16xi1> -> vector<16xf32>
          %parallel_loop3A_439 = vector.extract %parallel_loop3A_438[15] : f32 from vector<16xf32>
          %parallel_loop3A_440 = vector.broadcast %parallel_loop3A_439 : f32 to vector<16xf32>
          %parallel_loop3A_441 = arith.select %parallel_loop3A_435, %parallel_loop3A_440, %parallel_loop3A_330 : vector<16xi1>, vector<16xf32>
          %parallel_loop3A_442 = arith.constant 2 : i32
          %parallel_loop3A_443 = arith.addi %scan3A_220, %parallel_loop3A_442 : i32
          %parallel_loop3A_444 = arith.constant 16 : i32
          %parallel_loop3A_445 = arith.muli %parallel_loop3A_206, %parallel_loop3A_444 : i32
          %parallel_loop3A_446 = arith.addi %parallel_loop3A_445, %parallel_loop3A_443 : i32
          %parallel_loop3A_447 = arith.constant 0.000000e+00 : f32
          %parallel_loop3A_448 = vector.broadcast %parallel_loop3A_447 : f32 to vector<16xf32>
          %parallel_loop3A_449 = arith.index_cast %parallel_loop3A_446 : i32 to index
          %parallel_loop3A_450 = arith.constant 0 : index
          %parallel_loop3A_451 = tpu.vector_load %arg11[%parallel_loop3A_449, %parallel_loop3A_450] {strides = array<i32>} : memref<64x128xf32, #tpu.memory_space<vmem>>, vector<16xf32>,
          %parallel_loop3A_452 = arith.index_cast %parallel_loop3A_446 : i32 to index
          %parallel_loop3A_453 = arith.constant 0 : index
          %parallel_loop3A_454 = tpu.vector_load %arg12[%parallel_loop3A_452, %parallel_loop3A_453] {strides = array<i32>} : memref<64x128xf32, #tpu.memory_space<vmem>>, vector<16xf32>,
          %parallel_loop3A_455 = arith.index_cast %parallel_loop3A_446 : i32 to index
          %parallel_loop3A_456 = arith.constant 0 : index
          %parallel_loop3A_457 = tpu.vector_load %arg13[%parallel_loop3A_455, %parallel_loop3A_456] {strides = array<i32>} : memref<64x128xf32, #tpu.memory_space<vmem>>, vector<16xf32>,
          %parallel_loop3A_458 = arith.subf %parallel_loop3A_454, %parallel_loop3A_457 : vector<16xf32>
          %parallel_loop3A_459 = arith.mulf %parallel_loop3A_451, %parallel_loop3A_458 : vector<16xf32>
          %parallel_loop3A_460 = arith.addf %parallel_loop3A_448, %parallel_loop3A_459 : vector<16xf32>
          %parallel_loop3A_461 = arith.index_cast %parallel_loop3A_446 : i32 to index
          %parallel_loop3A_462 = arith.constant 16 : index
          %parallel_loop3A_463 = tpu.vector_load %arg11[%parallel_loop3A_461, %parallel_loop3A_462] {strides = array<i32>} : memref<64x128xf32, #tpu.memory_space<vmem>>, vector<16xf32>,
          %parallel_loop3A_464 = arith.index_cast %parallel_loop3A_446 : i32 to index
          %parallel_loop3A_465 = arith.constant 16 : index
          %parallel_loop3A_466 = tpu.vector_load %arg12[%parallel_loop3A_464, %parallel_loop3A_465] {strides = array<i32>} : memref<64x128xf32, #tpu.memory_space<vmem>>, vector<16xf32>,
          %parallel_loop3A_467 = arith.index_cast %parallel_loop3A_446 : i32 to index
          %parallel_loop3A_468 = arith.constant 16 : index
          %parallel_loop3A_469 = tpu.vector_load %arg13[%parallel_loop3A_467, %parallel_loop3A_468] {strides = array<i32>} : memref<64x128xf32, #tpu.memory_space<vmem>>, vector<16xf32>,
          %parallel_loop3A_470 = arith.subf %parallel_loop3A_466, %parallel_loop3A_469 : vector<16xf32>
          %parallel_loop3A_471 = arith.mulf %parallel_loop3A_463, %parallel_loop3A_470 : vector<16xf32>
          %parallel_loop3A_472 = arith.addf %parallel_loop3A_460, %parallel_loop3A_471 : vector<16xf32>
          %parallel_loop3A_473 = arith.index_cast %parallel_loop3A_446 : i32 to index
          %parallel_loop3A_474 = arith.constant 32 : index
          %parallel_loop3A_475 = tpu.vector_load %arg11[%parallel_loop3A_473, %parallel_loop3A_474] {strides = array<i32>} : memref<64x128xf32, #tpu.memory_space<vmem>>, vector<16xf32>,
          %parallel_loop3A_476 = arith.index_cast %parallel_loop3A_446 : i32 to index
          %parallel_loop3A_477 = arith.constant 32 : index
          %parallel_loop3A_478 = tpu.vector_load %arg12[%parallel_loop3A_476, %parallel_loop3A_477] {strides = array<i32>} : memref<64x128xf32, #tpu.memory_space<vmem>>, vector<16xf32>,
          %parallel_loop3A_479 = arith.index_cast %parallel_loop3A_446 : i32 to index
          %parallel_loop3A_480 = arith.constant 32 : index
          %parallel_loop3A_481 = tpu.vector_load %arg13[%parallel_loop3A_479, %parallel_loop3A_480] {strides = array<i32>} : memref<64x128xf32, #tpu.memory_space<vmem>>, vector<16xf32>,
          %parallel_loop3A_482 = arith.subf %parallel_loop3A_478, %parallel_loop3A_481 : vector<16xf32>
          %parallel_loop3A_483 = arith.mulf %parallel_loop3A_475, %parallel_loop3A_482 : vector<16xf32>
          %parallel_loop3A_484 = arith.addf %parallel_loop3A_472, %parallel_loop3A_483 : vector<16xf32>
          %parallel_loop3A_485 = arith.index_cast %parallel_loop3A_446 : i32 to index
          %parallel_loop3A_486 = arith.constant 48 : index
          %parallel_loop3A_487 = tpu.vector_load %arg11[%parallel_loop3A_485, %parallel_loop3A_486] {strides = array<i32>} : memref<64x128xf32, #tpu.memory_space<vmem>>, vector<16xf32>,
          %parallel_loop3A_488 = arith.index_cast %parallel_loop3A_446 : i32 to index
          %parallel_loop3A_489 = arith.constant 48 : index
          %parallel_loop3A_490 = tpu.vector_load %arg12[%parallel_loop3A_488, %parallel_loop3A_489] {strides = array<i32>} : memref<64x128xf32, #tpu.memory_space<vmem>>, vector<16xf32>,
          %parallel_loop3A_491 = arith.index_cast %parallel_loop3A_446 : i32 to index
          %parallel_loop3A_492 = arith.constant 48 : index
          %parallel_loop3A_493 = tpu.vector_load %arg13[%parallel_loop3A_491, %parallel_loop3A_492] {strides = array<i32>} : memref<64x128xf32, #tpu.memory_space<vmem>>, vector<16xf32>,
          %parallel_loop3A_494 = arith.subf %parallel_loop3A_490, %parallel_loop3A_493 : vector<16xf32>
          %parallel_loop3A_495 = arith.mulf %parallel_loop3A_487, %parallel_loop3A_494 : vector<16xf32>
          %parallel_loop3A_496 = arith.addf %parallel_loop3A_484, %parallel_loop3A_495 : vector<16xf32>
          %parallel_loop3A_497 = arith.index_cast %parallel_loop3A_446 : i32 to index
          %parallel_loop3A_498 = arith.constant 64 : index
          %parallel_loop3A_499 = tpu.vector_load %arg11[%parallel_loop3A_497, %parallel_loop3A_498] {strides = array<i32>} : memref<64x128xf32, #tpu.memory_space<vmem>>, vector<16xf32>,
          %parallel_loop3A_500 = arith.index_cast %parallel_loop3A_446 : i32 to index
          %parallel_loop3A_501 = arith.constant 64 : index
          %parallel_loop3A_502 = tpu.vector_load %arg12[%parallel_loop3A_500, %parallel_loop3A_501] {strides = array<i32>} : memref<64x128xf32, #tpu.memory_space<vmem>>, vector<16xf32>,
          %parallel_loop3A_503 = arith.index_cast %parallel_loop3A_446 : i32 to index
          %parallel_loop3A_504 = arith.constant 64 : index
          %parallel_loop3A_505 = tpu.vector_load %arg13[%parallel_loop3A_503, %parallel_loop3A_504] {strides = array<i32>} : memref<64x128xf32, #tpu.memory_space<vmem>>, vector<16xf32>,
          %parallel_loop3A_506 = arith.subf %parallel_loop3A_502, %parallel_loop3A_505 : vector<16xf32>
          %parallel_loop3A_507 = arith.mulf %parallel_loop3A_499, %parallel_loop3A_506 : vector<16xf32>
          %parallel_loop3A_508 = arith.addf %parallel_loop3A_496, %parallel_loop3A_507 : vector<16xf32>
          %parallel_loop3A_509 = arith.index_cast %parallel_loop3A_446 : i32 to index
          %parallel_loop3A_510 = arith.constant 80 : index
          %parallel_loop3A_511 = tpu.vector_load %arg11[%parallel_loop3A_509, %parallel_loop3A_510] {strides = array<i32>} : memref<64x128xf32, #tpu.memory_space<vmem>>, vector<16xf32>,
          %parallel_loop3A_512 = arith.index_cast %parallel_loop3A_446 : i32 to index
          %parallel_loop3A_513 = arith.constant 80 : index
          %parallel_loop3A_514 = tpu.vector_load %arg12[%parallel_loop3A_512, %parallel_loop3A_513] {strides = array<i32>} : memref<64x128xf32, #tpu.memory_space<vmem>>, vector<16xf32>,
          %parallel_loop3A_515 = arith.index_cast %parallel_loop3A_446 : i32 to index
          %parallel_loop3A_516 = arith.constant 80 : index
          %parallel_loop3A_517 = tpu.vector_load %arg13[%parallel_loop3A_515, %parallel_loop3A_516] {strides = array<i32>} : memref<64x128xf32, #tpu.memory_space<vmem>>, vector<16xf32>,
          %parallel_loop3A_518 = arith.subf %parallel_loop3A_514, %parallel_loop3A_517 : vector<16xf32>
          %parallel_loop3A_519 = arith.mulf %parallel_loop3A_511, %parallel_loop3A_518 : vector<16xf32>
          %parallel_loop3A_520 = arith.addf %parallel_loop3A_508, %parallel_loop3A_519 : vector<16xf32>
          %parallel_loop3A_521 = arith.index_cast %parallel_loop3A_446 : i32 to index
          %parallel_loop3A_522 = arith.constant 96 : index
          %parallel_loop3A_523 = tpu.vector_load %arg11[%parallel_loop3A_521, %parallel_loop3A_522] {strides = array<i32>} : memref<64x128xf32, #tpu.memory_space<vmem>>, vector<16xf32>,
          %parallel_loop3A_524 = arith.index_cast %parallel_loop3A_446 : i32 to index
          %parallel_loop3A_525 = arith.constant 96 : index
          %parallel_loop3A_526 = tpu.vector_load %arg12[%parallel_loop3A_524, %parallel_loop3A_525] {strides = array<i32>} : memref<64x128xf32, #tpu.memory_space<vmem>>, vector<16xf32>,
          %parallel_loop3A_527 = arith.index_cast %parallel_loop3A_446 : i32 to index
          %parallel_loop3A_528 = arith.constant 96 : index
          %parallel_loop3A_529 = tpu.vector_load %arg13[%parallel_loop3A_527, %parallel_loop3A_528] {strides = array<i32>} : memref<64x128xf32, #tpu.memory_space<vmem>>, vector<16xf32>,
          %parallel_loop3A_530 = arith.subf %parallel_loop3A_526, %parallel_loop3A_529 : vector<16xf32>
          %parallel_loop3A_531 = arith.mulf %parallel_loop3A_523, %parallel_loop3A_530 : vector<16xf32>
          %parallel_loop3A_532 = arith.addf %parallel_loop3A_520, %parallel_loop3A_531 : vector<16xf32>
          %parallel_loop3A_533 = arith.index_cast %parallel_loop3A_446 : i32 to index
          %parallel_loop3A_534 = arith.constant 112 : index
          %parallel_loop3A_535 = tpu.vector_load %arg11[%parallel_loop3A_533, %parallel_loop3A_534] {strides = array<i32>} : memref<64x128xf32, #tpu.memory_space<vmem>>, vector<16xf32>,
          %parallel_loop3A_536 = arith.index_cast %parallel_loop3A_446 : i32 to index
          %parallel_loop3A_537 = arith.constant 112 : index
          %parallel_loop3A_538 = tpu.vector_load %arg12[%parallel_loop3A_536, %parallel_loop3A_537] {strides = array<i32>} : memref<64x128xf32, #tpu.memory_space<vmem>>, vector<16xf32>,
          %parallel_loop3A_539 = arith.index_cast %parallel_loop3A_446 : i32 to index
          %parallel_loop3A_540 = arith.constant 112 : index
          %parallel_loop3A_541 = tpu.vector_load %arg13[%parallel_loop3A_539, %parallel_loop3A_540] {strides = array<i32>} : memref<64x128xf32, #tpu.memory_space<vmem>>, vector<16xf32>,
          %parallel_loop3A_542 = arith.subf %parallel_loop3A_538, %parallel_loop3A_541 : vector<16xf32>
          %parallel_loop3A_543 = arith.mulf %parallel_loop3A_535, %parallel_loop3A_542 : vector<16xf32>
          %parallel_loop3A_544 = arith.addf %parallel_loop3A_532, %parallel_loop3A_543 : vector<16xf32>
          %parallel_loop3A_545 = vector.broadcast %parallel_loop3A_443 : i32 to vector<16xi32>
          %parallel_loop3A_546 = arith.cmpi eq, %iota3A, %parallel_loop3A_545 : vector<16xi32>
          %parallel_loop3A_547 = arith.constant true
          %parallel_loop3A_548 = vector.broadcast %parallel_loop3A_547 : i1 to vector<16xi1>
          %parallel_loop3A_549 = tpu.scan <sum>, %parallel_loop3A_544 masked %parallel_loop3A_548 : vector<16xf32>, vector<16xi1> -> vector<16xf32>
          %parallel_loop3A_550 = vector.extract %parallel_loop3A_549[15] : f32 from vector<16xf32>
          %parallel_loop3A_551 = vector.broadcast %parallel_loop3A_550 : f32 to vector<16xf32>
          %parallel_loop3A_552 = arith.select %parallel_loop3A_546, %parallel_loop3A_551, %parallel_loop3A_441 : vector<16xi1>, vector<16xf32>
          %parallel_loop3A_553 = arith.constant 3 : i32
          %parallel_loop3A_554 = arith.addi %scan3A_220, %parallel_loop3A_553 : i32
          %parallel_loop3A_555 = arith.constant 16 : i32
          %parallel_loop3A_556 = arith.muli %parallel_loop3A_206, %parallel_loop3A_555 : i32
          %parallel_loop3A_557 = arith.addi %parallel_loop3A_556, %parallel_loop3A_554 : i32
          %parallel_loop3A_558 = arith.constant 0.000000e+00 : f32
          %parallel_loop3A_559 = vector.broadcast %parallel_loop3A_558 : f32 to vector<16xf32>
          %parallel_loop3A_560 = arith.index_cast %parallel_loop3A_557 : i32 to index
          %parallel_loop3A_561 = arith.constant 0 : index
          %parallel_loop3A_562 = tpu.vector_load %arg11[%parallel_loop3A_560, %parallel_loop3A_561] {strides = array<i32>} : memref<64x128xf32, #tpu.memory_space<vmem>>, vector<16xf32>,
          %parallel_loop3A_563 = arith.index_cast %parallel_loop3A_557 : i32 to index
          %parallel_loop3A_564 = arith.constant 0 : index
          %parallel_loop3A_565 = tpu.vector_load %arg12[%parallel_loop3A_563, %parallel_loop3A_564] {strides = array<i32>} : memref<64x128xf32, #tpu.memory_space<vmem>>, vector<16xf32>,
          %parallel_loop3A_566 = arith.index_cast %parallel_loop3A_557 : i32 to index
          %parallel_loop3A_567 = arith.constant 0 : index
          %parallel_loop3A_568 = tpu.vector_load %arg13[%parallel_loop3A_566, %parallel_loop3A_567] {strides = array<i32>} : memref<64x128xf32, #tpu.memory_space<vmem>>, vector<16xf32>,
          %parallel_loop3A_569 = arith.subf %parallel_loop3A_565, %parallel_loop3A_568 : vector<16xf32>
          %parallel_loop3A_570 = arith.mulf %parallel_loop3A_562, %parallel_loop3A_569 : vector<16xf32>
          %parallel_loop3A_571 = arith.addf %parallel_loop3A_559, %parallel_loop3A_570 : vector<16xf32>
          %parallel_loop3A_572 = arith.index_cast %parallel_loop3A_557 : i32 to index
          %parallel_loop3A_573 = arith.constant 16 : index
          %parallel_loop3A_574 = tpu.vector_load %arg11[%parallel_loop3A_572, %parallel_loop3A_573] {strides = array<i32>} : memref<64x128xf32, #tpu.memory_space<vmem>>, vector<16xf32>,
          %parallel_loop3A_575 = arith.index_cast %parallel_loop3A_557 : i32 to index
          %parallel_loop3A_576 = arith.constant 16 : index
          %parallel_loop3A_577 = tpu.vector_load %arg12[%parallel_loop3A_575, %parallel_loop3A_576] {strides = array<i32>} : memref<64x128xf32, #tpu.memory_space<vmem>>, vector<16xf32>,
          %parallel_loop3A_578 = arith.index_cast %parallel_loop3A_557 : i32 to index
          %parallel_loop3A_579 = arith.constant 16 : index
          %parallel_loop3A_580 = tpu.vector_load %arg13[%parallel_loop3A_578, %parallel_loop3A_579] {strides = array<i32>} : memref<64x128xf32, #tpu.memory_space<vmem>>, vector<16xf32>,
          %parallel_loop3A_581 = arith.subf %parallel_loop3A_577, %parallel_loop3A_580 : vector<16xf32>
          %parallel_loop3A_582 = arith.mulf %parallel_loop3A_574, %parallel_loop3A_581 : vector<16xf32>
          %parallel_loop3A_583 = arith.addf %parallel_loop3A_571, %parallel_loop3A_582 : vector<16xf32>
          %parallel_loop3A_584 = arith.index_cast %parallel_loop3A_557 : i32 to index
          %parallel_loop3A_585 = arith.constant 32 : index
          %parallel_loop3A_586 = tpu.vector_load %arg11[%parallel_loop3A_584, %parallel_loop3A_585] {strides = array<i32>} : memref<64x128xf32, #tpu.memory_space<vmem>>, vector<16xf32>,
          %parallel_loop3A_587 = arith.index_cast %parallel_loop3A_557 : i32 to index
          %parallel_loop3A_588 = arith.constant 32 : index
          %parallel_loop3A_589 = tpu.vector_load %arg12[%parallel_loop3A_587, %parallel_loop3A_588] {strides = array<i32>} : memref<64x128xf32, #tpu.memory_space<vmem>>, vector<16xf32>,
          %parallel_loop3A_590 = arith.index_cast %parallel_loop3A_557 : i32 to index
          %parallel_loop3A_591 = arith.constant 32 : index
          %parallel_loop3A_592 = tpu.vector_load %arg13[%parallel_loop3A_590, %parallel_loop3A_591] {strides = array<i32>} : memref<64x128xf32, #tpu.memory_space<vmem>>, vector<16xf32>,
          %parallel_loop3A_593 = arith.subf %parallel_loop3A_589, %parallel_loop3A_592 : vector<16xf32>
          %parallel_loop3A_594 = arith.mulf %parallel_loop3A_586, %parallel_loop3A_593 : vector<16xf32>
          %parallel_loop3A_595 = arith.addf %parallel_loop3A_583, %parallel_loop3A_594 : vector<16xf32>
          %parallel_loop3A_596 = arith.index_cast %parallel_loop3A_557 : i32 to index
          %parallel_loop3A_597 = arith.constant 48 : index
          %parallel_loop3A_598 = tpu.vector_load %arg11[%parallel_loop3A_596, %parallel_loop3A_597] {strides = array<i32>} : memref<64x128xf32, #tpu.memory_space<vmem>>, vector<16xf32>,
          %parallel_loop3A_599 = arith.index_cast %parallel_loop3A_557 : i32 to index
          %parallel_loop3A_600 = arith.constant 48 : index
          %parallel_loop3A_601 = tpu.vector_load %arg12[%parallel_loop3A_599, %parallel_loop3A_600] {strides = array<i32>} : memref<64x128xf32, #tpu.memory_space<vmem>>, vector<16xf32>,
          %parallel_loop3A_602 = arith.index_cast %parallel_loop3A_557 : i32 to index
          %parallel_loop3A_603 = arith.constant 48 : index
          %parallel_loop3A_604 = tpu.vector_load %arg13[%parallel_loop3A_602, %parallel_loop3A_603] {strides = array<i32>} : memref<64x128xf32, #tpu.memory_space<vmem>>, vector<16xf32>,
          %parallel_loop3A_605 = arith.subf %parallel_loop3A_601, %parallel_loop3A_604 : vector<16xf32>
          %parallel_loop3A_606 = arith.mulf %parallel_loop3A_598, %parallel_loop3A_605 : vector<16xf32>
          %parallel_loop3A_607 = arith.addf %parallel_loop3A_595, %parallel_loop3A_606 : vector<16xf32>
          %parallel_loop3A_608 = arith.index_cast %parallel_loop3A_557 : i32 to index
          %parallel_loop3A_609 = arith.constant 64 : index
          %parallel_loop3A_610 = tpu.vector_load %arg11[%parallel_loop3A_608, %parallel_loop3A_609] {strides = array<i32>} : memref<64x128xf32, #tpu.memory_space<vmem>>, vector<16xf32>,
          %parallel_loop3A_611 = arith.index_cast %parallel_loop3A_557 : i32 to index
          %parallel_loop3A_612 = arith.constant 64 : index
          %parallel_loop3A_613 = tpu.vector_load %arg12[%parallel_loop3A_611, %parallel_loop3A_612] {strides = array<i32>} : memref<64x128xf32, #tpu.memory_space<vmem>>, vector<16xf32>,
          %parallel_loop3A_614 = arith.index_cast %parallel_loop3A_557 : i32 to index
          %parallel_loop3A_615 = arith.constant 64 : index
          %parallel_loop3A_616 = tpu.vector_load %arg13[%parallel_loop3A_614, %parallel_loop3A_615] {strides = array<i32>} : memref<64x128xf32, #tpu.memory_space<vmem>>, vector<16xf32>,
          %parallel_loop3A_617 = arith.subf %parallel_loop3A_613, %parallel_loop3A_616 : vector<16xf32>
          %parallel_loop3A_618 = arith.mulf %parallel_loop3A_610, %parallel_loop3A_617 : vector<16xf32>
          %parallel_loop3A_619 = arith.addf %parallel_loop3A_607, %parallel_loop3A_618 : vector<16xf32>
          %parallel_loop3A_620 = arith.index_cast %parallel_loop3A_557 : i32 to index
          %parallel_loop3A_621 = arith.constant 80 : index
          %parallel_loop3A_622 = tpu.vector_load %arg11[%parallel_loop3A_620, %parallel_loop3A_621] {strides = array<i32>} : memref<64x128xf32, #tpu.memory_space<vmem>>, vector<16xf32>,
          %parallel_loop3A_623 = arith.index_cast %parallel_loop3A_557 : i32 to index
          %parallel_loop3A_624 = arith.constant 80 : index
          %parallel_loop3A_625 = tpu.vector_load %arg12[%parallel_loop3A_623, %parallel_loop3A_624] {strides = array<i32>} : memref<64x128xf32, #tpu.memory_space<vmem>>, vector<16xf32>,
          %parallel_loop3A_626 = arith.index_cast %parallel_loop3A_557 : i32 to index
          %parallel_loop3A_627 = arith.constant 80 : index
          %parallel_loop3A_628 = tpu.vector_load %arg13[%parallel_loop3A_626, %parallel_loop3A_627] {strides = array<i32>} : memref<64x128xf32, #tpu.memory_space<vmem>>, vector<16xf32>,
          %parallel_loop3A_629 = arith.subf %parallel_loop3A_625, %parallel_loop3A_628 : vector<16xf32>
          %parallel_loop3A_630 = arith.mulf %parallel_loop3A_622, %parallel_loop3A_629 : vector<16xf32>
          %parallel_loop3A_631 = arith.addf %parallel_loop3A_619, %parallel_loop3A_630 : vector<16xf32>
          %parallel_loop3A_632 = arith.index_cast %parallel_loop3A_557 : i32 to index
          %parallel_loop3A_633 = arith.constant 96 : index
          %parallel_loop3A_634 = tpu.vector_load %arg11[%parallel_loop3A_632, %parallel_loop3A_633] {strides = array<i32>} : memref<64x128xf32, #tpu.memory_space<vmem>>, vector<16xf32>,
          %parallel_loop3A_635 = arith.index_cast %parallel_loop3A_557 : i32 to index
          %parallel_loop3A_636 = arith.constant 96 : index
          %parallel_loop3A_637 = tpu.vector_load %arg12[%parallel_loop3A_635, %parallel_loop3A_636] {strides = array<i32>} : memref<64x128xf32, #tpu.memory_space<vmem>>, vector<16xf32>,
          %parallel_loop3A_638 = arith.index_cast %parallel_loop3A_557 : i32 to index
          %parallel_loop3A_639 = arith.constant 96 : index
          %parallel_loop3A_640 = tpu.vector_load %arg13[%parallel_loop3A_638, %parallel_loop3A_639] {strides = array<i32>} : memref<64x128xf32, #tpu.memory_space<vmem>>, vector<16xf32>,
          %parallel_loop3A_641 = arith.subf %parallel_loop3A_637, %parallel_loop3A_640 : vector<16xf32>
          %parallel_loop3A_642 = arith.mulf %parallel_loop3A_634, %parallel_loop3A_641 : vector<16xf32>
          %parallel_loop3A_643 = arith.addf %parallel_loop3A_631, %parallel_loop3A_642 : vector<16xf32>
          %parallel_loop3A_644 = arith.index_cast %parallel_loop3A_557 : i32 to index
          %parallel_loop3A_645 = arith.constant 112 : index
          %parallel_loop3A_646 = tpu.vector_load %arg11[%parallel_loop3A_644, %parallel_loop3A_645] {strides = array<i32>} : memref<64x128xf32, #tpu.memory_space<vmem>>, vector<16xf32>,
          %parallel_loop3A_647 = arith.index_cast %parallel_loop3A_557 : i32 to index
          %parallel_loop3A_648 = arith.constant 112 : index
          %parallel_loop3A_649 = tpu.vector_load %arg12[%parallel_loop3A_647, %parallel_loop3A_648] {strides = array<i32>} : memref<64x128xf32, #tpu.memory_space<vmem>>, vector<16xf32>,
          %parallel_loop3A_650 = arith.index_cast %parallel_loop3A_557 : i32 to index
          %parallel_loop3A_651 = arith.constant 112 : index
          %parallel_loop3A_652 = tpu.vector_load %arg13[%parallel_loop3A_650, %parallel_loop3A_651] {strides = array<i32>} : memref<64x128xf32, #tpu.memory_space<vmem>>, vector<16xf32>,
          %parallel_loop3A_653 = arith.subf %parallel_loop3A_649, %parallel_loop3A_652 : vector<16xf32>
          %parallel_loop3A_654 = arith.mulf %parallel_loop3A_646, %parallel_loop3A_653 : vector<16xf32>
          %parallel_loop3A_655 = arith.addf %parallel_loop3A_643, %parallel_loop3A_654 : vector<16xf32>
          %parallel_loop3A_656 = vector.broadcast %parallel_loop3A_554 : i32 to vector<16xi32>
          %parallel_loop3A_657 = arith.cmpi eq, %iota3A, %parallel_loop3A_656 : vector<16xi32>
          %parallel_loop3A_658 = arith.constant true
          %parallel_loop3A_659 = vector.broadcast %parallel_loop3A_658 : i1 to vector<16xi1>
          %parallel_loop3A_660 = tpu.scan <sum>, %parallel_loop3A_655 masked %parallel_loop3A_659 : vector<16xf32>, vector<16xi1> -> vector<16xf32>
          %parallel_loop3A_661 = vector.extract %parallel_loop3A_660[15] : f32 from vector<16xf32>
          %parallel_loop3A_662 = vector.broadcast %parallel_loop3A_661 : f32 to vector<16xf32>
          %parallel_loop3A_663 = arith.select %parallel_loop3A_657, %parallel_loop3A_662, %parallel_loop3A_552 : vector<16xi1>, vector<16xf32>
          scf.yield %parallel_loop3A_663 : vector<16xf32>
        }
        %parallel_loop3A_214 = arith.constant 16 : i32
        %parallel_loop3A_215 = arith.constant 16 : i32
        %parallel_loop3A_216 = arith.muli %parallel_loop3A_206, %parallel_loop3A_215 : i32
        %parallel_loop3A_217 = arith.addi %mul3A_105, %parallel_loop3A_216 : i32
        %parallel_loop3A_218 = arith.index_cast %parallel_loop3A_217 : i32 to index
        %parallel_loop3A_219 = tpu.vector_load %arg23[%parallel_loop3A_218] {strides = array<i32>} : memref<512xf32, #tpu.memory_space<vmem>>, vector<16xf32>,
        tpu.vector_store %arg23[%parallel_loop3A_218], %parallel_loop3A_213 {strides = array<i32>} : memref<512xf32, #tpu.memory_space<vmem>>, vector<16xf32>,
      } {sc.loop_unroll_factor = 1 : i64, sc.parallel_access}
      %add3A_108 = arith.constant 4 : i32
      %add3A_109 = arith.addi %add3A_88, %add3A_108 : i32
      %lt3A = arith.constant 8 : i32
      %lt3A_110 = arith.cmpi slt, %add3A_109, %lt3A : i32
      %convert_element_type3A = arith.extui %lt3A_110 : i1 to i32
      %cond3A = arith.constant 0 : i32
      %cond3A_111 = arith.cmpi ne, %convert_element_type3A, %cond3A : i32
      scf.if %cond3A_111 {
        %add3A_206 = arith.constant 4 : i32
        %add3A_207 = arith.addi %add3A_88, %add3A_206 : i32
        %mul3A_208 = arith.constant 64 : i32
        %mul3A_209 = arith.muli %add3A_207, %mul3A_208 : i32
        %dma_start3A_210 = tpu.memref_slice %arg8[%mul3A_209] : memref<512xi32, #tpu.memory_space<vmem>> -> memref<64xi32, #tpu.memory_space<vmem>>
        %dma_start3A_211 = arith.constant 0 : i32
        %dma_start3A_212 = arith.constant 0 : i32
        %dma_start3A_213 = tpu.memref_slice %arg5[%dma_start3A_211, %dma_start3A_212] : memref<100000x128xf32, #tpu.memory_space<hbm>> -> memref<100000x128xf32, #tpu.memory_space<hbm>>
        tpu.enqueue_indirect_dma source(%dma_start3A_213 : memref<100000x128xf32, #tpu.memory_space<hbm>>) target(%arg11 : memref<64x128xf32, #tpu.memory_space<vmem>>) offsets(%dma_start3A_210 : memref<64xi32, #tpu.memory_space<vmem>>) semaphore(%arg24 : memref<!tpu.dma_semaphore, #tpu.memory_space<semaphore_mem>>)
        %dma_start3A_214 = tpu.memref_slice %arg9[%mul3A_209] : memref<512xi32, #tpu.memory_space<vmem>> -> memref<64xi32, #tpu.memory_space<vmem>>
        %dma_start3A_215 = arith.constant 0 : i32
        %dma_start3A_216 = arith.constant 0 : i32
        %dma_start3A_217 = tpu.memref_slice %arg6[%dma_start3A_215, %dma_start3A_216] : memref<1000000x128xf32, #tpu.memory_space<hbm>> -> memref<1000000x128xf32, #tpu.memory_space<hbm>>
        tpu.enqueue_indirect_dma source(%dma_start3A_217 : memref<1000000x128xf32, #tpu.memory_space<hbm>>) target(%arg12 : memref<64x128xf32, #tpu.memory_space<vmem>>) offsets(%dma_start3A_214 : memref<64xi32, #tpu.memory_space<vmem>>) semaphore(%arg25 : memref<!tpu.dma_semaphore, #tpu.memory_space<semaphore_mem>>)
        %dma_start3A_218 = tpu.memref_slice %arg10[%mul3A_209] : memref<512xi32, #tpu.memory_space<vmem>> -> memref<64xi32, #tpu.memory_space<vmem>>
        %dma_start3A_219 = arith.constant 0 : i32
        %dma_start3A_220 = arith.constant 0 : i32
        %dma_start3A_221 = tpu.memref_slice %arg6[%dma_start3A_219, %dma_start3A_220] : memref<1000000x128xf32, #tpu.memory_space<hbm>> -> memref<1000000x128xf32, #tpu.memory_space<hbm>>
        tpu.enqueue_indirect_dma source(%dma_start3A_221 : memref<1000000x128xf32, #tpu.memory_space<hbm>>) target(%arg13 : memref<64x128xf32, #tpu.memory_space<vmem>>) offsets(%dma_start3A_218 : memref<64xi32, #tpu.memory_space<vmem>>) semaphore(%arg26 : memref<!tpu.dma_semaphore, #tpu.memory_space<semaphore_mem>>)
      } else {
      }
      %mul3A_112 = arith.constant 4 : i32
      %mul3A_113 = arith.muli %scan3A_83, %mul3A_112 : i32
      %add3A_114 = arith.constant 1 : i32
      %add3A_115 = arith.addi %mul3A_113, %add3A_114 : i32
      %dma_wait3A_116 = arith.constant 0 : i32
      %dma_wait3A_117 = tpu.memref_slice %arg8[%dma_wait3A_116] : memref<512xi32, #tpu.memory_space<vmem>> -> memref<64xi32, #tpu.memory_space<vmem>>
      %dma_wait3A_118 = arith.constant 0 : i32
      %dma_wait3A_119 = arith.constant 0 : i32
      %dma_wait3A_120 = tpu.memref_slice %arg5[%dma_wait3A_118, %dma_wait3A_119] : memref<100000x128xf32, #tpu.memory_space<hbm>> -> memref<100000x128xf32, #tpu.memory_space<hbm>>
      tpu.wait_indirect_dma semaphore(%arg27 : memref<!tpu.dma_semaphore, #tpu.memory_space<semaphore_mem>>) src(%dma_wait3A_120 : memref<100000x128xf32, #tpu.memory_space<hbm>>) dst(%arg14 : memref<64x128xf32, #tpu.memory_space<vmem>>)
      %dma_wait3A_121 = arith.constant 0 : i32
      %dma_wait3A_122 = tpu.memref_slice %arg9[%dma_wait3A_121] : memref<512xi32, #tpu.memory_space<vmem>> -> memref<64xi32, #tpu.memory_space<vmem>>
      %dma_wait3A_123 = arith.constant 0 : i32
      %dma_wait3A_124 = arith.constant 0 : i32
      %dma_wait3A_125 = tpu.memref_slice %arg6[%dma_wait3A_123, %dma_wait3A_124] : memref<1000000x128xf32, #tpu.memory_space<hbm>> -> memref<1000000x128xf32, #tpu.memory_space<hbm>>
      tpu.wait_indirect_dma semaphore(%arg28 : memref<!tpu.dma_semaphore, #tpu.memory_space<semaphore_mem>>) src(%dma_wait3A_125 : memref<1000000x128xf32, #tpu.memory_space<hbm>>) dst(%arg15 : memref<64x128xf32, #tpu.memory_space<vmem>>)
      %dma_wait3A_126 = arith.constant 0 : i32
      %dma_wait3A_127 = tpu.memref_slice %arg10[%dma_wait3A_126] : memref<512xi32, #tpu.memory_space<vmem>> -> memref<64xi32, #tpu.memory_space<vmem>>
      %dma_wait3A_128 = arith.constant 0 : i32
      %dma_wait3A_129 = arith.constant 0 : i32
      %dma_wait3A_130 = tpu.memref_slice %arg6[%dma_wait3A_128, %dma_wait3A_129] : memref<1000000x128xf32, #tpu.memory_space<hbm>> -> memref<1000000x128xf32, #tpu.memory_space<hbm>>
      tpu.wait_indirect_dma semaphore(%arg29 : memref<!tpu.dma_semaphore, #tpu.memory_space<semaphore_mem>>) src(%dma_wait3A_130 : memref<1000000x128xf32, #tpu.memory_space<hbm>>) dst(%arg16 : memref<64x128xf32, #tpu.memory_space<vmem>>)
      %mul3A_131 = arith.constant 64 : i32
      %mul3A_132 = arith.muli %add3A_115, %mul3A_131 : i32
      %parallel_loop3A_133 = arith.constant 0 : i32
      %parallel_loop3A_134 = arith.constant 4 : i32
      %parallel_loop3A_135 = arith.constant 1 : i32
      scf.for %parallel_loop3A_206 = %parallel_loop3A_133 to %parallel_loop3A_134 step %parallel_loop3A_135  : i32 {
        %parallel_loop3A_207 = arith.constant 0.000000e+00 : f32
        %parallel_loop3A_208 = vector.broadcast %parallel_loop3A_207 : f32 to vector<16xf32>
        %parallel_loop3A_209 = arith.constant 0 : i32
        %parallel_loop3A_210 = arith.constant 16 : i32
        %parallel_loop3A_211 = arith.addi %parallel_loop3A_209, %parallel_loop3A_210 : i32
        %parallel_loop3A_212 = arith.constant 4 : i32
        %parallel_loop3A_213 = scf.for %scan3A_220 = %parallel_loop3A_209 to %parallel_loop3A_211 step %parallel_loop3A_212 iter_args(%scan3A_221 = %parallel_loop3A_208) -> (vector<16xf32>)  : i32 {
          %parallel_loop3A_222 = arith.constant 16 : i32
          %parallel_loop3A_223 = arith.muli %parallel_loop3A_206, %parallel_loop3A_222 : i32
          %parallel_loop3A_224 = arith.addi %parallel_loop3A_223, %scan3A_220 : i32
          %parallel_loop3A_225 = arith.constant 0.000000e+00 : f32
          %parallel_loop3A_226 = vector.broadcast %parallel_loop3A_225 : f32 to vector<16xf32>
          %parallel_loop3A_227 = arith.index_cast %parallel_loop3A_224 : i32 to index
          %parallel_loop3A_228 = arith.constant 0 : index
          %parallel_loop3A_229 = tpu.vector_load %arg14[%parallel_loop3A_227, %parallel_loop3A_228] {strides = array<i32>} : memref<64x128xf32, #tpu.memory_space<vmem>>, vector<16xf32>,
          %parallel_loop3A_230 = arith.index_cast %parallel_loop3A_224 : i32 to index
          %parallel_loop3A_231 = arith.constant 0 : index
          %parallel_loop3A_232 = tpu.vector_load %arg15[%parallel_loop3A_230, %parallel_loop3A_231] {strides = array<i32>} : memref<64x128xf32, #tpu.memory_space<vmem>>, vector<16xf32>,
          %parallel_loop3A_233 = arith.index_cast %parallel_loop3A_224 : i32 to index
          %parallel_loop3A_234 = arith.constant 0 : index
          %parallel_loop3A_235 = tpu.vector_load %arg16[%parallel_loop3A_233, %parallel_loop3A_234] {strides = array<i32>} : memref<64x128xf32, #tpu.memory_space<vmem>>, vector<16xf32>,
          %parallel_loop3A_236 = arith.subf %parallel_loop3A_232, %parallel_loop3A_235 : vector<16xf32>
          %parallel_loop3A_237 = arith.mulf %parallel_loop3A_229, %parallel_loop3A_236 : vector<16xf32>
          %parallel_loop3A_238 = arith.addf %parallel_loop3A_226, %parallel_loop3A_237 : vector<16xf32>
          %parallel_loop3A_239 = arith.index_cast %parallel_loop3A_224 : i32 to index
          %parallel_loop3A_240 = arith.constant 16 : index
          %parallel_loop3A_241 = tpu.vector_load %arg14[%parallel_loop3A_239, %parallel_loop3A_240] {strides = array<i32>} : memref<64x128xf32, #tpu.memory_space<vmem>>, vector<16xf32>,
          %parallel_loop3A_242 = arith.index_cast %parallel_loop3A_224 : i32 to index
          %parallel_loop3A_243 = arith.constant 16 : index
          %parallel_loop3A_244 = tpu.vector_load %arg15[%parallel_loop3A_242, %parallel_loop3A_243] {strides = array<i32>} : memref<64x128xf32, #tpu.memory_space<vmem>>, vector<16xf32>,
          %parallel_loop3A_245 = arith.index_cast %parallel_loop3A_224 : i32 to index
          %parallel_loop3A_246 = arith.constant 16 : index
          %parallel_loop3A_247 = tpu.vector_load %arg16[%parallel_loop3A_245, %parallel_loop3A_246] {strides = array<i32>} : memref<64x128xf32, #tpu.memory_space<vmem>>, vector<16xf32>,
          %parallel_loop3A_248 = arith.subf %parallel_loop3A_244, %parallel_loop3A_247 : vector<16xf32>
          %parallel_loop3A_249 = arith.mulf %parallel_loop3A_241, %parallel_loop3A_248 : vector<16xf32>
          %parallel_loop3A_250 = arith.addf %parallel_loop3A_238, %parallel_loop3A_249 : vector<16xf32>
          %parallel_loop3A_251 = arith.index_cast %parallel_loop3A_224 : i32 to index
          %parallel_loop3A_252 = arith.constant 32 : index
          %parallel_loop3A_253 = tpu.vector_load %arg14[%parallel_loop3A_251, %parallel_loop3A_252] {strides = array<i32>} : memref<64x128xf32, #tpu.memory_space<vmem>>, vector<16xf32>,
          %parallel_loop3A_254 = arith.index_cast %parallel_loop3A_224 : i32 to index
          %parallel_loop3A_255 = arith.constant 32 : index
          %parallel_loop3A_256 = tpu.vector_load %arg15[%parallel_loop3A_254, %parallel_loop3A_255] {strides = array<i32>} : memref<64x128xf32, #tpu.memory_space<vmem>>, vector<16xf32>,
          %parallel_loop3A_257 = arith.index_cast %parallel_loop3A_224 : i32 to index
          %parallel_loop3A_258 = arith.constant 32 : index
          %parallel_loop3A_259 = tpu.vector_load %arg16[%parallel_loop3A_257, %parallel_loop3A_258] {strides = array<i32>} : memref<64x128xf32, #tpu.memory_space<vmem>>, vector<16xf32>,
          %parallel_loop3A_260 = arith.subf %parallel_loop3A_256, %parallel_loop3A_259 : vector<16xf32>
          %parallel_loop3A_261 = arith.mulf %parallel_loop3A_253, %parallel_loop3A_260 : vector<16xf32>
          %parallel_loop3A_262 = arith.addf %parallel_loop3A_250, %parallel_loop3A_261 : vector<16xf32>
          %parallel_loop3A_263 = arith.index_cast %parallel_loop3A_224 : i32 to index
          %parallel_loop3A_264 = arith.constant 48 : index
          %parallel_loop3A_265 = tpu.vector_load %arg14[%parallel_loop3A_263, %parallel_loop3A_264] {strides = array<i32>} : memref<64x128xf32, #tpu.memory_space<vmem>>, vector<16xf32>,
          %parallel_loop3A_266 = arith.index_cast %parallel_loop3A_224 : i32 to index
          %parallel_loop3A_267 = arith.constant 48 : index
          %parallel_loop3A_268 = tpu.vector_load %arg15[%parallel_loop3A_266, %parallel_loop3A_267] {strides = array<i32>} : memref<64x128xf32, #tpu.memory_space<vmem>>, vector<16xf32>,
          %parallel_loop3A_269 = arith.index_cast %parallel_loop3A_224 : i32 to index
          %parallel_loop3A_270 = arith.constant 48 : index
          %parallel_loop3A_271 = tpu.vector_load %arg16[%parallel_loop3A_269, %parallel_loop3A_270] {strides = array<i32>} : memref<64x128xf32, #tpu.memory_space<vmem>>, vector<16xf32>,
          %parallel_loop3A_272 = arith.subf %parallel_loop3A_268, %parallel_loop3A_271 : vector<16xf32>
          %parallel_loop3A_273 = arith.mulf %parallel_loop3A_265, %parallel_loop3A_272 : vector<16xf32>
          %parallel_loop3A_274 = arith.addf %parallel_loop3A_262, %parallel_loop3A_273 : vector<16xf32>
          %parallel_loop3A_275 = arith.index_cast %parallel_loop3A_224 : i32 to index
          %parallel_loop3A_276 = arith.constant 64 : index
          %parallel_loop3A_277 = tpu.vector_load %arg14[%parallel_loop3A_275, %parallel_loop3A_276] {strides = array<i32>} : memref<64x128xf32, #tpu.memory_space<vmem>>, vector<16xf32>,
          %parallel_loop3A_278 = arith.index_cast %parallel_loop3A_224 : i32 to index
          %parallel_loop3A_279 = arith.constant 64 : index
          %parallel_loop3A_280 = tpu.vector_load %arg15[%parallel_loop3A_278, %parallel_loop3A_279] {strides = array<i32>} : memref<64x128xf32, #tpu.memory_space<vmem>>, vector<16xf32>,
          %parallel_loop3A_281 = arith.index_cast %parallel_loop3A_224 : i32 to index
          %parallel_loop3A_282 = arith.constant 64 : index
          %parallel_loop3A_283 = tpu.vector_load %arg16[%parallel_loop3A_281, %parallel_loop3A_282] {strides = array<i32>} : memref<64x128xf32, #tpu.memory_space<vmem>>, vector<16xf32>,
          %parallel_loop3A_284 = arith.subf %parallel_loop3A_280, %parallel_loop3A_283 : vector<16xf32>
          %parallel_loop3A_285 = arith.mulf %parallel_loop3A_277, %parallel_loop3A_284 : vector<16xf32>
          %parallel_loop3A_286 = arith.addf %parallel_loop3A_274, %parallel_loop3A_285 : vector<16xf32>
          %parallel_loop3A_287 = arith.index_cast %parallel_loop3A_224 : i32 to index
          %parallel_loop3A_288 = arith.constant 80 : index
          %parallel_loop3A_289 = tpu.vector_load %arg14[%parallel_loop3A_287, %parallel_loop3A_288] {strides = array<i32>} : memref<64x128xf32, #tpu.memory_space<vmem>>, vector<16xf32>,
          %parallel_loop3A_290 = arith.index_cast %parallel_loop3A_224 : i32 to index
          %parallel_loop3A_291 = arith.constant 80 : index
          %parallel_loop3A_292 = tpu.vector_load %arg15[%parallel_loop3A_290, %parallel_loop3A_291] {strides = array<i32>} : memref<64x128xf32, #tpu.memory_space<vmem>>, vector<16xf32>,
          %parallel_loop3A_293 = arith.index_cast %parallel_loop3A_224 : i32 to index
          %parallel_loop3A_294 = arith.constant 80 : index
          %parallel_loop3A_295 = tpu.vector_load %arg16[%parallel_loop3A_293, %parallel_loop3A_294] {strides = array<i32>} : memref<64x128xf32, #tpu.memory_space<vmem>>, vector<16xf32>,
          %parallel_loop3A_296 = arith.subf %parallel_loop3A_292, %parallel_loop3A_295 : vector<16xf32>
          %parallel_loop3A_297 = arith.mulf %parallel_loop3A_289, %parallel_loop3A_296 : vector<16xf32>
          %parallel_loop3A_298 = arith.addf %parallel_loop3A_286, %parallel_loop3A_297 : vector<16xf32>
          %parallel_loop3A_299 = arith.index_cast %parallel_loop3A_224 : i32 to index
          %parallel_loop3A_300 = arith.constant 96 : index
          %parallel_loop3A_301 = tpu.vector_load %arg14[%parallel_loop3A_299, %parallel_loop3A_300] {strides = array<i32>} : memref<64x128xf32, #tpu.memory_space<vmem>>, vector<16xf32>,
          %parallel_loop3A_302 = arith.index_cast %parallel_loop3A_224 : i32 to index
          %parallel_loop3A_303 = arith.constant 96 : index
          %parallel_loop3A_304 = tpu.vector_load %arg15[%parallel_loop3A_302, %parallel_loop3A_303] {strides = array<i32>} : memref<64x128xf32, #tpu.memory_space<vmem>>, vector<16xf32>,
          %parallel_loop3A_305 = arith.index_cast %parallel_loop3A_224 : i32 to index
          %parallel_loop3A_306 = arith.constant 96 : index
          %parallel_loop3A_307 = tpu.vector_load %arg16[%parallel_loop3A_305, %parallel_loop3A_306] {strides = array<i32>} : memref<64x128xf32, #tpu.memory_space<vmem>>, vector<16xf32>,
          %parallel_loop3A_308 = arith.subf %parallel_loop3A_304, %parallel_loop3A_307 : vector<16xf32>
          %parallel_loop3A_309 = arith.mulf %parallel_loop3A_301, %parallel_loop3A_308 : vector<16xf32>
          %parallel_loop3A_310 = arith.addf %parallel_loop3A_298, %parallel_loop3A_309 : vector<16xf32>
          %parallel_loop3A_311 = arith.index_cast %parallel_loop3A_224 : i32 to index
          %parallel_loop3A_312 = arith.constant 112 : index
          %parallel_loop3A_313 = tpu.vector_load %arg14[%parallel_loop3A_311, %parallel_loop3A_312] {strides = array<i32>} : memref<64x128xf32, #tpu.memory_space<vmem>>, vector<16xf32>,
          %parallel_loop3A_314 = arith.index_cast %parallel_loop3A_224 : i32 to index
          %parallel_loop3A_315 = arith.constant 112 : index
          %parallel_loop3A_316 = tpu.vector_load %arg15[%parallel_loop3A_314, %parallel_loop3A_315] {strides = array<i32>} : memref<64x128xf32, #tpu.memory_space<vmem>>, vector<16xf32>,
          %parallel_loop3A_317 = arith.index_cast %parallel_loop3A_224 : i32 to index
          %parallel_loop3A_318 = arith.constant 112 : index
          %parallel_loop3A_319 = tpu.vector_load %arg16[%parallel_loop3A_317, %parallel_loop3A_318] {strides = array<i32>} : memref<64x128xf32, #tpu.memory_space<vmem>>, vector<16xf32>,
          %parallel_loop3A_320 = arith.subf %parallel_loop3A_316, %parallel_loop3A_319 : vector<16xf32>
          %parallel_loop3A_321 = arith.mulf %parallel_loop3A_313, %parallel_loop3A_320 : vector<16xf32>
          %parallel_loop3A_322 = arith.addf %parallel_loop3A_310, %parallel_loop3A_321 : vector<16xf32>
          %parallel_loop3A_323 = vector.broadcast %scan3A_220 : i32 to vector<16xi32>
          %parallel_loop3A_324 = arith.cmpi eq, %iota3A, %parallel_loop3A_323 : vector<16xi32>
          %parallel_loop3A_325 = arith.constant true
          %parallel_loop3A_326 = vector.broadcast %parallel_loop3A_325 : i1 to vector<16xi1>
          %parallel_loop3A_327 = tpu.scan <sum>, %parallel_loop3A_322 masked %parallel_loop3A_326 : vector<16xf32>, vector<16xi1> -> vector<16xf32>
          %parallel_loop3A_328 = vector.extract %parallel_loop3A_327[15] : f32 from vector<16xf32>
          %parallel_loop3A_329 = vector.broadcast %parallel_loop3A_328 : f32 to vector<16xf32>
          %parallel_loop3A_330 = arith.select %parallel_loop3A_324, %parallel_loop3A_329, %scan3A_221 : vector<16xi1>, vector<16xf32>
          %parallel_loop3A_331 = arith.constant 1 : i32
          %parallel_loop3A_332 = arith.addi %scan3A_220, %parallel_loop3A_331 : i32
          %parallel_loop3A_333 = arith.constant 16 : i32
          %parallel_loop3A_334 = arith.muli %parallel_loop3A_206, %parallel_loop3A_333 : i32
          %parallel_loop3A_335 = arith.addi %parallel_loop3A_334, %parallel_loop3A_332 : i32
          %parallel_loop3A_336 = arith.constant 0.000000e+00 : f32
          %parallel_loop3A_337 = vector.broadcast %parallel_loop3A_336 : f32 to vector<16xf32>
          %parallel_loop3A_338 = arith.index_cast %parallel_loop3A_335 : i32 to index
          %parallel_loop3A_339 = arith.constant 0 : index
          %parallel_loop3A_340 = tpu.vector_load %arg14[%parallel_loop3A_338, %parallel_loop3A_339] {strides = array<i32>} : memref<64x128xf32, #tpu.memory_space<vmem>>, vector<16xf32>,
          %parallel_loop3A_341 = arith.index_cast %parallel_loop3A_335 : i32 to index
          %parallel_loop3A_342 = arith.constant 0 : index
          %parallel_loop3A_343 = tpu.vector_load %arg15[%parallel_loop3A_341, %parallel_loop3A_342] {strides = array<i32>} : memref<64x128xf32, #tpu.memory_space<vmem>>, vector<16xf32>,
          %parallel_loop3A_344 = arith.index_cast %parallel_loop3A_335 : i32 to index
          %parallel_loop3A_345 = arith.constant 0 : index
          %parallel_loop3A_346 = tpu.vector_load %arg16[%parallel_loop3A_344, %parallel_loop3A_345] {strides = array<i32>} : memref<64x128xf32, #tpu.memory_space<vmem>>, vector<16xf32>,
          %parallel_loop3A_347 = arith.subf %parallel_loop3A_343, %parallel_loop3A_346 : vector<16xf32>
          %parallel_loop3A_348 = arith.mulf %parallel_loop3A_340, %parallel_loop3A_347 : vector<16xf32>
          %parallel_loop3A_349 = arith.addf %parallel_loop3A_337, %parallel_loop3A_348 : vector<16xf32>
          %parallel_loop3A_350 = arith.index_cast %parallel_loop3A_335 : i32 to index
          %parallel_loop3A_351 = arith.constant 16 : index
          %parallel_loop3A_352 = tpu.vector_load %arg14[%parallel_loop3A_350, %parallel_loop3A_351] {strides = array<i32>} : memref<64x128xf32, #tpu.memory_space<vmem>>, vector<16xf32>,
          %parallel_loop3A_353 = arith.index_cast %parallel_loop3A_335 : i32 to index
          %parallel_loop3A_354 = arith.constant 16 : index
          %parallel_loop3A_355 = tpu.vector_load %arg15[%parallel_loop3A_353, %parallel_loop3A_354] {strides = array<i32>} : memref<64x128xf32, #tpu.memory_space<vmem>>, vector<16xf32>,
          %parallel_loop3A_356 = arith.index_cast %parallel_loop3A_335 : i32 to index
          %parallel_loop3A_357 = arith.constant 16 : index
          %parallel_loop3A_358 = tpu.vector_load %arg16[%parallel_loop3A_356, %parallel_loop3A_357] {strides = array<i32>} : memref<64x128xf32, #tpu.memory_space<vmem>>, vector<16xf32>,
          %parallel_loop3A_359 = arith.subf %parallel_loop3A_355, %parallel_loop3A_358 : vector<16xf32>
          %parallel_loop3A_360 = arith.mulf %parallel_loop3A_352, %parallel_loop3A_359 : vector<16xf32>
          %parallel_loop3A_361 = arith.addf %parallel_loop3A_349, %parallel_loop3A_360 : vector<16xf32>
          %parallel_loop3A_362 = arith.index_cast %parallel_loop3A_335 : i32 to index
          %parallel_loop3A_363 = arith.constant 32 : index
          %parallel_loop3A_364 = tpu.vector_load %arg14[%parallel_loop3A_362, %parallel_loop3A_363] {strides = array<i32>} : memref<64x128xf32, #tpu.memory_space<vmem>>, vector<16xf32>,
          %parallel_loop3A_365 = arith.index_cast %parallel_loop3A_335 : i32 to index
          %parallel_loop3A_366 = arith.constant 32 : index
          %parallel_loop3A_367 = tpu.vector_load %arg15[%parallel_loop3A_365, %parallel_loop3A_366] {strides = array<i32>} : memref<64x128xf32, #tpu.memory_space<vmem>>, vector<16xf32>,
          %parallel_loop3A_368 = arith.index_cast %parallel_loop3A_335 : i32 to index
          %parallel_loop3A_369 = arith.constant 32 : index
          %parallel_loop3A_370 = tpu.vector_load %arg16[%parallel_loop3A_368, %parallel_loop3A_369] {strides = array<i32>} : memref<64x128xf32, #tpu.memory_space<vmem>>, vector<16xf32>,
          %parallel_loop3A_371 = arith.subf %parallel_loop3A_367, %parallel_loop3A_370 : vector<16xf32>
          %parallel_loop3A_372 = arith.mulf %parallel_loop3A_364, %parallel_loop3A_371 : vector<16xf32>
          %parallel_loop3A_373 = arith.addf %parallel_loop3A_361, %parallel_loop3A_372 : vector<16xf32>
          %parallel_loop3A_374 = arith.index_cast %parallel_loop3A_335 : i32 to index
          %parallel_loop3A_375 = arith.constant 48 : index
          %parallel_loop3A_376 = tpu.vector_load %arg14[%parallel_loop3A_374, %parallel_loop3A_375] {strides = array<i32>} : memref<64x128xf32, #tpu.memory_space<vmem>>, vector<16xf32>,
          %parallel_loop3A_377 = arith.index_cast %parallel_loop3A_335 : i32 to index
          %parallel_loop3A_378 = arith.constant 48 : index
          %parallel_loop3A_379 = tpu.vector_load %arg15[%parallel_loop3A_377, %parallel_loop3A_378] {strides = array<i32>} : memref<64x128xf32, #tpu.memory_space<vmem>>, vector<16xf32>,
          %parallel_loop3A_380 = arith.index_cast %parallel_loop3A_335 : i32 to index
          %parallel_loop3A_381 = arith.constant 48 : index
          %parallel_loop3A_382 = tpu.vector_load %arg16[%parallel_loop3A_380, %parallel_loop3A_381] {strides = array<i32>} : memref<64x128xf32, #tpu.memory_space<vmem>>, vector<16xf32>,
          %parallel_loop3A_383 = arith.subf %parallel_loop3A_379, %parallel_loop3A_382 : vector<16xf32>
          %parallel_loop3A_384 = arith.mulf %parallel_loop3A_376, %parallel_loop3A_383 : vector<16xf32>
          %parallel_loop3A_385 = arith.addf %parallel_loop3A_373, %parallel_loop3A_384 : vector<16xf32>
          %parallel_loop3A_386 = arith.index_cast %parallel_loop3A_335 : i32 to index
          %parallel_loop3A_387 = arith.constant 64 : index
          %parallel_loop3A_388 = tpu.vector_load %arg14[%parallel_loop3A_386, %parallel_loop3A_387] {strides = array<i32>} : memref<64x128xf32, #tpu.memory_space<vmem>>, vector<16xf32>,
          %parallel_loop3A_389 = arith.index_cast %parallel_loop3A_335 : i32 to index
          %parallel_loop3A_390 = arith.constant 64 : index
          %parallel_loop3A_391 = tpu.vector_load %arg15[%parallel_loop3A_389, %parallel_loop3A_390] {strides = array<i32>} : memref<64x128xf32, #tpu.memory_space<vmem>>, vector<16xf32>,
          %parallel_loop3A_392 = arith.index_cast %parallel_loop3A_335 : i32 to index
          %parallel_loop3A_393 = arith.constant 64 : index
          %parallel_loop3A_394 = tpu.vector_load %arg16[%parallel_loop3A_392, %parallel_loop3A_393] {strides = array<i32>} : memref<64x128xf32, #tpu.memory_space<vmem>>, vector<16xf32>,
          %parallel_loop3A_395 = arith.subf %parallel_loop3A_391, %parallel_loop3A_394 : vector<16xf32>
          %parallel_loop3A_396 = arith.mulf %parallel_loop3A_388, %parallel_loop3A_395 : vector<16xf32>
          %parallel_loop3A_397 = arith.addf %parallel_loop3A_385, %parallel_loop3A_396 : vector<16xf32>
          %parallel_loop3A_398 = arith.index_cast %parallel_loop3A_335 : i32 to index
          %parallel_loop3A_399 = arith.constant 80 : index
          %parallel_loop3A_400 = tpu.vector_load %arg14[%parallel_loop3A_398, %parallel_loop3A_399] {strides = array<i32>} : memref<64x128xf32, #tpu.memory_space<vmem>>, vector<16xf32>,
          %parallel_loop3A_401 = arith.index_cast %parallel_loop3A_335 : i32 to index
          %parallel_loop3A_402 = arith.constant 80 : index
          %parallel_loop3A_403 = tpu.vector_load %arg15[%parallel_loop3A_401, %parallel_loop3A_402] {strides = array<i32>} : memref<64x128xf32, #tpu.memory_space<vmem>>, vector<16xf32>,
          %parallel_loop3A_404 = arith.index_cast %parallel_loop3A_335 : i32 to index
          %parallel_loop3A_405 = arith.constant 80 : index
          %parallel_loop3A_406 = tpu.vector_load %arg16[%parallel_loop3A_404, %parallel_loop3A_405] {strides = array<i32>} : memref<64x128xf32, #tpu.memory_space<vmem>>, vector<16xf32>,
          %parallel_loop3A_407 = arith.subf %parallel_loop3A_403, %parallel_loop3A_406 : vector<16xf32>
          %parallel_loop3A_408 = arith.mulf %parallel_loop3A_400, %parallel_loop3A_407 : vector<16xf32>
          %parallel_loop3A_409 = arith.addf %parallel_loop3A_397, %parallel_loop3A_408 : vector<16xf32>
          %parallel_loop3A_410 = arith.index_cast %parallel_loop3A_335 : i32 to index
          %parallel_loop3A_411 = arith.constant 96 : index
          %parallel_loop3A_412 = tpu.vector_load %arg14[%parallel_loop3A_410, %parallel_loop3A_411] {strides = array<i32>} : memref<64x128xf32, #tpu.memory_space<vmem>>, vector<16xf32>,
          %parallel_loop3A_413 = arith.index_cast %parallel_loop3A_335 : i32 to index
          %parallel_loop3A_414 = arith.constant 96 : index
          %parallel_loop3A_415 = tpu.vector_load %arg15[%parallel_loop3A_413, %parallel_loop3A_414] {strides = array<i32>} : memref<64x128xf32, #tpu.memory_space<vmem>>, vector<16xf32>,
          %parallel_loop3A_416 = arith.index_cast %parallel_loop3A_335 : i32 to index
          %parallel_loop3A_417 = arith.constant 96 : index
          %parallel_loop3A_418 = tpu.vector_load %arg16[%parallel_loop3A_416, %parallel_loop3A_417] {strides = array<i32>} : memref<64x128xf32, #tpu.memory_space<vmem>>, vector<16xf32>,
          %parallel_loop3A_419 = arith.subf %parallel_loop3A_415, %parallel_loop3A_418 : vector<16xf32>
          %parallel_loop3A_420 = arith.mulf %parallel_loop3A_412, %parallel_loop3A_419 : vector<16xf32>
          %parallel_loop3A_421 = arith.addf %parallel_loop3A_409, %parallel_loop3A_420 : vector<16xf32>
          %parallel_loop3A_422 = arith.index_cast %parallel_loop3A_335 : i32 to index
          %parallel_loop3A_423 = arith.constant 112 : index
          %parallel_loop3A_424 = tpu.vector_load %arg14[%parallel_loop3A_422, %parallel_loop3A_423] {strides = array<i32>} : memref<64x128xf32, #tpu.memory_space<vmem>>, vector<16xf32>,
          %parallel_loop3A_425 = arith.index_cast %parallel_loop3A_335 : i32 to index
          %parallel_loop3A_426 = arith.constant 112 : index
          %parallel_loop3A_427 = tpu.vector_load %arg15[%parallel_loop3A_425, %parallel_loop3A_426] {strides = array<i32>} : memref<64x128xf32, #tpu.memory_space<vmem>>, vector<16xf32>,
          %parallel_loop3A_428 = arith.index_cast %parallel_loop3A_335 : i32 to index
          %parallel_loop3A_429 = arith.constant 112 : index
          %parallel_loop3A_430 = tpu.vector_load %arg16[%parallel_loop3A_428, %parallel_loop3A_429] {strides = array<i32>} : memref<64x128xf32, #tpu.memory_space<vmem>>, vector<16xf32>,
          %parallel_loop3A_431 = arith.subf %parallel_loop3A_427, %parallel_loop3A_430 : vector<16xf32>
          %parallel_loop3A_432 = arith.mulf %parallel_loop3A_424, %parallel_loop3A_431 : vector<16xf32>
          %parallel_loop3A_433 = arith.addf %parallel_loop3A_421, %parallel_loop3A_432 : vector<16xf32>
          %parallel_loop3A_434 = vector.broadcast %parallel_loop3A_332 : i32 to vector<16xi32>
          %parallel_loop3A_435 = arith.cmpi eq, %iota3A, %parallel_loop3A_434 : vector<16xi32>
          %parallel_loop3A_436 = arith.constant true
          %parallel_loop3A_437 = vector.broadcast %parallel_loop3A_436 : i1 to vector<16xi1>
          %parallel_loop3A_438 = tpu.scan <sum>, %parallel_loop3A_433 masked %parallel_loop3A_437 : vector<16xf32>, vector<16xi1> -> vector<16xf32>
          %parallel_loop3A_439 = vector.extract %parallel_loop3A_438[15] : f32 from vector<16xf32>
          %parallel_loop3A_440 = vector.broadcast %parallel_loop3A_439 : f32 to vector<16xf32>
          %parallel_loop3A_441 = arith.select %parallel_loop3A_435, %parallel_loop3A_440, %parallel_loop3A_330 : vector<16xi1>, vector<16xf32>
          %parallel_loop3A_442 = arith.constant 2 : i32
          %parallel_loop3A_443 = arith.addi %scan3A_220, %parallel_loop3A_442 : i32
          %parallel_loop3A_444 = arith.constant 16 : i32
          %parallel_loop3A_445 = arith.muli %parallel_loop3A_206, %parallel_loop3A_444 : i32
          %parallel_loop3A_446 = arith.addi %parallel_loop3A_445, %parallel_loop3A_443 : i32
          %parallel_loop3A_447 = arith.constant 0.000000e+00 : f32
          %parallel_loop3A_448 = vector.broadcast %parallel_loop3A_447 : f32 to vector<16xf32>
          %parallel_loop3A_449 = arith.index_cast %parallel_loop3A_446 : i32 to index
          %parallel_loop3A_450 = arith.constant 0 : index
          %parallel_loop3A_451 = tpu.vector_load %arg14[%parallel_loop3A_449, %parallel_loop3A_450] {strides = array<i32>} : memref<64x128xf32, #tpu.memory_space<vmem>>, vector<16xf32>,
          %parallel_loop3A_452 = arith.index_cast %parallel_loop3A_446 : i32 to index
          %parallel_loop3A_453 = arith.constant 0 : index
          %parallel_loop3A_454 = tpu.vector_load %arg15[%parallel_loop3A_452, %parallel_loop3A_453] {strides = array<i32>} : memref<64x128xf32, #tpu.memory_space<vmem>>, vector<16xf32>,
          %parallel_loop3A_455 = arith.index_cast %parallel_loop3A_446 : i32 to index
          %parallel_loop3A_456 = arith.constant 0 : index
          %parallel_loop3A_457 = tpu.vector_load %arg16[%parallel_loop3A_455, %parallel_loop3A_456] {strides = array<i32>} : memref<64x128xf32, #tpu.memory_space<vmem>>, vector<16xf32>,
          %parallel_loop3A_458 = arith.subf %parallel_loop3A_454, %parallel_loop3A_457 : vector<16xf32>
          %parallel_loop3A_459 = arith.mulf %parallel_loop3A_451, %parallel_loop3A_458 : vector<16xf32>
          %parallel_loop3A_460 = arith.addf %parallel_loop3A_448, %parallel_loop3A_459 : vector<16xf32>
          %parallel_loop3A_461 = arith.index_cast %parallel_loop3A_446 : i32 to index
          %parallel_loop3A_462 = arith.constant 16 : index
          %parallel_loop3A_463 = tpu.vector_load %arg14[%parallel_loop3A_461, %parallel_loop3A_462] {strides = array<i32>} : memref<64x128xf32, #tpu.memory_space<vmem>>, vector<16xf32>,
          %parallel_loop3A_464 = arith.index_cast %parallel_loop3A_446 : i32 to index
          %parallel_loop3A_465 = arith.constant 16 : index
          %parallel_loop3A_466 = tpu.vector_load %arg15[%parallel_loop3A_464, %parallel_loop3A_465] {strides = array<i32>} : memref<64x128xf32, #tpu.memory_space<vmem>>, vector<16xf32>,
          %parallel_loop3A_467 = arith.index_cast %parallel_loop3A_446 : i32 to index
          %parallel_loop3A_468 = arith.constant 16 : index
          %parallel_loop3A_469 = tpu.vector_load %arg16[%parallel_loop3A_467, %parallel_loop3A_468] {strides = array<i32>} : memref<64x128xf32, #tpu.memory_space<vmem>>, vector<16xf32>,
          %parallel_loop3A_470 = arith.subf %parallel_loop3A_466, %parallel_loop3A_469 : vector<16xf32>
          %parallel_loop3A_471 = arith.mulf %parallel_loop3A_463, %parallel_loop3A_470 : vector<16xf32>
          %parallel_loop3A_472 = arith.addf %parallel_loop3A_460, %parallel_loop3A_471 : vector<16xf32>
          %parallel_loop3A_473 = arith.index_cast %parallel_loop3A_446 : i32 to index
          %parallel_loop3A_474 = arith.constant 32 : index
          %parallel_loop3A_475 = tpu.vector_load %arg14[%parallel_loop3A_473, %parallel_loop3A_474] {strides = array<i32>} : memref<64x128xf32, #tpu.memory_space<vmem>>, vector<16xf32>,
          %parallel_loop3A_476 = arith.index_cast %parallel_loop3A_446 : i32 to index
          %parallel_loop3A_477 = arith.constant 32 : index
          %parallel_loop3A_478 = tpu.vector_load %arg15[%parallel_loop3A_476, %parallel_loop3A_477] {strides = array<i32>} : memref<64x128xf32, #tpu.memory_space<vmem>>, vector<16xf32>,
          %parallel_loop3A_479 = arith.index_cast %parallel_loop3A_446 : i32 to index
          %parallel_loop3A_480 = arith.constant 32 : index
          %parallel_loop3A_481 = tpu.vector_load %arg16[%parallel_loop3A_479, %parallel_loop3A_480] {strides = array<i32>} : memref<64x128xf32, #tpu.memory_space<vmem>>, vector<16xf32>,
          %parallel_loop3A_482 = arith.subf %parallel_loop3A_478, %parallel_loop3A_481 : vector<16xf32>
          %parallel_loop3A_483 = arith.mulf %parallel_loop3A_475, %parallel_loop3A_482 : vector<16xf32>
          %parallel_loop3A_484 = arith.addf %parallel_loop3A_472, %parallel_loop3A_483 : vector<16xf32>
          %parallel_loop3A_485 = arith.index_cast %parallel_loop3A_446 : i32 to index
          %parallel_loop3A_486 = arith.constant 48 : index
          %parallel_loop3A_487 = tpu.vector_load %arg14[%parallel_loop3A_485, %parallel_loop3A_486] {strides = array<i32>} : memref<64x128xf32, #tpu.memory_space<vmem>>, vector<16xf32>,
          %parallel_loop3A_488 = arith.index_cast %parallel_loop3A_446 : i32 to index
          %parallel_loop3A_489 = arith.constant 48 : index
          %parallel_loop3A_490 = tpu.vector_load %arg15[%parallel_loop3A_488, %parallel_loop3A_489] {strides = array<i32>} : memref<64x128xf32, #tpu.memory_space<vmem>>, vector<16xf32>,
          %parallel_loop3A_491 = arith.index_cast %parallel_loop3A_446 : i32 to index
          %parallel_loop3A_492 = arith.constant 48 : index
          %parallel_loop3A_493 = tpu.vector_load %arg16[%parallel_loop3A_491, %parallel_loop3A_492] {strides = array<i32>} : memref<64x128xf32, #tpu.memory_space<vmem>>, vector<16xf32>,
          %parallel_loop3A_494 = arith.subf %parallel_loop3A_490, %parallel_loop3A_493 : vector<16xf32>
          %parallel_loop3A_495 = arith.mulf %parallel_loop3A_487, %parallel_loop3A_494 : vector<16xf32>
          %parallel_loop3A_496 = arith.addf %parallel_loop3A_484, %parallel_loop3A_495 : vector<16xf32>
          %parallel_loop3A_497 = arith.index_cast %parallel_loop3A_446 : i32 to index
          %parallel_loop3A_498 = arith.constant 64 : index
          %parallel_loop3A_499 = tpu.vector_load %arg14[%parallel_loop3A_497, %parallel_loop3A_498] {strides = array<i32>} : memref<64x128xf32, #tpu.memory_space<vmem>>, vector<16xf32>,
          %parallel_loop3A_500 = arith.index_cast %parallel_loop3A_446 : i32 to index
          %parallel_loop3A_501 = arith.constant 64 : index
          %parallel_loop3A_502 = tpu.vector_load %arg15[%parallel_loop3A_500, %parallel_loop3A_501] {strides = array<i32>} : memref<64x128xf32, #tpu.memory_space<vmem>>, vector<16xf32>,
          %parallel_loop3A_503 = arith.index_cast %parallel_loop3A_446 : i32 to index
          %parallel_loop3A_504 = arith.constant 64 : index
          %parallel_loop3A_505 = tpu.vector_load %arg16[%parallel_loop3A_503, %parallel_loop3A_504] {strides = array<i32>} : memref<64x128xf32, #tpu.memory_space<vmem>>, vector<16xf32>,
          %parallel_loop3A_506 = arith.subf %parallel_loop3A_502, %parallel_loop3A_505 : vector<16xf32>
          %parallel_loop3A_507 = arith.mulf %parallel_loop3A_499, %parallel_loop3A_506 : vector<16xf32>
          %parallel_loop3A_508 = arith.addf %parallel_loop3A_496, %parallel_loop3A_507 : vector<16xf32>
          %parallel_loop3A_509 = arith.index_cast %parallel_loop3A_446 : i32 to index
          %parallel_loop3A_510 = arith.constant 80 : index
          %parallel_loop3A_511 = tpu.vector_load %arg14[%parallel_loop3A_509, %parallel_loop3A_510] {strides = array<i32>} : memref<64x128xf32, #tpu.memory_space<vmem>>, vector<16xf32>,
          %parallel_loop3A_512 = arith.index_cast %parallel_loop3A_446 : i32 to index
          %parallel_loop3A_513 = arith.constant 80 : index
          %parallel_loop3A_514 = tpu.vector_load %arg15[%parallel_loop3A_512, %parallel_loop3A_513] {strides = array<i32>} : memref<64x128xf32, #tpu.memory_space<vmem>>, vector<16xf32>,
          %parallel_loop3A_515 = arith.index_cast %parallel_loop3A_446 : i32 to index
          %parallel_loop3A_516 = arith.constant 80 : index
          %parallel_loop3A_517 = tpu.vector_load %arg16[%parallel_loop3A_515, %parallel_loop3A_516] {strides = array<i32>} : memref<64x128xf32, #tpu.memory_space<vmem>>, vector<16xf32>,
          %parallel_loop3A_518 = arith.subf %parallel_loop3A_514, %parallel_loop3A_517 : vector<16xf32>
          %parallel_loop3A_519 = arith.mulf %parallel_loop3A_511, %parallel_loop3A_518 : vector<16xf32>
          %parallel_loop3A_520 = arith.addf %parallel_loop3A_508, %parallel_loop3A_519 : vector<16xf32>
          %parallel_loop3A_521 = arith.index_cast %parallel_loop3A_446 : i32 to index
          %parallel_loop3A_522 = arith.constant 96 : index
          %parallel_loop3A_523 = tpu.vector_load %arg14[%parallel_loop3A_521, %parallel_loop3A_522] {strides = array<i32>} : memref<64x128xf32, #tpu.memory_space<vmem>>, vector<16xf32>,
          %parallel_loop3A_524 = arith.index_cast %parallel_loop3A_446 : i32 to index
          %parallel_loop3A_525 = arith.constant 96 : index
          %parallel_loop3A_526 = tpu.vector_load %arg15[%parallel_loop3A_524, %parallel_loop3A_525] {strides = array<i32>} : memref<64x128xf32, #tpu.memory_space<vmem>>, vector<16xf32>,
          %parallel_loop3A_527 = arith.index_cast %parallel_loop3A_446 : i32 to index
          %parallel_loop3A_528 = arith.constant 96 : index
          %parallel_loop3A_529 = tpu.vector_load %arg16[%parallel_loop3A_527, %parallel_loop3A_528] {strides = array<i32>} : memref<64x128xf32, #tpu.memory_space<vmem>>, vector<16xf32>,
          %parallel_loop3A_530 = arith.subf %parallel_loop3A_526, %parallel_loop3A_529 : vector<16xf32>
          %parallel_loop3A_531 = arith.mulf %parallel_loop3A_523, %parallel_loop3A_530 : vector<16xf32>
          %parallel_loop3A_532 = arith.addf %parallel_loop3A_520, %parallel_loop3A_531 : vector<16xf32>
          %parallel_loop3A_533 = arith.index_cast %parallel_loop3A_446 : i32 to index
          %parallel_loop3A_534 = arith.constant 112 : index
          %parallel_loop3A_535 = tpu.vector_load %arg14[%parallel_loop3A_533, %parallel_loop3A_534] {strides = array<i32>} : memref<64x128xf32, #tpu.memory_space<vmem>>, vector<16xf32>,
          %parallel_loop3A_536 = arith.index_cast %parallel_loop3A_446 : i32 to index
          %parallel_loop3A_537 = arith.constant 112 : index
          %parallel_loop3A_538 = tpu.vector_load %arg15[%parallel_loop3A_536, %parallel_loop3A_537] {strides = array<i32>} : memref<64x128xf32, #tpu.memory_space<vmem>>, vector<16xf32>,
          %parallel_loop3A_539 = arith.index_cast %parallel_loop3A_446 : i32 to index
          %parallel_loop3A_540 = arith.constant 112 : index
          %parallel_loop3A_541 = tpu.vector_load %arg16[%parallel_loop3A_539, %parallel_loop3A_540] {strides = array<i32>} : memref<64x128xf32, #tpu.memory_space<vmem>>, vector<16xf32>,
          %parallel_loop3A_542 = arith.subf %parallel_loop3A_538, %parallel_loop3A_541 : vector<16xf32>
          %parallel_loop3A_543 = arith.mulf %parallel_loop3A_535, %parallel_loop3A_542 : vector<16xf32>
          %parallel_loop3A_544 = arith.addf %parallel_loop3A_532, %parallel_loop3A_543 : vector<16xf32>
          %parallel_loop3A_545 = vector.broadcast %parallel_loop3A_443 : i32 to vector<16xi32>
          %parallel_loop3A_546 = arith.cmpi eq, %iota3A, %parallel_loop3A_545 : vector<16xi32>
          %parallel_loop3A_547 = arith.constant true
          %parallel_loop3A_548 = vector.broadcast %parallel_loop3A_547 : i1 to vector<16xi1>
          %parallel_loop3A_549 = tpu.scan <sum>, %parallel_loop3A_544 masked %parallel_loop3A_548 : vector<16xf32>, vector<16xi1> -> vector<16xf32>
          %parallel_loop3A_550 = vector.extract %parallel_loop3A_549[15] : f32 from vector<16xf32>
          %parallel_loop3A_551 = vector.broadcast %parallel_loop3A_550 : f32 to vector<16xf32>
          %parallel_loop3A_552 = arith.select %parallel_loop3A_546, %parallel_loop3A_551, %parallel_loop3A_441 : vector<16xi1>, vector<16xf32>
          %parallel_loop3A_553 = arith.constant 3 : i32
          %parallel_loop3A_554 = arith.addi %scan3A_220, %parallel_loop3A_553 : i32
          %parallel_loop3A_555 = arith.constant 16 : i32
          %parallel_loop3A_556 = arith.muli %parallel_loop3A_206, %parallel_loop3A_555 : i32
          %parallel_loop3A_557 = arith.addi %parallel_loop3A_556, %parallel_loop3A_554 : i32
          %parallel_loop3A_558 = arith.constant 0.000000e+00 : f32
          %parallel_loop3A_559 = vector.broadcast %parallel_loop3A_558 : f32 to vector<16xf32>
          %parallel_loop3A_560 = arith.index_cast %parallel_loop3A_557 : i32 to index
          %parallel_loop3A_561 = arith.constant 0 : index
          %parallel_loop3A_562 = tpu.vector_load %arg14[%parallel_loop3A_560, %parallel_loop3A_561] {strides = array<i32>} : memref<64x128xf32, #tpu.memory_space<vmem>>, vector<16xf32>,
          %parallel_loop3A_563 = arith.index_cast %parallel_loop3A_557 : i32 to index
          %parallel_loop3A_564 = arith.constant 0 : index
          %parallel_loop3A_565 = tpu.vector_load %arg15[%parallel_loop3A_563, %parallel_loop3A_564] {strides = array<i32>} : memref<64x128xf32, #tpu.memory_space<vmem>>, vector<16xf32>,
          %parallel_loop3A_566 = arith.index_cast %parallel_loop3A_557 : i32 to index
          %parallel_loop3A_567 = arith.constant 0 : index
          %parallel_loop3A_568 = tpu.vector_load %arg16[%parallel_loop3A_566, %parallel_loop3A_567] {strides = array<i32>} : memref<64x128xf32, #tpu.memory_space<vmem>>, vector<16xf32>,
          %parallel_loop3A_569 = arith.subf %parallel_loop3A_565, %parallel_loop3A_568 : vector<16xf32>
          %parallel_loop3A_570 = arith.mulf %parallel_loop3A_562, %parallel_loop3A_569 : vector<16xf32>
          %parallel_loop3A_571 = arith.addf %parallel_loop3A_559, %parallel_loop3A_570 : vector<16xf32>
          %parallel_loop3A_572 = arith.index_cast %parallel_loop3A_557 : i32 to index
          %parallel_loop3A_573 = arith.constant 16 : index
          %parallel_loop3A_574 = tpu.vector_load %arg14[%parallel_loop3A_572, %parallel_loop3A_573] {strides = array<i32>} : memref<64x128xf32, #tpu.memory_space<vmem>>, vector<16xf32>,
          %parallel_loop3A_575 = arith.index_cast %parallel_loop3A_557 : i32 to index
          %parallel_loop3A_576 = arith.constant 16 : index
          %parallel_loop3A_577 = tpu.vector_load %arg15[%parallel_loop3A_575, %parallel_loop3A_576] {strides = array<i32>} : memref<64x128xf32, #tpu.memory_space<vmem>>, vector<16xf32>,
          %parallel_loop3A_578 = arith.index_cast %parallel_loop3A_557 : i32 to index
          %parallel_loop3A_579 = arith.constant 16 : index
          %parallel_loop3A_580 = tpu.vector_load %arg16[%parallel_loop3A_578, %parallel_loop3A_579] {strides = array<i32>} : memref<64x128xf32, #tpu.memory_space<vmem>>, vector<16xf32>,
          %parallel_loop3A_581 = arith.subf %parallel_loop3A_577, %parallel_loop3A_580 : vector<16xf32>
          %parallel_loop3A_582 = arith.mulf %parallel_loop3A_574, %parallel_loop3A_581 : vector<16xf32>
          %parallel_loop3A_583 = arith.addf %parallel_loop3A_571, %parallel_loop3A_582 : vector<16xf32>
          %parallel_loop3A_584 = arith.index_cast %parallel_loop3A_557 : i32 to index
          %parallel_loop3A_585 = arith.constant 32 : index
          %parallel_loop3A_586 = tpu.vector_load %arg14[%parallel_loop3A_584, %parallel_loop3A_585] {strides = array<i32>} : memref<64x128xf32, #tpu.memory_space<vmem>>, vector<16xf32>,
          %parallel_loop3A_587 = arith.index_cast %parallel_loop3A_557 : i32 to index
          %parallel_loop3A_588 = arith.constant 32 : index
          %parallel_loop3A_589 = tpu.vector_load %arg15[%parallel_loop3A_587, %parallel_loop3A_588] {strides = array<i32>} : memref<64x128xf32, #tpu.memory_space<vmem>>, vector<16xf32>,
          %parallel_loop3A_590 = arith.index_cast %parallel_loop3A_557 : i32 to index
          %parallel_loop3A_591 = arith.constant 32 : index
          %parallel_loop3A_592 = tpu.vector_load %arg16[%parallel_loop3A_590, %parallel_loop3A_591] {strides = array<i32>} : memref<64x128xf32, #tpu.memory_space<vmem>>, vector<16xf32>,
          %parallel_loop3A_593 = arith.subf %parallel_loop3A_589, %parallel_loop3A_592 : vector<16xf32>
          %parallel_loop3A_594 = arith.mulf %parallel_loop3A_586, %parallel_loop3A_593 : vector<16xf32>
          %parallel_loop3A_595 = arith.addf %parallel_loop3A_583, %parallel_loop3A_594 : vector<16xf32>
          %parallel_loop3A_596 = arith.index_cast %parallel_loop3A_557 : i32 to index
          %parallel_loop3A_597 = arith.constant 48 : index
          %parallel_loop3A_598 = tpu.vector_load %arg14[%parallel_loop3A_596, %parallel_loop3A_597] {strides = array<i32>} : memref<64x128xf32, #tpu.memory_space<vmem>>, vector<16xf32>,
          %parallel_loop3A_599 = arith.index_cast %parallel_loop3A_557 : i32 to index
          %parallel_loop3A_600 = arith.constant 48 : index
          %parallel_loop3A_601 = tpu.vector_load %arg15[%parallel_loop3A_599, %parallel_loop3A_600] {strides = array<i32>} : memref<64x128xf32, #tpu.memory_space<vmem>>, vector<16xf32>,
          %parallel_loop3A_602 = arith.index_cast %parallel_loop3A_557 : i32 to index
          %parallel_loop3A_603 = arith.constant 48 : index
          %parallel_loop3A_604 = tpu.vector_load %arg16[%parallel_loop3A_602, %parallel_loop3A_603] {strides = array<i32>} : memref<64x128xf32, #tpu.memory_space<vmem>>, vector<16xf32>,
          %parallel_loop3A_605 = arith.subf %parallel_loop3A_601, %parallel_loop3A_604 : vector<16xf32>
          %parallel_loop3A_606 = arith.mulf %parallel_loop3A_598, %parallel_loop3A_605 : vector<16xf32>
          %parallel_loop3A_607 = arith.addf %parallel_loop3A_595, %parallel_loop3A_606 : vector<16xf32>
          %parallel_loop3A_608 = arith.index_cast %parallel_loop3A_557 : i32 to index
          %parallel_loop3A_609 = arith.constant 64 : index
          %parallel_loop3A_610 = tpu.vector_load %arg14[%parallel_loop3A_608, %parallel_loop3A_609] {strides = array<i32>} : memref<64x128xf32, #tpu.memory_space<vmem>>, vector<16xf32>,
          %parallel_loop3A_611 = arith.index_cast %parallel_loop3A_557 : i32 to index
          %parallel_loop3A_612 = arith.constant 64 : index
          %parallel_loop3A_613 = tpu.vector_load %arg15[%parallel_loop3A_611, %parallel_loop3A_612] {strides = array<i32>} : memref<64x128xf32, #tpu.memory_space<vmem>>, vector<16xf32>,
          %parallel_loop3A_614 = arith.index_cast %parallel_loop3A_557 : i32 to index
          %parallel_loop3A_615 = arith.constant 64 : index
          %parallel_loop3A_616 = tpu.vector_load %arg16[%parallel_loop3A_614, %parallel_loop3A_615] {strides = array<i32>} : memref<64x128xf32, #tpu.memory_space<vmem>>, vector<16xf32>,
          %parallel_loop3A_617 = arith.subf %parallel_loop3A_613, %parallel_loop3A_616 : vector<16xf32>
          %parallel_loop3A_618 = arith.mulf %parallel_loop3A_610, %parallel_loop3A_617 : vector<16xf32>
          %parallel_loop3A_619 = arith.addf %parallel_loop3A_607, %parallel_loop3A_618 : vector<16xf32>
          %parallel_loop3A_620 = arith.index_cast %parallel_loop3A_557 : i32 to index
          %parallel_loop3A_621 = arith.constant 80 : index
          %parallel_loop3A_622 = tpu.vector_load %arg14[%parallel_loop3A_620, %parallel_loop3A_621] {strides = array<i32>} : memref<64x128xf32, #tpu.memory_space<vmem>>, vector<16xf32>,
          %parallel_loop3A_623 = arith.index_cast %parallel_loop3A_557 : i32 to index
          %parallel_loop3A_624 = arith.constant 80 : index
          %parallel_loop3A_625 = tpu.vector_load %arg15[%parallel_loop3A_623, %parallel_loop3A_624] {strides = array<i32>} : memref<64x128xf32, #tpu.memory_space<vmem>>, vector<16xf32>,
          %parallel_loop3A_626 = arith.index_cast %parallel_loop3A_557 : i32 to index
          %parallel_loop3A_627 = arith.constant 80 : index
          %parallel_loop3A_628 = tpu.vector_load %arg16[%parallel_loop3A_626, %parallel_loop3A_627] {strides = array<i32>} : memref<64x128xf32, #tpu.memory_space<vmem>>, vector<16xf32>,
          %parallel_loop3A_629 = arith.subf %parallel_loop3A_625, %parallel_loop3A_628 : vector<16xf32>
          %parallel_loop3A_630 = arith.mulf %parallel_loop3A_622, %parallel_loop3A_629 : vector<16xf32>
          %parallel_loop3A_631 = arith.addf %parallel_loop3A_619, %parallel_loop3A_630 : vector<16xf32>
          %parallel_loop3A_632 = arith.index_cast %parallel_loop3A_557 : i32 to index
          %parallel_loop3A_633 = arith.constant 96 : index
          %parallel_loop3A_634 = tpu.vector_load %arg14[%parallel_loop3A_632, %parallel_loop3A_633] {strides = array<i32>} : memref<64x128xf32, #tpu.memory_space<vmem>>, vector<16xf32>,
          %parallel_loop3A_635 = arith.index_cast %parallel_loop3A_557 : i32 to index
          %parallel_loop3A_636 = arith.constant 96 : index
          %parallel_loop3A_637 = tpu.vector_load %arg15[%parallel_loop3A_635, %parallel_loop3A_636] {strides = array<i32>} : memref<64x128xf32, #tpu.memory_space<vmem>>, vector<16xf32>,
          %parallel_loop3A_638 = arith.index_cast %parallel_loop3A_557 : i32 to index
          %parallel_loop3A_639 = arith.constant 96 : index
          %parallel_loop3A_640 = tpu.vector_load %arg16[%parallel_loop3A_638, %parallel_loop3A_639] {strides = array<i32>} : memref<64x128xf32, #tpu.memory_space<vmem>>, vector<16xf32>,
          %parallel_loop3A_641 = arith.subf %parallel_loop3A_637, %parallel_loop3A_640 : vector<16xf32>
          %parallel_loop3A_642 = arith.mulf %parallel_loop3A_634, %parallel_loop3A_641 : vector<16xf32>
          %parallel_loop3A_643 = arith.addf %parallel_loop3A_631, %parallel_loop3A_642 : vector<16xf32>
          %parallel_loop3A_644 = arith.index_cast %parallel_loop3A_557 : i32 to index
          %parallel_loop3A_645 = arith.constant 112 : index
          %parallel_loop3A_646 = tpu.vector_load %arg14[%parallel_loop3A_644, %parallel_loop3A_645] {strides = array<i32>} : memref<64x128xf32, #tpu.memory_space<vmem>>, vector<16xf32>,
          %parallel_loop3A_647 = arith.index_cast %parallel_loop3A_557 : i32 to index
          %parallel_loop3A_648 = arith.constant 112 : index
          %parallel_loop3A_649 = tpu.vector_load %arg15[%parallel_loop3A_647, %parallel_loop3A_648] {strides = array<i32>} : memref<64x128xf32, #tpu.memory_space<vmem>>, vector<16xf32>,
          %parallel_loop3A_650 = arith.index_cast %parallel_loop3A_557 : i32 to index
          %parallel_loop3A_651 = arith.constant 112 : index
          %parallel_loop3A_652 = tpu.vector_load %arg16[%parallel_loop3A_650, %parallel_loop3A_651] {strides = array<i32>} : memref<64x128xf32, #tpu.memory_space<vmem>>, vector<16xf32>,
          %parallel_loop3A_653 = arith.subf %parallel_loop3A_649, %parallel_loop3A_652 : vector<16xf32>
          %parallel_loop3A_654 = arith.mulf %parallel_loop3A_646, %parallel_loop3A_653 : vector<16xf32>
          %parallel_loop3A_655 = arith.addf %parallel_loop3A_643, %parallel_loop3A_654 : vector<16xf32>
          %parallel_loop3A_656 = vector.broadcast %parallel_loop3A_554 : i32 to vector<16xi32>
          %parallel_loop3A_657 = arith.cmpi eq, %iota3A, %parallel_loop3A_656 : vector<16xi32>
          %parallel_loop3A_658 = arith.constant true
          %parallel_loop3A_659 = vector.broadcast %parallel_loop3A_658 : i1 to vector<16xi1>
          %parallel_loop3A_660 = tpu.scan <sum>, %parallel_loop3A_655 masked %parallel_loop3A_659 : vector<16xf32>, vector<16xi1> -> vector<16xf32>
          %parallel_loop3A_661 = vector.extract %parallel_loop3A_660[15] : f32 from vector<16xf32>
          %parallel_loop3A_662 = vector.broadcast %parallel_loop3A_661 : f32 to vector<16xf32>
          %parallel_loop3A_663 = arith.select %parallel_loop3A_657, %parallel_loop3A_662, %parallel_loop3A_552 : vector<16xi1>, vector<16xf32>
          scf.yield %parallel_loop3A_663 : vector<16xf32>
        }
        %parallel_loop3A_214 = arith.constant 16 : i32
        %parallel_loop3A_215 = arith.constant 16 : i32
        %parallel_loop3A_216 = arith.muli %parallel_loop3A_206, %parallel_loop3A_215 : i32
        %parallel_loop3A_217 = arith.addi %mul3A_132, %parallel_loop3A_216 : i32
        %parallel_loop3A_218 = arith.index_cast %parallel_loop3A_217 : i32 to index
        %parallel_loop3A_219 = tpu.vector_load %arg23[%parallel_loop3A_218] {strides = array<i32>} : memref<512xf32, #tpu.memory_space<vmem>>, vector<16xf32>,
        tpu.vector_store %arg23[%parallel_loop3A_218], %parallel_loop3A_213 {strides = array<i32>} : memref<512xf32, #tpu.memory_space<vmem>>, vector<16xf32>,
      } {sc.loop_unroll_factor = 1 : i64, sc.parallel_access}
      %add3A_136 = arith.constant 4 : i32
      %add3A_137 = arith.addi %add3A_115, %add3A_136 : i32
      %lt3A_138 = arith.constant 8 : i32
      %lt3A_139 = arith.cmpi slt, %add3A_137, %lt3A_138 : i32
      %convert_element_type3A_140 = arith.extui %lt3A_139 : i1 to i32
      %cond3A_141 = arith.constant 0 : i32
      %cond3A_142 = arith.cmpi ne, %convert_element_type3A_140, %cond3A_141 : i32
      scf.if %cond3A_142 {
        %add3A_206 = arith.constant 4 : i32
        %add3A_207 = arith.addi %add3A_115, %add3A_206 : i32
        %mul3A_208 = arith.constant 64 : i32
        %mul3A_209 = arith.muli %add3A_207, %mul3A_208 : i32
        %dma_start3A_210 = tpu.memref_slice %arg8[%mul3A_209] : memref<512xi32, #tpu.memory_space<vmem>> -> memref<64xi32, #tpu.memory_space<vmem>>
        %dma_start3A_211 = arith.constant 0 : i32
        %dma_start3A_212 = arith.constant 0 : i32
        %dma_start3A_213 = tpu.memref_slice %arg5[%dma_start3A_211, %dma_start3A_212] : memref<100000x128xf32, #tpu.memory_space<hbm>> -> memref<100000x128xf32, #tpu.memory_space<hbm>>
        tpu.enqueue_indirect_dma source(%dma_start3A_213 : memref<100000x128xf32, #tpu.memory_space<hbm>>) target(%arg14 : memref<64x128xf32, #tpu.memory_space<vmem>>) offsets(%dma_start3A_210 : memref<64xi32, #tpu.memory_space<vmem>>) semaphore(%arg27 : memref<!tpu.dma_semaphore, #tpu.memory_space<semaphore_mem>>)
        %dma_start3A_214 = tpu.memref_slice %arg9[%mul3A_209] : memref<512xi32, #tpu.memory_space<vmem>> -> memref<64xi32, #tpu.memory_space<vmem>>
        %dma_start3A_215 = arith.constant 0 : i32
        %dma_start3A_216 = arith.constant 0 : i32
        %dma_start3A_217 = tpu.memref_slice %arg6[%dma_start3A_215, %dma_start3A_216] : memref<1000000x128xf32, #tpu.memory_space<hbm>> -> memref<1000000x128xf32, #tpu.memory_space<hbm>>
        tpu.enqueue_indirect_dma source(%dma_start3A_217 : memref<1000000x128xf32, #tpu.memory_space<hbm>>) target(%arg15 : memref<64x128xf32, #tpu.memory_space<vmem>>) offsets(%dma_start3A_214 : memref<64xi32, #tpu.memory_space<vmem>>) semaphore(%arg28 : memref<!tpu.dma_semaphore, #tpu.memory_space<semaphore_mem>>)
        %dma_start3A_218 = tpu.memref_slice %arg10[%mul3A_209] : memref<512xi32, #tpu.memory_space<vmem>> -> memref<64xi32, #tpu.memory_space<vmem>>
        %dma_start3A_219 = arith.constant 0 : i32
        %dma_start3A_220 = arith.constant 0 : i32
        %dma_start3A_221 = tpu.memref_slice %arg6[%dma_start3A_219, %dma_start3A_220] : memref<1000000x128xf32, #tpu.memory_space<hbm>> -> memref<1000000x128xf32, #tpu.memory_space<hbm>>
        tpu.enqueue_indirect_dma source(%dma_start3A_221 : memref<1000000x128xf32, #tpu.memory_space<hbm>>) target(%arg16 : memref<64x128xf32, #tpu.memory_space<vmem>>) offsets(%dma_start3A_218 : memref<64xi32, #tpu.memory_space<vmem>>) semaphore(%arg29 : memref<!tpu.dma_semaphore, #tpu.memory_space<semaphore_mem>>)
      } else {
      }
      %mul3A_143 = arith.constant 4 : i32
      %mul3A_144 = arith.muli %scan3A_83, %mul3A_143 : i32
      %add3A_145 = arith.constant 2 : i32
      %add3A_146 = arith.addi %mul3A_144, %add3A_145 : i32
      %dma_wait3A_147 = arith.constant 0 : i32
      %dma_wait3A_148 = tpu.memref_slice %arg8[%dma_wait3A_147] : memref<512xi32, #tpu.memory_space<vmem>> -> memref<64xi32, #tpu.memory_space<vmem>>
      %dma_wait3A_149 = arith.constant 0 : i32
      %dma_wait3A_150 = arith.constant 0 : i32
      %dma_wait3A_151 = tpu.memref_slice %arg5[%dma_wait3A_149, %dma_wait3A_150] : memref<100000x128xf32, #tpu.memory_space<hbm>> -> memref<100000x128xf32, #tpu.memory_space<hbm>>
      tpu.wait_indirect_dma semaphore(%arg30 : memref<!tpu.dma_semaphore, #tpu.memory_space<semaphore_mem>>) src(%dma_wait3A_151 : memref<100000x128xf32, #tpu.memory_space<hbm>>) dst(%arg17 : memref<64x128xf32, #tpu.memory_space<vmem>>)
      %dma_wait3A_152 = arith.constant 0 : i32
      %dma_wait3A_153 = tpu.memref_slice %arg9[%dma_wait3A_152] : memref<512xi32, #tpu.memory_space<vmem>> -> memref<64xi32, #tpu.memory_space<vmem>>
      %dma_wait3A_154 = arith.constant 0 : i32
      %dma_wait3A_155 = arith.constant 0 : i32
      %dma_wait3A_156 = tpu.memref_slice %arg6[%dma_wait3A_154, %dma_wait3A_155] : memref<1000000x128xf32, #tpu.memory_space<hbm>> -> memref<1000000x128xf32, #tpu.memory_space<hbm>>
      tpu.wait_indirect_dma semaphore(%arg31 : memref<!tpu.dma_semaphore, #tpu.memory_space<semaphore_mem>>) src(%dma_wait3A_156 : memref<1000000x128xf32, #tpu.memory_space<hbm>>) dst(%arg18 : memref<64x128xf32, #tpu.memory_space<vmem>>)
      %dma_wait3A_157 = arith.constant 0 : i32
      %dma_wait3A_158 = tpu.memref_slice %arg10[%dma_wait3A_157] : memref<512xi32, #tpu.memory_space<vmem>> -> memref<64xi32, #tpu.memory_space<vmem>>
      %dma_wait3A_159 = arith.constant 0 : i32
      %dma_wait3A_160 = arith.constant 0 : i32
      %dma_wait3A_161 = tpu.memref_slice %arg6[%dma_wait3A_159, %dma_wait3A_160] : memref<1000000x128xf32, #tpu.memory_space<hbm>> -> memref<1000000x128xf32, #tpu.memory_space<hbm>>
      tpu.wait_indirect_dma semaphore(%arg32 : memref<!tpu.dma_semaphore, #tpu.memory_space<semaphore_mem>>) src(%dma_wait3A_161 : memref<1000000x128xf32, #tpu.memory_space<hbm>>) dst(%arg19 : memref<64x128xf32, #tpu.memory_space<vmem>>)
      %mul3A_162 = arith.constant 64 : i32
      %mul3A_163 = arith.muli %add3A_146, %mul3A_162 : i32
      %parallel_loop3A_164 = arith.constant 0 : i32
      %parallel_loop3A_165 = arith.constant 4 : i32
      %parallel_loop3A_166 = arith.constant 1 : i32
      scf.for %parallel_loop3A_206 = %parallel_loop3A_164 to %parallel_loop3A_165 step %parallel_loop3A_166  : i32 {
        %parallel_loop3A_207 = arith.constant 0.000000e+00 : f32
        %parallel_loop3A_208 = vector.broadcast %parallel_loop3A_207 : f32 to vector<16xf32>
        %parallel_loop3A_209 = arith.constant 0 : i32
        %parallel_loop3A_210 = arith.constant 16 : i32
        %parallel_loop3A_211 = arith.addi %parallel_loop3A_209, %parallel_loop3A_210 : i32
        %parallel_loop3A_212 = arith.constant 4 : i32
        %parallel_loop3A_213 = scf.for %scan3A_220 = %parallel_loop3A_209 to %parallel_loop3A_211 step %parallel_loop3A_212 iter_args(%scan3A_221 = %parallel_loop3A_208) -> (vector<16xf32>)  : i32 {
          %parallel_loop3A_222 = arith.constant 16 : i32
          %parallel_loop3A_223 = arith.muli %parallel_loop3A_206, %parallel_loop3A_222 : i32
          %parallel_loop3A_224 = arith.addi %parallel_loop3A_223, %scan3A_220 : i32
          %parallel_loop3A_225 = arith.constant 0.000000e+00 : f32
          %parallel_loop3A_226 = vector.broadcast %parallel_loop3A_225 : f32 to vector<16xf32>
          %parallel_loop3A_227 = arith.index_cast %parallel_loop3A_224 : i32 to index
          %parallel_loop3A_228 = arith.constant 0 : index
          %parallel_loop3A_229 = tpu.vector_load %arg17[%parallel_loop3A_227, %parallel_loop3A_228] {strides = array<i32>} : memref<64x128xf32, #tpu.memory_space<vmem>>, vector<16xf32>,
          %parallel_loop3A_230 = arith.index_cast %parallel_loop3A_224 : i32 to index
          %parallel_loop3A_231 = arith.constant 0 : index
          %parallel_loop3A_232 = tpu.vector_load %arg18[%parallel_loop3A_230, %parallel_loop3A_231] {strides = array<i32>} : memref<64x128xf32, #tpu.memory_space<vmem>>, vector<16xf32>,
          %parallel_loop3A_233 = arith.index_cast %parallel_loop3A_224 : i32 to index
          %parallel_loop3A_234 = arith.constant 0 : index
          %parallel_loop3A_235 = tpu.vector_load %arg19[%parallel_loop3A_233, %parallel_loop3A_234] {strides = array<i32>} : memref<64x128xf32, #tpu.memory_space<vmem>>, vector<16xf32>,
          %parallel_loop3A_236 = arith.subf %parallel_loop3A_232, %parallel_loop3A_235 : vector<16xf32>
          %parallel_loop3A_237 = arith.mulf %parallel_loop3A_229, %parallel_loop3A_236 : vector<16xf32>
          %parallel_loop3A_238 = arith.addf %parallel_loop3A_226, %parallel_loop3A_237 : vector<16xf32>
          %parallel_loop3A_239 = arith.index_cast %parallel_loop3A_224 : i32 to index
          %parallel_loop3A_240 = arith.constant 16 : index
          %parallel_loop3A_241 = tpu.vector_load %arg17[%parallel_loop3A_239, %parallel_loop3A_240] {strides = array<i32>} : memref<64x128xf32, #tpu.memory_space<vmem>>, vector<16xf32>,
          %parallel_loop3A_242 = arith.index_cast %parallel_loop3A_224 : i32 to index
          %parallel_loop3A_243 = arith.constant 16 : index
          %parallel_loop3A_244 = tpu.vector_load %arg18[%parallel_loop3A_242, %parallel_loop3A_243] {strides = array<i32>} : memref<64x128xf32, #tpu.memory_space<vmem>>, vector<16xf32>,
          %parallel_loop3A_245 = arith.index_cast %parallel_loop3A_224 : i32 to index
          %parallel_loop3A_246 = arith.constant 16 : index
          %parallel_loop3A_247 = tpu.vector_load %arg19[%parallel_loop3A_245, %parallel_loop3A_246] {strides = array<i32>} : memref<64x128xf32, #tpu.memory_space<vmem>>, vector<16xf32>,
          %parallel_loop3A_248 = arith.subf %parallel_loop3A_244, %parallel_loop3A_247 : vector<16xf32>
          %parallel_loop3A_249 = arith.mulf %parallel_loop3A_241, %parallel_loop3A_248 : vector<16xf32>
          %parallel_loop3A_250 = arith.addf %parallel_loop3A_238, %parallel_loop3A_249 : vector<16xf32>
          %parallel_loop3A_251 = arith.index_cast %parallel_loop3A_224 : i32 to index
          %parallel_loop3A_252 = arith.constant 32 : index
          %parallel_loop3A_253 = tpu.vector_load %arg17[%parallel_loop3A_251, %parallel_loop3A_252] {strides = array<i32>} : memref<64x128xf32, #tpu.memory_space<vmem>>, vector<16xf32>,
          %parallel_loop3A_254 = arith.index_cast %parallel_loop3A_224 : i32 to index
          %parallel_loop3A_255 = arith.constant 32 : index
          %parallel_loop3A_256 = tpu.vector_load %arg18[%parallel_loop3A_254, %parallel_loop3A_255] {strides = array<i32>} : memref<64x128xf32, #tpu.memory_space<vmem>>, vector<16xf32>,
          %parallel_loop3A_257 = arith.index_cast %parallel_loop3A_224 : i32 to index
          %parallel_loop3A_258 = arith.constant 32 : index
          %parallel_loop3A_259 = tpu.vector_load %arg19[%parallel_loop3A_257, %parallel_loop3A_258] {strides = array<i32>} : memref<64x128xf32, #tpu.memory_space<vmem>>, vector<16xf32>,
          %parallel_loop3A_260 = arith.subf %parallel_loop3A_256, %parallel_loop3A_259 : vector<16xf32>
          %parallel_loop3A_261 = arith.mulf %parallel_loop3A_253, %parallel_loop3A_260 : vector<16xf32>
          %parallel_loop3A_262 = arith.addf %parallel_loop3A_250, %parallel_loop3A_261 : vector<16xf32>
          %parallel_loop3A_263 = arith.index_cast %parallel_loop3A_224 : i32 to index
          %parallel_loop3A_264 = arith.constant 48 : index
          %parallel_loop3A_265 = tpu.vector_load %arg17[%parallel_loop3A_263, %parallel_loop3A_264] {strides = array<i32>} : memref<64x128xf32, #tpu.memory_space<vmem>>, vector<16xf32>,
          %parallel_loop3A_266 = arith.index_cast %parallel_loop3A_224 : i32 to index
          %parallel_loop3A_267 = arith.constant 48 : index
          %parallel_loop3A_268 = tpu.vector_load %arg18[%parallel_loop3A_266, %parallel_loop3A_267] {strides = array<i32>} : memref<64x128xf32, #tpu.memory_space<vmem>>, vector<16xf32>,
          %parallel_loop3A_269 = arith.index_cast %parallel_loop3A_224 : i32 to index
          %parallel_loop3A_270 = arith.constant 48 : index
          %parallel_loop3A_271 = tpu.vector_load %arg19[%parallel_loop3A_269, %parallel_loop3A_270] {strides = array<i32>} : memref<64x128xf32, #tpu.memory_space<vmem>>, vector<16xf32>,
          %parallel_loop3A_272 = arith.subf %parallel_loop3A_268, %parallel_loop3A_271 : vector<16xf32>
          %parallel_loop3A_273 = arith.mulf %parallel_loop3A_265, %parallel_loop3A_272 : vector<16xf32>
          %parallel_loop3A_274 = arith.addf %parallel_loop3A_262, %parallel_loop3A_273 : vector<16xf32>
          %parallel_loop3A_275 = arith.index_cast %parallel_loop3A_224 : i32 to index
          %parallel_loop3A_276 = arith.constant 64 : index
          %parallel_loop3A_277 = tpu.vector_load %arg17[%parallel_loop3A_275, %parallel_loop3A_276] {strides = array<i32>} : memref<64x128xf32, #tpu.memory_space<vmem>>, vector<16xf32>,
          %parallel_loop3A_278 = arith.index_cast %parallel_loop3A_224 : i32 to index
          %parallel_loop3A_279 = arith.constant 64 : index
          %parallel_loop3A_280 = tpu.vector_load %arg18[%parallel_loop3A_278, %parallel_loop3A_279] {strides = array<i32>} : memref<64x128xf32, #tpu.memory_space<vmem>>, vector<16xf32>,
          %parallel_loop3A_281 = arith.index_cast %parallel_loop3A_224 : i32 to index
          %parallel_loop3A_282 = arith.constant 64 : index
          %parallel_loop3A_283 = tpu.vector_load %arg19[%parallel_loop3A_281, %parallel_loop3A_282] {strides = array<i32>} : memref<64x128xf32, #tpu.memory_space<vmem>>, vector<16xf32>,
          %parallel_loop3A_284 = arith.subf %parallel_loop3A_280, %parallel_loop3A_283 : vector<16xf32>
          %parallel_loop3A_285 = arith.mulf %parallel_loop3A_277, %parallel_loop3A_284 : vector<16xf32>
          %parallel_loop3A_286 = arith.addf %parallel_loop3A_274, %parallel_loop3A_285 : vector<16xf32>
          %parallel_loop3A_287 = arith.index_cast %parallel_loop3A_224 : i32 to index
          %parallel_loop3A_288 = arith.constant 80 : index
          %parallel_loop3A_289 = tpu.vector_load %arg17[%parallel_loop3A_287, %parallel_loop3A_288] {strides = array<i32>} : memref<64x128xf32, #tpu.memory_space<vmem>>, vector<16xf32>,
          %parallel_loop3A_290 = arith.index_cast %parallel_loop3A_224 : i32 to index
          %parallel_loop3A_291 = arith.constant 80 : index
          %parallel_loop3A_292 = tpu.vector_load %arg18[%parallel_loop3A_290, %parallel_loop3A_291] {strides = array<i32>} : memref<64x128xf32, #tpu.memory_space<vmem>>, vector<16xf32>,
          %parallel_loop3A_293 = arith.index_cast %parallel_loop3A_224 : i32 to index
          %parallel_loop3A_294 = arith.constant 80 : index
          %parallel_loop3A_295 = tpu.vector_load %arg19[%parallel_loop3A_293, %parallel_loop3A_294] {strides = array<i32>} : memref<64x128xf32, #tpu.memory_space<vmem>>, vector<16xf32>,
          %parallel_loop3A_296 = arith.subf %parallel_loop3A_292, %parallel_loop3A_295 : vector<16xf32>
          %parallel_loop3A_297 = arith.mulf %parallel_loop3A_289, %parallel_loop3A_296 : vector<16xf32>
          %parallel_loop3A_298 = arith.addf %parallel_loop3A_286, %parallel_loop3A_297 : vector<16xf32>
          %parallel_loop3A_299 = arith.index_cast %parallel_loop3A_224 : i32 to index
          %parallel_loop3A_300 = arith.constant 96 : index
          %parallel_loop3A_301 = tpu.vector_load %arg17[%parallel_loop3A_299, %parallel_loop3A_300] {strides = array<i32>} : memref<64x128xf32, #tpu.memory_space<vmem>>, vector<16xf32>,
          %parallel_loop3A_302 = arith.index_cast %parallel_loop3A_224 : i32 to index
          %parallel_loop3A_303 = arith.constant 96 : index
          %parallel_loop3A_304 = tpu.vector_load %arg18[%parallel_loop3A_302, %parallel_loop3A_303] {strides = array<i32>} : memref<64x128xf32, #tpu.memory_space<vmem>>, vector<16xf32>,
          %parallel_loop3A_305 = arith.index_cast %parallel_loop3A_224 : i32 to index
          %parallel_loop3A_306 = arith.constant 96 : index
          %parallel_loop3A_307 = tpu.vector_load %arg19[%parallel_loop3A_305, %parallel_loop3A_306] {strides = array<i32>} : memref<64x128xf32, #tpu.memory_space<vmem>>, vector<16xf32>,
          %parallel_loop3A_308 = arith.subf %parallel_loop3A_304, %parallel_loop3A_307 : vector<16xf32>
          %parallel_loop3A_309 = arith.mulf %parallel_loop3A_301, %parallel_loop3A_308 : vector<16xf32>
          %parallel_loop3A_310 = arith.addf %parallel_loop3A_298, %parallel_loop3A_309 : vector<16xf32>
          %parallel_loop3A_311 = arith.index_cast %parallel_loop3A_224 : i32 to index
          %parallel_loop3A_312 = arith.constant 112 : index
          %parallel_loop3A_313 = tpu.vector_load %arg17[%parallel_loop3A_311, %parallel_loop3A_312] {strides = array<i32>} : memref<64x128xf32, #tpu.memory_space<vmem>>, vector<16xf32>,
          %parallel_loop3A_314 = arith.index_cast %parallel_loop3A_224 : i32 to index
          %parallel_loop3A_315 = arith.constant 112 : index
          %parallel_loop3A_316 = tpu.vector_load %arg18[%parallel_loop3A_314, %parallel_loop3A_315] {strides = array<i32>} : memref<64x128xf32, #tpu.memory_space<vmem>>, vector<16xf32>,
          %parallel_loop3A_317 = arith.index_cast %parallel_loop3A_224 : i32 to index
          %parallel_loop3A_318 = arith.constant 112 : index
          %parallel_loop3A_319 = tpu.vector_load %arg19[%parallel_loop3A_317, %parallel_loop3A_318] {strides = array<i32>} : memref<64x128xf32, #tpu.memory_space<vmem>>, vector<16xf32>,
          %parallel_loop3A_320 = arith.subf %parallel_loop3A_316, %parallel_loop3A_319 : vector<16xf32>
          %parallel_loop3A_321 = arith.mulf %parallel_loop3A_313, %parallel_loop3A_320 : vector<16xf32>
          %parallel_loop3A_322 = arith.addf %parallel_loop3A_310, %parallel_loop3A_321 : vector<16xf32>
          %parallel_loop3A_323 = vector.broadcast %scan3A_220 : i32 to vector<16xi32>
          %parallel_loop3A_324 = arith.cmpi eq, %iota3A, %parallel_loop3A_323 : vector<16xi32>
          %parallel_loop3A_325 = arith.constant true
          %parallel_loop3A_326 = vector.broadcast %parallel_loop3A_325 : i1 to vector<16xi1>
          %parallel_loop3A_327 = tpu.scan <sum>, %parallel_loop3A_322 masked %parallel_loop3A_326 : vector<16xf32>, vector<16xi1> -> vector<16xf32>
          %parallel_loop3A_328 = vector.extract %parallel_loop3A_327[15] : f32 from vector<16xf32>
          %parallel_loop3A_329 = vector.broadcast %parallel_loop3A_328 : f32 to vector<16xf32>
          %parallel_loop3A_330 = arith.select %parallel_loop3A_324, %parallel_loop3A_329, %scan3A_221 : vector<16xi1>, vector<16xf32>
          %parallel_loop3A_331 = arith.constant 1 : i32
          %parallel_loop3A_332 = arith.addi %scan3A_220, %parallel_loop3A_331 : i32
          %parallel_loop3A_333 = arith.constant 16 : i32
          %parallel_loop3A_334 = arith.muli %parallel_loop3A_206, %parallel_loop3A_333 : i32
          %parallel_loop3A_335 = arith.addi %parallel_loop3A_334, %parallel_loop3A_332 : i32
          %parallel_loop3A_336 = arith.constant 0.000000e+00 : f32
          %parallel_loop3A_337 = vector.broadcast %parallel_loop3A_336 : f32 to vector<16xf32>
          %parallel_loop3A_338 = arith.index_cast %parallel_loop3A_335 : i32 to index
          %parallel_loop3A_339 = arith.constant 0 : index
          %parallel_loop3A_340 = tpu.vector_load %arg17[%parallel_loop3A_338, %parallel_loop3A_339] {strides = array<i32>} : memref<64x128xf32, #tpu.memory_space<vmem>>, vector<16xf32>,
          %parallel_loop3A_341 = arith.index_cast %parallel_loop3A_335 : i32 to index
          %parallel_loop3A_342 = arith.constant 0 : index
          %parallel_loop3A_343 = tpu.vector_load %arg18[%parallel_loop3A_341, %parallel_loop3A_342] {strides = array<i32>} : memref<64x128xf32, #tpu.memory_space<vmem>>, vector<16xf32>,
          %parallel_loop3A_344 = arith.index_cast %parallel_loop3A_335 : i32 to index
          %parallel_loop3A_345 = arith.constant 0 : index
          %parallel_loop3A_346 = tpu.vector_load %arg19[%parallel_loop3A_344, %parallel_loop3A_345] {strides = array<i32>} : memref<64x128xf32, #tpu.memory_space<vmem>>, vector<16xf32>,
          %parallel_loop3A_347 = arith.subf %parallel_loop3A_343, %parallel_loop3A_346 : vector<16xf32>
          %parallel_loop3A_348 = arith.mulf %parallel_loop3A_340, %parallel_loop3A_347 : vector<16xf32>
          %parallel_loop3A_349 = arith.addf %parallel_loop3A_337, %parallel_loop3A_348 : vector<16xf32>
          %parallel_loop3A_350 = arith.index_cast %parallel_loop3A_335 : i32 to index
          %parallel_loop3A_351 = arith.constant 16 : index
          %parallel_loop3A_352 = tpu.vector_load %arg17[%parallel_loop3A_350, %parallel_loop3A_351] {strides = array<i32>} : memref<64x128xf32, #tpu.memory_space<vmem>>, vector<16xf32>,
          %parallel_loop3A_353 = arith.index_cast %parallel_loop3A_335 : i32 to index
          %parallel_loop3A_354 = arith.constant 16 : index
          %parallel_loop3A_355 = tpu.vector_load %arg18[%parallel_loop3A_353, %parallel_loop3A_354] {strides = array<i32>} : memref<64x128xf32, #tpu.memory_space<vmem>>, vector<16xf32>,
          %parallel_loop3A_356 = arith.index_cast %parallel_loop3A_335 : i32 to index
          %parallel_loop3A_357 = arith.constant 16 : index
          %parallel_loop3A_358 = tpu.vector_load %arg19[%parallel_loop3A_356, %parallel_loop3A_357] {strides = array<i32>} : memref<64x128xf32, #tpu.memory_space<vmem>>, vector<16xf32>,
          %parallel_loop3A_359 = arith.subf %parallel_loop3A_355, %parallel_loop3A_358 : vector<16xf32>
          %parallel_loop3A_360 = arith.mulf %parallel_loop3A_352, %parallel_loop3A_359 : vector<16xf32>
          %parallel_loop3A_361 = arith.addf %parallel_loop3A_349, %parallel_loop3A_360 : vector<16xf32>
          %parallel_loop3A_362 = arith.index_cast %parallel_loop3A_335 : i32 to index
          %parallel_loop3A_363 = arith.constant 32 : index
          %parallel_loop3A_364 = tpu.vector_load %arg17[%parallel_loop3A_362, %parallel_loop3A_363] {strides = array<i32>} : memref<64x128xf32, #tpu.memory_space<vmem>>, vector<16xf32>,
          %parallel_loop3A_365 = arith.index_cast %parallel_loop3A_335 : i32 to index
          %parallel_loop3A_366 = arith.constant 32 : index
          %parallel_loop3A_367 = tpu.vector_load %arg18[%parallel_loop3A_365, %parallel_loop3A_366] {strides = array<i32>} : memref<64x128xf32, #tpu.memory_space<vmem>>, vector<16xf32>,
          %parallel_loop3A_368 = arith.index_cast %parallel_loop3A_335 : i32 to index
          %parallel_loop3A_369 = arith.constant 32 : index
          %parallel_loop3A_370 = tpu.vector_load %arg19[%parallel_loop3A_368, %parallel_loop3A_369] {strides = array<i32>} : memref<64x128xf32, #tpu.memory_space<vmem>>, vector<16xf32>,
          %parallel_loop3A_371 = arith.subf %parallel_loop3A_367, %parallel_loop3A_370 : vector<16xf32>
          %parallel_loop3A_372 = arith.mulf %parallel_loop3A_364, %parallel_loop3A_371 : vector<16xf32>
          %parallel_loop3A_373 = arith.addf %parallel_loop3A_361, %parallel_loop3A_372 : vector<16xf32>
          %parallel_loop3A_374 = arith.index_cast %parallel_loop3A_335 : i32 to index
          %parallel_loop3A_375 = arith.constant 48 : index
          %parallel_loop3A_376 = tpu.vector_load %arg17[%parallel_loop3A_374, %parallel_loop3A_375] {strides = array<i32>} : memref<64x128xf32, #tpu.memory_space<vmem>>, vector<16xf32>,
          %parallel_loop3A_377 = arith.index_cast %parallel_loop3A_335 : i32 to index
          %parallel_loop3A_378 = arith.constant 48 : index
          %parallel_loop3A_379 = tpu.vector_load %arg18[%parallel_loop3A_377, %parallel_loop3A_378] {strides = array<i32>} : memref<64x128xf32, #tpu.memory_space<vmem>>, vector<16xf32>,
          %parallel_loop3A_380 = arith.index_cast %parallel_loop3A_335 : i32 to index
          %parallel_loop3A_381 = arith.constant 48 : index
          %parallel_loop3A_382 = tpu.vector_load %arg19[%parallel_loop3A_380, %parallel_loop3A_381] {strides = array<i32>} : memref<64x128xf32, #tpu.memory_space<vmem>>, vector<16xf32>,
          %parallel_loop3A_383 = arith.subf %parallel_loop3A_379, %parallel_loop3A_382 : vector<16xf32>
          %parallel_loop3A_384 = arith.mulf %parallel_loop3A_376, %parallel_loop3A_383 : vector<16xf32>
          %parallel_loop3A_385 = arith.addf %parallel_loop3A_373, %parallel_loop3A_384 : vector<16xf32>
          %parallel_loop3A_386 = arith.index_cast %parallel_loop3A_335 : i32 to index
          %parallel_loop3A_387 = arith.constant 64 : index
          %parallel_loop3A_388 = tpu.vector_load %arg17[%parallel_loop3A_386, %parallel_loop3A_387] {strides = array<i32>} : memref<64x128xf32, #tpu.memory_space<vmem>>, vector<16xf32>,
          %parallel_loop3A_389 = arith.index_cast %parallel_loop3A_335 : i32 to index
          %parallel_loop3A_390 = arith.constant 64 : index
          %parallel_loop3A_391 = tpu.vector_load %arg18[%parallel_loop3A_389, %parallel_loop3A_390] {strides = array<i32>} : memref<64x128xf32, #tpu.memory_space<vmem>>, vector<16xf32>,
          %parallel_loop3A_392 = arith.index_cast %parallel_loop3A_335 : i32 to index
          %parallel_loop3A_393 = arith.constant 64 : index
          %parallel_loop3A_394 = tpu.vector_load %arg19[%parallel_loop3A_392, %parallel_loop3A_393] {strides = array<i32>} : memref<64x128xf32, #tpu.memory_space<vmem>>, vector<16xf32>,
          %parallel_loop3A_395 = arith.subf %parallel_loop3A_391, %parallel_loop3A_394 : vector<16xf32>
          %parallel_loop3A_396 = arith.mulf %parallel_loop3A_388, %parallel_loop3A_395 : vector<16xf32>
          %parallel_loop3A_397 = arith.addf %parallel_loop3A_385, %parallel_loop3A_396 : vector<16xf32>
          %parallel_loop3A_398 = arith.index_cast %parallel_loop3A_335 : i32 to index
          %parallel_loop3A_399 = arith.constant 80 : index
          %parallel_loop3A_400 = tpu.vector_load %arg17[%parallel_loop3A_398, %parallel_loop3A_399] {strides = array<i32>} : memref<64x128xf32, #tpu.memory_space<vmem>>, vector<16xf32>,
          %parallel_loop3A_401 = arith.index_cast %parallel_loop3A_335 : i32 to index
          %parallel_loop3A_402 = arith.constant 80 : index
          %parallel_loop3A_403 = tpu.vector_load %arg18[%parallel_loop3A_401, %parallel_loop3A_402] {strides = array<i32>} : memref<64x128xf32, #tpu.memory_space<vmem>>, vector<16xf32>,
          %parallel_loop3A_404 = arith.index_cast %parallel_loop3A_335 : i32 to index
          %parallel_loop3A_405 = arith.constant 80 : index
          %parallel_loop3A_406 = tpu.vector_load %arg19[%parallel_loop3A_404, %parallel_loop3A_405] {strides = array<i32>} : memref<64x128xf32, #tpu.memory_space<vmem>>, vector<16xf32>,
          %parallel_loop3A_407 = arith.subf %parallel_loop3A_403, %parallel_loop3A_406 : vector<16xf32>
          %parallel_loop3A_408 = arith.mulf %parallel_loop3A_400, %parallel_loop3A_407 : vector<16xf32>
          %parallel_loop3A_409 = arith.addf %parallel_loop3A_397, %parallel_loop3A_408 : vector<16xf32>
          %parallel_loop3A_410 = arith.index_cast %parallel_loop3A_335 : i32 to index
          %parallel_loop3A_411 = arith.constant 96 : index
          %parallel_loop3A_412 = tpu.vector_load %arg17[%parallel_loop3A_410, %parallel_loop3A_411] {strides = array<i32>} : memref<64x128xf32, #tpu.memory_space<vmem>>, vector<16xf32>,
          %parallel_loop3A_413 = arith.index_cast %parallel_loop3A_335 : i32 to index
          %parallel_loop3A_414 = arith.constant 96 : index
          %parallel_loop3A_415 = tpu.vector_load %arg18[%parallel_loop3A_413, %parallel_loop3A_414] {strides = array<i32>} : memref<64x128xf32, #tpu.memory_space<vmem>>, vector<16xf32>,
          %parallel_loop3A_416 = arith.index_cast %parallel_loop3A_335 : i32 to index
          %parallel_loop3A_417 = arith.constant 96 : index
          %parallel_loop3A_418 = tpu.vector_load %arg19[%parallel_loop3A_416, %parallel_loop3A_417] {strides = array<i32>} : memref<64x128xf32, #tpu.memory_space<vmem>>, vector<16xf32>,
          %parallel_loop3A_419 = arith.subf %parallel_loop3A_415, %parallel_loop3A_418 : vector<16xf32>
          %parallel_loop3A_420 = arith.mulf %parallel_loop3A_412, %parallel_loop3A_419 : vector<16xf32>
          %parallel_loop3A_421 = arith.addf %parallel_loop3A_409, %parallel_loop3A_420 : vector<16xf32>
          %parallel_loop3A_422 = arith.index_cast %parallel_loop3A_335 : i32 to index
          %parallel_loop3A_423 = arith.constant 112 : index
          %parallel_loop3A_424 = tpu.vector_load %arg17[%parallel_loop3A_422, %parallel_loop3A_423] {strides = array<i32>} : memref<64x128xf32, #tpu.memory_space<vmem>>, vector<16xf32>,
          %parallel_loop3A_425 = arith.index_cast %parallel_loop3A_335 : i32 to index
          %parallel_loop3A_426 = arith.constant 112 : index
          %parallel_loop3A_427 = tpu.vector_load %arg18[%parallel_loop3A_425, %parallel_loop3A_426] {strides = array<i32>} : memref<64x128xf32, #tpu.memory_space<vmem>>, vector<16xf32>,
          %parallel_loop3A_428 = arith.index_cast %parallel_loop3A_335 : i32 to index
          %parallel_loop3A_429 = arith.constant 112 : index
          %parallel_loop3A_430 = tpu.vector_load %arg19[%parallel_loop3A_428, %parallel_loop3A_429] {strides = array<i32>} : memref<64x128xf32, #tpu.memory_space<vmem>>, vector<16xf32>,
          %parallel_loop3A_431 = arith.subf %parallel_loop3A_427, %parallel_loop3A_430 : vector<16xf32>
          %parallel_loop3A_432 = arith.mulf %parallel_loop3A_424, %parallel_loop3A_431 : vector<16xf32>
          %parallel_loop3A_433 = arith.addf %parallel_loop3A_421, %parallel_loop3A_432 : vector<16xf32>
          %parallel_loop3A_434 = vector.broadcast %parallel_loop3A_332 : i32 to vector<16xi32>
          %parallel_loop3A_435 = arith.cmpi eq, %iota3A, %parallel_loop3A_434 : vector<16xi32>
          %parallel_loop3A_436 = arith.constant true
          %parallel_loop3A_437 = vector.broadcast %parallel_loop3A_436 : i1 to vector<16xi1>
          %parallel_loop3A_438 = tpu.scan <sum>, %parallel_loop3A_433 masked %parallel_loop3A_437 : vector<16xf32>, vector<16xi1> -> vector<16xf32>
          %parallel_loop3A_439 = vector.extract %parallel_loop3A_438[15] : f32 from vector<16xf32>
          %parallel_loop3A_440 = vector.broadcast %parallel_loop3A_439 : f32 to vector<16xf32>
          %parallel_loop3A_441 = arith.select %parallel_loop3A_435, %parallel_loop3A_440, %parallel_loop3A_330 : vector<16xi1>, vector<16xf32>
          %parallel_loop3A_442 = arith.constant 2 : i32
          %parallel_loop3A_443 = arith.addi %scan3A_220, %parallel_loop3A_442 : i32
          %parallel_loop3A_444 = arith.constant 16 : i32
          %parallel_loop3A_445 = arith.muli %parallel_loop3A_206, %parallel_loop3A_444 : i32
          %parallel_loop3A_446 = arith.addi %parallel_loop3A_445, %parallel_loop3A_443 : i32
          %parallel_loop3A_447 = arith.constant 0.000000e+00 : f32
          %parallel_loop3A_448 = vector.broadcast %parallel_loop3A_447 : f32 to vector<16xf32>
          %parallel_loop3A_449 = arith.index_cast %parallel_loop3A_446 : i32 to index
          %parallel_loop3A_450 = arith.constant 0 : index
          %parallel_loop3A_451 = tpu.vector_load %arg17[%parallel_loop3A_449, %parallel_loop3A_450] {strides = array<i32>} : memref<64x128xf32, #tpu.memory_space<vmem>>, vector<16xf32>,
          %parallel_loop3A_452 = arith.index_cast %parallel_loop3A_446 : i32 to index
          %parallel_loop3A_453 = arith.constant 0 : index
          %parallel_loop3A_454 = tpu.vector_load %arg18[%parallel_loop3A_452, %parallel_loop3A_453] {strides = array<i32>} : memref<64x128xf32, #tpu.memory_space<vmem>>, vector<16xf32>,
          %parallel_loop3A_455 = arith.index_cast %parallel_loop3A_446 : i32 to index
          %parallel_loop3A_456 = arith.constant 0 : index
          %parallel_loop3A_457 = tpu.vector_load %arg19[%parallel_loop3A_455, %parallel_loop3A_456] {strides = array<i32>} : memref<64x128xf32, #tpu.memory_space<vmem>>, vector<16xf32>,
          %parallel_loop3A_458 = arith.subf %parallel_loop3A_454, %parallel_loop3A_457 : vector<16xf32>
          %parallel_loop3A_459 = arith.mulf %parallel_loop3A_451, %parallel_loop3A_458 : vector<16xf32>
          %parallel_loop3A_460 = arith.addf %parallel_loop3A_448, %parallel_loop3A_459 : vector<16xf32>
          %parallel_loop3A_461 = arith.index_cast %parallel_loop3A_446 : i32 to index
          %parallel_loop3A_462 = arith.constant 16 : index
          %parallel_loop3A_463 = tpu.vector_load %arg17[%parallel_loop3A_461, %parallel_loop3A_462] {strides = array<i32>} : memref<64x128xf32, #tpu.memory_space<vmem>>, vector<16xf32>,
          %parallel_loop3A_464 = arith.index_cast %parallel_loop3A_446 : i32 to index
          %parallel_loop3A_465 = arith.constant 16 : index
          %parallel_loop3A_466 = tpu.vector_load %arg18[%parallel_loop3A_464, %parallel_loop3A_465] {strides = array<i32>} : memref<64x128xf32, #tpu.memory_space<vmem>>, vector<16xf32>,
          %parallel_loop3A_467 = arith.index_cast %parallel_loop3A_446 : i32 to index
          %parallel_loop3A_468 = arith.constant 16 : index
          %parallel_loop3A_469 = tpu.vector_load %arg19[%parallel_loop3A_467, %parallel_loop3A_468] {strides = array<i32>} : memref<64x128xf32, #tpu.memory_space<vmem>>, vector<16xf32>,
          %parallel_loop3A_470 = arith.subf %parallel_loop3A_466, %parallel_loop3A_469 : vector<16xf32>
          %parallel_loop3A_471 = arith.mulf %parallel_loop3A_463, %parallel_loop3A_470 : vector<16xf32>
          %parallel_loop3A_472 = arith.addf %parallel_loop3A_460, %parallel_loop3A_471 : vector<16xf32>
          %parallel_loop3A_473 = arith.index_cast %parallel_loop3A_446 : i32 to index
          %parallel_loop3A_474 = arith.constant 32 : index
          %parallel_loop3A_475 = tpu.vector_load %arg17[%parallel_loop3A_473, %parallel_loop3A_474] {strides = array<i32>} : memref<64x128xf32, #tpu.memory_space<vmem>>, vector<16xf32>,
          %parallel_loop3A_476 = arith.index_cast %parallel_loop3A_446 : i32 to index
          %parallel_loop3A_477 = arith.constant 32 : index
          %parallel_loop3A_478 = tpu.vector_load %arg18[%parallel_loop3A_476, %parallel_loop3A_477] {strides = array<i32>} : memref<64x128xf32, #tpu.memory_space<vmem>>, vector<16xf32>,
          %parallel_loop3A_479 = arith.index_cast %parallel_loop3A_446 : i32 to index
          %parallel_loop3A_480 = arith.constant 32 : index
          %parallel_loop3A_481 = tpu.vector_load %arg19[%parallel_loop3A_479, %parallel_loop3A_480] {strides = array<i32>} : memref<64x128xf32, #tpu.memory_space<vmem>>, vector<16xf32>,
          %parallel_loop3A_482 = arith.subf %parallel_loop3A_478, %parallel_loop3A_481 : vector<16xf32>
          %parallel_loop3A_483 = arith.mulf %parallel_loop3A_475, %parallel_loop3A_482 : vector<16xf32>
          %parallel_loop3A_484 = arith.addf %parallel_loop3A_472, %parallel_loop3A_483 : vector<16xf32>
          %parallel_loop3A_485 = arith.index_cast %parallel_loop3A_446 : i32 to index
          %parallel_loop3A_486 = arith.constant 48 : index
          %parallel_loop3A_487 = tpu.vector_load %arg17[%parallel_loop3A_485, %parallel_loop3A_486] {strides = array<i32>} : memref<64x128xf32, #tpu.memory_space<vmem>>, vector<16xf32>,
          %parallel_loop3A_488 = arith.index_cast %parallel_loop3A_446 : i32 to index
          %parallel_loop3A_489 = arith.constant 48 : index
          %parallel_loop3A_490 = tpu.vector_load %arg18[%parallel_loop3A_488, %parallel_loop3A_489] {strides = array<i32>} : memref<64x128xf32, #tpu.memory_space<vmem>>, vector<16xf32>,
          %parallel_loop3A_491 = arith.index_cast %parallel_loop3A_446 : i32 to index
          %parallel_loop3A_492 = arith.constant 48 : index
          %parallel_loop3A_493 = tpu.vector_load %arg19[%parallel_loop3A_491, %parallel_loop3A_492] {strides = array<i32>} : memref<64x128xf32, #tpu.memory_space<vmem>>, vector<16xf32>,
          %parallel_loop3A_494 = arith.subf %parallel_loop3A_490, %parallel_loop3A_493 : vector<16xf32>
          %parallel_loop3A_495 = arith.mulf %parallel_loop3A_487, %parallel_loop3A_494 : vector<16xf32>
          %parallel_loop3A_496 = arith.addf %parallel_loop3A_484, %parallel_loop3A_495 : vector<16xf32>
          %parallel_loop3A_497 = arith.index_cast %parallel_loop3A_446 : i32 to index
          %parallel_loop3A_498 = arith.constant 64 : index
          %parallel_loop3A_499 = tpu.vector_load %arg17[%parallel_loop3A_497, %parallel_loop3A_498] {strides = array<i32>} : memref<64x128xf32, #tpu.memory_space<vmem>>, vector<16xf32>,
          %parallel_loop3A_500 = arith.index_cast %parallel_loop3A_446 : i32 to index
          %parallel_loop3A_501 = arith.constant 64 : index
          %parallel_loop3A_502 = tpu.vector_load %arg18[%parallel_loop3A_500, %parallel_loop3A_501] {strides = array<i32>} : memref<64x128xf32, #tpu.memory_space<vmem>>, vector<16xf32>,
          %parallel_loop3A_503 = arith.index_cast %parallel_loop3A_446 : i32 to index
          %parallel_loop3A_504 = arith.constant 64 : index
          %parallel_loop3A_505 = tpu.vector_load %arg19[%parallel_loop3A_503, %parallel_loop3A_504] {strides = array<i32>} : memref<64x128xf32, #tpu.memory_space<vmem>>, vector<16xf32>,
          %parallel_loop3A_506 = arith.subf %parallel_loop3A_502, %parallel_loop3A_505 : vector<16xf32>
          %parallel_loop3A_507 = arith.mulf %parallel_loop3A_499, %parallel_loop3A_506 : vector<16xf32>
          %parallel_loop3A_508 = arith.addf %parallel_loop3A_496, %parallel_loop3A_507 : vector<16xf32>
          %parallel_loop3A_509 = arith.index_cast %parallel_loop3A_446 : i32 to index
          %parallel_loop3A_510 = arith.constant 80 : index
          %parallel_loop3A_511 = tpu.vector_load %arg17[%parallel_loop3A_509, %parallel_loop3A_510] {strides = array<i32>} : memref<64x128xf32, #tpu.memory_space<vmem>>, vector<16xf32>,
          %parallel_loop3A_512 = arith.index_cast %parallel_loop3A_446 : i32 to index
          %parallel_loop3A_513 = arith.constant 80 : index
          %parallel_loop3A_514 = tpu.vector_load %arg18[%parallel_loop3A_512, %parallel_loop3A_513] {strides = array<i32>} : memref<64x128xf32, #tpu.memory_space<vmem>>, vector<16xf32>,
          %parallel_loop3A_515 = arith.index_cast %parallel_loop3A_446 : i32 to index
          %parallel_loop3A_516 = arith.constant 80 : index
          %parallel_loop3A_517 = tpu.vector_load %arg19[%parallel_loop3A_515, %parallel_loop3A_516] {strides = array<i32>} : memref<64x128xf32, #tpu.memory_space<vmem>>, vector<16xf32>,
          %parallel_loop3A_518 = arith.subf %parallel_loop3A_514, %parallel_loop3A_517 : vector<16xf32>
          %parallel_loop3A_519 = arith.mulf %parallel_loop3A_511, %parallel_loop3A_518 : vector<16xf32>
          %parallel_loop3A_520 = arith.addf %parallel_loop3A_508, %parallel_loop3A_519 : vector<16xf32>
          %parallel_loop3A_521 = arith.index_cast %parallel_loop3A_446 : i32 to index
          %parallel_loop3A_522 = arith.constant 96 : index
          %parallel_loop3A_523 = tpu.vector_load %arg17[%parallel_loop3A_521, %parallel_loop3A_522] {strides = array<i32>} : memref<64x128xf32, #tpu.memory_space<vmem>>, vector<16xf32>,
          %parallel_loop3A_524 = arith.index_cast %parallel_loop3A_446 : i32 to index
          %parallel_loop3A_525 = arith.constant 96 : index
          %parallel_loop3A_526 = tpu.vector_load %arg18[%parallel_loop3A_524, %parallel_loop3A_525] {strides = array<i32>} : memref<64x128xf32, #tpu.memory_space<vmem>>, vector<16xf32>,
          %parallel_loop3A_527 = arith.index_cast %parallel_loop3A_446 : i32 to index
          %parallel_loop3A_528 = arith.constant 96 : index
          %parallel_loop3A_529 = tpu.vector_load %arg19[%parallel_loop3A_527, %parallel_loop3A_528] {strides = array<i32>} : memref<64x128xf32, #tpu.memory_space<vmem>>, vector<16xf32>,
          %parallel_loop3A_530 = arith.subf %parallel_loop3A_526, %parallel_loop3A_529 : vector<16xf32>
          %parallel_loop3A_531 = arith.mulf %parallel_loop3A_523, %parallel_loop3A_530 : vector<16xf32>
          %parallel_loop3A_532 = arith.addf %parallel_loop3A_520, %parallel_loop3A_531 : vector<16xf32>
          %parallel_loop3A_533 = arith.index_cast %parallel_loop3A_446 : i32 to index
          %parallel_loop3A_534 = arith.constant 112 : index
          %parallel_loop3A_535 = tpu.vector_load %arg17[%parallel_loop3A_533, %parallel_loop3A_534] {strides = array<i32>} : memref<64x128xf32, #tpu.memory_space<vmem>>, vector<16xf32>,
          %parallel_loop3A_536 = arith.index_cast %parallel_loop3A_446 : i32 to index
          %parallel_loop3A_537 = arith.constant 112 : index
          %parallel_loop3A_538 = tpu.vector_load %arg18[%parallel_loop3A_536, %parallel_loop3A_537] {strides = array<i32>} : memref<64x128xf32, #tpu.memory_space<vmem>>, vector<16xf32>,
          %parallel_loop3A_539 = arith.index_cast %parallel_loop3A_446 : i32 to index
          %parallel_loop3A_540 = arith.constant 112 : index
          %parallel_loop3A_541 = tpu.vector_load %arg19[%parallel_loop3A_539, %parallel_loop3A_540] {strides = array<i32>} : memref<64x128xf32, #tpu.memory_space<vmem>>, vector<16xf32>,
          %parallel_loop3A_542 = arith.subf %parallel_loop3A_538, %parallel_loop3A_541 : vector<16xf32>
          %parallel_loop3A_543 = arith.mulf %parallel_loop3A_535, %parallel_loop3A_542 : vector<16xf32>
          %parallel_loop3A_544 = arith.addf %parallel_loop3A_532, %parallel_loop3A_543 : vector<16xf32>
          %parallel_loop3A_545 = vector.broadcast %parallel_loop3A_443 : i32 to vector<16xi32>
          %parallel_loop3A_546 = arith.cmpi eq, %iota3A, %parallel_loop3A_545 : vector<16xi32>
          %parallel_loop3A_547 = arith.constant true
          %parallel_loop3A_548 = vector.broadcast %parallel_loop3A_547 : i1 to vector<16xi1>
          %parallel_loop3A_549 = tpu.scan <sum>, %parallel_loop3A_544 masked %parallel_loop3A_548 : vector<16xf32>, vector<16xi1> -> vector<16xf32>
          %parallel_loop3A_550 = vector.extract %parallel_loop3A_549[15] : f32 from vector<16xf32>
          %parallel_loop3A_551 = vector.broadcast %parallel_loop3A_550 : f32 to vector<16xf32>
          %parallel_loop3A_552 = arith.select %parallel_loop3A_546, %parallel_loop3A_551, %parallel_loop3A_441 : vector<16xi1>, vector<16xf32>
          %parallel_loop3A_553 = arith.constant 3 : i32
          %parallel_loop3A_554 = arith.addi %scan3A_220, %parallel_loop3A_553 : i32
          %parallel_loop3A_555 = arith.constant 16 : i32
          %parallel_loop3A_556 = arith.muli %parallel_loop3A_206, %parallel_loop3A_555 : i32
          %parallel_loop3A_557 = arith.addi %parallel_loop3A_556, %parallel_loop3A_554 : i32
          %parallel_loop3A_558 = arith.constant 0.000000e+00 : f32
          %parallel_loop3A_559 = vector.broadcast %parallel_loop3A_558 : f32 to vector<16xf32>
          %parallel_loop3A_560 = arith.index_cast %parallel_loop3A_557 : i32 to index
          %parallel_loop3A_561 = arith.constant 0 : index
          %parallel_loop3A_562 = tpu.vector_load %arg17[%parallel_loop3A_560, %parallel_loop3A_561] {strides = array<i32>} : memref<64x128xf32, #tpu.memory_space<vmem>>, vector<16xf32>,
          %parallel_loop3A_563 = arith.index_cast %parallel_loop3A_557 : i32 to index
          %parallel_loop3A_564 = arith.constant 0 : index
          %parallel_loop3A_565 = tpu.vector_load %arg18[%parallel_loop3A_563, %parallel_loop3A_564] {strides = array<i32>} : memref<64x128xf32, #tpu.memory_space<vmem>>, vector<16xf32>,
          %parallel_loop3A_566 = arith.index_cast %parallel_loop3A_557 : i32 to index
          %parallel_loop3A_567 = arith.constant 0 : index
          %parallel_loop3A_568 = tpu.vector_load %arg19[%parallel_loop3A_566, %parallel_loop3A_567] {strides = array<i32>} : memref<64x128xf32, #tpu.memory_space<vmem>>, vector<16xf32>,
          %parallel_loop3A_569 = arith.subf %parallel_loop3A_565, %parallel_loop3A_568 : vector<16xf32>
          %parallel_loop3A_570 = arith.mulf %parallel_loop3A_562, %parallel_loop3A_569 : vector<16xf32>
          %parallel_loop3A_571 = arith.addf %parallel_loop3A_559, %parallel_loop3A_570 : vector<16xf32>
          %parallel_loop3A_572 = arith.index_cast %parallel_loop3A_557 : i32 to index
          %parallel_loop3A_573 = arith.constant 16 : index
          %parallel_loop3A_574 = tpu.vector_load %arg17[%parallel_loop3A_572, %parallel_loop3A_573] {strides = array<i32>} : memref<64x128xf32, #tpu.memory_space<vmem>>, vector<16xf32>,
          %parallel_loop3A_575 = arith.index_cast %parallel_loop3A_557 : i32 to index
          %parallel_loop3A_576 = arith.constant 16 : index
          %parallel_loop3A_577 = tpu.vector_load %arg18[%parallel_loop3A_575, %parallel_loop3A_576] {strides = array<i32>} : memref<64x128xf32, #tpu.memory_space<vmem>>, vector<16xf32>,
          %parallel_loop3A_578 = arith.index_cast %parallel_loop3A_557 : i32 to index
          %parallel_loop3A_579 = arith.constant 16 : index
          %parallel_loop3A_580 = tpu.vector_load %arg19[%parallel_loop3A_578, %parallel_loop3A_579] {strides = array<i32>} : memref<64x128xf32, #tpu.memory_space<vmem>>, vector<16xf32>,
          %parallel_loop3A_581 = arith.subf %parallel_loop3A_577, %parallel_loop3A_580 : vector<16xf32>
          %parallel_loop3A_582 = arith.mulf %parallel_loop3A_574, %parallel_loop3A_581 : vector<16xf32>
          %parallel_loop3A_583 = arith.addf %parallel_loop3A_571, %parallel_loop3A_582 : vector<16xf32>
          %parallel_loop3A_584 = arith.index_cast %parallel_loop3A_557 : i32 to index
          %parallel_loop3A_585 = arith.constant 32 : index
          %parallel_loop3A_586 = tpu.vector_load %arg17[%parallel_loop3A_584, %parallel_loop3A_585] {strides = array<i32>} : memref<64x128xf32, #tpu.memory_space<vmem>>, vector<16xf32>,
          %parallel_loop3A_587 = arith.index_cast %parallel_loop3A_557 : i32 to index
          %parallel_loop3A_588 = arith.constant 32 : index
          %parallel_loop3A_589 = tpu.vector_load %arg18[%parallel_loop3A_587, %parallel_loop3A_588] {strides = array<i32>} : memref<64x128xf32, #tpu.memory_space<vmem>>, vector<16xf32>,
          %parallel_loop3A_590 = arith.index_cast %parallel_loop3A_557 : i32 to index
          %parallel_loop3A_591 = arith.constant 32 : index
          %parallel_loop3A_592 = tpu.vector_load %arg19[%parallel_loop3A_590, %parallel_loop3A_591] {strides = array<i32>} : memref<64x128xf32, #tpu.memory_space<vmem>>, vector<16xf32>,
          %parallel_loop3A_593 = arith.subf %parallel_loop3A_589, %parallel_loop3A_592 : vector<16xf32>
          %parallel_loop3A_594 = arith.mulf %parallel_loop3A_586, %parallel_loop3A_593 : vector<16xf32>
          %parallel_loop3A_595 = arith.addf %parallel_loop3A_583, %parallel_loop3A_594 : vector<16xf32>
          %parallel_loop3A_596 = arith.index_cast %parallel_loop3A_557 : i32 to index
          %parallel_loop3A_597 = arith.constant 48 : index
          %parallel_loop3A_598 = tpu.vector_load %arg17[%parallel_loop3A_596, %parallel_loop3A_597] {strides = array<i32>} : memref<64x128xf32, #tpu.memory_space<vmem>>, vector<16xf32>,
          %parallel_loop3A_599 = arith.index_cast %parallel_loop3A_557 : i32 to index
          %parallel_loop3A_600 = arith.constant 48 : index
          %parallel_loop3A_601 = tpu.vector_load %arg18[%parallel_loop3A_599, %parallel_loop3A_600] {strides = array<i32>} : memref<64x128xf32, #tpu.memory_space<vmem>>, vector<16xf32>,
          %parallel_loop3A_602 = arith.index_cast %parallel_loop3A_557 : i32 to index
          %parallel_loop3A_603 = arith.constant 48 : index
          %parallel_loop3A_604 = tpu.vector_load %arg19[%parallel_loop3A_602, %parallel_loop3A_603] {strides = array<i32>} : memref<64x128xf32, #tpu.memory_space<vmem>>, vector<16xf32>,
          %parallel_loop3A_605 = arith.subf %parallel_loop3A_601, %parallel_loop3A_604 : vector<16xf32>
          %parallel_loop3A_606 = arith.mulf %parallel_loop3A_598, %parallel_loop3A_605 : vector<16xf32>
          %parallel_loop3A_607 = arith.addf %parallel_loop3A_595, %parallel_loop3A_606 : vector<16xf32>
          %parallel_loop3A_608 = arith.index_cast %parallel_loop3A_557 : i32 to index
          %parallel_loop3A_609 = arith.constant 64 : index
          %parallel_loop3A_610 = tpu.vector_load %arg17[%parallel_loop3A_608, %parallel_loop3A_609] {strides = array<i32>} : memref<64x128xf32, #tpu.memory_space<vmem>>, vector<16xf32>,
          %parallel_loop3A_611 = arith.index_cast %parallel_loop3A_557 : i32 to index
          %parallel_loop3A_612 = arith.constant 64 : index
          %parallel_loop3A_613 = tpu.vector_load %arg18[%parallel_loop3A_611, %parallel_loop3A_612] {strides = array<i32>} : memref<64x128xf32, #tpu.memory_space<vmem>>, vector<16xf32>,
          %parallel_loop3A_614 = arith.index_cast %parallel_loop3A_557 : i32 to index
          %parallel_loop3A_615 = arith.constant 64 : index
          %parallel_loop3A_616 = tpu.vector_load %arg19[%parallel_loop3A_614, %parallel_loop3A_615] {strides = array<i32>} : memref<64x128xf32, #tpu.memory_space<vmem>>, vector<16xf32>,
          %parallel_loop3A_617 = arith.subf %parallel_loop3A_613, %parallel_loop3A_616 : vector<16xf32>
          %parallel_loop3A_618 = arith.mulf %parallel_loop3A_610, %parallel_loop3A_617 : vector<16xf32>
          %parallel_loop3A_619 = arith.addf %parallel_loop3A_607, %parallel_loop3A_618 : vector<16xf32>
          %parallel_loop3A_620 = arith.index_cast %parallel_loop3A_557 : i32 to index
          %parallel_loop3A_621 = arith.constant 80 : index
          %parallel_loop3A_622 = tpu.vector_load %arg17[%parallel_loop3A_620, %parallel_loop3A_621] {strides = array<i32>} : memref<64x128xf32, #tpu.memory_space<vmem>>, vector<16xf32>,
          %parallel_loop3A_623 = arith.index_cast %parallel_loop3A_557 : i32 to index
          %parallel_loop3A_624 = arith.constant 80 : index
          %parallel_loop3A_625 = tpu.vector_load %arg18[%parallel_loop3A_623, %parallel_loop3A_624] {strides = array<i32>} : memref<64x128xf32, #tpu.memory_space<vmem>>, vector<16xf32>,
          %parallel_loop3A_626 = arith.index_cast %parallel_loop3A_557 : i32 to index
          %parallel_loop3A_627 = arith.constant 80 : index
          %parallel_loop3A_628 = tpu.vector_load %arg19[%parallel_loop3A_626, %parallel_loop3A_627] {strides = array<i32>} : memref<64x128xf32, #tpu.memory_space<vmem>>, vector<16xf32>,
          %parallel_loop3A_629 = arith.subf %parallel_loop3A_625, %parallel_loop3A_628 : vector<16xf32>
          %parallel_loop3A_630 = arith.mulf %parallel_loop3A_622, %parallel_loop3A_629 : vector<16xf32>
          %parallel_loop3A_631 = arith.addf %parallel_loop3A_619, %parallel_loop3A_630 : vector<16xf32>
          %parallel_loop3A_632 = arith.index_cast %parallel_loop3A_557 : i32 to index
          %parallel_loop3A_633 = arith.constant 96 : index
          %parallel_loop3A_634 = tpu.vector_load %arg17[%parallel_loop3A_632, %parallel_loop3A_633] {strides = array<i32>} : memref<64x128xf32, #tpu.memory_space<vmem>>, vector<16xf32>,
          %parallel_loop3A_635 = arith.index_cast %parallel_loop3A_557 : i32 to index
          %parallel_loop3A_636 = arith.constant 96 : index
          %parallel_loop3A_637 = tpu.vector_load %arg18[%parallel_loop3A_635, %parallel_loop3A_636] {strides = array<i32>} : memref<64x128xf32, #tpu.memory_space<vmem>>, vector<16xf32>,
          %parallel_loop3A_638 = arith.index_cast %parallel_loop3A_557 : i32 to index
          %parallel_loop3A_639 = arith.constant 96 : index
          %parallel_loop3A_640 = tpu.vector_load %arg19[%parallel_loop3A_638, %parallel_loop3A_639] {strides = array<i32>} : memref<64x128xf32, #tpu.memory_space<vmem>>, vector<16xf32>,
          %parallel_loop3A_641 = arith.subf %parallel_loop3A_637, %parallel_loop3A_640 : vector<16xf32>
          %parallel_loop3A_642 = arith.mulf %parallel_loop3A_634, %parallel_loop3A_641 : vector<16xf32>
          %parallel_loop3A_643 = arith.addf %parallel_loop3A_631, %parallel_loop3A_642 : vector<16xf32>
          %parallel_loop3A_644 = arith.index_cast %parallel_loop3A_557 : i32 to index
          %parallel_loop3A_645 = arith.constant 112 : index
          %parallel_loop3A_646 = tpu.vector_load %arg17[%parallel_loop3A_644, %parallel_loop3A_645] {strides = array<i32>} : memref<64x128xf32, #tpu.memory_space<vmem>>, vector<16xf32>,
          %parallel_loop3A_647 = arith.index_cast %parallel_loop3A_557 : i32 to index
          %parallel_loop3A_648 = arith.constant 112 : index
          %parallel_loop3A_649 = tpu.vector_load %arg18[%parallel_loop3A_647, %parallel_loop3A_648] {strides = array<i32>} : memref<64x128xf32, #tpu.memory_space<vmem>>, vector<16xf32>,
          %parallel_loop3A_650 = arith.index_cast %parallel_loop3A_557 : i32 to index
          %parallel_loop3A_651 = arith.constant 112 : index
          %parallel_loop3A_652 = tpu.vector_load %arg19[%parallel_loop3A_650, %parallel_loop3A_651] {strides = array<i32>} : memref<64x128xf32, #tpu.memory_space<vmem>>, vector<16xf32>,
          %parallel_loop3A_653 = arith.subf %parallel_loop3A_649, %parallel_loop3A_652 : vector<16xf32>
          %parallel_loop3A_654 = arith.mulf %parallel_loop3A_646, %parallel_loop3A_653 : vector<16xf32>
          %parallel_loop3A_655 = arith.addf %parallel_loop3A_643, %parallel_loop3A_654 : vector<16xf32>
          %parallel_loop3A_656 = vector.broadcast %parallel_loop3A_554 : i32 to vector<16xi32>
          %parallel_loop3A_657 = arith.cmpi eq, %iota3A, %parallel_loop3A_656 : vector<16xi32>
          %parallel_loop3A_658 = arith.constant true
          %parallel_loop3A_659 = vector.broadcast %parallel_loop3A_658 : i1 to vector<16xi1>
          %parallel_loop3A_660 = tpu.scan <sum>, %parallel_loop3A_655 masked %parallel_loop3A_659 : vector<16xf32>, vector<16xi1> -> vector<16xf32>
          %parallel_loop3A_661 = vector.extract %parallel_loop3A_660[15] : f32 from vector<16xf32>
          %parallel_loop3A_662 = vector.broadcast %parallel_loop3A_661 : f32 to vector<16xf32>
          %parallel_loop3A_663 = arith.select %parallel_loop3A_657, %parallel_loop3A_662, %parallel_loop3A_552 : vector<16xi1>, vector<16xf32>
          scf.yield %parallel_loop3A_663 : vector<16xf32>
        }
        %parallel_loop3A_214 = arith.constant 16 : i32
        %parallel_loop3A_215 = arith.constant 16 : i32
        %parallel_loop3A_216 = arith.muli %parallel_loop3A_206, %parallel_loop3A_215 : i32
        %parallel_loop3A_217 = arith.addi %mul3A_163, %parallel_loop3A_216 : i32
        %parallel_loop3A_218 = arith.index_cast %parallel_loop3A_217 : i32 to index
        %parallel_loop3A_219 = tpu.vector_load %arg23[%parallel_loop3A_218] {strides = array<i32>} : memref<512xf32, #tpu.memory_space<vmem>>, vector<16xf32>,
        tpu.vector_store %arg23[%parallel_loop3A_218], %parallel_loop3A_213 {strides = array<i32>} : memref<512xf32, #tpu.memory_space<vmem>>, vector<16xf32>,
      } {sc.loop_unroll_factor = 1 : i64, sc.parallel_access}
      %add3A_167 = arith.constant 4 : i32
      %add3A_168 = arith.addi %add3A_146, %add3A_167 : i32
      %lt3A_169 = arith.constant 8 : i32
      %lt3A_170 = arith.cmpi slt, %add3A_168, %lt3A_169 : i32
      %convert_element_type3A_171 = arith.extui %lt3A_170 : i1 to i32
      %cond3A_172 = arith.constant 0 : i32
      %cond3A_173 = arith.cmpi ne, %convert_element_type3A_171, %cond3A_172 : i32
      scf.if %cond3A_173 {
        %add3A_206 = arith.constant 4 : i32
        %add3A_207 = arith.addi %add3A_146, %add3A_206 : i32
        %mul3A_208 = arith.constant 64 : i32
        %mul3A_209 = arith.muli %add3A_207, %mul3A_208 : i32
        %dma_start3A_210 = tpu.memref_slice %arg8[%mul3A_209] : memref<512xi32, #tpu.memory_space<vmem>> -> memref<64xi32, #tpu.memory_space<vmem>>
        %dma_start3A_211 = arith.constant 0 : i32
        %dma_start3A_212 = arith.constant 0 : i32
        %dma_start3A_213 = tpu.memref_slice %arg5[%dma_start3A_211, %dma_start3A_212] : memref<100000x128xf32, #tpu.memory_space<hbm>> -> memref<100000x128xf32, #tpu.memory_space<hbm>>
        tpu.enqueue_indirect_dma source(%dma_start3A_213 : memref<100000x128xf32, #tpu.memory_space<hbm>>) target(%arg17 : memref<64x128xf32, #tpu.memory_space<vmem>>) offsets(%dma_start3A_210 : memref<64xi32, #tpu.memory_space<vmem>>) semaphore(%arg30 : memref<!tpu.dma_semaphore, #tpu.memory_space<semaphore_mem>>)
        %dma_start3A_214 = tpu.memref_slice %arg9[%mul3A_209] : memref<512xi32, #tpu.memory_space<vmem>> -> memref<64xi32, #tpu.memory_space<vmem>>
        %dma_start3A_215 = arith.constant 0 : i32
        %dma_start3A_216 = arith.constant 0 : i32
        %dma_start3A_217 = tpu.memref_slice %arg6[%dma_start3A_215, %dma_start3A_216] : memref<1000000x128xf32, #tpu.memory_space<hbm>> -> memref<1000000x128xf32, #tpu.memory_space<hbm>>
        tpu.enqueue_indirect_dma source(%dma_start3A_217 : memref<1000000x128xf32, #tpu.memory_space<hbm>>) target(%arg18 : memref<64x128xf32, #tpu.memory_space<vmem>>) offsets(%dma_start3A_214 : memref<64xi32, #tpu.memory_space<vmem>>) semaphore(%arg31 : memref<!tpu.dma_semaphore, #tpu.memory_space<semaphore_mem>>)
        %dma_start3A_218 = tpu.memref_slice %arg10[%mul3A_209] : memref<512xi32, #tpu.memory_space<vmem>> -> memref<64xi32, #tpu.memory_space<vmem>>
        %dma_start3A_219 = arith.constant 0 : i32
        %dma_start3A_220 = arith.constant 0 : i32
        %dma_start3A_221 = tpu.memref_slice %arg6[%dma_start3A_219, %dma_start3A_220] : memref<1000000x128xf32, #tpu.memory_space<hbm>> -> memref<1000000x128xf32, #tpu.memory_space<hbm>>
        tpu.enqueue_indirect_dma source(%dma_start3A_221 : memref<1000000x128xf32, #tpu.memory_space<hbm>>) target(%arg19 : memref<64x128xf32, #tpu.memory_space<vmem>>) offsets(%dma_start3A_218 : memref<64xi32, #tpu.memory_space<vmem>>) semaphore(%arg32 : memref<!tpu.dma_semaphore, #tpu.memory_space<semaphore_mem>>)
      } else {
      }
      %mul3A_174 = arith.constant 4 : i32
      %mul3A_175 = arith.muli %scan3A_83, %mul3A_174 : i32
      %add3A_176 = arith.constant 3 : i32
      %add3A_177 = arith.addi %mul3A_175, %add3A_176 : i32
      %dma_wait3A_178 = arith.constant 0 : i32
      %dma_wait3A_179 = tpu.memref_slice %arg8[%dma_wait3A_178] : memref<512xi32, #tpu.memory_space<vmem>> -> memref<64xi32, #tpu.memory_space<vmem>>
      %dma_wait3A_180 = arith.constant 0 : i32
      %dma_wait3A_181 = arith.constant 0 : i32
      %dma_wait3A_182 = tpu.memref_slice %arg5[%dma_wait3A_180, %dma_wait3A_181] : memref<100000x128xf32, #tpu.memory_space<hbm>> -> memref<100000x128xf32, #tpu.memory_space<hbm>>
      tpu.wait_indirect_dma semaphore(%arg33 : memref<!tpu.dma_semaphore, #tpu.memory_space<semaphore_mem>>) src(%dma_wait3A_182 : memref<100000x128xf32, #tpu.memory_space<hbm>>) dst(%arg20 : memref<64x128xf32, #tpu.memory_space<vmem>>)
      %dma_wait3A_183 = arith.constant 0 : i32
      %dma_wait3A_184 = tpu.memref_slice %arg9[%dma_wait3A_183] : memref<512xi32, #tpu.memory_space<vmem>> -> memref<64xi32, #tpu.memory_space<vmem>>
      %dma_wait3A_185 = arith.constant 0 : i32
      %dma_wait3A_186 = arith.constant 0 : i32
      %dma_wait3A_187 = tpu.memref_slice %arg6[%dma_wait3A_185, %dma_wait3A_186] : memref<1000000x128xf32, #tpu.memory_space<hbm>> -> memref<1000000x128xf32, #tpu.memory_space<hbm>>
      tpu.wait_indirect_dma semaphore(%arg34 : memref<!tpu.dma_semaphore, #tpu.memory_space<semaphore_mem>>) src(%dma_wait3A_187 : memref<1000000x128xf32, #tpu.memory_space<hbm>>) dst(%arg21 : memref<64x128xf32, #tpu.memory_space<vmem>>)
      %dma_wait3A_188 = arith.constant 0 : i32
      %dma_wait3A_189 = tpu.memref_slice %arg10[%dma_wait3A_188] : memref<512xi32, #tpu.memory_space<vmem>> -> memref<64xi32, #tpu.memory_space<vmem>>
      %dma_wait3A_190 = arith.constant 0 : i32
      %dma_wait3A_191 = arith.constant 0 : i32
      %dma_wait3A_192 = tpu.memref_slice %arg6[%dma_wait3A_190, %dma_wait3A_191] : memref<1000000x128xf32, #tpu.memory_space<hbm>> -> memref<1000000x128xf32, #tpu.memory_space<hbm>>
      tpu.wait_indirect_dma semaphore(%arg35 : memref<!tpu.dma_semaphore, #tpu.memory_space<semaphore_mem>>) src(%dma_wait3A_192 : memref<1000000x128xf32, #tpu.memory_space<hbm>>) dst(%arg22 : memref<64x128xf32, #tpu.memory_space<vmem>>)
      %mul3A_193 = arith.constant 64 : i32
      %mul3A_194 = arith.muli %add3A_177, %mul3A_193 : i32
      %parallel_loop3A_195 = arith.constant 0 : i32
      %parallel_loop3A_196 = arith.constant 4 : i32
      %parallel_loop3A_197 = arith.constant 1 : i32
      scf.for %parallel_loop3A_206 = %parallel_loop3A_195 to %parallel_loop3A_196 step %parallel_loop3A_197  : i32 {
        %parallel_loop3A_207 = arith.constant 0.000000e+00 : f32
        %parallel_loop3A_208 = vector.broadcast %parallel_loop3A_207 : f32 to vector<16xf32>
        %parallel_loop3A_209 = arith.constant 0 : i32
        %parallel_loop3A_210 = arith.constant 16 : i32
        %parallel_loop3A_211 = arith.addi %parallel_loop3A_209, %parallel_loop3A_210 : i32
        %parallel_loop3A_212 = arith.constant 4 : i32
        %parallel_loop3A_213 = scf.for %scan3A_220 = %parallel_loop3A_209 to %parallel_loop3A_211 step %parallel_loop3A_212 iter_args(%scan3A_221 = %parallel_loop3A_208) -> (vector<16xf32>)  : i32 {
          %parallel_loop3A_222 = arith.constant 16 : i32
          %parallel_loop3A_223 = arith.muli %parallel_loop3A_206, %parallel_loop3A_222 : i32
          %parallel_loop3A_224 = arith.addi %parallel_loop3A_223, %scan3A_220 : i32
          %parallel_loop3A_225 = arith.constant 0.000000e+00 : f32
          %parallel_loop3A_226 = vector.broadcast %parallel_loop3A_225 : f32 to vector<16xf32>
          %parallel_loop3A_227 = arith.index_cast %parallel_loop3A_224 : i32 to index
          %parallel_loop3A_228 = arith.constant 0 : index
          %parallel_loop3A_229 = tpu.vector_load %arg20[%parallel_loop3A_227, %parallel_loop3A_228] {strides = array<i32>} : memref<64x128xf32, #tpu.memory_space<vmem>>, vector<16xf32>,
          %parallel_loop3A_230 = arith.index_cast %parallel_loop3A_224 : i32 to index
          %parallel_loop3A_231 = arith.constant 0 : index
          %parallel_loop3A_232 = tpu.vector_load %arg21[%parallel_loop3A_230, %parallel_loop3A_231] {strides = array<i32>} : memref<64x128xf32, #tpu.memory_space<vmem>>, vector<16xf32>,
          %parallel_loop3A_233 = arith.index_cast %parallel_loop3A_224 : i32 to index
          %parallel_loop3A_234 = arith.constant 0 : index
          %parallel_loop3A_235 = tpu.vector_load %arg22[%parallel_loop3A_233, %parallel_loop3A_234] {strides = array<i32>} : memref<64x128xf32, #tpu.memory_space<vmem>>, vector<16xf32>,
          %parallel_loop3A_236 = arith.subf %parallel_loop3A_232, %parallel_loop3A_235 : vector<16xf32>
          %parallel_loop3A_237 = arith.mulf %parallel_loop3A_229, %parallel_loop3A_236 : vector<16xf32>
          %parallel_loop3A_238 = arith.addf %parallel_loop3A_226, %parallel_loop3A_237 : vector<16xf32>
          %parallel_loop3A_239 = arith.index_cast %parallel_loop3A_224 : i32 to index
          %parallel_loop3A_240 = arith.constant 16 : index
          %parallel_loop3A_241 = tpu.vector_load %arg20[%parallel_loop3A_239, %parallel_loop3A_240] {strides = array<i32>} : memref<64x128xf32, #tpu.memory_space<vmem>>, vector<16xf32>,
          %parallel_loop3A_242 = arith.index_cast %parallel_loop3A_224 : i32 to index
          %parallel_loop3A_243 = arith.constant 16 : index
          %parallel_loop3A_244 = tpu.vector_load %arg21[%parallel_loop3A_242, %parallel_loop3A_243] {strides = array<i32>} : memref<64x128xf32, #tpu.memory_space<vmem>>, vector<16xf32>,
          %parallel_loop3A_245 = arith.index_cast %parallel_loop3A_224 : i32 to index
          %parallel_loop3A_246 = arith.constant 16 : index
          %parallel_loop3A_247 = tpu.vector_load %arg22[%parallel_loop3A_245, %parallel_loop3A_246] {strides = array<i32>} : memref<64x128xf32, #tpu.memory_space<vmem>>, vector<16xf32>,
          %parallel_loop3A_248 = arith.subf %parallel_loop3A_244, %parallel_loop3A_247 : vector<16xf32>
          %parallel_loop3A_249 = arith.mulf %parallel_loop3A_241, %parallel_loop3A_248 : vector<16xf32>
          %parallel_loop3A_250 = arith.addf %parallel_loop3A_238, %parallel_loop3A_249 : vector<16xf32>
          %parallel_loop3A_251 = arith.index_cast %parallel_loop3A_224 : i32 to index
          %parallel_loop3A_252 = arith.constant 32 : index
          %parallel_loop3A_253 = tpu.vector_load %arg20[%parallel_loop3A_251, %parallel_loop3A_252] {strides = array<i32>} : memref<64x128xf32, #tpu.memory_space<vmem>>, vector<16xf32>,
          %parallel_loop3A_254 = arith.index_cast %parallel_loop3A_224 : i32 to index
          %parallel_loop3A_255 = arith.constant 32 : index
          %parallel_loop3A_256 = tpu.vector_load %arg21[%parallel_loop3A_254, %parallel_loop3A_255] {strides = array<i32>} : memref<64x128xf32, #tpu.memory_space<vmem>>, vector<16xf32>,
          %parallel_loop3A_257 = arith.index_cast %parallel_loop3A_224 : i32 to index
          %parallel_loop3A_258 = arith.constant 32 : index
          %parallel_loop3A_259 = tpu.vector_load %arg22[%parallel_loop3A_257, %parallel_loop3A_258] {strides = array<i32>} : memref<64x128xf32, #tpu.memory_space<vmem>>, vector<16xf32>,
          %parallel_loop3A_260 = arith.subf %parallel_loop3A_256, %parallel_loop3A_259 : vector<16xf32>
          %parallel_loop3A_261 = arith.mulf %parallel_loop3A_253, %parallel_loop3A_260 : vector<16xf32>
          %parallel_loop3A_262 = arith.addf %parallel_loop3A_250, %parallel_loop3A_261 : vector<16xf32>
          %parallel_loop3A_263 = arith.index_cast %parallel_loop3A_224 : i32 to index
          %parallel_loop3A_264 = arith.constant 48 : index
          %parallel_loop3A_265 = tpu.vector_load %arg20[%parallel_loop3A_263, %parallel_loop3A_264] {strides = array<i32>} : memref<64x128xf32, #tpu.memory_space<vmem>>, vector<16xf32>,
          %parallel_loop3A_266 = arith.index_cast %parallel_loop3A_224 : i32 to index
          %parallel_loop3A_267 = arith.constant 48 : index
          %parallel_loop3A_268 = tpu.vector_load %arg21[%parallel_loop3A_266, %parallel_loop3A_267] {strides = array<i32>} : memref<64x128xf32, #tpu.memory_space<vmem>>, vector<16xf32>,
          %parallel_loop3A_269 = arith.index_cast %parallel_loop3A_224 : i32 to index
          %parallel_loop3A_270 = arith.constant 48 : index
          %parallel_loop3A_271 = tpu.vector_load %arg22[%parallel_loop3A_269, %parallel_loop3A_270] {strides = array<i32>} : memref<64x128xf32, #tpu.memory_space<vmem>>, vector<16xf32>,
          %parallel_loop3A_272 = arith.subf %parallel_loop3A_268, %parallel_loop3A_271 : vector<16xf32>
          %parallel_loop3A_273 = arith.mulf %parallel_loop3A_265, %parallel_loop3A_272 : vector<16xf32>
          %parallel_loop3A_274 = arith.addf %parallel_loop3A_262, %parallel_loop3A_273 : vector<16xf32>
          %parallel_loop3A_275 = arith.index_cast %parallel_loop3A_224 : i32 to index
          %parallel_loop3A_276 = arith.constant 64 : index
          %parallel_loop3A_277 = tpu.vector_load %arg20[%parallel_loop3A_275, %parallel_loop3A_276] {strides = array<i32>} : memref<64x128xf32, #tpu.memory_space<vmem>>, vector<16xf32>,
          %parallel_loop3A_278 = arith.index_cast %parallel_loop3A_224 : i32 to index
          %parallel_loop3A_279 = arith.constant 64 : index
          %parallel_loop3A_280 = tpu.vector_load %arg21[%parallel_loop3A_278, %parallel_loop3A_279] {strides = array<i32>} : memref<64x128xf32, #tpu.memory_space<vmem>>, vector<16xf32>,
          %parallel_loop3A_281 = arith.index_cast %parallel_loop3A_224 : i32 to index
          %parallel_loop3A_282 = arith.constant 64 : index
          %parallel_loop3A_283 = tpu.vector_load %arg22[%parallel_loop3A_281, %parallel_loop3A_282] {strides = array<i32>} : memref<64x128xf32, #tpu.memory_space<vmem>>, vector<16xf32>,
          %parallel_loop3A_284 = arith.subf %parallel_loop3A_280, %parallel_loop3A_283 : vector<16xf32>
          %parallel_loop3A_285 = arith.mulf %parallel_loop3A_277, %parallel_loop3A_284 : vector<16xf32>
          %parallel_loop3A_286 = arith.addf %parallel_loop3A_274, %parallel_loop3A_285 : vector<16xf32>
          %parallel_loop3A_287 = arith.index_cast %parallel_loop3A_224 : i32 to index
          %parallel_loop3A_288 = arith.constant 80 : index
          %parallel_loop3A_289 = tpu.vector_load %arg20[%parallel_loop3A_287, %parallel_loop3A_288] {strides = array<i32>} : memref<64x128xf32, #tpu.memory_space<vmem>>, vector<16xf32>,
          %parallel_loop3A_290 = arith.index_cast %parallel_loop3A_224 : i32 to index
          %parallel_loop3A_291 = arith.constant 80 : index
          %parallel_loop3A_292 = tpu.vector_load %arg21[%parallel_loop3A_290, %parallel_loop3A_291] {strides = array<i32>} : memref<64x128xf32, #tpu.memory_space<vmem>>, vector<16xf32>,
          %parallel_loop3A_293 = arith.index_cast %parallel_loop3A_224 : i32 to index
          %parallel_loop3A_294 = arith.constant 80 : index
          %parallel_loop3A_295 = tpu.vector_load %arg22[%parallel_loop3A_293, %parallel_loop3A_294] {strides = array<i32>} : memref<64x128xf32, #tpu.memory_space<vmem>>, vector<16xf32>,
          %parallel_loop3A_296 = arith.subf %parallel_loop3A_292, %parallel_loop3A_295 : vector<16xf32>
          %parallel_loop3A_297 = arith.mulf %parallel_loop3A_289, %parallel_loop3A_296 : vector<16xf32>
          %parallel_loop3A_298 = arith.addf %parallel_loop3A_286, %parallel_loop3A_297 : vector<16xf32>
          %parallel_loop3A_299 = arith.index_cast %parallel_loop3A_224 : i32 to index
          %parallel_loop3A_300 = arith.constant 96 : index
          %parallel_loop3A_301 = tpu.vector_load %arg20[%parallel_loop3A_299, %parallel_loop3A_300] {strides = array<i32>} : memref<64x128xf32, #tpu.memory_space<vmem>>, vector<16xf32>,
          %parallel_loop3A_302 = arith.index_cast %parallel_loop3A_224 : i32 to index
          %parallel_loop3A_303 = arith.constant 96 : index
          %parallel_loop3A_304 = tpu.vector_load %arg21[%parallel_loop3A_302, %parallel_loop3A_303] {strides = array<i32>} : memref<64x128xf32, #tpu.memory_space<vmem>>, vector<16xf32>,
          %parallel_loop3A_305 = arith.index_cast %parallel_loop3A_224 : i32 to index
          %parallel_loop3A_306 = arith.constant 96 : index
          %parallel_loop3A_307 = tpu.vector_load %arg22[%parallel_loop3A_305, %parallel_loop3A_306] {strides = array<i32>} : memref<64x128xf32, #tpu.memory_space<vmem>>, vector<16xf32>,
          %parallel_loop3A_308 = arith.subf %parallel_loop3A_304, %parallel_loop3A_307 : vector<16xf32>
          %parallel_loop3A_309 = arith.mulf %parallel_loop3A_301, %parallel_loop3A_308 : vector<16xf32>
          %parallel_loop3A_310 = arith.addf %parallel_loop3A_298, %parallel_loop3A_309 : vector<16xf32>
          %parallel_loop3A_311 = arith.index_cast %parallel_loop3A_224 : i32 to index
          %parallel_loop3A_312 = arith.constant 112 : index
          %parallel_loop3A_313 = tpu.vector_load %arg20[%parallel_loop3A_311, %parallel_loop3A_312] {strides = array<i32>} : memref<64x128xf32, #tpu.memory_space<vmem>>, vector<16xf32>,
          %parallel_loop3A_314 = arith.index_cast %parallel_loop3A_224 : i32 to index
          %parallel_loop3A_315 = arith.constant 112 : index
          %parallel_loop3A_316 = tpu.vector_load %arg21[%parallel_loop3A_314, %parallel_loop3A_315] {strides = array<i32>} : memref<64x128xf32, #tpu.memory_space<vmem>>, vector<16xf32>,
          %parallel_loop3A_317 = arith.index_cast %parallel_loop3A_224 : i32 to index
          %parallel_loop3A_318 = arith.constant 112 : index
          %parallel_loop3A_319 = tpu.vector_load %arg22[%parallel_loop3A_317, %parallel_loop3A_318] {strides = array<i32>} : memref<64x128xf32, #tpu.memory_space<vmem>>, vector<16xf32>,
          %parallel_loop3A_320 = arith.subf %parallel_loop3A_316, %parallel_loop3A_319 : vector<16xf32>
          %parallel_loop3A_321 = arith.mulf %parallel_loop3A_313, %parallel_loop3A_320 : vector<16xf32>
          %parallel_loop3A_322 = arith.addf %parallel_loop3A_310, %parallel_loop3A_321 : vector<16xf32>
          %parallel_loop3A_323 = vector.broadcast %scan3A_220 : i32 to vector<16xi32>
          %parallel_loop3A_324 = arith.cmpi eq, %iota3A, %parallel_loop3A_323 : vector<16xi32>
          %parallel_loop3A_325 = arith.constant true
          %parallel_loop3A_326 = vector.broadcast %parallel_loop3A_325 : i1 to vector<16xi1>
          %parallel_loop3A_327 = tpu.scan <sum>, %parallel_loop3A_322 masked %parallel_loop3A_326 : vector<16xf32>, vector<16xi1> -> vector<16xf32>
          %parallel_loop3A_328 = vector.extract %parallel_loop3A_327[15] : f32 from vector<16xf32>
          %parallel_loop3A_329 = vector.broadcast %parallel_loop3A_328 : f32 to vector<16xf32>
          %parallel_loop3A_330 = arith.select %parallel_loop3A_324, %parallel_loop3A_329, %scan3A_221 : vector<16xi1>, vector<16xf32>
          %parallel_loop3A_331 = arith.constant 1 : i32
          %parallel_loop3A_332 = arith.addi %scan3A_220, %parallel_loop3A_331 : i32
          %parallel_loop3A_333 = arith.constant 16 : i32
          %parallel_loop3A_334 = arith.muli %parallel_loop3A_206, %parallel_loop3A_333 : i32
          %parallel_loop3A_335 = arith.addi %parallel_loop3A_334, %parallel_loop3A_332 : i32
          %parallel_loop3A_336 = arith.constant 0.000000e+00 : f32
          %parallel_loop3A_337 = vector.broadcast %parallel_loop3A_336 : f32 to vector<16xf32>
          %parallel_loop3A_338 = arith.index_cast %parallel_loop3A_335 : i32 to index
          %parallel_loop3A_339 = arith.constant 0 : index
          %parallel_loop3A_340 = tpu.vector_load %arg20[%parallel_loop3A_338, %parallel_loop3A_339] {strides = array<i32>} : memref<64x128xf32, #tpu.memory_space<vmem>>, vector<16xf32>,
          %parallel_loop3A_341 = arith.index_cast %parallel_loop3A_335 : i32 to index
          %parallel_loop3A_342 = arith.constant 0 : index
          %parallel_loop3A_343 = tpu.vector_load %arg21[%parallel_loop3A_341, %parallel_loop3A_342] {strides = array<i32>} : memref<64x128xf32, #tpu.memory_space<vmem>>, vector<16xf32>,
          %parallel_loop3A_344 = arith.index_cast %parallel_loop3A_335 : i32 to index
          %parallel_loop3A_345 = arith.constant 0 : index
          %parallel_loop3A_346 = tpu.vector_load %arg22[%parallel_loop3A_344, %parallel_loop3A_345] {strides = array<i32>} : memref<64x128xf32, #tpu.memory_space<vmem>>, vector<16xf32>,
          %parallel_loop3A_347 = arith.subf %parallel_loop3A_343, %parallel_loop3A_346 : vector<16xf32>
          %parallel_loop3A_348 = arith.mulf %parallel_loop3A_340, %parallel_loop3A_347 : vector<16xf32>
          %parallel_loop3A_349 = arith.addf %parallel_loop3A_337, %parallel_loop3A_348 : vector<16xf32>
          %parallel_loop3A_350 = arith.index_cast %parallel_loop3A_335 : i32 to index
          %parallel_loop3A_351 = arith.constant 16 : index
          %parallel_loop3A_352 = tpu.vector_load %arg20[%parallel_loop3A_350, %parallel_loop3A_351] {strides = array<i32>} : memref<64x128xf32, #tpu.memory_space<vmem>>, vector<16xf32>,
          %parallel_loop3A_353 = arith.index_cast %parallel_loop3A_335 : i32 to index
          %parallel_loop3A_354 = arith.constant 16 : index
          %parallel_loop3A_355 = tpu.vector_load %arg21[%parallel_loop3A_353, %parallel_loop3A_354] {strides = array<i32>} : memref<64x128xf32, #tpu.memory_space<vmem>>, vector<16xf32>,
          %parallel_loop3A_356 = arith.index_cast %parallel_loop3A_335 : i32 to index
          %parallel_loop3A_357 = arith.constant 16 : index
          %parallel_loop3A_358 = tpu.vector_load %arg22[%parallel_loop3A_356, %parallel_loop3A_357] {strides = array<i32>} : memref<64x128xf32, #tpu.memory_space<vmem>>, vector<16xf32>,
          %parallel_loop3A_359 = arith.subf %parallel_loop3A_355, %parallel_loop3A_358 : vector<16xf32>
          %parallel_loop3A_360 = arith.mulf %parallel_loop3A_352, %parallel_loop3A_359 : vector<16xf32>
          %parallel_loop3A_361 = arith.addf %parallel_loop3A_349, %parallel_loop3A_360 : vector<16xf32>
          %parallel_loop3A_362 = arith.index_cast %parallel_loop3A_335 : i32 to index
          %parallel_loop3A_363 = arith.constant 32 : index
          %parallel_loop3A_364 = tpu.vector_load %arg20[%parallel_loop3A_362, %parallel_loop3A_363] {strides = array<i32>} : memref<64x128xf32, #tpu.memory_space<vmem>>, vector<16xf32>,
          %parallel_loop3A_365 = arith.index_cast %parallel_loop3A_335 : i32 to index
          %parallel_loop3A_366 = arith.constant 32 : index
          %parallel_loop3A_367 = tpu.vector_load %arg21[%parallel_loop3A_365, %parallel_loop3A_366] {strides = array<i32>} : memref<64x128xf32, #tpu.memory_space<vmem>>, vector<16xf32>,
          %parallel_loop3A_368 = arith.index_cast %parallel_loop3A_335 : i32 to index
          %parallel_loop3A_369 = arith.constant 32 : index
          %parallel_loop3A_370 = tpu.vector_load %arg22[%parallel_loop3A_368, %parallel_loop3A_369] {strides = array<i32>} : memref<64x128xf32, #tpu.memory_space<vmem>>, vector<16xf32>,
          %parallel_loop3A_371 = arith.subf %parallel_loop3A_367, %parallel_loop3A_370 : vector<16xf32>
          %parallel_loop3A_372 = arith.mulf %parallel_loop3A_364, %parallel_loop3A_371 : vector<16xf32>
          %parallel_loop3A_373 = arith.addf %parallel_loop3A_361, %parallel_loop3A_372 : vector<16xf32>
          %parallel_loop3A_374 = arith.index_cast %parallel_loop3A_335 : i32 to index
          %parallel_loop3A_375 = arith.constant 48 : index
          %parallel_loop3A_376 = tpu.vector_load %arg20[%parallel_loop3A_374, %parallel_loop3A_375] {strides = array<i32>} : memref<64x128xf32, #tpu.memory_space<vmem>>, vector<16xf32>,
          %parallel_loop3A_377 = arith.index_cast %parallel_loop3A_335 : i32 to index
          %parallel_loop3A_378 = arith.constant 48 : index
          %parallel_loop3A_379 = tpu.vector_load %arg21[%parallel_loop3A_377, %parallel_loop3A_378] {strides = array<i32>} : memref<64x128xf32, #tpu.memory_space<vmem>>, vector<16xf32>,
          %parallel_loop3A_380 = arith.index_cast %parallel_loop3A_335 : i32 to index
          %parallel_loop3A_381 = arith.constant 48 : index
          %parallel_loop3A_382 = tpu.vector_load %arg22[%parallel_loop3A_380, %parallel_loop3A_381] {strides = array<i32>} : memref<64x128xf32, #tpu.memory_space<vmem>>, vector<16xf32>,
          %parallel_loop3A_383 = arith.subf %parallel_loop3A_379, %parallel_loop3A_382 : vector<16xf32>
          %parallel_loop3A_384 = arith.mulf %parallel_loop3A_376, %parallel_loop3A_383 : vector<16xf32>
          %parallel_loop3A_385 = arith.addf %parallel_loop3A_373, %parallel_loop3A_384 : vector<16xf32>
          %parallel_loop3A_386 = arith.index_cast %parallel_loop3A_335 : i32 to index
          %parallel_loop3A_387 = arith.constant 64 : index
          %parallel_loop3A_388 = tpu.vector_load %arg20[%parallel_loop3A_386, %parallel_loop3A_387] {strides = array<i32>} : memref<64x128xf32, #tpu.memory_space<vmem>>, vector<16xf32>,
          %parallel_loop3A_389 = arith.index_cast %parallel_loop3A_335 : i32 to index
          %parallel_loop3A_390 = arith.constant 64 : index
          %parallel_loop3A_391 = tpu.vector_load %arg21[%parallel_loop3A_389, %parallel_loop3A_390] {strides = array<i32>} : memref<64x128xf32, #tpu.memory_space<vmem>>, vector<16xf32>,
          %parallel_loop3A_392 = arith.index_cast %parallel_loop3A_335 : i32 to index
          %parallel_loop3A_393 = arith.constant 64 : index
          %parallel_loop3A_394 = tpu.vector_load %arg22[%parallel_loop3A_392, %parallel_loop3A_393] {strides = array<i32>} : memref<64x128xf32, #tpu.memory_space<vmem>>, vector<16xf32>,
          %parallel_loop3A_395 = arith.subf %parallel_loop3A_391, %parallel_loop3A_394 : vector<16xf32>
          %parallel_loop3A_396 = arith.mulf %parallel_loop3A_388, %parallel_loop3A_395 : vector<16xf32>
          %parallel_loop3A_397 = arith.addf %parallel_loop3A_385, %parallel_loop3A_396 : vector<16xf32>
          %parallel_loop3A_398 = arith.index_cast %parallel_loop3A_335 : i32 to index
          %parallel_loop3A_399 = arith.constant 80 : index
          %parallel_loop3A_400 = tpu.vector_load %arg20[%parallel_loop3A_398, %parallel_loop3A_399] {strides = array<i32>} : memref<64x128xf32, #tpu.memory_space<vmem>>, vector<16xf32>,
          %parallel_loop3A_401 = arith.index_cast %parallel_loop3A_335 : i32 to index
          %parallel_loop3A_402 = arith.constant 80 : index
          %parallel_loop3A_403 = tpu.vector_load %arg21[%parallel_loop3A_401, %parallel_loop3A_402] {strides = array<i32>} : memref<64x128xf32, #tpu.memory_space<vmem>>, vector<16xf32>,
          %parallel_loop3A_404 = arith.index_cast %parallel_loop3A_335 : i32 to index
          %parallel_loop3A_405 = arith.constant 80 : index
          %parallel_loop3A_406 = tpu.vector_load %arg22[%parallel_loop3A_404, %parallel_loop3A_405] {strides = array<i32>} : memref<64x128xf32, #tpu.memory_space<vmem>>, vector<16xf32>,
          %parallel_loop3A_407 = arith.subf %parallel_loop3A_403, %parallel_loop3A_406 : vector<16xf32>
          %parallel_loop3A_408 = arith.mulf %parallel_loop3A_400, %parallel_loop3A_407 : vector<16xf32>
          %parallel_loop3A_409 = arith.addf %parallel_loop3A_397, %parallel_loop3A_408 : vector<16xf32>
          %parallel_loop3A_410 = arith.index_cast %parallel_loop3A_335 : i32 to index
          %parallel_loop3A_411 = arith.constant 96 : index
          %parallel_loop3A_412 = tpu.vector_load %arg20[%parallel_loop3A_410, %parallel_loop3A_411] {strides = array<i32>} : memref<64x128xf32, #tpu.memory_space<vmem>>, vector<16xf32>,
          %parallel_loop3A_413 = arith.index_cast %parallel_loop3A_335 : i32 to index
          %parallel_loop3A_414 = arith.constant 96 : index
          %parallel_loop3A_415 = tpu.vector_load %arg21[%parallel_loop3A_413, %parallel_loop3A_414] {strides = array<i32>} : memref<64x128xf32, #tpu.memory_space<vmem>>, vector<16xf32>,
          %parallel_loop3A_416 = arith.index_cast %parallel_loop3A_335 : i32 to index
          %parallel_loop3A_417 = arith.constant 96 : index
          %parallel_loop3A_418 = tpu.vector_load %arg22[%parallel_loop3A_416, %parallel_loop3A_417] {strides = array<i32>} : memref<64x128xf32, #tpu.memory_space<vmem>>, vector<16xf32>,
          %parallel_loop3A_419 = arith.subf %parallel_loop3A_415, %parallel_loop3A_418 : vector<16xf32>
          %parallel_loop3A_420 = arith.mulf %parallel_loop3A_412, %parallel_loop3A_419 : vector<16xf32>
          %parallel_loop3A_421 = arith.addf %parallel_loop3A_409, %parallel_loop3A_420 : vector<16xf32>
          %parallel_loop3A_422 = arith.index_cast %parallel_loop3A_335 : i32 to index
          %parallel_loop3A_423 = arith.constant 112 : index
          %parallel_loop3A_424 = tpu.vector_load %arg20[%parallel_loop3A_422, %parallel_loop3A_423] {strides = array<i32>} : memref<64x128xf32, #tpu.memory_space<vmem>>, vector<16xf32>,
          %parallel_loop3A_425 = arith.index_cast %parallel_loop3A_335 : i32 to index
          %parallel_loop3A_426 = arith.constant 112 : index
          %parallel_loop3A_427 = tpu.vector_load %arg21[%parallel_loop3A_425, %parallel_loop3A_426] {strides = array<i32>} : memref<64x128xf32, #tpu.memory_space<vmem>>, vector<16xf32>,
          %parallel_loop3A_428 = arith.index_cast %parallel_loop3A_335 : i32 to index
          %parallel_loop3A_429 = arith.constant 112 : index
          %parallel_loop3A_430 = tpu.vector_load %arg22[%parallel_loop3A_428, %parallel_loop3A_429] {strides = array<i32>} : memref<64x128xf32, #tpu.memory_space<vmem>>, vector<16xf32>,
          %parallel_loop3A_431 = arith.subf %parallel_loop3A_427, %parallel_loop3A_430 : vector<16xf32>
          %parallel_loop3A_432 = arith.mulf %parallel_loop3A_424, %parallel_loop3A_431 : vector<16xf32>
          %parallel_loop3A_433 = arith.addf %parallel_loop3A_421, %parallel_loop3A_432 : vector<16xf32>
          %parallel_loop3A_434 = vector.broadcast %parallel_loop3A_332 : i32 to vector<16xi32>
          %parallel_loop3A_435 = arith.cmpi eq, %iota3A, %parallel_loop3A_434 : vector<16xi32>
          %parallel_loop3A_436 = arith.constant true
          %parallel_loop3A_437 = vector.broadcast %parallel_loop3A_436 : i1 to vector<16xi1>
          %parallel_loop3A_438 = tpu.scan <sum>, %parallel_loop3A_433 masked %parallel_loop3A_437 : vector<16xf32>, vector<16xi1> -> vector<16xf32>
          %parallel_loop3A_439 = vector.extract %parallel_loop3A_438[15] : f32 from vector<16xf32>
          %parallel_loop3A_440 = vector.broadcast %parallel_loop3A_439 : f32 to vector<16xf32>
          %parallel_loop3A_441 = arith.select %parallel_loop3A_435, %parallel_loop3A_440, %parallel_loop3A_330 : vector<16xi1>, vector<16xf32>
          %parallel_loop3A_442 = arith.constant 2 : i32
          %parallel_loop3A_443 = arith.addi %scan3A_220, %parallel_loop3A_442 : i32
          %parallel_loop3A_444 = arith.constant 16 : i32
          %parallel_loop3A_445 = arith.muli %parallel_loop3A_206, %parallel_loop3A_444 : i32
          %parallel_loop3A_446 = arith.addi %parallel_loop3A_445, %parallel_loop3A_443 : i32
          %parallel_loop3A_447 = arith.constant 0.000000e+00 : f32
          %parallel_loop3A_448 = vector.broadcast %parallel_loop3A_447 : f32 to vector<16xf32>
          %parallel_loop3A_449 = arith.index_cast %parallel_loop3A_446 : i32 to index
          %parallel_loop3A_450 = arith.constant 0 : index
          %parallel_loop3A_451 = tpu.vector_load %arg20[%parallel_loop3A_449, %parallel_loop3A_450] {strides = array<i32>} : memref<64x128xf32, #tpu.memory_space<vmem>>, vector<16xf32>,
          %parallel_loop3A_452 = arith.index_cast %parallel_loop3A_446 : i32 to index
          %parallel_loop3A_453 = arith.constant 0 : index
          %parallel_loop3A_454 = tpu.vector_load %arg21[%parallel_loop3A_452, %parallel_loop3A_453] {strides = array<i32>} : memref<64x128xf32, #tpu.memory_space<vmem>>, vector<16xf32>,
          %parallel_loop3A_455 = arith.index_cast %parallel_loop3A_446 : i32 to index
          %parallel_loop3A_456 = arith.constant 0 : index
          %parallel_loop3A_457 = tpu.vector_load %arg22[%parallel_loop3A_455, %parallel_loop3A_456] {strides = array<i32>} : memref<64x128xf32, #tpu.memory_space<vmem>>, vector<16xf32>,
          %parallel_loop3A_458 = arith.subf %parallel_loop3A_454, %parallel_loop3A_457 : vector<16xf32>
          %parallel_loop3A_459 = arith.mulf %parallel_loop3A_451, %parallel_loop3A_458 : vector<16xf32>
          %parallel_loop3A_460 = arith.addf %parallel_loop3A_448, %parallel_loop3A_459 : vector<16xf32>
          %parallel_loop3A_461 = arith.index_cast %parallel_loop3A_446 : i32 to index
          %parallel_loop3A_462 = arith.constant 16 : index
          %parallel_loop3A_463 = tpu.vector_load %arg20[%parallel_loop3A_461, %parallel_loop3A_462] {strides = array<i32>} : memref<64x128xf32, #tpu.memory_space<vmem>>, vector<16xf32>,
          %parallel_loop3A_464 = arith.index_cast %parallel_loop3A_446 : i32 to index
          %parallel_loop3A_465 = arith.constant 16 : index
          %parallel_loop3A_466 = tpu.vector_load %arg21[%parallel_loop3A_464, %parallel_loop3A_465] {strides = array<i32>} : memref<64x128xf32, #tpu.memory_space<vmem>>, vector<16xf32>,
          %parallel_loop3A_467 = arith.index_cast %parallel_loop3A_446 : i32 to index
          %parallel_loop3A_468 = arith.constant 16 : index
          %parallel_loop3A_469 = tpu.vector_load %arg22[%parallel_loop3A_467, %parallel_loop3A_468] {strides = array<i32>} : memref<64x128xf32, #tpu.memory_space<vmem>>, vector<16xf32>,
          %parallel_loop3A_470 = arith.subf %parallel_loop3A_466, %parallel_loop3A_469 : vector<16xf32>
          %parallel_loop3A_471 = arith.mulf %parallel_loop3A_463, %parallel_loop3A_470 : vector<16xf32>
          %parallel_loop3A_472 = arith.addf %parallel_loop3A_460, %parallel_loop3A_471 : vector<16xf32>
          %parallel_loop3A_473 = arith.index_cast %parallel_loop3A_446 : i32 to index
          %parallel_loop3A_474 = arith.constant 32 : index
          %parallel_loop3A_475 = tpu.vector_load %arg20[%parallel_loop3A_473, %parallel_loop3A_474] {strides = array<i32>} : memref<64x128xf32, #tpu.memory_space<vmem>>, vector<16xf32>,
          %parallel_loop3A_476 = arith.index_cast %parallel_loop3A_446 : i32 to index
          %parallel_loop3A_477 = arith.constant 32 : index
          %parallel_loop3A_478 = tpu.vector_load %arg21[%parallel_loop3A_476, %parallel_loop3A_477] {strides = array<i32>} : memref<64x128xf32, #tpu.memory_space<vmem>>, vector<16xf32>,
          %parallel_loop3A_479 = arith.index_cast %parallel_loop3A_446 : i32 to index
          %parallel_loop3A_480 = arith.constant 32 : index
          %parallel_loop3A_481 = tpu.vector_load %arg22[%parallel_loop3A_479, %parallel_loop3A_480] {strides = array<i32>} : memref<64x128xf32, #tpu.memory_space<vmem>>, vector<16xf32>,
          %parallel_loop3A_482 = arith.subf %parallel_loop3A_478, %parallel_loop3A_481 : vector<16xf32>
          %parallel_loop3A_483 = arith.mulf %parallel_loop3A_475, %parallel_loop3A_482 : vector<16xf32>
          %parallel_loop3A_484 = arith.addf %parallel_loop3A_472, %parallel_loop3A_483 : vector<16xf32>
          %parallel_loop3A_485 = arith.index_cast %parallel_loop3A_446 : i32 to index
          %parallel_loop3A_486 = arith.constant 48 : index
          %parallel_loop3A_487 = tpu.vector_load %arg20[%parallel_loop3A_485, %parallel_loop3A_486] {strides = array<i32>} : memref<64x128xf32, #tpu.memory_space<vmem>>, vector<16xf32>,
          %parallel_loop3A_488 = arith.index_cast %parallel_loop3A_446 : i32 to index
          %parallel_loop3A_489 = arith.constant 48 : index
          %parallel_loop3A_490 = tpu.vector_load %arg21[%parallel_loop3A_488, %parallel_loop3A_489] {strides = array<i32>} : memref<64x128xf32, #tpu.memory_space<vmem>>, vector<16xf32>,
          %parallel_loop3A_491 = arith.index_cast %parallel_loop3A_446 : i32 to index
          %parallel_loop3A_492 = arith.constant 48 : index
          %parallel_loop3A_493 = tpu.vector_load %arg22[%parallel_loop3A_491, %parallel_loop3A_492] {strides = array<i32>} : memref<64x128xf32, #tpu.memory_space<vmem>>, vector<16xf32>,
          %parallel_loop3A_494 = arith.subf %parallel_loop3A_490, %parallel_loop3A_493 : vector<16xf32>
          %parallel_loop3A_495 = arith.mulf %parallel_loop3A_487, %parallel_loop3A_494 : vector<16xf32>
          %parallel_loop3A_496 = arith.addf %parallel_loop3A_484, %parallel_loop3A_495 : vector<16xf32>
          %parallel_loop3A_497 = arith.index_cast %parallel_loop3A_446 : i32 to index
          %parallel_loop3A_498 = arith.constant 64 : index
          %parallel_loop3A_499 = tpu.vector_load %arg20[%parallel_loop3A_497, %parallel_loop3A_498] {strides = array<i32>} : memref<64x128xf32, #tpu.memory_space<vmem>>, vector<16xf32>,
          %parallel_loop3A_500 = arith.index_cast %parallel_loop3A_446 : i32 to index
          %parallel_loop3A_501 = arith.constant 64 : index
          %parallel_loop3A_502 = tpu.vector_load %arg21[%parallel_loop3A_500, %parallel_loop3A_501] {strides = array<i32>} : memref<64x128xf32, #tpu.memory_space<vmem>>, vector<16xf32>,
          %parallel_loop3A_503 = arith.index_cast %parallel_loop3A_446 : i32 to index
          %parallel_loop3A_504 = arith.constant 64 : index
          %parallel_loop3A_505 = tpu.vector_load %arg22[%parallel_loop3A_503, %parallel_loop3A_504] {strides = array<i32>} : memref<64x128xf32, #tpu.memory_space<vmem>>, vector<16xf32>,
          %parallel_loop3A_506 = arith.subf %parallel_loop3A_502, %parallel_loop3A_505 : vector<16xf32>
          %parallel_loop3A_507 = arith.mulf %parallel_loop3A_499, %parallel_loop3A_506 : vector<16xf32>
          %parallel_loop3A_508 = arith.addf %parallel_loop3A_496, %parallel_loop3A_507 : vector<16xf32>
          %parallel_loop3A_509 = arith.index_cast %parallel_loop3A_446 : i32 to index
          %parallel_loop3A_510 = arith.constant 80 : index
          %parallel_loop3A_511 = tpu.vector_load %arg20[%parallel_loop3A_509, %parallel_loop3A_510] {strides = array<i32>} : memref<64x128xf32, #tpu.memory_space<vmem>>, vector<16xf32>,
          %parallel_loop3A_512 = arith.index_cast %parallel_loop3A_446 : i32 to index
          %parallel_loop3A_513 = arith.constant 80 : index
          %parallel_loop3A_514 = tpu.vector_load %arg21[%parallel_loop3A_512, %parallel_loop3A_513] {strides = array<i32>} : memref<64x128xf32, #tpu.memory_space<vmem>>, vector<16xf32>,
          %parallel_loop3A_515 = arith.index_cast %parallel_loop3A_446 : i32 to index
          %parallel_loop3A_516 = arith.constant 80 : index
          %parallel_loop3A_517 = tpu.vector_load %arg22[%parallel_loop3A_515, %parallel_loop3A_516] {strides = array<i32>} : memref<64x128xf32, #tpu.memory_space<vmem>>, vector<16xf32>,
          %parallel_loop3A_518 = arith.subf %parallel_loop3A_514, %parallel_loop3A_517 : vector<16xf32>
          %parallel_loop3A_519 = arith.mulf %parallel_loop3A_511, %parallel_loop3A_518 : vector<16xf32>
          %parallel_loop3A_520 = arith.addf %parallel_loop3A_508, %parallel_loop3A_519 : vector<16xf32>
          %parallel_loop3A_521 = arith.index_cast %parallel_loop3A_446 : i32 to index
          %parallel_loop3A_522 = arith.constant 96 : index
          %parallel_loop3A_523 = tpu.vector_load %arg20[%parallel_loop3A_521, %parallel_loop3A_522] {strides = array<i32>} : memref<64x128xf32, #tpu.memory_space<vmem>>, vector<16xf32>,
          %parallel_loop3A_524 = arith.index_cast %parallel_loop3A_446 : i32 to index
          %parallel_loop3A_525 = arith.constant 96 : index
          %parallel_loop3A_526 = tpu.vector_load %arg21[%parallel_loop3A_524, %parallel_loop3A_525] {strides = array<i32>} : memref<64x128xf32, #tpu.memory_space<vmem>>, vector<16xf32>,
          %parallel_loop3A_527 = arith.index_cast %parallel_loop3A_446 : i32 to index
          %parallel_loop3A_528 = arith.constant 96 : index
          %parallel_loop3A_529 = tpu.vector_load %arg22[%parallel_loop3A_527, %parallel_loop3A_528] {strides = array<i32>} : memref<64x128xf32, #tpu.memory_space<vmem>>, vector<16xf32>,
          %parallel_loop3A_530 = arith.subf %parallel_loop3A_526, %parallel_loop3A_529 : vector<16xf32>
          %parallel_loop3A_531 = arith.mulf %parallel_loop3A_523, %parallel_loop3A_530 : vector<16xf32>
          %parallel_loop3A_532 = arith.addf %parallel_loop3A_520, %parallel_loop3A_531 : vector<16xf32>
          %parallel_loop3A_533 = arith.index_cast %parallel_loop3A_446 : i32 to index
          %parallel_loop3A_534 = arith.constant 112 : index
          %parallel_loop3A_535 = tpu.vector_load %arg20[%parallel_loop3A_533, %parallel_loop3A_534] {strides = array<i32>} : memref<64x128xf32, #tpu.memory_space<vmem>>, vector<16xf32>,
          %parallel_loop3A_536 = arith.index_cast %parallel_loop3A_446 : i32 to index
          %parallel_loop3A_537 = arith.constant 112 : index
          %parallel_loop3A_538 = tpu.vector_load %arg21[%parallel_loop3A_536, %parallel_loop3A_537] {strides = array<i32>} : memref<64x128xf32, #tpu.memory_space<vmem>>, vector<16xf32>,
          %parallel_loop3A_539 = arith.index_cast %parallel_loop3A_446 : i32 to index
          %parallel_loop3A_540 = arith.constant 112 : index
          %parallel_loop3A_541 = tpu.vector_load %arg22[%parallel_loop3A_539, %parallel_loop3A_540] {strides = array<i32>} : memref<64x128xf32, #tpu.memory_space<vmem>>, vector<16xf32>,
          %parallel_loop3A_542 = arith.subf %parallel_loop3A_538, %parallel_loop3A_541 : vector<16xf32>
          %parallel_loop3A_543 = arith.mulf %parallel_loop3A_535, %parallel_loop3A_542 : vector<16xf32>
          %parallel_loop3A_544 = arith.addf %parallel_loop3A_532, %parallel_loop3A_543 : vector<16xf32>
          %parallel_loop3A_545 = vector.broadcast %parallel_loop3A_443 : i32 to vector<16xi32>
          %parallel_loop3A_546 = arith.cmpi eq, %iota3A, %parallel_loop3A_545 : vector<16xi32>
          %parallel_loop3A_547 = arith.constant true
          %parallel_loop3A_548 = vector.broadcast %parallel_loop3A_547 : i1 to vector<16xi1>
          %parallel_loop3A_549 = tpu.scan <sum>, %parallel_loop3A_544 masked %parallel_loop3A_548 : vector<16xf32>, vector<16xi1> -> vector<16xf32>
          %parallel_loop3A_550 = vector.extract %parallel_loop3A_549[15] : f32 from vector<16xf32>
          %parallel_loop3A_551 = vector.broadcast %parallel_loop3A_550 : f32 to vector<16xf32>
          %parallel_loop3A_552 = arith.select %parallel_loop3A_546, %parallel_loop3A_551, %parallel_loop3A_441 : vector<16xi1>, vector<16xf32>
          %parallel_loop3A_553 = arith.constant 3 : i32
          %parallel_loop3A_554 = arith.addi %scan3A_220, %parallel_loop3A_553 : i32
          %parallel_loop3A_555 = arith.constant 16 : i32
          %parallel_loop3A_556 = arith.muli %parallel_loop3A_206, %parallel_loop3A_555 : i32
          %parallel_loop3A_557 = arith.addi %parallel_loop3A_556, %parallel_loop3A_554 : i32
          %parallel_loop3A_558 = arith.constant 0.000000e+00 : f32
          %parallel_loop3A_559 = vector.broadcast %parallel_loop3A_558 : f32 to vector<16xf32>
          %parallel_loop3A_560 = arith.index_cast %parallel_loop3A_557 : i32 to index
          %parallel_loop3A_561 = arith.constant 0 : index
          %parallel_loop3A_562 = tpu.vector_load %arg20[%parallel_loop3A_560, %parallel_loop3A_561] {strides = array<i32>} : memref<64x128xf32, #tpu.memory_space<vmem>>, vector<16xf32>,
          %parallel_loop3A_563 = arith.index_cast %parallel_loop3A_557 : i32 to index
          %parallel_loop3A_564 = arith.constant 0 : index
          %parallel_loop3A_565 = tpu.vector_load %arg21[%parallel_loop3A_563, %parallel_loop3A_564] {strides = array<i32>} : memref<64x128xf32, #tpu.memory_space<vmem>>, vector<16xf32>,
          %parallel_loop3A_566 = arith.index_cast %parallel_loop3A_557 : i32 to index
          %parallel_loop3A_567 = arith.constant 0 : index
          %parallel_loop3A_568 = tpu.vector_load %arg22[%parallel_loop3A_566, %parallel_loop3A_567] {strides = array<i32>} : memref<64x128xf32, #tpu.memory_space<vmem>>, vector<16xf32>,
          %parallel_loop3A_569 = arith.subf %parallel_loop3A_565, %parallel_loop3A_568 : vector<16xf32>
          %parallel_loop3A_570 = arith.mulf %parallel_loop3A_562, %parallel_loop3A_569 : vector<16xf32>
          %parallel_loop3A_571 = arith.addf %parallel_loop3A_559, %parallel_loop3A_570 : vector<16xf32>
          %parallel_loop3A_572 = arith.index_cast %parallel_loop3A_557 : i32 to index
          %parallel_loop3A_573 = arith.constant 16 : index
          %parallel_loop3A_574 = tpu.vector_load %arg20[%parallel_loop3A_572, %parallel_loop3A_573] {strides = array<i32>} : memref<64x128xf32, #tpu.memory_space<vmem>>, vector<16xf32>,
          %parallel_loop3A_575 = arith.index_cast %parallel_loop3A_557 : i32 to index
          %parallel_loop3A_576 = arith.constant 16 : index
          %parallel_loop3A_577 = tpu.vector_load %arg21[%parallel_loop3A_575, %parallel_loop3A_576] {strides = array<i32>} : memref<64x128xf32, #tpu.memory_space<vmem>>, vector<16xf32>,
          %parallel_loop3A_578 = arith.index_cast %parallel_loop3A_557 : i32 to index
          %parallel_loop3A_579 = arith.constant 16 : index
          %parallel_loop3A_580 = tpu.vector_load %arg22[%parallel_loop3A_578, %parallel_loop3A_579] {strides = array<i32>} : memref<64x128xf32, #tpu.memory_space<vmem>>, vector<16xf32>,
          %parallel_loop3A_581 = arith.subf %parallel_loop3A_577, %parallel_loop3A_580 : vector<16xf32>
          %parallel_loop3A_582 = arith.mulf %parallel_loop3A_574, %parallel_loop3A_581 : vector<16xf32>
          %parallel_loop3A_583 = arith.addf %parallel_loop3A_571, %parallel_loop3A_582 : vector<16xf32>
          %parallel_loop3A_584 = arith.index_cast %parallel_loop3A_557 : i32 to index
          %parallel_loop3A_585 = arith.constant 32 : index
          %parallel_loop3A_586 = tpu.vector_load %arg20[%parallel_loop3A_584, %parallel_loop3A_585] {strides = array<i32>} : memref<64x128xf32, #tpu.memory_space<vmem>>, vector<16xf32>,
          %parallel_loop3A_587 = arith.index_cast %parallel_loop3A_557 : i32 to index
          %parallel_loop3A_588 = arith.constant 32 : index
          %parallel_loop3A_589 = tpu.vector_load %arg21[%parallel_loop3A_587, %parallel_loop3A_588] {strides = array<i32>} : memref<64x128xf32, #tpu.memory_space<vmem>>, vector<16xf32>,
          %parallel_loop3A_590 = arith.index_cast %parallel_loop3A_557 : i32 to index
          %parallel_loop3A_591 = arith.constant 32 : index
          %parallel_loop3A_592 = tpu.vector_load %arg22[%parallel_loop3A_590, %parallel_loop3A_591] {strides = array<i32>} : memref<64x128xf32, #tpu.memory_space<vmem>>, vector<16xf32>,
          %parallel_loop3A_593 = arith.subf %parallel_loop3A_589, %parallel_loop3A_592 : vector<16xf32>
          %parallel_loop3A_594 = arith.mulf %parallel_loop3A_586, %parallel_loop3A_593 : vector<16xf32>
          %parallel_loop3A_595 = arith.addf %parallel_loop3A_583, %parallel_loop3A_594 : vector<16xf32>
          %parallel_loop3A_596 = arith.index_cast %parallel_loop3A_557 : i32 to index
          %parallel_loop3A_597 = arith.constant 48 : index
          %parallel_loop3A_598 = tpu.vector_load %arg20[%parallel_loop3A_596, %parallel_loop3A_597] {strides = array<i32>} : memref<64x128xf32, #tpu.memory_space<vmem>>, vector<16xf32>,
          %parallel_loop3A_599 = arith.index_cast %parallel_loop3A_557 : i32 to index
          %parallel_loop3A_600 = arith.constant 48 : index
          %parallel_loop3A_601 = tpu.vector_load %arg21[%parallel_loop3A_599, %parallel_loop3A_600] {strides = array<i32>} : memref<64x128xf32, #tpu.memory_space<vmem>>, vector<16xf32>,
          %parallel_loop3A_602 = arith.index_cast %parallel_loop3A_557 : i32 to index
          %parallel_loop3A_603 = arith.constant 48 : index
          %parallel_loop3A_604 = tpu.vector_load %arg22[%parallel_loop3A_602, %parallel_loop3A_603] {strides = array<i32>} : memref<64x128xf32, #tpu.memory_space<vmem>>, vector<16xf32>,
          %parallel_loop3A_605 = arith.subf %parallel_loop3A_601, %parallel_loop3A_604 : vector<16xf32>
          %parallel_loop3A_606 = arith.mulf %parallel_loop3A_598, %parallel_loop3A_605 : vector<16xf32>
          %parallel_loop3A_607 = arith.addf %parallel_loop3A_595, %parallel_loop3A_606 : vector<16xf32>
          %parallel_loop3A_608 = arith.index_cast %parallel_loop3A_557 : i32 to index
          %parallel_loop3A_609 = arith.constant 64 : index
          %parallel_loop3A_610 = tpu.vector_load %arg20[%parallel_loop3A_608, %parallel_loop3A_609] {strides = array<i32>} : memref<64x128xf32, #tpu.memory_space<vmem>>, vector<16xf32>,
          %parallel_loop3A_611 = arith.index_cast %parallel_loop3A_557 : i32 to index
          %parallel_loop3A_612 = arith.constant 64 : index
          %parallel_loop3A_613 = tpu.vector_load %arg21[%parallel_loop3A_611, %parallel_loop3A_612] {strides = array<i32>} : memref<64x128xf32, #tpu.memory_space<vmem>>, vector<16xf32>,
          %parallel_loop3A_614 = arith.index_cast %parallel_loop3A_557 : i32 to index
          %parallel_loop3A_615 = arith.constant 64 : index
          %parallel_loop3A_616 = tpu.vector_load %arg22[%parallel_loop3A_614, %parallel_loop3A_615] {strides = array<i32>} : memref<64x128xf32, #tpu.memory_space<vmem>>, vector<16xf32>,
          %parallel_loop3A_617 = arith.subf %parallel_loop3A_613, %parallel_loop3A_616 : vector<16xf32>
          %parallel_loop3A_618 = arith.mulf %parallel_loop3A_610, %parallel_loop3A_617 : vector<16xf32>
          %parallel_loop3A_619 = arith.addf %parallel_loop3A_607, %parallel_loop3A_618 : vector<16xf32>
          %parallel_loop3A_620 = arith.index_cast %parallel_loop3A_557 : i32 to index
          %parallel_loop3A_621 = arith.constant 80 : index
          %parallel_loop3A_622 = tpu.vector_load %arg20[%parallel_loop3A_620, %parallel_loop3A_621] {strides = array<i32>} : memref<64x128xf32, #tpu.memory_space<vmem>>, vector<16xf32>,
          %parallel_loop3A_623 = arith.index_cast %parallel_loop3A_557 : i32 to index
          %parallel_loop3A_624 = arith.constant 80 : index
          %parallel_loop3A_625 = tpu.vector_load %arg21[%parallel_loop3A_623, %parallel_loop3A_624] {strides = array<i32>} : memref<64x128xf32, #tpu.memory_space<vmem>>, vector<16xf32>,
          %parallel_loop3A_626 = arith.index_cast %parallel_loop3A_557 : i32 to index
          %parallel_loop3A_627 = arith.constant 80 : index
          %parallel_loop3A_628 = tpu.vector_load %arg22[%parallel_loop3A_626, %parallel_loop3A_627] {strides = array<i32>} : memref<64x128xf32, #tpu.memory_space<vmem>>, vector<16xf32>,
          %parallel_loop3A_629 = arith.subf %parallel_loop3A_625, %parallel_loop3A_628 : vector<16xf32>
          %parallel_loop3A_630 = arith.mulf %parallel_loop3A_622, %parallel_loop3A_629 : vector<16xf32>
          %parallel_loop3A_631 = arith.addf %parallel_loop3A_619, %parallel_loop3A_630 : vector<16xf32>
          %parallel_loop3A_632 = arith.index_cast %parallel_loop3A_557 : i32 to index
          %parallel_loop3A_633 = arith.constant 96 : index
          %parallel_loop3A_634 = tpu.vector_load %arg20[%parallel_loop3A_632, %parallel_loop3A_633] {strides = array<i32>} : memref<64x128xf32, #tpu.memory_space<vmem>>, vector<16xf32>,
          %parallel_loop3A_635 = arith.index_cast %parallel_loop3A_557 : i32 to index
          %parallel_loop3A_636 = arith.constant 96 : index
          %parallel_loop3A_637 = tpu.vector_load %arg21[%parallel_loop3A_635, %parallel_loop3A_636] {strides = array<i32>} : memref<64x128xf32, #tpu.memory_space<vmem>>, vector<16xf32>,
          %parallel_loop3A_638 = arith.index_cast %parallel_loop3A_557 : i32 to index
          %parallel_loop3A_639 = arith.constant 96 : index
          %parallel_loop3A_640 = tpu.vector_load %arg22[%parallel_loop3A_638, %parallel_loop3A_639] {strides = array<i32>} : memref<64x128xf32, #tpu.memory_space<vmem>>, vector<16xf32>,
          %parallel_loop3A_641 = arith.subf %parallel_loop3A_637, %parallel_loop3A_640 : vector<16xf32>
          %parallel_loop3A_642 = arith.mulf %parallel_loop3A_634, %parallel_loop3A_641 : vector<16xf32>
          %parallel_loop3A_643 = arith.addf %parallel_loop3A_631, %parallel_loop3A_642 : vector<16xf32>
          %parallel_loop3A_644 = arith.index_cast %parallel_loop3A_557 : i32 to index
          %parallel_loop3A_645 = arith.constant 112 : index
          %parallel_loop3A_646 = tpu.vector_load %arg20[%parallel_loop3A_644, %parallel_loop3A_645] {strides = array<i32>} : memref<64x128xf32, #tpu.memory_space<vmem>>, vector<16xf32>,
          %parallel_loop3A_647 = arith.index_cast %parallel_loop3A_557 : i32 to index
          %parallel_loop3A_648 = arith.constant 112 : index
          %parallel_loop3A_649 = tpu.vector_load %arg21[%parallel_loop3A_647, %parallel_loop3A_648] {strides = array<i32>} : memref<64x128xf32, #tpu.memory_space<vmem>>, vector<16xf32>,
          %parallel_loop3A_650 = arith.index_cast %parallel_loop3A_557 : i32 to index
          %parallel_loop3A_651 = arith.constant 112 : index
          %parallel_loop3A_652 = tpu.vector_load %arg22[%parallel_loop3A_650, %parallel_loop3A_651] {strides = array<i32>} : memref<64x128xf32, #tpu.memory_space<vmem>>, vector<16xf32>,
          %parallel_loop3A_653 = arith.subf %parallel_loop3A_649, %parallel_loop3A_652 : vector<16xf32>
          %parallel_loop3A_654 = arith.mulf %parallel_loop3A_646, %parallel_loop3A_653 : vector<16xf32>
          %parallel_loop3A_655 = arith.addf %parallel_loop3A_643, %parallel_loop3A_654 : vector<16xf32>
          %parallel_loop3A_656 = vector.broadcast %parallel_loop3A_554 : i32 to vector<16xi32>
          %parallel_loop3A_657 = arith.cmpi eq, %iota3A, %parallel_loop3A_656 : vector<16xi32>
          %parallel_loop3A_658 = arith.constant true
          %parallel_loop3A_659 = vector.broadcast %parallel_loop3A_658 : i1 to vector<16xi1>
          %parallel_loop3A_660 = tpu.scan <sum>, %parallel_loop3A_655 masked %parallel_loop3A_659 : vector<16xf32>, vector<16xi1> -> vector<16xf32>
          %parallel_loop3A_661 = vector.extract %parallel_loop3A_660[15] : f32 from vector<16xf32>
          %parallel_loop3A_662 = vector.broadcast %parallel_loop3A_661 : f32 to vector<16xf32>
          %parallel_loop3A_663 = arith.select %parallel_loop3A_657, %parallel_loop3A_662, %parallel_loop3A_552 : vector<16xi1>, vector<16xf32>
          scf.yield %parallel_loop3A_663 : vector<16xf32>
        }
        %parallel_loop3A_214 = arith.constant 16 : i32
        %parallel_loop3A_215 = arith.constant 16 : i32
        %parallel_loop3A_216 = arith.muli %parallel_loop3A_206, %parallel_loop3A_215 : i32
        %parallel_loop3A_217 = arith.addi %mul3A_194, %parallel_loop3A_216 : i32
        %parallel_loop3A_218 = arith.index_cast %parallel_loop3A_217 : i32 to index
        %parallel_loop3A_219 = tpu.vector_load %arg23[%parallel_loop3A_218] {strides = array<i32>} : memref<512xf32, #tpu.memory_space<vmem>>, vector<16xf32>,
        tpu.vector_store %arg23[%parallel_loop3A_218], %parallel_loop3A_213 {strides = array<i32>} : memref<512xf32, #tpu.memory_space<vmem>>, vector<16xf32>,
      } {sc.loop_unroll_factor = 1 : i64, sc.parallel_access}
      %add3A_198 = arith.constant 4 : i32
      %add3A_199 = arith.addi %add3A_177, %add3A_198 : i32
      %lt3A_200 = arith.constant 8 : i32
      %lt3A_201 = arith.cmpi slt, %add3A_199, %lt3A_200 : i32
      %convert_element_type3A_202 = arith.extui %lt3A_201 : i1 to i32
      %cond3A_203 = arith.constant 0 : i32
      %cond3A_204 = arith.cmpi ne, %convert_element_type3A_202, %cond3A_203 : i32
      scf.if %cond3A_204 {
        %add3A_206 = arith.constant 4 : i32
        %add3A_207 = arith.addi %add3A_177, %add3A_206 : i32
        %mul3A_208 = arith.constant 64 : i32
        %mul3A_209 = arith.muli %add3A_207, %mul3A_208 : i32
        %dma_start3A_210 = tpu.memref_slice %arg8[%mul3A_209] : memref<512xi32, #tpu.memory_space<vmem>> -> memref<64xi32, #tpu.memory_space<vmem>>
        %dma_start3A_211 = arith.constant 0 : i32
        %dma_start3A_212 = arith.constant 0 : i32
        %dma_start3A_213 = tpu.memref_slice %arg5[%dma_start3A_211, %dma_start3A_212] : memref<100000x128xf32, #tpu.memory_space<hbm>> -> memref<100000x128xf32, #tpu.memory_space<hbm>>
        tpu.enqueue_indirect_dma source(%dma_start3A_213 : memref<100000x128xf32, #tpu.memory_space<hbm>>) target(%arg20 : memref<64x128xf32, #tpu.memory_space<vmem>>) offsets(%dma_start3A_210 : memref<64xi32, #tpu.memory_space<vmem>>) semaphore(%arg33 : memref<!tpu.dma_semaphore, #tpu.memory_space<semaphore_mem>>)
        %dma_start3A_214 = tpu.memref_slice %arg9[%mul3A_209] : memref<512xi32, #tpu.memory_space<vmem>> -> memref<64xi32, #tpu.memory_space<vmem>>
        %dma_start3A_215 = arith.constant 0 : i32
        %dma_start3A_216 = arith.constant 0 : i32
        %dma_start3A_217 = tpu.memref_slice %arg6[%dma_start3A_215, %dma_start3A_216] : memref<1000000x128xf32, #tpu.memory_space<hbm>> -> memref<1000000x128xf32, #tpu.memory_space<hbm>>
        tpu.enqueue_indirect_dma source(%dma_start3A_217 : memref<1000000x128xf32, #tpu.memory_space<hbm>>) target(%arg21 : memref<64x128xf32, #tpu.memory_space<vmem>>) offsets(%dma_start3A_214 : memref<64xi32, #tpu.memory_space<vmem>>) semaphore(%arg34 : memref<!tpu.dma_semaphore, #tpu.memory_space<semaphore_mem>>)
        %dma_start3A_218 = tpu.memref_slice %arg10[%mul3A_209] : memref<512xi32, #tpu.memory_space<vmem>> -> memref<64xi32, #tpu.memory_space<vmem>>
        %dma_start3A_219 = arith.constant 0 : i32
        %dma_start3A_220 = arith.constant 0 : i32
        %dma_start3A_221 = tpu.memref_slice %arg6[%dma_start3A_219, %dma_start3A_220] : memref<1000000x128xf32, #tpu.memory_space<hbm>> -> memref<1000000x128xf32, #tpu.memory_space<hbm>>
        tpu.enqueue_indirect_dma source(%dma_start3A_221 : memref<1000000x128xf32, #tpu.memory_space<hbm>>) target(%arg22 : memref<64x128xf32, #tpu.memory_space<vmem>>) offsets(%dma_start3A_218 : memref<64xi32, #tpu.memory_space<vmem>>) semaphore(%arg35 : memref<!tpu.dma_semaphore, #tpu.memory_space<semaphore_mem>>)
      } else {
      }
      %scan3A_205 = arith.constant 0 : i32
      scf.yield %scan3A_205 : i32
    }
    %scan3A_78 = arith.constant 2 : i32
    %dma_start3A_79 = tpu.memref_slice %arg7[%mul3A_2] : memref<16384xf32, #tpu.memory_space<hbm>> -> memref<512xf32, #tpu.memory_space<hbm>>
    %dma_start3A_80 = tpu.memref_slice %arg7[%mul3A_2] : memref<16384xf32, #tpu.memory_space<hbm>> -> memref<512xf32, #tpu.memory_space<hbm>>
    tpu.enqueue_dma source(%arg23 : memref<512xf32, #tpu.memory_space<vmem>>) target(%dma_start3A_80 : memref<512xf32, #tpu.memory_space<hbm>>) target_semaphore(%arg36 : memref<!tpu.dma_semaphore, #tpu.memory_space<semaphore_mem>>)
    %dma_wait3A_81 = tpu.memref_slice %arg7[%mul3A_2] : memref<16384xf32, #tpu.memory_space<hbm>> -> memref<512xf32, #tpu.memory_space<hbm>>
    %dma_wait3A_82 = tpu.memref_slice %arg7[%mul3A_2] : memref<16384xf32, #tpu.memory_space<hbm>> -> memref<512xf32, #tpu.memory_space<hbm>>
    tpu.wait_dma2 semaphore(%arg36 : memref<!tpu.dma_semaphore, #tpu.memory_space<semaphore_mem>>) src(%arg23 : memref<512xf32, #tpu.memory_space<vmem>>) dst(%dma_wait3A_82 : memref<512xf32, #tpu.memory_space<hbm>>)
    return
  }
}

</mosaic_0001>

<sc_bundles>
// kernel: _bpr.3.cloned.1.call-start
scs
__scs_entry_jumppad:
0x0: {  	(pc) =	sbr.rel $0x88, $3  }
0x1: {  	(tag) =	ssettag $0x0;
	lr =	simm.s32 $0x1  }
0x2: {  	[smem:$0x3F9C] =	sst lr;
	_ =	strace $0xD0000000  }
0x3: {  	_ = 	snop  }
0x4: {  	_ = 	snop  }
0x5: {  	_ = 	snop  }
0x6: {  	_ = 	snop  }
0x7: {  	_ = 	snop  }
__scs_overlays_trampoline_lowered:
0x8: {  	[smem:$0x3FAB] =	sst s0  }
0x9: {  	[smem:$0x3FAC] =	sst s1  }
0xa: {  	[smem:$0x3FAD] =	sst s2  }
0xb: {  	[smem:$0x3FAE] =	sst s3  }
0xc: {  	[smem:$0x3FAF] =	sst s4  }
0xd: {  	[smem:$0x3FB0] =	sst s5  }
0xe: {  	[smem:$0x3FB1] =	sst s6  }
0xf: {  	[smem:$0x3FB2] =	sst s7  }
0x10: {  	[smem:$0x3FB3] =	sst s8  }
0x11: {  	[smem:$0x3FB4] =	sst s9;
	s0 =	simm.s32 @!p0 $0x0  }
0x12: {  	s1 =	sld [smem:$0x3F9A];
	s0 =	simm.s32 @p0 $0x1  }
0x13: {  	[smem:$0x3FB5] =	sst s0;
	s0 =	simm.s32 @!p1 $0x0  }
0x14: {  	s2 =	sld [smem:$0x3F99];
	s0 =	simm.s32 @p1 $0x1  }
0x15: {  	[smem:$0x3FB6] =	sst s0;
	s0 =	simm.s32 @!p2 $0x0  }
0x16: {  	s3 =	sld [smem:$0x3FDB];
	s0 =	simm.s32 @p2 $0x1  }
0x17: {  	s4 =	simm.s32 $0x1BF5;
	[smem:$0x3FB8] =	sst s0  }
0x18: {  	s0 =	sld [smem:$0x3F9B];
	_ =	swait.ge [sflag:s4], $0x0  }
0x19: {  	s7 =	sld [smem:$0x3F9C]  }
0x1a: {  	s8 =	sadd.s32 $0xFFFFE003, lr  }
0x1b: {  	s9 =	sadd.s32 $0xFFFFFEF7, lr;
	s5 =	simm.s32 $0xFFFFFFFF;
	p2 =	slt.u32 s8, $0xFFFFF086  }
0x1c: {  	p1 =	slt.u32 s9, $0xF7A;
	s5 =	simm.s32 @!p2 $0x0  }
0x1d: {  	s5 =	simm.s32 @p1 $0x1;
	p0 =	seq.s32 s7, s2  }
0x1e: {  	s7 =	smul.u32 @!p0 $0xF7A, s2;
	p2 =	seq.s32 @!p0 s5, $0x0  }
0x1f: {  	s9 =	smul.u32 $0xF7A, s1;
	s8 =	simm.s32 @!p0 $0x1BF5;
	p2 =	por !p2, p0  }
0x20: {  	[sflag:s8] =	ssyncset.s32 @!p0 $0xFFFFF086;
	s6 =	sadd.s32 @!p0 s3, s7;
	s7 =	simm.s32 @!p0 $0x108  }
0x21: {  	s3 =	sadd.s32 s3, s9;
	s6 =	sadd.s32 @!p0 $0x88, s6;
	s7 =	simm.s32 @p2 $0x1082  }
0x22: {  	[simem:s7], [sflag:s8] =	dma.local @!p0 [hbm:s6], $0xF7A  }
0x23: {  	s9 =	sor.u32 $0xD0000000, s2;
	s6 =	simm.s32 $0x108;
	_ =	swait.ge @!p0 [sflag:s8], $0x0  }
0x24: {  	s3 =	sadd.s32 $0x88, s3;
	s6 =	simm.s32 @!p1 $0x1082;
	[sflag:s4] =	ssyncset.s32 $0xFFFFF086  }
0x25: {  	[simem:s6], [sflag:s4] =	dma.local [hbm:s3], $0xF7A  }
0x26: {  	[smem:$0x3F9C] =	sst s1;
	(tag) =	ssettag s2;
	_ =	strace s9  }
0x27: {  	s1 =	sld [smem:$0x3FAC]  }
0x28: {  	s2 =	sld [smem:$0x3FAD]  }
0x29: {  	s4 =	sld [smem:$0x3FAF]  }
0x2a: {  	p0 =	seq.s32 s5, $0x0;
	s5 =	sld [smem:$0x3FB0]  }
0x2b: {  	s6 =	sld [smem:$0x3FB1]  }
0x2c: {  	s7 =	sld [smem:$0x3FB2]  }
0x2d: {  	s3 =	simm.s32 $0x108;
	s8 =	sld [smem:$0x3FB3]  }
0x2e: {  	s3 =	simm.s32 @!p0 $0x1082;
	s9 =	sld [smem:$0x3FB4]  }
0x2f: {  	lr =	sadd.s32 s0, s3;
	s0 =	sld [smem:$0x3FAB]  }
0x30: {  	s3 =	sld [smem:$0x3FAE]  }
0x31: {  	[smem:$0x3FB7] =	sst s10  }
0x32: {  	s10 =	sld [smem:$0x3FB5];
	_ =	sdelay $0x3  }
0x33: {  	p0 =	seq.s32 s10, $0x1;
	s10 =	sld [smem:$0x3FB7];
	_ =	sdelay $0x3  }
0x34: {  	[smem:$0x3FB7] =	sst s10  }
0x35: {  	s10 =	sld [smem:$0x3FB6];
	_ =	sdelay $0x3  }
0x36: {  	p1 =	seq.s32 s10, $0x1;
	s10 =	sld [smem:$0x3FB7];
	_ =	sdelay $0x3  }
0x37: {  	[smem:$0x3FB7] =	sst s10  }
0x38: {  	s10 =	sld [smem:$0x3FB8]  }
0x39: {  	_ = 	snop;
	(pc) =	sbr.ind lr, $3  }
0x3a: {  	_ = 	snop  }
0x3b: {  	_ = 	snop  }
0x3c: {  	p2 =	seq.s32 s10, $0x1;
	s10 =	sld [smem:$0x3FB7]  }
0x3d: {  	_ =	shalt  }
0x3e: {  	_ =	shalt  }
0x3f: {  	_ =	shalt  }
0x40: {  	_ =	shalt  }
0x41: {  	_ =	shalt  }
0x42: {  	_ =	shalt  }
0x43: {  	_ =	shalt  }
0x44: {  	_ =	shalt  }
0x45: {  	_ =	shalt  }
0x46: {  	_ =	shalt  }
0x47: {  	_ =	shalt  }
0x48: {  	_ =	shalt  }
0x49: {  	_ =	shalt  }
0x4a: {  	_ =	shalt  }
0x4b: {  	_ =	shalt  }
0x4c: {  	_ =	shalt  }
0x4d: {  	_ =	shalt  }
0x4e: {  	_ =	shalt  }
0x4f: {  	_ =	shalt  }
0x50: {  	_ =	shalt  }
0x51: {  	_ =	shalt  }
0x52: {  	_ =	shalt  }
0x53: {  	_ =	shalt  }
0x54: {  	_ =	shalt  }
0x55: {  	_ =	shalt  }
0x56: {  	_ =	shalt  }
0x57: {  	_ =	shalt  }
0x58: {  	_ =	shalt  }
0x59: {  	_ =	shalt  }
0x5a: {  	_ =	shalt  }
0x5b: {  	_ =	shalt  }
0x5c: {  	_ =	shalt  }
0x5d: {  	_ =	shalt  }
0x5e: {  	_ =	shalt  }
0x5f: {  	_ =	shalt  }
0x60: {  	_ =	shalt  }
0x61: {  	_ =	shalt  }
0x62: {  	_ =	shalt  }
0x63: {  	_ =	shalt  }
0x64: {  	_ =	shalt  }
0x65: {  	_ =	shalt  }
0x66: {  	_ =	shalt  }
0x67: {  	_ =	shalt  }
0x68: {  	_ =	shalt  }
0x69: {  	_ =	shalt  }
0x6a: {  	_ =	shalt  }
0x6b: {  	_ =	shalt  }
0x6c: {  	_ =	shalt  }
0x6d: {  	_ =	shalt  }
0x6e: {  	_ =	shalt  }
0x6f: {  	_ =	shalt  }
0x70: {  	_ =	shalt  }
0x71: {  	_ =	shalt  }
0x72: {  	_ =	shalt  }
0x73: {  	_ =	shalt  }
0x74: {  	_ =	shalt  }
0x75: {  	_ =	shalt  }
0x76: {  	_ =	shalt  }
0x77: {  	_ =	shalt  }
0x78: {  	_ =	shalt  }
0x79: {  	_ =	shalt  }
0x7a: {  	_ =	shalt  }
0x7b: {  	_ =	shalt  }
0x7c: {  	_ =	shalt  }
0x7d: {  	_ =	shalt  }
0x7e: {  	_ =	shalt  }
0x7f: {  	_ =	shalt  }
0x80: {  	_ =	shalt  }
0x81: {  	_ =	shalt  }
0x82: {  	_ =	shalt  }
0x83: {  	_ =	shalt  }
0x84: {  	_ =	shalt  }
0x85: {  	_ =	shalt  }
0x86: {  	_ =	shalt  }
0x87: {  	_ =	shalt  }
.Lfunc_end0:
.L_simem_size_0:
called_computation_lowered:
.L_overlay_start_0:
0x88: {  	s2 =	sld [smem:$0x3FD9]  }
0x89: {  	s3 =	sld [smem:$0x3FFE];
	_ =	sdelay $0x1  }
0x8a: {  	s1 =	srdreg.scid  }
0x8b: {  	s0 =	sand.u32 $0x1, s1  }
0x8c: {  	s18 =	sshll.u32 s0, $0xA;
	s2 =	sadd.s32 s3, s2  }
0x8d: {  	s2 =	sadd.s32 s2, s18  }
0x8e: {  	[smem:$0x3FC3] =	sst s2  }
0x8f: {  	_ = 	snop  }
0x90: {  	s2 =	sld [smem:$0x3FC9]  }
0x91: {  	s19 =	sld [smem:$0x3FC8]  }
0x92: {  	s4 =	sld [smem:$0x3FC7]  }
0x93: {  	s5 =	sld [smem:$0x3FC6]  }
0x94: {  	s6 =	sld [smem:$0x3FC5]  }
0x95: {  	s7 =	sld [smem:$0x3FD0];
	(tm) =	ssettm $0x1  }
0x96: {  	s8 =	sld [smem:$0x3FFB];
	_ =	sdelay $0x3  }
0x97: {  	_ =	strace s8  }
0x98: {  	s8 =	sld [smem:$0x3FFC];
	_ =	sdelay $0x3  }
0x99: {  	_ =	strace s8  }
0x9a: {  	s8 =	sld [smem:$0x3FFD];
	_ =	sdelay $0x3  }
0x9b: {  	_ =	strace s8  }
0x9c: {  	_ =	strace $0x8FFFFFFF  }
0x9d: {  	s20 =	sld [smem:$0x3FDB];
	_ =	sdelay $0x1  }
0x9e: {  	s9 =	simm.s32 $_scs_section_size  }
0x9f: {  	s10 =	simm.s32 $_size__tile_overlayer_lowered;
	s11 =	simm.s32 $_tile_overlayer_lowered  }
0xa0: {  	s23 =	simm.s32 $0x1BFF;
	s22 =	sshll.u32 s11, $0x1;
	s8 =	sadd.s32 s9, s20  }
0xa1: {  	s12 =	simm.s32 $0x0;
	s21 =	sshll.u32 s10, $0x1;
	s10 =	sadd.s32 s22, s8  }
0xa2: {  	[timem:s12], [sflag:s23] =	dma.local [hbm:s10], s21  }
0xa3: {  	_ =	swait.ge [sflag:s23], s21  }
0xa4: {  	s9 =	ssub.s32 $0x0, s21;
	[sflag:s23] =	ssyncset.done $0x0  }
0xa5: {  	[sflag:s23] =	ssyncadd.s32 s9;
	_ =	sdelay $0x1  }
0xa6: {  	s24 =	simm.s32 $0x1B8B  }
0xa7: {  	_ =	swait.ge [sflag:s24], $0x1  }
0xa8: {  	[sflag:s24] =	ssyncset.done $0x0  }
0xa9: {  	s25 =	simm.s32 $0x1B8E;
	[sflag:s24] =	ssyncadd.s32 $0xFFFFFFFF  }
0xaa: {  	s26 =	simm.s32 $execute0_lowered;
	[smem:$0x3FD2] =	sst s25  }
0xab: {  	s9 =	sshll.u32 s26, $0x1;
	_ =	strace $0x80000046;
	[dreg:$0x1] =	wrdreg $0xFFFFFFFF  }
0xac: {  	s28 =	simm.s32 $_size_execute0_lowered;
	s8 =	sadd.s32 s8, s9;
	[dreg:$0x0] =	wrdreg $0x0  }
0xad: {  	s9 =	sshll.u32 s28, $0x1;
	[dreg:$0x2] =	wrdreg s8  }
0xae: {  	[dreg:$0x3] =	wrdreg s9  }
0xaf: {  	[dreg:$0x4] =	wrdreg $0xC0  }
0xb0: {  	_ =	task [dreg:s12], $0x5FFFF  }
0xb1: {  	[dreg:$0x1] =	wrdreg $0xFFFFFFFF  }
0xb2: {  	[dreg:$0x0] =	wrdreg $0x60  }
0xb3: {  	[dreg:$0x2] =	wrdreg s2  }
0xb4: {  	[dreg:$0x3] =	wrdreg s19  }
0xb5: {  	[dreg:$0x4] =	wrdreg s4  }
0xb6: {  	[dreg:$0x5] =	wrdreg s5  }
0xb7: {  	[dreg:$0x6] =	wrdreg s6  }
0xb8: {  	[dreg:$0x7] =	wrdreg s7  }
0xb9: {  	[dreg:$0x8] =	wrdreg $0x9  }
0xba: {  	_ =	task.clear_ibuf [dreg:s12], $0x9FFFF;
	_ =	strace $0x90000046  }
0xbb: {  	s29 =	simm.s32 $0x9;
	_ =	strace $0x80000048  }
0xbc: {  	_ =	swait.ge [sflag:s29], $0x1  }
0xbd: {  	[sflag:s29] =	ssyncadd.s32 $0xFFFFFFFF  }
0xbe: {  	_ =	strace $0x90000048  }
0xbf: {  	_ =	sfence  }
0xc0: {  	s30 =	sld [smem:$0x0];
	_ =	sdelay $0x2  }
0xc1: {  	s31 =	sshll.u32 s1, $0xD;
	s1 =	sshrl.u32 s1, $0x2  }
0xc2: {  	s3 =	sand.u32 $0x4000, s31;
	s1 =	sadd.s32 s1, s30  }
0xc3: {  	s0 =	sor.u32 s3, s0;
	s1 =	sshll.u32 s1, $0x11  }
0xc4: {  	s0 =	sor.u32 s1, s0  }
0xc5: {  	s0 =	sadd.s32 $0x8F2B, s0  }
0xc6: {  	[sflag:s0] =	ssyncadd.remote.s32 $0x1  }
0xc7: {  	_ =	sfence.sel $0xFFFF  }
0xc8: {  	[dreg:$0x0] =	wrdreg $0xFFFFFFFF;
	(pc) =	sbr.abs _section_cstart, $3  }
0xc9: {  	[dreg:$0x1] =	wrdreg $0xFFFFFFFF  }
0xca: {  	_ =	task.clear_ibuf [dreg:s12], $0x2FFFF;
	_ =	strace $0x9FFFFFFF  }
0xcb: {  	(tm) =	ssettm $0x7FFFFFFF  }
tec
execute0_lowered:
.L_overlay_start_1:
0x0: {  	(tag) =	ssettag $0x1  }
0x1: {  	s0 =	rddreg [dreg:$0x0]  }
0x2: {  	s3 =	rddreg [dreg:$0x1]  }
0x3: {  	s5 =	rddreg [dreg:$0x2]  }
0x4: {  	s1 =	rddreg [dreg:$0x3]  }
0x5: {  	s2 =	rddreg [dreg:$0x4]  }
0x6: {  	s6 =	rddreg [dreg:$0x5];
	s7 =	srdreg.scid  }
0x7: {  	s11 =	simm.s32 $0x0;
	s4 =	stileid.u32;
	s13 =	simm.s32 $0x4  }
0x8: {  	s14 =	simm.s32 $0x5;
	s15 =	simm.s32 $0x40;
	s31 =	simm.s32 $0x12600  }
0x9: {  	s16 =	simm.s32 $0x1;
	s17 =	simm.s32 $0x2;
	s18 =	simm.s32 $0x3  }
0xa: {  	s19 =	simm.s32 $0x6;
	s20 =	simm.s32 $0x7;
	s21 =	simm.s32 $0x8  }
0xb: {  	s22 =	simm.s32 $0x9;
	s23 =	simm.s32 $0xA;
	s7 =	sand.u32 $0x1, s7  }
0xc: {  	s9 =	sshll.u32 s4, $0x7;
	s8 =	ssub.s32 $0x2, s7;
	s7 =	sshll.u32 s7, $0x6  }
0xd: {  	s24 =	simm.s32 $0xB;
	[smem:$0x7FF] =	sst s11;
	s7 =	sor.u32 s7, s9  }
0xe: {  	s25 =	simm.s32 $0xC;
	_ =	strace $0x80000047;
	s0 =	sadd.s32 s0, s7  }
0xf: {  	s10 =	sshrl.u32 s8, $0x1;
	s26 =	sadd.s32 s3, s7;
	[dreg:$0x7] =	wrdreg s0  }
0x10: {  	s8 =	ssub.s32 s8, s10;
	s28 =	sadd.s32 s5, s7;
	[dreg:$0x8] =	wrdreg s26  }
0x11: {  	s29 =	sadd.s32 s6, s7;
	s7 =	simm.s32 $0xD;
	[dreg:$0x9] =	wrdreg s28  }
0x12: {  	s3 =	simm.s32 $0x16600;
	[dreg:$0xa] =	wrdreg s29;
	s30 =	smax.u32 s8, $0x1  }
0x13: {  	s5 =	simm.s32 $0x0;
	s0 =	simm.s32 $0x14600;
	[dreg:$0xb] =	wrdreg s30  }
.LBB2_1:
0x14: {  	[dreg:$0xc] =	wrdreg s5  }
0x15: {  	s4 =	rddreg [dreg:$0x7]  }
0x16: {  	[tilespmem:s11], [sflag:$0xD] =	stream.linear.gather [hbm4b:s4+s11], $0x200, $0x38;
	[tilespmem:$0x18800] =	vst v63  }
0x17: {  	s12 =	rddreg [dreg:$0x8];
	s26 =	simm.s32 $0x200  }
0x18: {  	[tilespmem:s26], [sflag:$0x4] =	stream.linear.gather [hbm4b:s12+s11], $0x200, $0x38;
	[tilespmem:$0x18800] =	vst v63  }
0x19: {  	s28 =	rddreg [dreg:$0x9];
	s6 =	simm.s32 $0x400  }
0x1a: {  	[tilespmem:s6], [sflag:$0x5] =	stream.linear.gather [hbm4b:s28+s11], $0x200, $0x38;
	[tilespmem:$0x18800] =	vst v63  }
0x1b: {  	_ =	swait.ge [sflag:s7], $0x200  }
0x1c: {  	[sflag:s7] =	ssyncset.done $0x0  }
0x1d: {  	[sflag:s7] =	ssyncadd.s32 $0xFFFFFE00  }
0x1e: {  	_ =	swait.ge [sflag:s13], $0x200  }
0x1f: {  	[sflag:s13] =	ssyncset.done $0x0  }
0x20: {  	[sflag:s13] =	ssyncadd.s32 $0xFFFFFE00  }
0x21: {  	_ =	swait.ge [sflag:s14], $0x200  }
0x22: {  	[sflag:s14] =	ssyncset.done $0x0  }
0x23: {  	s29 =	simm.s32 $0x600;
	[sflag:s14] =	ssyncadd.s32 $0xFFFFFE00  }
0x24: {  	[tilespmem:s29], [sflag:$0x1] =	stream.indirect.gather [hbm4b:s1+s15], $0x80, s11, s15, $0xb8;
	[tilespmem:$0x18800] =	vst v63  }
0x25: {  	s30 =	simm.s32 $0x2600  }
0x26: {  	[tilespmem:s30], [sflag:$0x2] =	stream.indirect.gather [hbm4b:s2+s15], $0x80, s26, s15, $0xb8;
	[tilespmem:$0x18800] =	vst v63  }
0x27: {  	s5 =	simm.s32 $0x4600  }
0x28: {  	[tilespmem:s5], [sflag:$0x3] =	stream.indirect.gather [hbm4b:s2+s15], $0x80, s6, s15, $0xb8;
	[tilespmem:$0x18800] =	vst v63  }
0x29: {  	s6 =	simm.s32 $0x6600  }
0x2a: {  	[tilespmem:s6], [sflag:$0x4] =	stream.indirect.gather [hbm4b:s1+s15], $0x80, s15, s15, $0xb8;
	[tilespmem:$0x18800] =	vst v63  }
0x2b: {  	s8 =	simm.s32 $0x8600;
	s9 =	simm.s32 $0x440;
	s7 =	simm.s32 $0x240  }
0x2c: {  	[tilespmem:s8], [sflag:$0x5] =	stream.indirect.gather [hbm4b:s2+s15], $0x80, s7, s15, $0xb8;
	[tilespmem:$0x18800] =	vst v63  }
0x2d: {  	s10 =	simm.s32 $0xA600;
	p1 =	por $0x1, $0x1;
	s12 =	simm.s32 $0xC600  }
0x2e: {  	[tilespmem:s10], [sflag:$0x6] =	stream.indirect.gather [hbm4b:s2+s15], $0x80, s9, s15, $0xb8;
	[tilespmem:$0x18800] =	vst v63  }
0x2f: {  	s28 =	simm.s32 $0xE600;
	s11 =	simm.s32 $0x80;
	s29 =	simm.s32 $0x480  }
0x30: {  	[tilespmem:s12], [sflag:$0x7] =	stream.indirect.gather [hbm4b:s1+s15], $0x80, s11, s15, $0xb8;
	[tilespmem:$0x18800] =	vst v63  }
0x31: {  	s26 =	simm.s32 $0x280;
	s30 =	simm.s32 $0x10600;
	s5 =	simm.s32 $0x0  }
0x32: {  	[tilespmem:s28], [sflag:$0x8] =	stream.indirect.gather [hbm4b:s2+s15], $0x80, s26, s15, $0xb8;
	[tilespmem:$0x18800] =	vst v63  }
0x33: {  	s6 =	simm.s32 $0x4C0;
	s7 =	simm.s32 $0x2C0;
	s8 =	simm.s32 $0xC0  }
0x34: {  	[tilespmem:s30], [sflag:$0x9] =	stream.indirect.gather [hbm4b:s2+s15], $0x80, s29, s15, $0xb8;
	[tilespmem:$0x18800] =	vst v63  }
.LBB2_2:
0x35: {  	[tilespmem:s31], [sflag:$0xA] =	stream.indirect.gather [hbm4b:s1+s15], $0x80, s8, s15, $0xb8;
	[tilespmem:$0x18800] =	vst v63  }
0x36: {  	_ = 	snop  }
0x37: {  	[tilespmem:s0], [sflag:$0xB] =	stream.indirect.gather [hbm4b:s2+s15], $0x80, s7, s15, $0xb8;
	[tilespmem:$0x18800] =	vst v63  }
0x38: {  	_ = 	snop  }
0x39: {  	[tilespmem:s3], [sflag:$0xC] =	stream.indirect.gather [hbm4b:s2+s15], $0x80, s6, s15, $0xb8;
	[tilespmem:$0x18800] =	vst v63  }
0x3a: {  	_ =	swait.ge [sflag:s16], $0x2000  }
0x3b: {  	[sflag:s16] =	ssyncset.done $0x0  }
0x3c: {  	[sflag:s16] =	ssyncadd.s32 $0xFFFFE000  }
0x3d: {  	_ =	swait.ge [sflag:s17], $0x2000  }
0x3e: {  	[sflag:s17] =	ssyncset.done $0x0  }
0x3f: {  	s29 =	sshra.s32 s5, $0x2;
	[sflag:s17] =	ssyncadd.s32 $0xFFFFE000  }
0x40: {  	s30 =	simm.s32 $0x0;
	s5 =	sadd.s32 $0x18600, s29;
	_ =	swait.ge [sflag:s18], $0x2000  }
0x41: {  	p0 =	por p1, p1;
	s9 =	simm.s32 $0x2700;
	v0 =	vmov s5;
	[sflag:s18] =	ssyncset.done $0x0  }
0x42: {  	s7 =	simm.s32 $0x4700;
	s6 =	simm.s32 $0x700;
	[tilespmem:$0x1FFF0] =	vst v0;
	[sflag:s18] =	ssyncadd.s32 $0xFFFFE000  }
.LBB2_3:
0x43: {  	v3 =	vld [tilespmem:s6+$0x70]  }
0x44: {  	v8 =	vld [tilespmem:s6+$0xFFFFFFF0]  }
0x45: {  	v0 =	vld [tilespmem:s6+$0xE0]  }
0x46: {  	v9 =	vld [tilespmem:s6+$0x60]  }
0x47: {  	v27 =	vld [tilespmem:s9+$0x70]  }
0x48: {  	v37 =	vld [tilespmem:s7+$0x70]  }
0x49: {  	v10 =	vld [tilespmem:s6+$0xFFFFFFE0]  }
0x4a: {  	v2 =	vld [tilespmem:s9+$0xFFFFFFF0]  }
0x4b: {  	v36 =	vld [tilespmem:s7+$0xFFFFFFF0]  }
0x4c: {  	v54 =	vld [tilespmem:s9+$0xE0]  }
0x4d: {  	v13 =	vld [tilespmem:s7+$0xE0]  }
0x4e: {  	v12 =	vld [tilespmem:s6+$0x50]  }
0x4f: {  	v40 =	vld [tilespmem:s9+$0x60]  }
0x50: {  	v45 =	vld [tilespmem:s7+$0x60]  }
0x51: {  	v34 =	vld [tilespmem:s9+$0xFFFFFFE0]  }
0x52: {  	v48 =	vld [tilespmem:s7+$0xFFFFFFE0]  }
0x53: {  	v21 =	vld [tilespmem:s9+$0xD0]  }
0x54: {  	v42 =	vld [tilespmem:s7+$0xD0]  }
0x55: {  	v19 =	vld [tilespmem:s9+$0xFFFFFF60]  }
0x56: {  	v17 =	vld [tilespmem:s7+$0xFFFFFF60]  }
0x57: {  	v15 =	vld [tilespmem:s6+$0x40]  }
0x58: {  	v35 =	vld [tilespmem:s9+$0x50]  }
0x59: {  	v38 =	vld [tilespmem:s7+$0x50]  }
0x5a: {  	v14 =	vld [tilespmem:s6+$0xFFFFFFC0]  }
0x5b: {  	v33 =	vld [tilespmem:s9+$0xFFFFFFD0]  }
0x5c: {  	v39 =	vld [tilespmem:s7+$0xFFFFFFD0]  }
0x5d: {  	v28 =	vld [tilespmem:s9+$0xC0]  }
0x5e: {  	v20 =	vld [tilespmem:s7+$0xC0]  }
0x5f: {  	v43 =	vld [tilespmem:s9+$0xFFFFFF50]  }
0x60: {  	v44 =	vld [tilespmem:s7+$0xFFFFFF50]  }
0x61: {  	v18 =	vld [tilespmem:s6+$0x30]  }
0x62: {  	v29 =	vld [tilespmem:s9+$0x40]  }
0x63: {  	v6 =	vld [tilespmem:s7+$0x40]  }
0x64: {  	v16 =	vld [tilespmem:s6+$0xFFFFFFB0]  }
0x65: {  	v47 =	vld [tilespmem:s9+$0xFFFFFFC0]  }
0x66: {  	v23 =	vld [tilespmem:s7+$0xFFFFFFC0]  }
0x67: {  	v49 =	vld [tilespmem:s9+$0xB0]  }
0x68: {  	v1 =	vld [tilespmem:s7+$0xB0]  }
0x69: {  	v51 =	vld [tilespmem:s9+$0xFFFFFF40]  }
0x6a: {  	v22 =	vld [tilespmem:s7+$0xFFFFFF40]  }
0x6b: {  	v26 =	vld [tilespmem:s9+$0x30]  }
0x6c: {  	v25 =	vld [tilespmem:s7+$0x30]  }
0x6d: {  	v55 =	vld [tilespmem:s9+$0xFFFFFFB0]  }
0x6e: {  	v56 =	vld [tilespmem:s7+$0xFFFFFFB0]  }
0x6f: {  	v57 =	vld [tilespmem:s9+$0xA0]  }
0x70: {  	v58 =	vld [tilespmem:s7+$0xA0]  }
0x71: {  	v59 =	vld [tilespmem:s9+$0xFFFFFF30]  }
0x72: {  	v60 =	vld [tilespmem:s7+$0xFFFFFF30]  }
0x73: {  	v24 =	vld [tilespmem:s6+$0x10]  }
0x74: {  	v61 =	vld [tilespmem:s9+$0x20]  }
0x75: {  	v62 =	vld [tilespmem:s7+$0x20]  }
0x76: {  	v63 =	vld [tilespmem:s9+$0xFFFFFFA0]  }
0x77: {  	v41 =	vld [tilespmem:s7+$0xFFFFFFA0]  }
0x78: {  	v53 =	vld [tilespmem:s9+$0x90]  }
0x79: {  	v46 =	vld [tilespmem:s7+$0x90]  }
0x7a: {  	v31 =	vld [tilespmem:s9+$0xFFFFFF20]  }
0x7b: {  	v30 =	vld [tilespmem:s7+$0xFFFFFF20]  }
0x7c: {  	[tilespmem:$0x1FFA0] =	vst v0;
	v0 =	vld [tilespmem:s9+$0xF0]  }
0x7d: {  	v32 =	vld [tilespmem:s6+$0x0]  }
0x7e: {  	v52 =	vld [tilespmem:s9+$0x10]  }
0x7f: {  	v50 =	vld [tilespmem:s7+$0x10]  }
0x80: {  	v37 =	vsub.f32 v27, v37;
	v27 =	vld [tilespmem:s6+$0xFFFFFF80]  }
0x81: {  	[tilespmem:$0x1FFB0] =	vst v0;
	v0 =	vld [tilespmem:s6+$0xFFFFFF60]  }
0x82: {  	v13 =	vsub.f32 v54, v13;
	v54 =	vld [tilespmem:s9+$0xFFFFFF90]  }
0x83: {  	v40 =	vsub.f32 v40, v45;
	v45 =	vld [tilespmem:s7+$0xFFFFFF90]  }
0x84: {  	v34 =	vsub.f32 v34, v48;
	v48 =	vld [tilespmem:s9+$0x80]  }
0x85: {  	v19 =	vsub.f32 v19, v17;
	v17 =	vsub.f32 v21, v42;
	v42 =	vld [tilespmem:s7+$0x80]  }
0x86: {  	v38 =	vsub.f32 v35, v38;
	[tilespmem:$0x1FFC0] =	vst v0;
	v0 =	vld [tilespmem:s9+$0xFFFFFF70]  }
0x87: {  	v21 =	vsub.f32 v43, v44;
	v20 =	vsub.f32 v28, v20;
	v44 =	vld [tilespmem:s9+$0xFFFFFF10]  }
0x88: {  	v28 =	vsub.f32 v47, v23;
	v35 =	vsub.f32 v29, v6;
	v6 =	vld [tilespmem:s9+$0x0]  }
0x89: {  	v23 =	vsub.f32 v51, v22;
	v22 =	vsub.f32 v49, v1;
	v1 =	vld [tilespmem:s7+$0x0]  }
0x8a: {  	v36 =	vsub.f32 v2, v36;
	v33 =	vsub.f32 v33, v39;
	v49 =	vld [tilespmem:s7+$0xFFFFFF10]  }
0x8b: {  	v29 =	vsub.f32 v55, v56;
	v39 =	vsub.f32 v26, v25;
	[tilespmem:$0x1FFD0] =	vst v0;
	v0 =	vld [tilespmem:s6+$0xFFFFFFD0]  }
0x8c: {  	v26 =	vsub.f32 v59, v60;
	v25 =	vsub.f32 v57, v58;
	v47 =	vld [tilespmem:s9+$0xFFFFFF80]  }
0x8d: {  	v41 =	vsub.f32 v63, v41;
	v43 =	vsub.f32 v61, v62;
	v51 =	vld [tilespmem:s7+$0xFFFFFF80]  }
0x8e: {  	v31 =	vsub.f32 v31, v30;
	v30 =	vsub.f32 v53, v46;
	v46 =	vld [tilespmem:s9+$0xFFFFFF00]  }
0x8f: {  	s8 =	simm.s32 $0x4;
	s11 =	smov.u32 s6;
	v52 =	vsub.f32 v52, v50;
	v50 =	vld [tilespmem:s7+$0xFFFFFF00];
	v53 =	vsub.f32 v6, v1  }
0x90: {  	s10 =	smov.u32 s7;
	s26 =	smov.u32 s9;
	s5 =	simm.s32 $0x0;
	v45 =	vsub.f32 v54, v45;
	v54 =	vimm.f32 $0.0e+00;
	v42 =	vsub.f32 v48, v42;
	v48 =	vld [tilespmem:s6+$0x20];
	[tilespmem:$0x1FFE0] =	vst v0  }
.LBB2_4:
0x91: {  	v56 =	vld [tilespmem:s11+$0xFFFFFF10]  }
0x92: {  	v0 =	vld [tilespmem:$0x1FFE0]  }
0x93: {  	v58 =	vld [tilespmem:s11+$0x80]  }
0x94: {  	v59 =	vld [tilespmem:s11+$0xFFFFFF20]  }
0x95: {  	v61 =	vld [tilespmem:s11+$0x90]  }
0x96: {  	v62 =	vld [tilespmem:s11+$0xFFFFFF30]  }
0x97: {  	v1 =	vsub.f32 v44, v49;
	v49 =	vld [tilespmem:s11+$0xFFFFFF90];
	v32 =	vmul.f32 v53, v32  }
0x98: {  	v63 =	vld [tilespmem:s11+$0xFFFFFF40];
	v47 =	vsub.f32 v47, v51;
	v36 =	vmul.f32 v36, v8  }
0x99: {  	v8 =	vmul.f32 v40, v9;
	v9 =	vld [tilespmem:s11+$0xFFFFFFA0];
	v24 =	vmul.f32 v52, v24;
	v32 =	vadd.f32 $0.0e+00, v32  }
0x9a: {  	v53 =	vld [tilespmem:s11+$0xFFFFFF00];
	v27 =	vmul.f32 v47, v27  }
0x9b: {  	s26 =	sadd.s32 $0x200, s26;
	v57 =	vmul.f32 v43, v48;
	v16 =	vmul.f32 v29, v16;
	v29 =	vld [tilespmem:s11+$0xFFFFFF50];
	v24 =	vadd.f32 v24, v32  }
0x9c: {  	v15 =	vmul.f32 v35, v15;
	v35 =	vld [tilespmem:s26+$0x50];
	v27 =	vadd.f32 $0.0e+00, v27;
	v60 =	vmul.f32 v45, v49  }
0x9d: {  	v18 =	vmul.f32 v39, v18;
	v43 =	vld [tilespmem:s26+$0xFFFFFF50];
	v24 =	vadd.f32 v57, v24  }
0x9e: {  	v55 =	vsub.f32 v46, v50;
	v46 =	vld [tilespmem:s26+$0x40];
	v9 =	vmul.f32 v41, v9;
	v27 =	vadd.f32 v60, v27  }
0x9f: {  	v18 =	vadd.f32 v18, v24;
	v24 =	vld [tilespmem:s11+$0xA0]  }
0xa0: {  	v48 =	vld [tilespmem:s26+$0xFFFFFFC0];
	v9 =	vadd.f32 v9, v27;
	v27 =	vmul.f32 v42, v58  }
0xa1: {  	v14 =	vmul.f32 v28, v14;
	v15 =	vadd.f32 v15, v18;
	v18 =	vld [tilespmem:s11+$0xB0]  }
0xa2: {  	v50 =	vld [tilespmem:s26+$0xB0];
	v9 =	vadd.f32 v16, v9;
	v16 =	vadd.f32 $0.0e+00, v27;
	v27 =	vmul.f32 v30, v61  }
0xa3: {  	v11 =	vmul.f32 v38, v12;
	v52 =	vld [tilespmem:s26+$0xFFFFFF40];
	v12 =	vmul.f32 v33, v0  }
0xa4: {  	v44 =	vld [tilespmem:s26+$0xFFFFFF10];
	v9 =	vadd.f32 v14, v9;
	v14 =	vadd.f32 v27, v16;
	v16 =	vmul.f32 v25, v24  }
0xa5: {  	v10 =	vmul.f32 v34, v10;
	v11 =	vadd.f32 v11, v15;
	v15 =	vld [tilespmem:s11+$0xC0]  }
0xa6: {  	v24 =	vld [tilespmem:s11+$0xFFFFFF70];
	v9 =	vadd.f32 v12, v9;
	v12 =	vadd.f32 v16, v14;
	v14 =	vmul.f32 v22, v18  }
0xa7: {  	v8 =	vadd.f32 v8, v11;
	v11 =	vld [tilespmem:s11+$0xD0]  }
0xa8: {  	v9 =	vadd.f32 v10, v9;
	v10 =	vadd.f32 v14, v12;
	v14 =	vld [tilespmem:s11+$0xF0];
	s11 =	sadd.s32 $0x200, s11  }
0xa9: {  	v0 =	vld [tilespmem:s11+$0x70]  }
0xaa: {  	v33 =	vld [tilespmem:s26+$0xFFFFFFD0]  }
0xab: {  	v26 =	vmul.f32 v26, v62;
	v62 =	vld [tilespmem:s26+$0x20]  }
0xac: {  	v1 =	vmul.f32 v1, v56;
	v56 =	vld [tilespmem:s26+$0xFFFFFFB0];
	v34 =	vmul.f32 v55, v53  }
0xad: {  	v41 =	vld [tilespmem:s26+$0xC0]  }
0xae: {  	v28 =	vadd.f32 $0.0e+00, v34;
	[tilespmem:$0x1FF60] =	vst v0;
	v0 =	vld [tilespmem:$0x1FFC0]  }
0xaf: {  	v60 =	vld [tilespmem:s26+$0xFFFFFF30]  }
0xb0: {  	v1 =	vadd.f32 v1, v28;
	v28 =	vmul.f32 v31, v59;
	v31 =	vld [tilespmem:s26+$0xFFFFFF60]  }
0xb1: {  	v58 =	vld [tilespmem:s26+$0xA0]  }
0xb2: {  	v1 =	vadd.f32 v28, v1;
	v28 =	vld [tilespmem:s10+$0xFFFFFF70]  }
0xb3: {  	v4 =	vmul.f32 v19, v0;
	v0 =	vld [tilespmem:$0x1FFD0]  }
0xb4: {  	v1 =	vadd.f32 v26, v1;
	v26 =	vld [tilespmem:s26+$0xFFFFFFE0]  }
0xb5: {  	v23 =	vmul.f32 v23, v63;
	v18 =	vld [tilespmem:s10+$0xF0]  }
0xb6: {  	v16 =	vmul.f32 v21, v29;
	v21 =	vld [tilespmem:s26+$0xE0]  }
0xb7: {  	v1 =	vadd.f32 v23, v1;
	v23 =	vld [tilespmem:s26+$0x60]  }
0xb8: {  	v5 =	vsub.f32 v0, v28;
	v0 =	vld [tilespmem:s11+$0xFFFFFFF0]  }
0xb9: {  	s10 =	sadd.s32 $0x200, s10;
	v29 =	vld [tilespmem:s26+$0xD0]  }
0xba: {  	v22 =	vld [tilespmem:s10+$0xE0]  }
0xbb: {  	v25 =	vld [tilespmem:s10+$0x60]  }
0xbc: {  	v30 =	vld [tilespmem:s10+$0xD0]  }
0xbd: {  	[tilespmem:$0x1FF70] =	vst v0;
	v0 =	vld [tilespmem:$0x1FFA0]  }
0xbe: {  	v38 =	vld [tilespmem:s10+$0x50]  }
0xbf: {  	v39 =	vld [tilespmem:s10+$0xFFFFFFD0]  }
0xc0: {  	v42 =	vld [tilespmem:s10+$0xC0]  }
0xc1: {  	v45 =	vld [tilespmem:s10+$0xFFFFFF50]  }
0xc2: {  	v7 =	vmul.f32 v37, v3;
	v3 =	vmul.f32 v13, v0;
	v0 =	vld [tilespmem:$0x1FFB0]  }
0xc3: {  	v47 =	vld [tilespmem:s10+$0x40];
	v12 =	vmul.f32 v20, v15  }
0xc4: {  	v49 =	vld [tilespmem:s10+$0xFFFFFFC0];
	v1 =	vadd.f32 v16, v1  }
0xc5: {  	v51 =	vld [tilespmem:s10+$0xB0];
	v10 =	vadd.f32 v12, v10;
	v11 =	vmul.f32 v17, v11  }
0xc6: {  	v53 =	vld [tilespmem:s10+$0xFFFFFF40];
	v1 =	vadd.f32 v4, v1  }
0xc7: {  	v4 =	vmul.f32 v5, v24;
	v5 =	vadd.f32 v11, v10;
	v10 =	vsub.f32 v0, v18;
	v0 =	vld [tilespmem:s26+$0xF0]  }
0xc8: {  	v55 =	vld [tilespmem:s10+$0x30]  }
0xc9: {  	v57 =	vld [tilespmem:s10+$0xFFFFFFB0]  }
0xca: {  	v59 =	vld [tilespmem:s10+$0xA0]  }
0xcb: {  	v61 =	vld [tilespmem:s10+$0xFFFFFF30]  }
0xcc: {  	[tilespmem:$0x1FFB0] =	vst v0;
	v0 =	vld [tilespmem:s11+$0x60]  }
0xcd: {  	v63 =	vld [tilespmem:s10+$0x20]  }
0xce: {  	v8 =	vadd.f32 v7, v8;
	v7 =	vld [tilespmem:s26+$0x10]  }
0xcf: {  	v20 =	vld [tilespmem:s10+$0xFFFFFFF0]  }
0xd0: {  	v12 =	vld [tilespmem:s11+$0xE0]  }
0xd1: {  	[tilespmem:$0x1FF90] =	vst v0;
	v0 =	vld [tilespmem:s11+$0xFFFFFFE0]  }
0xd2: {  	v32 =	vld [tilespmem:s11+$0x0]  }
0xd3: {  	(xrf2) =	vadd.scan.msk.f32 $0xffff, v8;
	v8 =	vld [tilespmem:s10+$0x10]  }
0xd4: {  	v27 =	vld [tilespmem:s11+$0xFFFFFF80];
	v9 =	vadd.f32 v36, v9  }
0xd5: {  	v17 =	vld [tilespmem:s10+$0x70]  }
0xd6: {  	(xrf2) =	vadd.scan.msk.f32 $0xffff, v9;
	v9 =	vld [tilespmem:s26+$0xFFFFFF90];
	[tilespmem:$0x1FF80] =	vst v0;
	v0 =	vmov v12  }
0xd7: {  	[tilespmem:$0x1FFA0] =	vst v0;
	v0 =	vld [tilespmem:s11+$0xFFFFFF60]  }
0xd8: {  	v19 =	vld [tilespmem:s26+$0xFFFFFFF0]  }
0xd9: {  	v38 =	vsub.f32 v35, v38;
	v35 =	vsub.f32 v46, v47;
	v47 =	vld [tilespmem:s26+$0xFFFFFF80]  }
0xda: {  	v46 =	vld [tilespmem:s26+$0xFFFFFF00]  }
0xdb: {  	v28 =	vld [tilespmem:s10+$0xFFFFFFE0]  }
0xdc: {  	[tilespmem:$0x1FFC0] =	vst v0;
	v0 =	vld [tilespmem:s26+$0xFFFFFF70]  }
0xdd: {  	v36 =	vsub.f32 v19, v20;
	v20 =	vsub.f32 v41, v42;
	v42 =	vld [tilespmem:s26+$0x0]  }
0xde: {  	v1 =	vadd.f32 v4, v1;
	v13 =	vld [tilespmem:s26+$0x70]  }
0xdf: {  	v11 =	vld [tilespmem:s10+$0x80];
	v3 =	vadd.f32 v3, v5;
	v4 =	vmul.f32 v10, v14  }
0xe0: {  	v34 =	vsub.f32 v26, v28;
	v28 =	vsub.f32 v48, v49;
	v49 =	vld [tilespmem:s10+$0xFFFFFF10];
	(xrf2) =	vadd.scan.msk.f32 $0xffff, v1  }
0xe1: {  	v2 =	vadd.f32 v4, v3;
	[tilespmem:$0x1FFD0] =	vst v0;
	v0 =	vld [tilespmem:s11+$0x50]  }
0xe2: {  	v40 =	vsub.f32 v23, v25;
	v23 =	vsub.f32 v52, v53;
	v48 =	vld [tilespmem:s11+$0x20]  }
0xe3: {  	v52 =	vsub.f32 v7, v8;
	v8 =	vld [tilespmem:$0x1FF70];
	v37 =	vsub.f32 v13, v17;
	(xrf2) =	vadd.scan.msk.f32 $0xffff, v2  }
0xe4: {  	v13 =	vsub.f32 v21, v22;
	v21 =	vsub.f32 v43, v45;
	v45 =	vld [tilespmem:s10+$0x0]  }
0xe5: {  	v3 =	vld [tilespmem:s26+$0x90]  }
0xe6: {  	[tilespmem:$0x1FF50] =	vst v0;
	v0 =	vld [tilespmem:s11+$0xFFFFFFD0]  }
0xe7: {  	v4 =	vld [tilespmem:s10+$0x90]  }
0xe8: {  	s4 =	sadd.s32 $0x2, s5;
	s12 =	sadd.s32 $0x3, s5;
	v15 =	vmov s5;
	v1, _, _ =	vpop (xrf2);
	v10 =	vld [tilespmem:s10+$0xFFFFFF90]  }
0xe9: {  	v24 =	vmov s12;
	v1 =	vbroadcast v1, $0xF;
	v5 =	vld [tilespmem:s26+$0xFFFFFF20];
	v18 =	vmov s4;
	v14, _, _ =	vpop (xrf2)  }
0xea: {  	v17 =	vsub.f32 v29, v30;
	v22 =	vsub.f32 v50, v51;
	v51 =	vld [tilespmem:s10+$0xFFFFFF80];
	v16, _, _ =	vpop (xrf2);
	v14 =	vbroadcast v14, $0xF  }
0xeb: {  	s28 =	sadd.s32 $0x1, s5;
	v50 =	vld [tilespmem:s10+$0xFFFFFF00];
	v16 =	vbroadcast v16, $0xF;
	v53 =	vsub.f32 v42, v45;
	[tilespmem:$0x1FFE0] =	vst v0;
	v0 =	vlaneseq.u32  }
0xec: {  	v2 =	vmov s28;
	v30 =	vsub.f32 v3, v4;
	v3 =	vld [tilespmem:$0x1FF60];
	vm0 =	veq.s32 v15, v0  }
0xed: {  	v45 =	vsub.f32 v9, v10;
	v9 =	vld [tilespmem:$0x1FF90];
	vm13 =	veq.s32 v2, v0;
	v15, _, _ =	vpop (xrf2);
	v6 =	vsel vm0, v16, v54  }
0xee: {  	v10 =	vld [tilespmem:$0x1FF80];
	vm14 =	veq.s32 v18, v0;
	v6 =	vsel vm13, v14, v6;
	v14 =	vbroadcast v15, $0xF  }
0xef: {  	vm15 =	veq.s32 v24, v0;
	v18 =	vld [tilespmem:s11+$0x30];
	v1 =	vsel vm14, v1, v6  }
0xf0: {  	v12 =	vsel vm15, v14, v1;
	v1 =	vld [tilespmem:s10+$0xFFFFFF60]  }
0xf1: {  	v0 =	vld [tilespmem:s26+$0xFFFFFFA0]  }
0xf2: {  	v2 =	vld [tilespmem:s10+$0xFFFFFFA0]  }
0xf3: {  	v54 =	vld [tilespmem:s26+$0x30]  }
0xf4: {  	v6 =	vld [tilespmem:s10+$0xFFFFFF20]  }
0xf5: {  	p1 =	slt.u32 s8, $0xC;
	v19 =	vsub.f32 v31, v1;
	v1 =	vld [tilespmem:s26+$0x80]  }
.Ltmp0:
0xf6: {  	v33 =	vsub.f32 v33, v39;
	v24 =	vld [tilespmem:s11+$0x10];
	(pc) =	sbr.rel @p1 .LBB2_4-.Ltmp0, $4  }
0xf7: {  	v25 =	vsub.f32 v58, v59;
	v26 =	vsub.f32 v60, v61;
	v16 =	vld [tilespmem:s11+$0xFFFFFFB0]  }
0xf8: {  	v29 =	vsub.f32 v56, v57;
	v43 =	vsub.f32 v62, v63;
	v15 =	vld [tilespmem:s11+$0x40]  }
0xf9: {  	v14 =	vld [tilespmem:s11+$0xFFFFFFC0];
	v41 =	vsub.f32 v0, v2;
	v39 =	vsub.f32 v54, v55  }
0xfa: {  	s5 =	smov.u32 s8;
	s8 =	sadd.s32 $0x4, s8;
	v54 =	vmov v12;
	v12 =	vld [tilespmem:$0x1FF50];
	v31 =	vsub.f32 v5, v6;
	v42 =	vsub.f32 v1, v11  }
0xfb: {  	v1 =	vld [tilespmem:s11+$0xFFFFFF90]  }
0xfc: {  	v4 =	vld [tilespmem:s11+$0xFFFFFF00]  }
0xfd: {  	v3 =	vmul.f32 v37, v3;
	v37 =	vld [tilespmem:s11+$0xFFFFFFA0]  }
0xfe: {  	v0 =	vsub.f32 v44, v49;
	v44 =	vld [tilespmem:s11+$0xFFFFFF10]  }
0xff: {  	v5 =	vsub.f32 v47, v51;
	v47 =	vmul.f32 v43, v48;
	v48 =	vld [tilespmem:s11+$0x80]  }
0x100: {  	v2 =	vmul.f32 v53, v32;
	v6 =	vmul.f32 v36, v8;
	v49 =	vld [tilespmem:$0x1FFE0]  }
0x101: {  	v7 =	vmul.f32 v40, v9;
	v40 =	vmul.f32 v52, v24;
	v11 =	vsub.f32 v46, v50;
	v50 =	vld [tilespmem:s11+$0xFFFFFF20]  }
0x102: {  	v10 =	vmul.f32 v34, v10;
	v51 =	vld [tilespmem:s11+$0x90];
	v52 =	vmul.f32 v39, v18  }
0x103: {  	v53 =	vld [tilespmem:s11+$0xFFFFFF30];
	v59 =	vmul.f32 v29, v16;
	v5 =	vmul.f32 v5, v27  }
0x104: {  	v57 =	vld [tilespmem:s11+$0xA0];
	v2 =	vadd.f32 $0.0e+00, v2;
	v15 =	vmul.f32 v35, v15;
	v56 =	vmul.f32 v28, v14  }
0x105: {  	v58 =	vld [tilespmem:s11+$0xFFFFFF40];
	v46 =	vmul.f32 v38, v12;
	v12 =	vmul.f32 v33, v49  }
0x106: {  	v62 =	vld [tilespmem:s11+$0xB0];
	v2 =	vadd.f32 v40, v2;
	v1 =	vmul.f32 v45, v1;
	v4 =	vmul.f32 v11, v4  }
0x107: {  	v5 =	vadd.f32 $0.0e+00, v5;
	v55 =	vmul.f32 v41, v37;
	v60 =	vmul.f32 v42, v48;
	v33 =	vld [tilespmem:s10+$0xFFFFFF70]  }
0x108: {  	v0 =	vmul.f32 v0, v44;
	v44 =	vld [tilespmem:$0x1FFD0];
	v2 =	vadd.f32 v47, v2;
	v4 =	vadd.f32 $0.0e+00, v4  }
0x109: {  	v63 =	vld [tilespmem:s11+$0xFFFFFF50];
	v9 =	vmul.f32 v30, v51;
	v1 =	vadd.f32 v1, v5;
	v29 =	vadd.f32 $0.0e+00, v60  }
0x10a: {  	v32 =	vld [tilespmem:s11+$0xC0];
	v61 =	vmul.f32 v31, v50;
	v2 =	vadd.f32 v52, v2;
	v0 =	vadd.f32 v0, v4  }
0x10b: {  	v36 =	vld [tilespmem:s11+$0xD0];
	v31 =	vmul.f32 v26, v53;
	v1 =	vadd.f32 v55, v1;
	v5 =	vadd.f32 v9, v29  }
0x10c: {  	v43 =	vld [tilespmem:$0x1FFC0];
	v34 =	vmul.f32 v25, v57;
	v2 =	vadd.f32 v15, v2;
	v0 =	vadd.f32 v61, v0  }
0x10d: {  	v40 =	vld [tilespmem:s10+$0xF0];
	v35 =	vmul.f32 v23, v58;
	v11 =	vsub.f32 v44, v33;
	v1 =	vadd.f32 v59, v1  }
0x10e: {  	v37 =	vld [tilespmem:s11+$0xFFFFFF70];
	v38 =	vmul.f32 v22, v62;
	v5 =	vadd.f32 v34, v5;
	v0 =	vadd.f32 v31, v0  }
0x10f: {  	v39 =	vmul.f32 v21, v63;
	v48 =	vld [tilespmem:$0x1FFA0];
	v2 =	vadd.f32 v46, v2;
	v1 =	vadd.f32 v56, v1  }
0x110: {  	v41 =	vmul.f32 v20, v32;
	v49 =	vld [tilespmem:$0x1FFB0];
	v5 =	vadd.f32 v38, v5;
	v0 =	vadd.f32 v35, v0  }
0x111: {  	v4 =	vmul.f32 v19, v43;
	v2 =	vadd.f32 v7, v2;
	v1 =	vadd.f32 v12, v1  }
0x112: {  	v42 =	vld [tilespmem:s11+$0xF0];
	v46 =	vmul.f32 v17, v36;
	v45 =	vadd.f32 v41, v5;
	v0 =	vadd.f32 v39, v0  }
0x113: {  	v2 =	vadd.f32 v3, v2;
	v1 =	vadd.f32 v10, v1  }
0x114: {  	v47 =	vmul.f32 v11, v37;
	v3 =	vadd.f32 v46, v45;
	v0 =	vadd.f32 v4, v0  }
0x115: {  	v5 =	vmul.f32 v13, v48;
	v1 =	vadd.f32 v6, v1;
	v6 =	vsub.f32 v49, v40  }
0x116: {  	(xrf2) =	vadd.scan.msk.f32 $0xffff, v2;
	v0 =	vadd.f32 v47, v0  }
0x117: {  	v50 =	vadd.f32 v5, v3;
	(xrf2) =	vadd.scan.msk.f32 $0xffff, v1;
	v51 =	vmul.f32 v6, v42  }
0x118: {  	(xrf2) =	vadd.scan.msk.f32 $0xffff, v0  }
0x119: {  	v52 =	vadd.f32 v51, v50;
	_ =	sdelay $0x1  }
0x11a: {  	(xrf2) =	vadd.scan.msk.f32 $0xffff, v52;
	_ =	sdelay $0x4  }
0x11b: {  	v53, _, _ =	vpop (xrf2)  }
0x11c: {  	s4 =	sadd.s32 $0x2, s5;
	v63 =	vld [tilespmem:$0x1FFF0];
	v55, _, _ =	vpop (xrf2)  }
0x11d: {  	v58 =	vmov s4;
	v60 =	vlaneseq.u32;
	v57, _, _ =	vpop (xrf2)  }
0x11e: {  	s26 =	sadd.s32 $0x1, s5;
	s28 =	sshll.u32 s30, $0x4;
	s30 =	sadd.s32 $0x1, s30;
	vm14 =	veq.s32 v58, v60;
	v56 =	vmov s5;
	v3 =	vbroadcast v57, $0xF  }
0x11f: {  	p1 =	sne.s32 s30, $0x4;
	v61 =	vmov s26;
	vm0 =	veq.s32 v56, v60;
	v1 =	vbroadcast v55, $0xF  }
.Ltmp1:
0x120: {  	s8 =	sadd.s32 $0x3, s5;
	vm13 =	veq.s32 v61, v60;
	v0 =	vbroadcast v53, $0xF;
	v62, _, _ =	vpop (xrf2);
	v3 =	vsel vm0, v3, v54;
	(pc) =	sbr.rel @p1 .LBB2_3-.Ltmp1, $4  }
0x121: {  	v59 =	vmov s8;
	v2 =	vbroadcast v62, $0xF;
	v1 =	vsel vm13, v1, v3  }
0x122: {  	vm15 =	veq.s32 v59, v60;
	v0 =	vsel vm14, v0, v1  }
0x123: {  	s4 =	sand.u32 $0x3FFFFFF0, s28;
	v0 =	vsel vm15, v2, v0  }
0x124: {  	s9 =	sadd.s32 $0x800, s9;
	s7 =	sadd.s32 $0x800, s7;
	s6 =	sadd.s32 $0x800, s6;
	[tilespmem:v63+s4+$0x0 ss:$0x1] =	vst.idx.msk $0xffff, v0  }
0x125: {  	s4 =	simm.s32 @p0 $0x40;
	s5 =	simm.s32 @p0 $0x100;
	s6 =	simm.s32 @p0 $0x600  }
0x126: {  	[tilespmem:s6], [sflag:$0x1] =	stream.indirect.gather @p0 [hbm4b:s1+s4], $0x80, s5, s4, $0xb8;
	[tilespmem:$0x18800] =	vst v63  }
0x127: {  	s5 =	simm.s32 @p0 $0x300;
	s6 =	simm.s32 @p0 $0x2600  }
0x128: {  	[tilespmem:s6], [sflag:$0x2] =	stream.indirect.gather @p0 [hbm4b:s2+s4], $0x80, s5, s4, $0xb8;
	[tilespmem:$0x18800] =	vst v63  }
0x129: {  	s5 =	simm.s32 @p0 $0x500;
	s6 =	simm.s32 @p0 $0x4600  }
0x12a: {  	[tilespmem:s6], [sflag:$0x3] =	stream.indirect.gather @p0 [hbm4b:s2+s4], $0x80, s5, s4, $0xb8;
	[tilespmem:$0x18800] =	vst v63  }
0x12b: {  	_ =	swait.ge [sflag:s13], $0x2000  }
0x12c: {  	[sflag:s13] =	ssyncset.done $0x0  }
0x12d: {  	[sflag:s13] =	ssyncadd.s32 $0xFFFFE000  }
0x12e: {  	_ =	swait.ge [sflag:s14], $0x2000  }
0x12f: {  	[sflag:s14] =	ssyncset.done $0x0  }
0x130: {  	[sflag:s14] =	ssyncadd.s32 $0xFFFFE000  }
0x131: {  	s28 =	sadd.s32 $0x18640, s29;
	_ =	swait.ge [sflag:s19], $0x2000  }
0x132: {  	s30 =	simm.s32 $0x0;
	s26 =	simm.s32 $0x8700;
	v0 =	vmov s28;
	[sflag:s19] =	ssyncset.done $0x0  }
0x133: {  	s10 =	simm.s32 $0xA700;
	s11 =	simm.s32 $0x6700;
	[tilespmem:$0x1FF40] =	vst v0;
	[sflag:s19] =	ssyncadd.s32 $0xFFFFE000  }
.LBB2_7:
0x134: {  	v3 =	vld [tilespmem:s11+$0x70]  }
0x135: {  	v8 =	vld [tilespmem:s11+$0xFFFFFFF0]  }
0x136: {  	v0 =	vld [tilespmem:s11+$0xE0]  }
0x137: {  	v9 =	vld [tilespmem:s11+$0x60]  }
0x138: {  	v27 =	vld [tilespmem:s26+$0x70]  }
0x139: {  	v37 =	vld [tilespmem:s10+$0x70]  }
0x13a: {  	v10 =	vld [tilespmem:s11+$0xFFFFFFE0]  }
0x13b: {  	v2 =	vld [tilespmem:s26+$0xFFFFFFF0]  }
0x13c: {  	v36 =	vld [tilespmem:s10+$0xFFFFFFF0]  }
0x13d: {  	v13 =	vld [tilespmem:s26+$0xE0]  }
0x13e: {  	v40 =	vld [tilespmem:s10+$0xE0]  }
0x13f: {  	v11 =	vld [tilespmem:s11+$0x50]  }
0x140: {  	v6 =	vld [tilespmem:s26+$0x60]  }
0x141: {  	v19 =	vld [tilespmem:s10+$0x60]  }
0x142: {  	v12 =	vld [tilespmem:s11+$0xFFFFFFD0]  }
0x143: {  	v34 =	vld [tilespmem:s26+$0xFFFFFFE0]  }
0x144: {  	v21 =	vld [tilespmem:s26+$0xD0]  }
0x145: {  	v48 =	vld [tilespmem:s10+$0xD0]  }
0x146: {  	v42 =	vld [tilespmem:s26+$0xFFFFFF60]  }
0x147: {  	v17 =	vld [tilespmem:s10+$0xFFFFFF60]  }
0x148: {  	v15 =	vld [tilespmem:s11+$0x40]  }
0x149: {  	v44 =	vld [tilespmem:s26+$0x50]  }
0x14a: {  	v35 =	vld [tilespmem:s10+$0x50]  }
0x14b: {  	v14 =	vld [tilespmem:s11+$0xFFFFFFC0]  }
0x14c: {  	v33 =	vld [tilespmem:s26+$0xFFFFFFD0]  }
0x14d: {  	v38 =	vld [tilespmem:s10+$0xFFFFFFD0]  }
0x14e: {  	v39 =	vld [tilespmem:s26+$0xC0]  }
0x14f: {  	v28 =	vld [tilespmem:s10+$0xC0]  }
0x150: {  	v20 =	vld [tilespmem:s26+$0xFFFFFF50]  }
0x151: {  	v43 =	vld [tilespmem:s10+$0xFFFFFF50]  }
0x152: {  	v18 =	vld [tilespmem:s11+$0x30]  }
0x153: {  	v1 =	vld [tilespmem:s26+$0x40]  }
0x154: {  	v23 =	vld [tilespmem:s10+$0x40]  }
0x155: {  	v16 =	vld [tilespmem:s11+$0xFFFFFFB0]  }
0x156: {  	v47 =	vld [tilespmem:s26+$0xFFFFFFC0]  }
0x157: {  	v22 =	vld [tilespmem:s10+$0xFFFFFFC0]  }
0x158: {  	v49 =	vld [tilespmem:s26+$0xB0]  }
0x159: {  	v25 =	vld [tilespmem:s10+$0xB0]  }
0x15a: {  	v51 =	vld [tilespmem:s26+$0xFFFFFF40]  }
0x15b: {  	v29 =	vld [tilespmem:s10+$0xFFFFFF40]  }
0x15c: {  	v26 =	vld [tilespmem:s26+$0x30]  }
0x15d: {  	v54 =	vld [tilespmem:s10+$0x30]  }
0x15e: {  	v55 =	vld [tilespmem:s26+$0xFFFFFFB0]  }
0x15f: {  	v56 =	vld [tilespmem:s10+$0xFFFFFFB0]  }
0x160: {  	v57 =	vld [tilespmem:s26+$0xA0]  }
0x161: {  	v58 =	vld [tilespmem:s10+$0xA0]  }
0x162: {  	v59 =	vld [tilespmem:s26+$0xFFFFFF30]  }
0x163: {  	v60 =	vld [tilespmem:s10+$0xFFFFFF30]  }
0x164: {  	v24 =	vld [tilespmem:s11+$0x10]  }
0x165: {  	v61 =	vld [tilespmem:s26+$0x20]  }
0x166: {  	v62 =	vld [tilespmem:s10+$0x20]  }
0x167: {  	v63 =	vld [tilespmem:s26+$0xFFFFFFA0]  }
0x168: {  	[tilespmem:$0x1FF00] =	vst v0;
	v0 =	vld [tilespmem:s26+$0xF0]  }
0x169: {  	v41 =	vld [tilespmem:s10+$0xFFFFFFA0]  }
0x16a: {  	v53 =	vld [tilespmem:s26+$0x90]  }
0x16b: {  	v46 =	vld [tilespmem:s10+$0x90]  }
0x16c: {  	v31 =	vld [tilespmem:s26+$0xFFFFFF20]  }
0x16d: {  	[tilespmem:$0x1FF10] =	vst v0;
	v0 =	vld [tilespmem:s11+$0xFFFFFF60]  }
0x16e: {  	v30 =	vld [tilespmem:s10+$0xFFFFFF20]  }
0x16f: {  	v32 =	vld [tilespmem:s11+$0x0]  }
0x170: {  	v52 =	vld [tilespmem:s26+$0x10]  }
0x171: {  	v50 =	vld [tilespmem:s10+$0x10]  }
0x172: {  	[tilespmem:$0x1FF20] =	vst v0;
	v0 =	vld [tilespmem:s26+$0xFFFFFF70]  }
0x173: {  	v45 =	vld [tilespmem:s26+$0xFFFFFF90]  }
0x174: {  	v37 =	vsub.f32 v27, v37;
	v27 =	vld [tilespmem:s11+$0xFFFFFF80]  }
0x175: {  	v13 =	vsub.f32 v13, v40;
	v40 =	vsub.f32 v6, v19;
	v6 =	vld [tilespmem:s10+$0xFFFFFF90]  }
0x176: {  	v19 =	vsub.f32 v42, v17;
	v17 =	vsub.f32 v21, v48;
	v48 =	vld [tilespmem:s26+$0x80]  }
0x177: {  	v36 =	vsub.f32 v2, v36;
	v33 =	vsub.f32 v33, v38;
	[tilespmem:$0x1FF30] =	vst v0;
	v0 =	vld [tilespmem:s10+$0xFFFFFFE0]  }
0x178: {  	v38 =	vsub.f32 v44, v35;
	v42 =	vld [tilespmem:s10+$0x80];
	v21 =	vsub.f32 v20, v43  }
0x179: {  	v20 =	vsub.f32 v39, v28;
	v44 =	vld [tilespmem:s26+$0xFFFFFF10];
	v28 =	vsub.f32 v47, v22  }
0x17a: {  	v35 =	vsub.f32 v1, v23;
	v1 =	vld [tilespmem:s26+$0x0];
	v23 =	vsub.f32 v51, v29  }
0x17b: {  	v22 =	vsub.f32 v49, v25;
	v29 =	vsub.f32 v55, v56;
	v49 =	vld [tilespmem:s10+$0xFFFFFF10]  }
0x17c: {  	v39 =	vsub.f32 v26, v54;
	v34 =	vsub.f32 v34, v0;
	v0 =	vld [tilespmem:s10+$0x0]  }
0x17d: {  	v26 =	vsub.f32 v59, v60;
	v25 =	vsub.f32 v57, v58;
	v47 =	vld [tilespmem:s26+$0xFFFFFF80]  }
0x17e: {  	v41 =	vsub.f32 v63, v41;
	v43 =	vsub.f32 v61, v62;
	v51 =	vld [tilespmem:s10+$0xFFFFFF80]  }
0x17f: {  	v31 =	vsub.f32 v31, v30;
	v30 =	vsub.f32 v53, v46;
	v46 =	vld [tilespmem:s26+$0xFFFFFF00]  }
0x180: {  	s8 =	simm.s32 $0x4;
	s6 =	smov.u32 s11;
	v52 =	vsub.f32 v52, v50;
	v50 =	vld [tilespmem:s10+$0xFFFFFF00];
	v45 =	vsub.f32 v45, v6  }
0x181: {  	s7 =	smov.u32 s10;
	s9 =	smov.u32 s26;
	s5 =	simm.s32 $0x0;
	v54 =	vimm.f32 $0.0e+00;
	v42 =	vsub.f32 v48, v42;
	v48 =	vld [tilespmem:s11+$0x20];
	v53 =	vsub.f32 v1, v0  }
.LBB2_8:
0x182: {  	v1 =	vld [tilespmem:s6+$0xFFFFFF90]  }
0x183: {  	v55 =	vld [tilespmem:s6+$0xFFFFFF00]  }
0x184: {  	v58 =	vld [tilespmem:s6+$0xFFFFFF10]  }
0x185: {  	v60 =	vld [tilespmem:s6+$0x80]  }
0x186: {  	v61 =	vld [tilespmem:s6+$0xFFFFFF20]  }
0x187: {  	v62 =	vld [tilespmem:s6+$0x90]  }
0x188: {  	v63 =	vld [tilespmem:s6+$0xFFFFFF30]  }
0x189: {  	v36 =	vmul.f32 v36, v8;
	v8 =	vmul.f32 v40, v9;
	v9 =	vld [tilespmem:s6+$0xFFFFFFA0]  }
0x18a: {  	s9 =	sadd.s32 $0x200, s9;
	v14 =	vmul.f32 v28, v14;
	v28 =	vld [tilespmem:s6+$0xFFFFFF40]  }
0x18b: {  	v12 =	vmul.f32 v33, v12;
	v33 =	vld [tilespmem:s9+$0xFFFFFFD0]  }
0x18c: {  	v18 =	vmul.f32 v39, v18;
	v39 =	vld [tilespmem:s9+$0xC0]  }
0x18d: {  	v56 =	vsub.f32 v47, v51;
	v47 =	vld [tilespmem:s9+$0xFFFFFFC0]  }
0x18e: {  	v0 =	vsub.f32 v44, v49;
	v49 =	vld [tilespmem:s9+$0xB0]  }
0x18f: {  	v32 =	vmul.f32 v53, v32;
	v51 =	vld [tilespmem:s9+$0xFFFFFF40]  }
0x190: {  	v53 =	vld [tilespmem:s9+$0x30]  }
0x191: {  	v24 =	vmul.f32 v52, v24;
	v44 =	vld [tilespmem:s9+$0xFFFFFF10];
	v32 =	vadd.f32 $0.0e+00, v32  }
0x192: {  	v57 =	vsub.f32 v46, v50;
	v1 =	vmul.f32 v45, v1;
	v45 =	vld [tilespmem:s9+$0x40];
	v27 =	vmul.f32 v56, v27  }
0x193: {  	v59 =	vmul.f32 v43, v48;
	v26 =	vmul.f32 v26, v63;
	v63 =	vld [tilespmem:s9+$0xFFFFFFA0];
	v24 =	vadd.f32 v24, v32  }
0x194: {  	v10 =	vmul.f32 v34, v10;
	v34 =	vmul.f32 v57, v55;
	v55 =	vld [tilespmem:s9+$0xFFFFFFB0];
	v27 =	vadd.f32 $0.0e+00, v27  }
0x195: {  	v57 =	vld [tilespmem:s9+$0xA0];
	v24 =	vadd.f32 v59, v24  }
0x196: {  	v9 =	vmul.f32 v41, v9;
	v1 =	vadd.f32 v1, v27;
	v59 =	vld [tilespmem:s9+$0xFFFFFF30]  }
0x197: {  	v0 =	vmul.f32 v0, v58;
	v27 =	vadd.f32 $0.0e+00, v34;
	v18 =	vadd.f32 v18, v24;
	v24 =	vld [tilespmem:s6+$0xA0]  }
0x198: {  	v1 =	vadd.f32 v9, v1;
	v9 =	vmul.f32 v29, v16;
	v29 =	vld [tilespmem:s6+$0xFFFFFF50]  }
0x199: {  	v0 =	vadd.f32 v0, v27;
	v27 =	vmul.f32 v31, v61;
	v31 =	vld [tilespmem:s9+$0x50]  }
0x19a: {  	v15 =	vmul.f32 v35, v15;
	v16 =	vmul.f32 v42, v60;
	v42 =	vld [tilespmem:s9+$0xFFFFFF50]  }
0x19b: {  	v61 =	vld [tilespmem:s9+$0x20]  }
0x19c: {  	v11 =	vmul.f32 v38, v11;
	v15 =	vadd.f32 v15, v18;
	v18 =	vld [tilespmem:s6+$0xB0];
	v1 =	vadd.f32 v9, v1  }
0x19d: {  	v9 =	vadd.f32 $0.0e+00, v16;
	v16 =	vmul.f32 v30, v62;
	v0 =	vadd.f32 v27, v0;
	v27 =	vld [tilespmem:s7+$0xFFFFFF70]  }
0x19e: {  	v11 =	vadd.f32 v11, v15;
	v15 =	vld [tilespmem:s6+$0xC0]  }
0x19f: {  	v9 =	vadd.f32 v16, v9;
	v16 =	vmul.f32 v23, v28;
	v23 =	vld [tilespmem:s6+$0xFFFFFF70]  }
0x1a0: {  	v0 =	vadd.f32 v26, v0;
	v26 =	vld [tilespmem:s9+$0xFFFFFFE0]  }
0x1a1: {  	v1 =	vadd.f32 v14, v1;
	v14 =	vmul.f32 v25, v24;
	v8 =	vadd.f32 v8, v11;
	v11 =	vld [tilespmem:s6+$0xD0]  }
0x1a2: {  	v0 =	vadd.f32 v16, v0;
	v16 =	vld [tilespmem:s7+$0xF0]  }
0x1a3: {  	s7 =	sadd.s32 $0x200, s7;
	v9 =	vadd.f32 v14, v9;
	v14 =	vmul.f32 v21, v29;
	v21 =	vld [tilespmem:s9+$0xE0]  }
0x1a4: {  	v1 =	vadd.f32 v12, v1;
	v12 =	vmul.f32 v22, v18;
	v22 =	vld [tilespmem:s7+$0xE0]  }
0x1a5: {  	v25 =	vld [tilespmem:s7+$0x60]  }
0x1a6: {  	v28 =	vld [tilespmem:s7+$0xFFFFFFE0]  }
0x1a7: {  	v29 =	vld [tilespmem:s9+$0xD0]  }
0x1a8: {  	v30 =	vld [tilespmem:s7+$0xD0]  }
0x1a9: {  	v35 =	vld [tilespmem:s7+$0x50]  }
0x1aa: {  	v9 =	vadd.f32 v12, v9;
	v12 =	vld [tilespmem:s6+$0xF0];
	s6 =	sadd.s32 $0x200, s6  }
0x1ab: {  	v2 =	vld [tilespmem:s6+$0x70]  }
0x1ac: {  	v38 =	vld [tilespmem:s7+$0xFFFFFFD0]  }
0x1ad: {  	v41 =	vld [tilespmem:s7+$0xC0]  }
0x1ae: {  	v43 =	vld [tilespmem:s7+$0xFFFFFF50]  }
0x1af: {  	v46 =	vld [tilespmem:s7+$0x40]  }
0x1b0: {  	[tilespmem:$0x1FEC0] =	vst v2;
	v2 =	vld [tilespmem:$0x1FF20]  }
0x1b1: {  	v48 =	vld [tilespmem:s7+$0xFFFFFFC0]  }
0x1b2: {  	v50 =	vld [tilespmem:s7+$0xB0]  }
0x1b3: {  	v52 =	vld [tilespmem:s7+$0xFFFFFF40]  }
0x1b4: {  	v56 =	vld [tilespmem:s7+$0xFFFFFFB0]  }
0x1b5: {  	v4 =	vmul.f32 v19, v2;
	v2 =	vld [tilespmem:$0x1FF30]  }
0x1b6: {  	v58 =	vld [tilespmem:s7+$0xA0]  }
0x1b7: {  	v7 =	vmul.f32 v37, v3;
	v60 =	vld [tilespmem:s7+$0xFFFFFF30]  }
0x1b8: {  	v62 =	vld [tilespmem:s7+$0x20]  }
0x1b9: {  	v8 =	vadd.f32 v7, v8;
	v7 =	vld [tilespmem:s9+$0x10]  }
0x1ba: {  	v5 =	vsub.f32 v2, v27;
	v2 =	vld [tilespmem:s6+$0xFFFFFFF0]  }
0x1bb: {  	v1 =	vadd.f32 v10, v1;
	v10 =	vmul.f32 v20, v15;
	v20 =	vld [tilespmem:s7+$0xFFFFFFF0]  }
0x1bc: {  	v24 =	vld [tilespmem:s6+$0x10]  }
0x1bd: {  	v32 =	vld [tilespmem:s6+$0x0]  }
0x1be: {  	(xrf2) =	vadd.scan.msk.f32 $0xffff, v8;
	v8 =	vld [tilespmem:s7+$0x10]  }
0x1bf: {  	[tilespmem:$0x1FED0] =	vst v2;
	v2 =	vld [tilespmem:$0x1FF00]  }
0x1c0: {  	v1 =	vadd.f32 v36, v1;
	v9 =	vadd.f32 v10, v9;
	v10 =	vmul.f32 v17, v11;
	v11 =	vld [tilespmem:s6+$0xE0]  }
0x1c1: {  	v17 =	vld [tilespmem:s7+$0x70]  }
0x1c2: {  	(xrf2) =	vadd.scan.msk.f32 $0xffff, v1;
	v1 =	vld [tilespmem:s6+$0x60];
	v33 =	vsub.f32 v33, v38  }
0x1c3: {  	v38 =	vsub.f32 v31, v35;
	v35 =	vsub.f32 v45, v46;
	v45 =	vld [tilespmem:s7+$0x0]  }
0x1c4: {  	v3 =	vmul.f32 v13, v2;
	v2 =	vld [tilespmem:$0x1FF10]  }
0x1c5: {  	v34 =	vsub.f32 v26, v28;
	v28 =	vsub.f32 v47, v48;
	v47 =	vld [tilespmem:s9+$0xFFFFFF80]  }
0x1c6: {  	v0 =	vadd.f32 v14, v0;
	v46 =	vld [tilespmem:s9+$0xFFFFFF00]  }
0x1c7: {  	v48 =	vld [tilespmem:s6+$0x20]  }
0x1c8: {  	v19 =	vld [tilespmem:s9+$0xFFFFFFF0];
	v0 =	vadd.f32 v4, v0  }
0x1c9: {  	v4 =	vmul.f32 v5, v23;
	v5 =	vadd.f32 v10, v9;
	v10 =	vsub.f32 v2, v16;
	v2 =	vld [tilespmem:s9+$0xF0]  }
0x1ca: {  	v27 =	vld [tilespmem:s6+$0xFFFFFF80]  }
0x1cb: {  	v23 =	vld [tilespmem:s9+$0x60]  }
0x1cc: {  	[tilespmem:$0x1FEF0] =	vst v1;
	v1 =	vmov v11;
	v9 =	vld [tilespmem:s9+$0xFFFFFF90]  }
0x1cd: {  	v0 =	vadd.f32 v4, v0;
	[tilespmem:$0x1FF00] =	vst v1;
	v1 =	vld [tilespmem:s6+$0xFFFFFF60]  }
0x1ce: {  	v13 =	vld [tilespmem:s9+$0x70];
	[tilespmem:$0x1FF10] =	vst v2;
	v2 =	vadd.f32 v3, v5;
	v3 =	vmul.f32 v10, v12  }
0x1cf: {  	v4 =	vld [tilespmem:s7+$0x90];
	(xrf2) =	vadd.scan.msk.f32 $0xffff, v0  }
0x1d0: {  	v0 =	vld [tilespmem:s6+$0xFFFFFFE0];
	v2 =	vadd.f32 v3, v2  }
0x1d1: {  	v40 =	vsub.f32 v23, v25;
	v23 =	vsub.f32 v51, v52;
	v51 =	vld [tilespmem:s7+$0xFFFFFF80]  }
0x1d2: {  	v52 =	vsub.f32 v7, v8;
	v8 =	vld [tilespmem:$0x1FED0];
	(xrf2) =	vadd.scan.msk.f32 $0xffff, v2  }
0x1d3: {  	[tilespmem:$0x1FF20] =	vst v1;
	v1 =	vld [tilespmem:s9+$0xFFFFFF70];
	v37 =	vsub.f32 v13, v17  }
0x1d4: {  	v13 =	vsub.f32 v21, v22;
	v21 =	vsub.f32 v42, v43;
	v42 =	vld [tilespmem:s9+$0x0]  }
0x1d5: {  	v2 =	vld [tilespmem:s6+$0x50]  }
0x1d6: {  	v22 =	vsub.f32 v49, v50;
	v49 =	vld [tilespmem:s7+$0xFFFFFF10]  }
0x1d7: {  	s12 =	sadd.s32 $0x3, s5;
	[tilespmem:$0x1FEE0] =	vst v0;
	v0, _, _ =	vpop (xrf2);
	v50 =	vld [tilespmem:s7+$0xFFFFFF00]  }
0x1d8: {  	s4 =	sadd.s32 $0x2, s5;
	v18 =	vmov s12;
	[tilespmem:$0x1FF30] =	vst v1;
	v1, _, _ =	vpop (xrf2);
	v12 =	vld [tilespmem:s6+$0xFFFFFFD0]  }
0x1d9: {  	v14 =	vmov s5;
	v0 =	vbroadcast v0, $0xF;
	v16 =	vmov s4;
	v15, _, _ =	vpop (xrf2);
	v5 =	vld [tilespmem:s9+$0xFFFFFF20]  }
0x1da: {  	s28 =	sadd.s32 $0x1, s5;
	v1 =	vbroadcast v1, $0xF;
	v15 =	vbroadcast v15, $0xF;
	v10 =	vld [tilespmem:s7+$0xFFFFFF90];
	[tilespmem:$0x1FEB0] =	vst v2;
	v2 =	vlaneseq.u32  }
0x1db: {  	v3 =	vmov s28;
	vm0 =	veq.s32 v14, v2;
	vm15 =	veq.s32 v18, v2;
	v18 =	vld [tilespmem:s6+$0x30]  }
0x1dc: {  	vm13 =	veq.s32 v3, v2;
	vm14 =	veq.s32 v16, v2;
	v16 =	vld [tilespmem:s6+$0xFFFFFFB0];
	v6 =	vsel vm0, v15, v54;
	v14, _, _ =	vpop (xrf2)  }
0x1dd: {  	v2 =	vld [tilespmem:s7+$0xFFFFFFA0];
	v1 =	vsel vm13, v1, v6;
	v6 =	vbroadcast v14, $0xF  }
0x1de: {  	v0 =	vsel vm14, v0, v1;
	v1 =	vld [tilespmem:s9+$0xFFFFFF60]  }
0x1df: {  	v11 =	vsel vm15, v6, v0;
	v0 =	vld [tilespmem:s7+$0xFFFFFF60]  }
0x1e0: {  	v3 =	vld [tilespmem:s9+$0x90]  }
0x1e1: {  	v15 =	vld [tilespmem:s6+$0x40]  }
0x1e2: {  	v54 =	vld [tilespmem:s7+$0x30]  }
0x1e3: {  	v26 =	vsub.f32 v59, v60;
	v6 =	vld [tilespmem:s7+$0xFFFFFF20]  }
0x1e4: {  	v36 =	vsub.f32 v19, v20;
	v19 =	vsub.f32 v1, v0;
	v0 =	vld [tilespmem:s9+$0x80]  }
0x1e5: {  	p1 =	slt.u32 s8, $0xC;
	v20 =	vsub.f32 v39, v41;
	v25 =	vsub.f32 v57, v58;
	v1 =	vld [tilespmem:s7+$0x80]  }
.Ltmp2:
0x1e6: {  	v17 =	vsub.f32 v29, v30;
	v29 =	vsub.f32 v55, v56;
	v14 =	vld [tilespmem:s6+$0xFFFFFFC0];
	(pc) =	sbr.rel @p1 .LBB2_8-.Ltmp2, $4  }
0x1e7: {  	v30 =	vsub.f32 v3, v4;
	v3 =	vld [tilespmem:$0x1FEC0];
	v39 =	vsub.f32 v53, v54  }
0x1e8: {  	v53 =	vsub.f32 v42, v45;
	v45 =	vsub.f32 v9, v10;
	v10 =	vld [tilespmem:$0x1FEE0]  }
0x1e9: {  	v43 =	vsub.f32 v61, v62;
	v41 =	vsub.f32 v63, v2;
	v9 =	vld [tilespmem:$0x1FEF0]  }
0x1ea: {  	s5 =	smov.u32 s8;
	s8 =	sadd.s32 $0x4, s8;
	v54 =	vmov v11;
	v11 =	vld [tilespmem:$0x1FEB0];
	v31 =	vsub.f32 v5, v6;
	v42 =	vsub.f32 v0, v1  }
0x1eb: {  	v1 =	vld [tilespmem:s6+$0xFFFFFF90]  }
0x1ec: {  	v4 =	vld [tilespmem:s6+$0xFFFFFF00]  }
0x1ed: {  	v5 =	vsub.f32 v47, v51;
	v47 =	vld [tilespmem:s6+$0xFFFFFF10]  }
0x1ee: {  	v2 =	vmul.f32 v53, v32;
	v6 =	vmul.f32 v36, v8;
	v46 =	vsub.f32 v46, v50;
	v50 =	vld [tilespmem:s6+$0x80]  }
0x1ef: {  	v0 =	vsub.f32 v44, v49;
	v44 =	vmul.f32 v52, v24;
	v49 =	vmul.f32 v43, v48;
	v51 =	vld [tilespmem:s6+$0xFFFFFF20]  }
0x1f0: {  	v12 =	vmul.f32 v33, v12;
	v15 =	vmul.f32 v35, v15;
	v52 =	vld [tilespmem:s6+$0x90]  }
0x1f1: {  	v18 =	vmul.f32 v39, v18;
	v53 =	vld [tilespmem:s6+$0xFFFFFF30];
	v56 =	vmul.f32 v28, v14  }
0x1f2: {  	v57 =	vld [tilespmem:s6+$0xA0];
	v59 =	vmul.f32 v29, v16;
	v3 =	vmul.f32 v37, v3  }
0x1f3: {  	v2 =	vadd.f32 $0.0e+00, v2;
	v10 =	vmul.f32 v34, v10;
	v7 =	vmul.f32 v40, v9;
	v40 =	vld [tilespmem:s6+$0xFFFFFFA0]  }
0x1f4: {  	v58 =	vld [tilespmem:s6+$0xFFFFFF40];
	v5 =	vmul.f32 v5, v27;
	v11 =	vmul.f32 v38, v11  }
0x1f5: {  	v62 =	vld [tilespmem:s6+$0xB0];
	v2 =	vadd.f32 v44, v2;
	v1 =	vmul.f32 v45, v1;
	v4 =	vmul.f32 v46, v4  }
0x1f6: {  	v63 =	vld [tilespmem:s6+$0xFFFFFF50];
	v5 =	vadd.f32 $0.0e+00, v5;
	v0 =	vmul.f32 v0, v47;
	v60 =	vmul.f32 v42, v50  }
0x1f7: {  	v32 =	vld [tilespmem:s6+$0xC0];
	v9 =	vmul.f32 v30, v52;
	v2 =	vadd.f32 v49, v2;
	v4 =	vadd.f32 $0.0e+00, v4  }
0x1f8: {  	v33 =	vld [tilespmem:s7+$0xFFFFFF70];
	v1 =	vadd.f32 v1, v5;
	v29 =	vadd.f32 $0.0e+00, v60;
	v55 =	vmul.f32 v41, v40  }
0x1f9: {  	v36 =	vld [tilespmem:s6+$0xD0];
	v61 =	vmul.f32 v31, v51;
	v2 =	vadd.f32 v18, v2;
	v0 =	vadd.f32 v0, v4  }
0x1fa: {  	v43 =	vld [tilespmem:$0x1FF20];
	v34 =	vmul.f32 v25, v57;
	v5 =	vadd.f32 v9, v29;
	v1 =	vadd.f32 v55, v1  }
0x1fb: {  	v48 =	vld [tilespmem:$0x1FF00];
	v31 =	vmul.f32 v26, v53;
	v2 =	vadd.f32 v15, v2;
	v0 =	vadd.f32 v61, v0  }
0x1fc: {  	v44 =	vld [tilespmem:$0x1FF30];
	v38 =	vmul.f32 v22, v62;
	v5 =	vadd.f32 v34, v5;
	v1 =	vadd.f32 v59, v1  }
0x1fd: {  	v37 =	vld [tilespmem:s6+$0xFFFFFF70];
	v35 =	vmul.f32 v23, v58;
	v2 =	vadd.f32 v11, v2;
	v0 =	vadd.f32 v31, v0  }
0x1fe: {  	v49 =	vld [tilespmem:$0x1FF10];
	v41 =	vmul.f32 v20, v32;
	v5 =	vadd.f32 v38, v5;
	v1 =	vadd.f32 v56, v1  }
0x1ff: {  	v39 =	vmul.f32 v21, v63;
	v40 =	vld [tilespmem:s7+$0xF0];
	v2 =	vadd.f32 v7, v2;
	v0 =	vadd.f32 v35, v0  }
0x200: {  	v46 =	vmul.f32 v17, v36;
	v45 =	vadd.f32 v41, v5;
	v1 =	vadd.f32 v12, v1  }
0x201: {  	v42 =	vld [tilespmem:s6+$0xF0];
	v4 =	vmul.f32 v19, v43;
	v12 =	vsub.f32 v44, v33;
	v0 =	vadd.f32 v39, v0  }
0x202: {  	v2 =	vadd.f32 v3, v2;
	v1 =	vadd.f32 v10, v1  }
0x203: {  	v3 =	vadd.f32 v46, v45;
	v47 =	vmul.f32 v12, v37;
	v0 =	vadd.f32 v4, v0  }
0x204: {  	v5 =	vmul.f32 v13, v48;
	v1 =	vadd.f32 v6, v1;
	v6 =	vsub.f32 v49, v40  }
0x205: {  	(xrf2) =	vadd.scan.msk.f32 $0xffff, v2;
	v0 =	vadd.f32 v47, v0  }
0x206: {  	v50 =	vadd.f32 v5, v3;
	(xrf2) =	vadd.scan.msk.f32 $0xffff, v1;
	v51 =	vmul.f32 v6, v42  }
0x207: {  	(xrf2) =	vadd.scan.msk.f32 $0xffff, v0  }
0x208: {  	v52 =	vadd.f32 v51, v50;
	_ =	sdelay $0x1  }
0x209: {  	(xrf2) =	vadd.scan.msk.f32 $0xffff, v52;
	_ =	sdelay $0x4  }
0x20a: {  	v53, _, _ =	vpop (xrf2)  }
0x20b: {  	s4 =	sadd.s32 $0x2, s5;
	v63 =	vld [tilespmem:$0x1FF40];
	v55, _, _ =	vpop (xrf2)  }
0x20c: {  	v58 =	vmov s4;
	v60 =	vlaneseq.u32;
	v57, _, _ =	vpop (xrf2)  }
0x20d: {  	s12 =	sadd.s32 $0x1, s5;
	s28 =	sshll.u32 s30, $0x4;
	s30 =	sadd.s32 $0x1, s30;
	vm14 =	veq.s32 v58, v60;
	v56 =	vmov s5;
	v3 =	vbroadcast v57, $0xF  }
0x20e: {  	p1 =	sne.s32 s30, $0x4;
	v61 =	vmov s12;
	vm0 =	veq.s32 v56, v60;
	v1 =	vbroadcast v55, $0xF  }
.Ltmp3:
0x20f: {  	s9 =	sadd.s32 $0x3, s5;
	vm13 =	veq.s32 v61, v60;
	v0 =	vbroadcast v53, $0xF;
	v3 =	vsel vm0, v3, v54;
	v62, _, _ =	vpop (xrf2);
	(pc) =	sbr.rel @p1 .LBB2_7-.Ltmp3, $4  }
0x210: {  	v59 =	vmov s9;
	v1 =	vsel vm13, v1, v3;
	v2 =	vbroadcast v62, $0xF  }
0x211: {  	vm15 =	veq.s32 v59, v60;
	v0 =	vsel vm14, v0, v1  }
0x212: {  	s4 =	sand.u32 $0x3FFFFFF0, s28;
	v0 =	vsel vm15, v2, v0  }
0x213: {  	s26 =	sadd.s32 $0x800, s26;
	s10 =	sadd.s32 $0x800, s10;
	s11 =	sadd.s32 $0x800, s11;
	[tilespmem:v63+s4+$0x0 ss:$0x1] =	vst.idx.msk $0xffff, v0  }
0x214: {  	s4 =	simm.s32 @p0 $0x40;
	s5 =	simm.s32 @p0 $0x140;
	s6 =	simm.s32 @p0 $0x6600  }
0x215: {  	[tilespmem:s6], [sflag:$0x4] =	stream.indirect.gather @p0 [hbm4b:s1+s4], $0x80, s5, s4, $0xb8;
	[tilespmem:$0x18800] =	vst v63  }
0x216: {  	s5 =	simm.s32 @p0 $0x340;
	s6 =	simm.s32 @p0 $0x8600  }
0x217: {  	[tilespmem:s6], [sflag:$0x5] =	stream.indirect.gather @p0 [hbm4b:s2+s4], $0x80, s5, s4, $0xb8;
	[tilespmem:$0x18800] =	vst v63  }
0x218: {  	s5 =	simm.s32 @p0 $0x540;
	s6 =	simm.s32 @p0 $0xA600  }
0x219: {  	[tilespmem:s6], [sflag:$0x6] =	stream.indirect.gather @p0 [hbm4b:s2+s4], $0x80, s5, s4, $0xb8;
	[tilespmem:$0x18800] =	vst v63  }
0x21a: {  	_ =	swait.ge [sflag:s20], $0x2000  }
0x21b: {  	[sflag:s20] =	ssyncset.done $0x0  }
0x21c: {  	[sflag:s20] =	ssyncadd.s32 $0xFFFFE000  }
0x21d: {  	_ =	swait.ge [sflag:s21], $0x2000  }
0x21e: {  	[sflag:s21] =	ssyncset.done $0x0  }
0x21f: {  	[sflag:s21] =	ssyncadd.s32 $0xFFFFE000  }
0x220: {  	s28 =	sadd.s32 $0x18680, s29;
	_ =	swait.ge [sflag:s22], $0x2000  }
0x221: {  	s30 =	simm.s32 $0x0;
	s26 =	simm.s32 $0xE700;
	v0 =	vmov s28;
	[sflag:s22] =	ssyncset.done $0x0  }
0x222: {  	s10 =	simm.s32 $0x10700;
	s11 =	simm.s32 $0xC700;
	[tilespmem:$0x1FEA0] =	vst v0;
	[sflag:s22] =	ssyncadd.s32 $0xFFFFE000  }
.LBB2_11:
0x223: {  	v3 =	vld [tilespmem:s11+$0x70]  }
0x224: {  	v8 =	vld [tilespmem:s11+$0xFFFFFFF0]  }
0x225: {  	v0 =	vld [tilespmem:s11+$0xE0]  }
0x226: {  	v9 =	vld [tilespmem:s11+$0x60]  }
0x227: {  	v27 =	vld [tilespmem:s26+$0x70]  }
0x228: {  	v37 =	vld [tilespmem:s10+$0x70]  }
0x229: {  	v10 =	vld [tilespmem:s11+$0xFFFFFFE0]  }
0x22a: {  	v2 =	vld [tilespmem:s26+$0xFFFFFFF0]  }
0x22b: {  	v36 =	vld [tilespmem:s10+$0xFFFFFFF0]  }
0x22c: {  	v13 =	vld [tilespmem:s26+$0xE0]  }
0x22d: {  	v40 =	vld [tilespmem:s10+$0xE0]  }
0x22e: {  	v11 =	vld [tilespmem:s11+$0x50]  }
0x22f: {  	v6 =	vld [tilespmem:s26+$0x60]  }
0x230: {  	v19 =	vld [tilespmem:s10+$0x60]  }
0x231: {  	v12 =	vld [tilespmem:s11+$0xFFFFFFD0]  }
0x232: {  	v34 =	vld [tilespmem:s26+$0xFFFFFFE0]  }
0x233: {  	v21 =	vld [tilespmem:s26+$0xD0]  }
0x234: {  	v48 =	vld [tilespmem:s10+$0xD0]  }
0x235: {  	v42 =	vld [tilespmem:s26+$0xFFFFFF60]  }
0x236: {  	v17 =	vld [tilespmem:s10+$0xFFFFFF60]  }
0x237: {  	v15 =	vld [tilespmem:s11+$0x40]  }
0x238: {  	v44 =	vld [tilespmem:s26+$0x50]  }
0x239: {  	v35 =	vld [tilespmem:s10+$0x50]  }
0x23a: {  	v14 =	vld [tilespmem:s11+$0xFFFFFFC0]  }
0x23b: {  	v33 =	vld [tilespmem:s26+$0xFFFFFFD0]  }
0x23c: {  	v38 =	vld [tilespmem:s10+$0xFFFFFFD0]  }
0x23d: {  	v39 =	vld [tilespmem:s26+$0xC0]  }
0x23e: {  	v28 =	vld [tilespmem:s10+$0xC0]  }
0x23f: {  	v20 =	vld [tilespmem:s26+$0xFFFFFF50]  }
0x240: {  	v43 =	vld [tilespmem:s10+$0xFFFFFF50]  }
0x241: {  	v18 =	vld [tilespmem:s11+$0x30]  }
0x242: {  	v1 =	vld [tilespmem:s26+$0x40]  }
0x243: {  	v23 =	vld [tilespmem:s10+$0x40]  }
0x244: {  	v16 =	vld [tilespmem:s11+$0xFFFFFFB0]  }
0x245: {  	v47 =	vld [tilespmem:s26+$0xFFFFFFC0]  }
0x246: {  	v22 =	vld [tilespmem:s10+$0xFFFFFFC0]  }
0x247: {  	v49 =	vld [tilespmem:s26+$0xB0]  }
0x248: {  	v25 =	vld [tilespmem:s10+$0xB0]  }
0x249: {  	v51 =	vld [tilespmem:s26+$0xFFFFFF40]  }
0x24a: {  	v29 =	vld [tilespmem:s10+$0xFFFFFF40]  }
0x24b: {  	v26 =	vld [tilespmem:s26+$0x30]  }
0x24c: {  	v54 =	vld [tilespmem:s10+$0x30]  }
0x24d: {  	v55 =	vld [tilespmem:s26+$0xFFFFFFB0]  }
0x24e: {  	v56 =	vld [tilespmem:s10+$0xFFFFFFB0]  }
0x24f: {  	v57 =	vld [tilespmem:s26+$0xA0]  }
0x250: {  	v58 =	vld [tilespmem:s10+$0xA0]  }
0x251: {  	v59 =	vld [tilespmem:s26+$0xFFFFFF30]  }
0x252: {  	v60 =	vld [tilespmem:s10+$0xFFFFFF30]  }
0x253: {  	v24 =	vld [tilespmem:s11+$0x10]  }
0x254: {  	v61 =	vld [tilespmem:s26+$0x20]  }
0x255: {  	v62 =	vld [tilespmem:s10+$0x20]  }
0x256: {  	v63 =	vld [tilespmem:s26+$0xFFFFFFA0]  }
0x257: {  	[tilespmem:$0x1FE60] =	vst v0;
	v0 =	vld [tilespmem:s26+$0xF0]  }
0x258: {  	v41 =	vld [tilespmem:s10+$0xFFFFFFA0]  }
0x259: {  	v53 =	vld [tilespmem:s26+$0x90]  }
0x25a: {  	v46 =	vld [tilespmem:s10+$0x90]  }
0x25b: {  	v31 =	vld [tilespmem:s26+$0xFFFFFF20]  }
0x25c: {  	[tilespmem:$0x1FE70] =	vst v0;
	v0 =	vld [tilespmem:s11+$0xFFFFFF60]  }
0x25d: {  	v30 =	vld [tilespmem:s10+$0xFFFFFF20]  }
0x25e: {  	v32 =	vld [tilespmem:s11+$0x0]  }
0x25f: {  	v52 =	vld [tilespmem:s26+$0x10]  }
0x260: {  	v50 =	vld [tilespmem:s10+$0x10]  }
0x261: {  	[tilespmem:$0x1FE80] =	vst v0;
	v0 =	vld [tilespmem:s26+$0xFFFFFF70]  }
0x262: {  	v45 =	vld [tilespmem:s26+$0xFFFFFF90]  }
0x263: {  	v37 =	vsub.f32 v27, v37;
	v27 =	vld [tilespmem:s11+$0xFFFFFF80]  }
0x264: {  	v13 =	vsub.f32 v13, v40;
	v40 =	vsub.f32 v6, v19;
	v6 =	vld [tilespmem:s10+$0xFFFFFF90]  }
0x265: {  	v19 =	vsub.f32 v42, v17;
	v17 =	vsub.f32 v21, v48;
	v48 =	vld [tilespmem:s26+$0x80]  }
0x266: {  	v36 =	vsub.f32 v2, v36;
	v33 =	vsub.f32 v33, v38;
	[tilespmem:$0x1FE90] =	vst v0;
	v0 =	vld [tilespmem:s10+$0xFFFFFFE0]  }
0x267: {  	v38 =	vsub.f32 v44, v35;
	v42 =	vld [tilespmem:s10+$0x80];
	v21 =	vsub.f32 v20, v43  }
0x268: {  	v20 =	vsub.f32 v39, v28;
	v44 =	vld [tilespmem:s26+$0xFFFFFF10];
	v28 =	vsub.f32 v47, v22  }
0x269: {  	v35 =	vsub.f32 v1, v23;
	v1 =	vld [tilespmem:s26+$0x0];
	v23 =	vsub.f32 v51, v29  }
0x26a: {  	v22 =	vsub.f32 v49, v25;
	v29 =	vsub.f32 v55, v56;
	v49 =	vld [tilespmem:s10+$0xFFFFFF10]  }
0x26b: {  	v39 =	vsub.f32 v26, v54;
	v34 =	vsub.f32 v34, v0;
	v0 =	vld [tilespmem:s10+$0x0]  }
0x26c: {  	v26 =	vsub.f32 v59, v60;
	v25 =	vsub.f32 v57, v58;
	v47 =	vld [tilespmem:s26+$0xFFFFFF80]  }
0x26d: {  	v41 =	vsub.f32 v63, v41;
	v43 =	vsub.f32 v61, v62;
	v51 =	vld [tilespmem:s10+$0xFFFFFF80]  }
0x26e: {  	v31 =	vsub.f32 v31, v30;
	v30 =	vsub.f32 v53, v46;
	v46 =	vld [tilespmem:s26+$0xFFFFFF00]  }
0x26f: {  	s8 =	simm.s32 $0x4;
	s6 =	smov.u32 s11;
	v52 =	vsub.f32 v52, v50;
	v50 =	vld [tilespmem:s10+$0xFFFFFF00];
	v45 =	vsub.f32 v45, v6  }
0x270: {  	s7 =	smov.u32 s10;
	s9 =	smov.u32 s26;
	s5 =	simm.s32 $0x0;
	v54 =	vimm.f32 $0.0e+00;
	v42 =	vsub.f32 v48, v42;
	v48 =	vld [tilespmem:s11+$0x20];
	v53 =	vsub.f32 v1, v0  }
.LBB2_12:
0x271: {  	v1 =	vld [tilespmem:s6+$0xFFFFFF90]  }
0x272: {  	v55 =	vld [tilespmem:s6+$0xFFFFFF00]  }
0x273: {  	v58 =	vld [tilespmem:s6+$0xFFFFFF10]  }
0x274: {  	v60 =	vld [tilespmem:s6+$0x80]  }
0x275: {  	v61 =	vld [tilespmem:s6+$0xFFFFFF20]  }
0x276: {  	v62 =	vld [tilespmem:s6+$0x90]  }
0x277: {  	v63 =	vld [tilespmem:s6+$0xFFFFFF30]  }
0x278: {  	v36 =	vmul.f32 v36, v8;
	v8 =	vmul.f32 v40, v9;
	v9 =	vld [tilespmem:s6+$0xFFFFFFA0]  }
0x279: {  	s9 =	sadd.s32 $0x200, s9;
	v14 =	vmul.f32 v28, v14;
	v28 =	vld [tilespmem:s6+$0xFFFFFF40]  }
0x27a: {  	v12 =	vmul.f32 v33, v12;
	v33 =	vld [tilespmem:s9+$0xFFFFFFD0]  }
0x27b: {  	v18 =	vmul.f32 v39, v18;
	v39 =	vld [tilespmem:s9+$0xC0]  }
0x27c: {  	v56 =	vsub.f32 v47, v51;
	v47 =	vld [tilespmem:s9+$0xFFFFFFC0]  }
0x27d: {  	v0 =	vsub.f32 v44, v49;
	v49 =	vld [tilespmem:s9+$0xB0]  }
0x27e: {  	v32 =	vmul.f32 v53, v32;
	v51 =	vld [tilespmem:s9+$0xFFFFFF40]  }
0x27f: {  	v53 =	vld [tilespmem:s9+$0x30]  }
0x280: {  	v24 =	vmul.f32 v52, v24;
	v44 =	vld [tilespmem:s9+$0xFFFFFF10];
	v32 =	vadd.f32 $0.0e+00, v32  }
0x281: {  	v57 =	vsub.f32 v46, v50;
	v1 =	vmul.f32 v45, v1;
	v45 =	vld [tilespmem:s9+$0x40];
	v27 =	vmul.f32 v56, v27  }
0x282: {  	v59 =	vmul.f32 v43, v48;
	v26 =	vmul.f32 v26, v63;
	v63 =	vld [tilespmem:s9+$0xFFFFFFA0];
	v24 =	vadd.f32 v24, v32  }
0x283: {  	v10 =	vmul.f32 v34, v10;
	v34 =	vmul.f32 v57, v55;
	v55 =	vld [tilespmem:s9+$0xFFFFFFB0];
	v27 =	vadd.f32 $0.0e+00, v27  }
0x284: {  	v57 =	vld [tilespmem:s9+$0xA0];
	v24 =	vadd.f32 v59, v24  }
0x285: {  	v9 =	vmul.f32 v41, v9;
	v1 =	vadd.f32 v1, v27;
	v59 =	vld [tilespmem:s9+$0xFFFFFF30]  }
0x286: {  	v0 =	vmul.f32 v0, v58;
	v27 =	vadd.f32 $0.0e+00, v34;
	v18 =	vadd.f32 v18, v24;
	v24 =	vld [tilespmem:s6+$0xA0]  }
0x287: {  	v1 =	vadd.f32 v9, v1;
	v9 =	vmul.f32 v29, v16;
	v29 =	vld [tilespmem:s6+$0xFFFFFF50]  }
0x288: {  	v0 =	vadd.f32 v0, v27;
	v27 =	vmul.f32 v31, v61;
	v31 =	vld [tilespmem:s9+$0x50]  }
0x289: {  	v15 =	vmul.f32 v35, v15;
	v16 =	vmul.f32 v42, v60;
	v42 =	vld [tilespmem:s9+$0xFFFFFF50]  }
0x28a: {  	v61 =	vld [tilespmem:s9+$0x20]  }
0x28b: {  	v11 =	vmul.f32 v38, v11;
	v15 =	vadd.f32 v15, v18;
	v18 =	vld [tilespmem:s6+$0xB0];
	v1 =	vadd.f32 v9, v1  }
0x28c: {  	v9 =	vadd.f32 $0.0e+00, v16;
	v16 =	vmul.f32 v30, v62;
	v0 =	vadd.f32 v27, v0;
	v27 =	vld [tilespmem:s7+$0xFFFFFF70]  }
0x28d: {  	v11 =	vadd.f32 v11, v15;
	v15 =	vld [tilespmem:s6+$0xC0]  }
0x28e: {  	v9 =	vadd.f32 v16, v9;
	v16 =	vmul.f32 v23, v28;
	v23 =	vld [tilespmem:s6+$0xFFFFFF70]  }
0x28f: {  	v0 =	vadd.f32 v26, v0;
	v26 =	vld [tilespmem:s9+$0xFFFFFFE0]  }
0x290: {  	v1 =	vadd.f32 v14, v1;
	v14 =	vmul.f32 v25, v24;
	v8 =	vadd.f32 v8, v11;
	v11 =	vld [tilespmem:s6+$0xD0]  }
0x291: {  	v0 =	vadd.f32 v16, v0;
	v16 =	vld [tilespmem:s7+$0xF0]  }
0x292: {  	s7 =	sadd.s32 $0x200, s7;
	v9 =	vadd.f32 v14, v9;
	v14 =	vmul.f32 v21, v29;
	v21 =	vld [tilespmem:s9+$0xE0]  }
0x293: {  	v1 =	vadd.f32 v12, v1;
	v12 =	vmul.f32 v22, v18;
	v22 =	vld [tilespmem:s7+$0xE0]  }
0x294: {  	v25 =	vld [tilespmem:s7+$0x60]  }
0x295: {  	v28 =	vld [tilespmem:s7+$0xFFFFFFE0]  }
0x296: {  	v29 =	vld [tilespmem:s9+$0xD0]  }
0x297: {  	v30 =	vld [tilespmem:s7+$0xD0]  }
0x298: {  	v35 =	vld [tilespmem:s7+$0x50]  }
0x299: {  	v9 =	vadd.f32 v12, v9;
	v12 =	vld [tilespmem:s6+$0xF0];
	s6 =	sadd.s32 $0x200, s6  }
0x29a: {  	v2 =	vld [tilespmem:s6+$0x70]  }
0x29b: {  	v38 =	vld [tilespmem:s7+$0xFFFFFFD0]  }
0x29c: {  	v41 =	vld [tilespmem:s7+$0xC0]  }
0x29d: {  	v43 =	vld [tilespmem:s7+$0xFFFFFF50]  }
0x29e: {  	v46 =	vld [tilespmem:s7+$0x40]  }
0x29f: {  	[tilespmem:$0x1FE20] =	vst v2;
	v2 =	vld [tilespmem:$0x1FE80]  }
0x2a0: {  	v48 =	vld [tilespmem:s7+$0xFFFFFFC0]  }
0x2a1: {  	v50 =	vld [tilespmem:s7+$0xB0]  }
0x2a2: {  	v52 =	vld [tilespmem:s7+$0xFFFFFF40]  }
0x2a3: {  	v56 =	vld [tilespmem:s7+$0xFFFFFFB0]  }
0x2a4: {  	v4 =	vmul.f32 v19, v2;
	v2 =	vld [tilespmem:$0x1FE90]  }
0x2a5: {  	v58 =	vld [tilespmem:s7+$0xA0]  }
0x2a6: {  	v7 =	vmul.f32 v37, v3;
	v60 =	vld [tilespmem:s7+$0xFFFFFF30]  }
0x2a7: {  	v62 =	vld [tilespmem:s7+$0x20]  }
0x2a8: {  	v8 =	vadd.f32 v7, v8;
	v7 =	vld [tilespmem:s9+$0x10]  }
0x2a9: {  	v5 =	vsub.f32 v2, v27;
	v2 =	vld [tilespmem:s6+$0xFFFFFFF0]  }
0x2aa: {  	v1 =	vadd.f32 v10, v1;
	v10 =	vmul.f32 v20, v15;
	v20 =	vld [tilespmem:s7+$0xFFFFFFF0]  }
0x2ab: {  	v24 =	vld [tilespmem:s6+$0x10]  }
0x2ac: {  	v32 =	vld [tilespmem:s6+$0x0]  }
0x2ad: {  	(xrf2) =	vadd.scan.msk.f32 $0xffff, v8;
	v8 =	vld [tilespmem:s7+$0x10]  }
0x2ae: {  	[tilespmem:$0x1FE30] =	vst v2;
	v2 =	vld [tilespmem:$0x1FE60]  }
0x2af: {  	v1 =	vadd.f32 v36, v1;
	v9 =	vadd.f32 v10, v9;
	v10 =	vmul.f32 v17, v11;
	v11 =	vld [tilespmem:s6+$0xE0]  }
0x2b0: {  	v17 =	vld [tilespmem:s7+$0x70]  }
0x2b1: {  	(xrf2) =	vadd.scan.msk.f32 $0xffff, v1;
	v1 =	vld [tilespmem:s6+$0x60];
	v33 =	vsub.f32 v33, v38  }
0x2b2: {  	v38 =	vsub.f32 v31, v35;
	v35 =	vsub.f32 v45, v46;
	v45 =	vld [tilespmem:s7+$0x0]  }
0x2b3: {  	v3 =	vmul.f32 v13, v2;
	v2 =	vld [tilespmem:$0x1FE70]  }
0x2b4: {  	v34 =	vsub.f32 v26, v28;
	v28 =	vsub.f32 v47, v48;
	v47 =	vld [tilespmem:s9+$0xFFFFFF80]  }
0x2b5: {  	v0 =	vadd.f32 v14, v0;
	v46 =	vld [tilespmem:s9+$0xFFFFFF00]  }
0x2b6: {  	v48 =	vld [tilespmem:s6+$0x20]  }
0x2b7: {  	v19 =	vld [tilespmem:s9+$0xFFFFFFF0];
	v0 =	vadd.f32 v4, v0  }
0x2b8: {  	v4 =	vmul.f32 v5, v23;
	v5 =	vadd.f32 v10, v9;
	v10 =	vsub.f32 v2, v16;
	v2 =	vld [tilespmem:s9+$0xF0]  }
0x2b9: {  	v27 =	vld [tilespmem:s6+$0xFFFFFF80]  }
0x2ba: {  	v23 =	vld [tilespmem:s9+$0x60]  }
0x2bb: {  	[tilespmem:$0x1FE50] =	vst v1;
	v1 =	vmov v11;
	v9 =	vld [tilespmem:s9+$0xFFFFFF90]  }
0x2bc: {  	v0 =	vadd.f32 v4, v0;
	[tilespmem:$0x1FE60] =	vst v1;
	v1 =	vld [tilespmem:s6+$0xFFFFFF60]  }
0x2bd: {  	v13 =	vld [tilespmem:s9+$0x70];
	[tilespmem:$0x1FE70] =	vst v2;
	v2 =	vadd.f32 v3, v5;
	v3 =	vmul.f32 v10, v12  }
0x2be: {  	v4 =	vld [tilespmem:s7+$0x90];
	(xrf2) =	vadd.scan.msk.f32 $0xffff, v0  }
0x2bf: {  	v0 =	vld [tilespmem:s6+$0xFFFFFFE0];
	v2 =	vadd.f32 v3, v2  }
0x2c0: {  	v40 =	vsub.f32 v23, v25;
	v23 =	vsub.f32 v51, v52;
	v51 =	vld [tilespmem:s7+$0xFFFFFF80]  }
0x2c1: {  	v52 =	vsub.f32 v7, v8;
	v8 =	vld [tilespmem:$0x1FE30];
	(xrf2) =	vadd.scan.msk.f32 $0xffff, v2  }
0x2c2: {  	[tilespmem:$0x1FE80] =	vst v1;
	v1 =	vld [tilespmem:s9+$0xFFFFFF70];
	v37 =	vsub.f32 v13, v17  }
0x2c3: {  	v13 =	vsub.f32 v21, v22;
	v21 =	vsub.f32 v42, v43;
	v42 =	vld [tilespmem:s9+$0x0]  }
0x2c4: {  	v2 =	vld [tilespmem:s6+$0x50]  }
0x2c5: {  	v22 =	vsub.f32 v49, v50;
	v49 =	vld [tilespmem:s7+$0xFFFFFF10]  }
0x2c6: {  	s12 =	sadd.s32 $0x3, s5;
	[tilespmem:$0x1FE40] =	vst v0;
	v0, _, _ =	vpop (xrf2);
	v50 =	vld [tilespmem:s7+$0xFFFFFF00]  }
0x2c7: {  	s4 =	sadd.s32 $0x2, s5;
	v18 =	vmov s12;
	[tilespmem:$0x1FE90] =	vst v1;
	v1, _, _ =	vpop (xrf2);
	v12 =	vld [tilespmem:s6+$0xFFFFFFD0]  }
0x2c8: {  	v14 =	vmov s5;
	v0 =	vbroadcast v0, $0xF;
	v16 =	vmov s4;
	v15, _, _ =	vpop (xrf2);
	v5 =	vld [tilespmem:s9+$0xFFFFFF20]  }
0x2c9: {  	s28 =	sadd.s32 $0x1, s5;
	v1 =	vbroadcast v1, $0xF;
	v15 =	vbroadcast v15, $0xF;
	v10 =	vld [tilespmem:s7+$0xFFFFFF90];
	[tilespmem:$0x1FE10] =	vst v2;
	v2 =	vlaneseq.u32  }
0x2ca: {  	v3 =	vmov s28;
	vm0 =	veq.s32 v14, v2;
	vm15 =	veq.s32 v18, v2;
	v18 =	vld [tilespmem:s6+$0x30]  }
0x2cb: {  	vm13 =	veq.s32 v3, v2;
	vm14 =	veq.s32 v16, v2;
	v16 =	vld [tilespmem:s6+$0xFFFFFFB0];
	v6 =	vsel vm0, v15, v54;
	v14, _, _ =	vpop (xrf2)  }
0x2cc: {  	v2 =	vld [tilespmem:s7+$0xFFFFFFA0];
	v1 =	vsel vm13, v1, v6;
	v6 =	vbroadcast v14, $0xF  }
0x2cd: {  	v0 =	vsel vm14, v0, v1;
	v1 =	vld [tilespmem:s9+$0xFFFFFF60]  }
0x2ce: {  	v11 =	vsel vm15, v6, v0;
	v0 =	vld [tilespmem:s7+$0xFFFFFF60]  }
0x2cf: {  	v3 =	vld [tilespmem:s9+$0x90]  }
0x2d0: {  	v15 =	vld [tilespmem:s6+$0x40]  }
0x2d1: {  	v54 =	vld [tilespmem:s7+$0x30]  }
0x2d2: {  	v26 =	vsub.f32 v59, v60;
	v6 =	vld [tilespmem:s7+$0xFFFFFF20]  }
0x2d3: {  	v36 =	vsub.f32 v19, v20;
	v19 =	vsub.f32 v1, v0;
	v0 =	vld [tilespmem:s9+$0x80]  }
0x2d4: {  	p1 =	slt.u32 s8, $0xC;
	v20 =	vsub.f32 v39, v41;
	v25 =	vsub.f32 v57, v58;
	v1 =	vld [tilespmem:s7+$0x80]  }
.Ltmp4:
0x2d5: {  	v17 =	vsub.f32 v29, v30;
	v29 =	vsub.f32 v55, v56;
	v14 =	vld [tilespmem:s6+$0xFFFFFFC0];
	(pc) =	sbr.rel @p1 .LBB2_12-.Ltmp4, $4  }
0x2d6: {  	v30 =	vsub.f32 v3, v4;
	v3 =	vld [tilespmem:$0x1FE20];
	v39 =	vsub.f32 v53, v54  }
0x2d7: {  	v53 =	vsub.f32 v42, v45;
	v45 =	vsub.f32 v9, v10;
	v10 =	vld [tilespmem:$0x1FE40]  }
0x2d8: {  	v43 =	vsub.f32 v61, v62;
	v41 =	vsub.f32 v63, v2;
	v9 =	vld [tilespmem:$0x1FE50]  }
0x2d9: {  	s5 =	smov.u32 s8;
	s8 =	sadd.s32 $0x4, s8;
	v54 =	vmov v11;
	v11 =	vld [tilespmem:$0x1FE10];
	v31 =	vsub.f32 v5, v6;
	v42 =	vsub.f32 v0, v1  }
0x2da: {  	v1 =	vld [tilespmem:s6+$0xFFFFFF90]  }
0x2db: {  	v4 =	vld [tilespmem:s6+$0xFFFFFF00]  }
0x2dc: {  	v5 =	vsub.f32 v47, v51;
	v47 =	vld [tilespmem:s6+$0xFFFFFF10]  }
0x2dd: {  	v2 =	vmul.f32 v53, v32;
	v6 =	vmul.f32 v36, v8;
	v46 =	vsub.f32 v46, v50;
	v50 =	vld [tilespmem:s6+$0x80]  }
0x2de: {  	v0 =	vsub.f32 v44, v49;
	v44 =	vmul.f32 v52, v24;
	v49 =	vmul.f32 v43, v48;
	v51 =	vld [tilespmem:s6+$0xFFFFFF20]  }
0x2df: {  	v12 =	vmul.f32 v33, v12;
	v15 =	vmul.f32 v35, v15;
	v52 =	vld [tilespmem:s6+$0x90]  }
0x2e0: {  	v18 =	vmul.f32 v39, v18;
	v53 =	vld [tilespmem:s6+$0xFFFFFF30];
	v56 =	vmul.f32 v28, v14  }
0x2e1: {  	v57 =	vld [tilespmem:s6+$0xA0];
	v59 =	vmul.f32 v29, v16;
	v3 =	vmul.f32 v37, v3  }
0x2e2: {  	v2 =	vadd.f32 $0.0e+00, v2;
	v10 =	vmul.f32 v34, v10;
	v7 =	vmul.f32 v40, v9;
	v40 =	vld [tilespmem:s6+$0xFFFFFFA0]  }
0x2e3: {  	v58 =	vld [tilespmem:s6+$0xFFFFFF40];
	v5 =	vmul.f32 v5, v27;
	v11 =	vmul.f32 v38, v11  }
0x2e4: {  	v62 =	vld [tilespmem:s6+$0xB0];
	v2 =	vadd.f32 v44, v2;
	v1 =	vmul.f32 v45, v1;
	v4 =	vmul.f32 v46, v4  }
0x2e5: {  	v63 =	vld [tilespmem:s6+$0xFFFFFF50];
	v5 =	vadd.f32 $0.0e+00, v5;
	v0 =	vmul.f32 v0, v47;
	v60 =	vmul.f32 v42, v50  }
0x2e6: {  	v32 =	vld [tilespmem:s6+$0xC0];
	v9 =	vmul.f32 v30, v52;
	v2 =	vadd.f32 v49, v2;
	v4 =	vadd.f32 $0.0e+00, v4  }
0x2e7: {  	v33 =	vld [tilespmem:s7+$0xFFFFFF70];
	v1 =	vadd.f32 v1, v5;
	v29 =	vadd.f32 $0.0e+00, v60;
	v55 =	vmul.f32 v41, v40  }
0x2e8: {  	v36 =	vld [tilespmem:s6+$0xD0];
	v61 =	vmul.f32 v31, v51;
	v2 =	vadd.f32 v18, v2;
	v0 =	vadd.f32 v0, v4  }
0x2e9: {  	v43 =	vld [tilespmem:$0x1FE80];
	v34 =	vmul.f32 v25, v57;
	v5 =	vadd.f32 v9, v29;
	v1 =	vadd.f32 v55, v1  }
0x2ea: {  	v48 =	vld [tilespmem:$0x1FE60];
	v31 =	vmul.f32 v26, v53;
	v2 =	vadd.f32 v15, v2;
	v0 =	vadd.f32 v61, v0  }
0x2eb: {  	v44 =	vld [tilespmem:$0x1FE90];
	v38 =	vmul.f32 v22, v62;
	v5 =	vadd.f32 v34, v5;
	v1 =	vadd.f32 v59, v1  }
0x2ec: {  	v37 =	vld [tilespmem:s6+$0xFFFFFF70];
	v35 =	vmul.f32 v23, v58;
	v2 =	vadd.f32 v11, v2;
	v0 =	vadd.f32 v31, v0  }
0x2ed: {  	v49 =	vld [tilespmem:$0x1FE70];
	v41 =	vmul.f32 v20, v32;
	v5 =	vadd.f32 v38, v5;
	v1 =	vadd.f32 v56, v1  }
0x2ee: {  	v39 =	vmul.f32 v21, v63;
	v40 =	vld [tilespmem:s7+$0xF0];
	v2 =	vadd.f32 v7, v2;
	v0 =	vadd.f32 v35, v0  }
0x2ef: {  	v46 =	vmul.f32 v17, v36;
	v45 =	vadd.f32 v41, v5;
	v1 =	vadd.f32 v12, v1  }
0x2f0: {  	v42 =	vld [tilespmem:s6+$0xF0];
	v4 =	vmul.f32 v19, v43;
	v12 =	vsub.f32 v44, v33;
	v0 =	vadd.f32 v39, v0  }
0x2f1: {  	v2 =	vadd.f32 v3, v2;
	v1 =	vadd.f32 v10, v1  }
0x2f2: {  	v3 =	vadd.f32 v46, v45;
	v47 =	vmul.f32 v12, v37;
	v0 =	vadd.f32 v4, v0  }
0x2f3: {  	v5 =	vmul.f32 v13, v48;
	v1 =	vadd.f32 v6, v1;
	v6 =	vsub.f32 v49, v40  }
0x2f4: {  	(xrf2) =	vadd.scan.msk.f32 $0xffff, v2;
	v0 =	vadd.f32 v47, v0  }
0x2f5: {  	v50 =	vadd.f32 v5, v3;
	(xrf2) =	vadd.scan.msk.f32 $0xffff, v1;
	v51 =	vmul.f32 v6, v42  }
0x2f6: {  	(xrf2) =	vadd.scan.msk.f32 $0xffff, v0  }
0x2f7: {  	v52 =	vadd.f32 v51, v50;
	_ =	sdelay $0x1  }
0x2f8: {  	(xrf2) =	vadd.scan.msk.f32 $0xffff, v52;
	_ =	sdelay $0x4  }
0x2f9: {  	v53, _, _ =	vpop (xrf2)  }
0x2fa: {  	s4 =	sadd.s32 $0x2, s5;
	v63 =	vld [tilespmem:$0x1FEA0];
	v55, _, _ =	vpop (xrf2)  }
0x2fb: {  	v58 =	vmov s4;
	v60 =	vlaneseq.u32;
	v57, _, _ =	vpop (xrf2)  }
0x2fc: {  	s12 =	sadd.s32 $0x1, s5;
	s28 =	sshll.u32 s30, $0x4;
	s30 =	sadd.s32 $0x1, s30;
	vm14 =	veq.s32 v58, v60;
	v56 =	vmov s5;
	v3 =	vbroadcast v57, $0xF  }
0x2fd: {  	p1 =	sne.s32 s30, $0x4;
	v61 =	vmov s12;
	vm0 =	veq.s32 v56, v60;
	v1 =	vbroadcast v55, $0xF  }
.Ltmp5:
0x2fe: {  	s9 =	sadd.s32 $0x3, s5;
	vm13 =	veq.s32 v61, v60;
	v0 =	vbroadcast v53, $0xF;
	v3 =	vsel vm0, v3, v54;
	v62, _, _ =	vpop (xrf2);
	(pc) =	sbr.rel @p1 .LBB2_11-.Ltmp5, $4  }
0x2ff: {  	v59 =	vmov s9;
	v1 =	vsel vm13, v1, v3;
	v2 =	vbroadcast v62, $0xF  }
0x300: {  	vm15 =	veq.s32 v59, v60;
	v0 =	vsel vm14, v0, v1  }
0x301: {  	s4 =	sand.u32 $0x3FFFFFF0, s28;
	v0 =	vsel vm15, v2, v0  }
0x302: {  	s26 =	sadd.s32 $0x800, s26;
	s10 =	sadd.s32 $0x800, s10;
	s11 =	sadd.s32 $0x800, s11;
	[tilespmem:v63+s4+$0x0 ss:$0x1] =	vst.idx.msk $0xffff, v0  }
0x303: {  	s4 =	simm.s32 @p0 $0x40;
	s5 =	simm.s32 @p0 $0x180;
	s6 =	simm.s32 @p0 $0xC600  }
0x304: {  	[tilespmem:s6], [sflag:$0x7] =	stream.indirect.gather @p0 [hbm4b:s1+s4], $0x80, s5, s4, $0xb8;
	[tilespmem:$0x18800] =	vst v63  }
0x305: {  	s5 =	simm.s32 @p0 $0x380;
	s6 =	simm.s32 @p0 $0xE600  }
0x306: {  	[tilespmem:s6], [sflag:$0x8] =	stream.indirect.gather @p0 [hbm4b:s2+s4], $0x80, s5, s4, $0xb8;
	[tilespmem:$0x18800] =	vst v63  }
0x307: {  	s5 =	simm.s32 @p0 $0x580;
	s6 =	simm.s32 @p0 $0x10600  }
0x308: {  	[tilespmem:s6], [sflag:$0x9] =	stream.indirect.gather @p0 [hbm4b:s2+s4], $0x80, s5, s4, $0xb8;
	[tilespmem:$0x18800] =	vst v63  }
0x309: {  	_ =	swait.ge [sflag:s23], $0x2000  }
0x30a: {  	[sflag:s23] =	ssyncset.done $0x0  }
0x30b: {  	[sflag:s23] =	ssyncadd.s32 $0xFFFFE000  }
0x30c: {  	_ =	swait.ge [sflag:s24], $0x2000  }
0x30d: {  	[sflag:s24] =	ssyncset.done $0x0  }
0x30e: {  	[sflag:s24] =	ssyncadd.s32 $0xFFFFE000  }
0x30f: {  	s30 =	sadd.s32 $0x186C0, s29;
	_ =	swait.ge [sflag:s25], $0x2000  }
0x310: {  	s29 =	simm.s32 $0x0;
	s26 =	simm.s32 $0x14700;
	v0 =	vmov s30;
	[sflag:s25] =	ssyncset.done $0x0  }
0x311: {  	s10 =	simm.s32 $0x16700;
	s11 =	simm.s32 $0x12700;
	[tilespmem:$0x1FE00] =	vst v0;
	[sflag:s25] =	ssyncadd.s32 $0xFFFFE000  }
.LBB2_15:
0x312: {  	v3 =	vld [tilespmem:s11+$0x70]  }
0x313: {  	v8 =	vld [tilespmem:s11+$0xFFFFFFF0]  }
0x314: {  	v0 =	vld [tilespmem:s11+$0xE0]  }
0x315: {  	v9 =	vld [tilespmem:s11+$0x60]  }
0x316: {  	v27 =	vld [tilespmem:s26+$0x70]  }
0x317: {  	v37 =	vld [tilespmem:s10+$0x70]  }
0x318: {  	v10 =	vld [tilespmem:s11+$0xFFFFFFE0]  }
0x319: {  	v2 =	vld [tilespmem:s26+$0xFFFFFFF0]  }
0x31a: {  	v36 =	vld [tilespmem:s10+$0xFFFFFFF0]  }
0x31b: {  	v13 =	vld [tilespmem:s26+$0xE0]  }
0x31c: {  	v40 =	vld [tilespmem:s10+$0xE0]  }
0x31d: {  	v11 =	vld [tilespmem:s11+$0x50]  }
0x31e: {  	v6 =	vld [tilespmem:s26+$0x60]  }
0x31f: {  	v19 =	vld [tilespmem:s10+$0x60]  }
0x320: {  	v12 =	vld [tilespmem:s11+$0xFFFFFFD0]  }
0x321: {  	v34 =	vld [tilespmem:s26+$0xFFFFFFE0]  }
0x322: {  	v21 =	vld [tilespmem:s26+$0xD0]  }
0x323: {  	v48 =	vld [tilespmem:s10+$0xD0]  }
0x324: {  	v42 =	vld [tilespmem:s26+$0xFFFFFF60]  }
0x325: {  	v17 =	vld [tilespmem:s10+$0xFFFFFF60]  }
0x326: {  	v15 =	vld [tilespmem:s11+$0x40]  }
0x327: {  	v44 =	vld [tilespmem:s26+$0x50]  }
0x328: {  	v35 =	vld [tilespmem:s10+$0x50]  }
0x329: {  	v14 =	vld [tilespmem:s11+$0xFFFFFFC0]  }
0x32a: {  	v33 =	vld [tilespmem:s26+$0xFFFFFFD0]  }
0x32b: {  	v38 =	vld [tilespmem:s10+$0xFFFFFFD0]  }
0x32c: {  	v39 =	vld [tilespmem:s26+$0xC0]  }
0x32d: {  	v28 =	vld [tilespmem:s10+$0xC0]  }
0x32e: {  	v20 =	vld [tilespmem:s26+$0xFFFFFF50]  }
0x32f: {  	v43 =	vld [tilespmem:s10+$0xFFFFFF50]  }
0x330: {  	v18 =	vld [tilespmem:s11+$0x30]  }
0x331: {  	v1 =	vld [tilespmem:s26+$0x40]  }
0x332: {  	v23 =	vld [tilespmem:s10+$0x40]  }
0x333: {  	v16 =	vld [tilespmem:s11+$0xFFFFFFB0]  }
0x334: {  	v47 =	vld [tilespmem:s26+$0xFFFFFFC0]  }
0x335: {  	v22 =	vld [tilespmem:s10+$0xFFFFFFC0]  }
0x336: {  	v49 =	vld [tilespmem:s26+$0xB0]  }
0x337: {  	v25 =	vld [tilespmem:s10+$0xB0]  }
0x338: {  	v51 =	vld [tilespmem:s26+$0xFFFFFF40]  }
0x339: {  	v29 =	vld [tilespmem:s10+$0xFFFFFF40]  }
0x33a: {  	v26 =	vld [tilespmem:s26+$0x30]  }
0x33b: {  	v54 =	vld [tilespmem:s10+$0x30]  }
0x33c: {  	v55 =	vld [tilespmem:s26+$0xFFFFFFB0]  }
0x33d: {  	v56 =	vld [tilespmem:s10+$0xFFFFFFB0]  }
0x33e: {  	v57 =	vld [tilespmem:s26+$0xA0]  }
0x33f: {  	v58 =	vld [tilespmem:s10+$0xA0]  }
0x340: {  	v59 =	vld [tilespmem:s26+$0xFFFFFF30]  }
0x341: {  	v60 =	vld [tilespmem:s10+$0xFFFFFF30]  }
0x342: {  	v24 =	vld [tilespmem:s11+$0x10]  }
0x343: {  	v61 =	vld [tilespmem:s26+$0x20]  }
0x344: {  	v62 =	vld [tilespmem:s10+$0x20]  }
0x345: {  	v63 =	vld [tilespmem:s26+$0xFFFFFFA0]  }
0x346: {  	[tilespmem:$0x1FDC0] =	vst v0;
	v0 =	vld [tilespmem:s26+$0xF0]  }
0x347: {  	v41 =	vld [tilespmem:s10+$0xFFFFFFA0]  }
0x348: {  	v53 =	vld [tilespmem:s26+$0x90]  }
0x349: {  	v46 =	vld [tilespmem:s10+$0x90]  }
0x34a: {  	v31 =	vld [tilespmem:s26+$0xFFFFFF20]  }
0x34b: {  	[tilespmem:$0x1FDD0] =	vst v0;
	v0 =	vld [tilespmem:s11+$0xFFFFFF60]  }
0x34c: {  	v30 =	vld [tilespmem:s10+$0xFFFFFF20]  }
0x34d: {  	v32 =	vld [tilespmem:s11+$0x0]  }
0x34e: {  	v52 =	vld [tilespmem:s26+$0x10]  }
0x34f: {  	v50 =	vld [tilespmem:s10+$0x10]  }
0x350: {  	[tilespmem:$0x1FDE0] =	vst v0;
	v0 =	vld [tilespmem:s26+$0xFFFFFF70]  }
0x351: {  	v45 =	vld [tilespmem:s26+$0xFFFFFF90]  }
0x352: {  	v37 =	vsub.f32 v27, v37;
	v27 =	vld [tilespmem:s11+$0xFFFFFF80]  }
0x353: {  	v13 =	vsub.f32 v13, v40;
	v40 =	vsub.f32 v6, v19;
	v6 =	vld [tilespmem:s10+$0xFFFFFF90]  }
0x354: {  	v19 =	vsub.f32 v42, v17;
	v17 =	vsub.f32 v21, v48;
	v48 =	vld [tilespmem:s26+$0x80]  }
0x355: {  	v36 =	vsub.f32 v2, v36;
	v33 =	vsub.f32 v33, v38;
	[tilespmem:$0x1FDF0] =	vst v0;
	v0 =	vld [tilespmem:s10+$0xFFFFFFE0]  }
0x356: {  	v38 =	vsub.f32 v44, v35;
	v42 =	vld [tilespmem:s10+$0x80];
	v21 =	vsub.f32 v20, v43  }
0x357: {  	v20 =	vsub.f32 v39, v28;
	v44 =	vld [tilespmem:s26+$0xFFFFFF10];
	v28 =	vsub.f32 v47, v22  }
0x358: {  	v35 =	vsub.f32 v1, v23;
	v1 =	vld [tilespmem:s26+$0x0];
	v23 =	vsub.f32 v51, v29  }
0x359: {  	v22 =	vsub.f32 v49, v25;
	v29 =	vsub.f32 v55, v56;
	v49 =	vld [tilespmem:s10+$0xFFFFFF10]  }
0x35a: {  	v39 =	vsub.f32 v26, v54;
	v34 =	vsub.f32 v34, v0;
	v0 =	vld [tilespmem:s10+$0x0]  }
0x35b: {  	v26 =	vsub.f32 v59, v60;
	v25 =	vsub.f32 v57, v58;
	v47 =	vld [tilespmem:s26+$0xFFFFFF80]  }
0x35c: {  	v41 =	vsub.f32 v63, v41;
	v43 =	vsub.f32 v61, v62;
	v51 =	vld [tilespmem:s10+$0xFFFFFF80]  }
0x35d: {  	v31 =	vsub.f32 v31, v30;
	v30 =	vsub.f32 v53, v46;
	v46 =	vld [tilespmem:s26+$0xFFFFFF00]  }
0x35e: {  	s8 =	simm.s32 $0x4;
	s6 =	smov.u32 s11;
	v52 =	vsub.f32 v52, v50;
	v50 =	vld [tilespmem:s10+$0xFFFFFF00];
	v45 =	vsub.f32 v45, v6  }
0x35f: {  	s7 =	smov.u32 s10;
	s9 =	smov.u32 s26;
	s5 =	simm.s32 $0x0;
	v54 =	vimm.f32 $0.0e+00;
	v42 =	vsub.f32 v48, v42;
	v48 =	vld [tilespmem:s11+$0x20];
	v53 =	vsub.f32 v1, v0  }
.LBB2_16:
0x360: {  	v1 =	vld [tilespmem:s6+$0xFFFFFF90]  }
0x361: {  	v55 =	vld [tilespmem:s6+$0xFFFFFF00]  }
0x362: {  	v58 =	vld [tilespmem:s6+$0xFFFFFF10]  }
0x363: {  	v60 =	vld [tilespmem:s6+$0x80]  }
0x364: {  	v61 =	vld [tilespmem:s6+$0xFFFFFF20]  }
0x365: {  	v62 =	vld [tilespmem:s6+$0x90]  }
0x366: {  	v63 =	vld [tilespmem:s6+$0xFFFFFF30]  }
0x367: {  	v36 =	vmul.f32 v36, v8;
	v8 =	vmul.f32 v40, v9;
	v9 =	vld [tilespmem:s6+$0xFFFFFFA0]  }
0x368: {  	s9 =	sadd.s32 $0x200, s9;
	v14 =	vmul.f32 v28, v14;
	v28 =	vld [tilespmem:s6+$0xFFFFFF40]  }
0x369: {  	v12 =	vmul.f32 v33, v12;
	v33 =	vld [tilespmem:s9+$0xFFFFFFD0]  }
0x36a: {  	v18 =	vmul.f32 v39, v18;
	v39 =	vld [tilespmem:s9+$0xC0]  }
0x36b: {  	v56 =	vsub.f32 v47, v51;
	v47 =	vld [tilespmem:s9+$0xFFFFFFC0]  }
0x36c: {  	v0 =	vsub.f32 v44, v49;
	v49 =	vld [tilespmem:s9+$0xB0]  }
0x36d: {  	v32 =	vmul.f32 v53, v32;
	v51 =	vld [tilespmem:s9+$0xFFFFFF40]  }
0x36e: {  	v53 =	vld [tilespmem:s9+$0x30]  }
0x36f: {  	v24 =	vmul.f32 v52, v24;
	v44 =	vld [tilespmem:s9+$0xFFFFFF10];
	v32 =	vadd.f32 $0.0e+00, v32  }
0x370: {  	v57 =	vsub.f32 v46, v50;
	v1 =	vmul.f32 v45, v1;
	v45 =	vld [tilespmem:s9+$0x40];
	v27 =	vmul.f32 v56, v27  }
0x371: {  	v59 =	vmul.f32 v43, v48;
	v26 =	vmul.f32 v26, v63;
	v63 =	vld [tilespmem:s9+$0xFFFFFFA0];
	v24 =	vadd.f32 v24, v32  }
0x372: {  	v10 =	vmul.f32 v34, v10;
	v34 =	vmul.f32 v57, v55;
	v55 =	vld [tilespmem:s9+$0xFFFFFFB0];
	v27 =	vadd.f32 $0.0e+00, v27  }
0x373: {  	v57 =	vld [tilespmem:s9+$0xA0];
	v24 =	vadd.f32 v59, v24  }
0x374: {  	v9 =	vmul.f32 v41, v9;
	v1 =	vadd.f32 v1, v27;
	v59 =	vld [tilespmem:s9+$0xFFFFFF30]  }
0x375: {  	v0 =	vmul.f32 v0, v58;
	v27 =	vadd.f32 $0.0e+00, v34;
	v18 =	vadd.f32 v18, v24;
	v24 =	vld [tilespmem:s6+$0xA0]  }
0x376: {  	v1 =	vadd.f32 v9, v1;
	v9 =	vmul.f32 v29, v16;
	v29 =	vld [tilespmem:s6+$0xFFFFFF50]  }
0x377: {  	v0 =	vadd.f32 v0, v27;
	v27 =	vmul.f32 v31, v61;
	v31 =	vld [tilespmem:s9+$0x50]  }
0x378: {  	v15 =	vmul.f32 v35, v15;
	v16 =	vmul.f32 v42, v60;
	v42 =	vld [tilespmem:s9+$0xFFFFFF50]  }
0x379: {  	v61 =	vld [tilespmem:s9+$0x20]  }
0x37a: {  	v11 =	vmul.f32 v38, v11;
	v15 =	vadd.f32 v15, v18;
	v18 =	vld [tilespmem:s6+$0xB0];
	v1 =	vadd.f32 v9, v1  }
0x37b: {  	v9 =	vadd.f32 $0.0e+00, v16;
	v16 =	vmul.f32 v30, v62;
	v0 =	vadd.f32 v27, v0;
	v27 =	vld [tilespmem:s7+$0xFFFFFF70]  }
0x37c: {  	v11 =	vadd.f32 v11, v15;
	v15 =	vld [tilespmem:s6+$0xC0]  }
0x37d: {  	v9 =	vadd.f32 v16, v9;
	v16 =	vmul.f32 v23, v28;
	v23 =	vld [tilespmem:s6+$0xFFFFFF70]  }
0x37e: {  	v0 =	vadd.f32 v26, v0;
	v26 =	vld [tilespmem:s9+$0xFFFFFFE0]  }
0x37f: {  	v1 =	vadd.f32 v14, v1;
	v14 =	vmul.f32 v25, v24;
	v8 =	vadd.f32 v8, v11;
	v11 =	vld [tilespmem:s6+$0xD0]  }
0x380: {  	v0 =	vadd.f32 v16, v0;
	v16 =	vld [tilespmem:s7+$0xF0]  }
0x381: {  	s7 =	sadd.s32 $0x200, s7;
	v9 =	vadd.f32 v14, v9;
	v14 =	vmul.f32 v21, v29;
	v21 =	vld [tilespmem:s9+$0xE0]  }
0x382: {  	v1 =	vadd.f32 v12, v1;
	v12 =	vmul.f32 v22, v18;
	v22 =	vld [tilespmem:s7+$0xE0]  }
0x383: {  	v25 =	vld [tilespmem:s7+$0x60]  }
0x384: {  	v28 =	vld [tilespmem:s7+$0xFFFFFFE0]  }
0x385: {  	v29 =	vld [tilespmem:s9+$0xD0]  }
0x386: {  	v30 =	vld [tilespmem:s7+$0xD0]  }
0x387: {  	v35 =	vld [tilespmem:s7+$0x50]  }
0x388: {  	v9 =	vadd.f32 v12, v9;
	v12 =	vld [tilespmem:s6+$0xF0];
	s6 =	sadd.s32 $0x200, s6  }
0x389: {  	v2 =	vld [tilespmem:s6+$0x70]  }
0x38a: {  	v38 =	vld [tilespmem:s7+$0xFFFFFFD0]  }
0x38b: {  	v41 =	vld [tilespmem:s7+$0xC0]  }
0x38c: {  	v43 =	vld [tilespmem:s7+$0xFFFFFF50]  }
0x38d: {  	v46 =	vld [tilespmem:s7+$0x40]  }
0x38e: {  	[tilespmem:$0x1FD80] =	vst v2;
	v2 =	vld [tilespmem:$0x1FDE0]  }
0x38f: {  	v48 =	vld [tilespmem:s7+$0xFFFFFFC0]  }
0x390: {  	v50 =	vld [tilespmem:s7+$0xB0]  }
0x391: {  	v52 =	vld [tilespmem:s7+$0xFFFFFF40]  }
0x392: {  	v56 =	vld [tilespmem:s7+$0xFFFFFFB0]  }
0x393: {  	v4 =	vmul.f32 v19, v2;
	v2 =	vld [tilespmem:$0x1FDF0]  }
0x394: {  	v58 =	vld [tilespmem:s7+$0xA0]  }
0x395: {  	v7 =	vmul.f32 v37, v3;
	v60 =	vld [tilespmem:s7+$0xFFFFFF30]  }
0x396: {  	v62 =	vld [tilespmem:s7+$0x20]  }
0x397: {  	v8 =	vadd.f32 v7, v8;
	v7 =	vld [tilespmem:s9+$0x10]  }
0x398: {  	v5 =	vsub.f32 v2, v27;
	v2 =	vld [tilespmem:s6+$0xFFFFFFF0]  }
0x399: {  	v1 =	vadd.f32 v10, v1;
	v10 =	vmul.f32 v20, v15;
	v20 =	vld [tilespmem:s7+$0xFFFFFFF0]  }
0x39a: {  	v24 =	vld [tilespmem:s6+$0x10]  }
0x39b: {  	v32 =	vld [tilespmem:s6+$0x0]  }
0x39c: {  	(xrf2) =	vadd.scan.msk.f32 $0xffff, v8;
	v8 =	vld [tilespmem:s7+$0x10]  }
0x39d: {  	[tilespmem:$0x1FD90] =	vst v2;
	v2 =	vld [tilespmem:$0x1FDC0]  }
0x39e: {  	v1 =	vadd.f32 v36, v1;
	v9 =	vadd.f32 v10, v9;
	v10 =	vmul.f32 v17, v11;
	v11 =	vld [tilespmem:s6+$0xE0]  }
0x39f: {  	v17 =	vld [tilespmem:s7+$0x70]  }
0x3a0: {  	(xrf2) =	vadd.scan.msk.f32 $0xffff, v1;
	v1 =	vld [tilespmem:s6+$0x60];
	v33 =	vsub.f32 v33, v38  }
0x3a1: {  	v38 =	vsub.f32 v31, v35;
	v35 =	vsub.f32 v45, v46;
	v45 =	vld [tilespmem:s7+$0x0]  }
0x3a2: {  	v3 =	vmul.f32 v13, v2;
	v2 =	vld [tilespmem:$0x1FDD0]  }
0x3a3: {  	v34 =	vsub.f32 v26, v28;
	v28 =	vsub.f32 v47, v48;
	v47 =	vld [tilespmem:s9+$0xFFFFFF80]  }
0x3a4: {  	v0 =	vadd.f32 v14, v0;
	v46 =	vld [tilespmem:s9+$0xFFFFFF00]  }
0x3a5: {  	v48 =	vld [tilespmem:s6+$0x20]  }
0x3a6: {  	v19 =	vld [tilespmem:s9+$0xFFFFFFF0];
	v0 =	vadd.f32 v4, v0  }
0x3a7: {  	v4 =	vmul.f32 v5, v23;
	v5 =	vadd.f32 v10, v9;
	v10 =	vsub.f32 v2, v16;
	v2 =	vld [tilespmem:s9+$0xF0]  }
0x3a8: {  	v27 =	vld [tilespmem:s6+$0xFFFFFF80]  }
0x3a9: {  	v23 =	vld [tilespmem:s9+$0x60]  }
0x3aa: {  	[tilespmem:$0x1FDB0] =	vst v1;
	v1 =	vmov v11;
	v9 =	vld [tilespmem:s9+$0xFFFFFF90]  }
0x3ab: {  	v0 =	vadd.f32 v4, v0;
	[tilespmem:$0x1FDC0] =	vst v1;
	v1 =	vld [tilespmem:s6+$0xFFFFFF60]  }
0x3ac: {  	v13 =	vld [tilespmem:s9+$0x70];
	[tilespmem:$0x1FDD0] =	vst v2;
	v2 =	vadd.f32 v3, v5;
	v3 =	vmul.f32 v10, v12  }
0x3ad: {  	v4 =	vld [tilespmem:s7+$0x90];
	(xrf2) =	vadd.scan.msk.f32 $0xffff, v0  }
0x3ae: {  	v0 =	vld [tilespmem:s6+$0xFFFFFFE0];
	v2 =	vadd.f32 v3, v2  }
0x3af: {  	v40 =	vsub.f32 v23, v25;
	v23 =	vsub.f32 v51, v52;
	v51 =	vld [tilespmem:s7+$0xFFFFFF80]  }
0x3b0: {  	v52 =	vsub.f32 v7, v8;
	v8 =	vld [tilespmem:$0x1FD90];
	(xrf2) =	vadd.scan.msk.f32 $0xffff, v2  }
0x3b1: {  	[tilespmem:$0x1FDE0] =	vst v1;
	v1 =	vld [tilespmem:s9+$0xFFFFFF70];
	v37 =	vsub.f32 v13, v17  }
0x3b2: {  	v13 =	vsub.f32 v21, v22;
	v21 =	vsub.f32 v42, v43;
	v42 =	vld [tilespmem:s9+$0x0]  }
0x3b3: {  	v2 =	vld [tilespmem:s6+$0x50]  }
0x3b4: {  	v22 =	vsub.f32 v49, v50;
	v49 =	vld [tilespmem:s7+$0xFFFFFF10]  }
0x3b5: {  	s12 =	sadd.s32 $0x3, s5;
	[tilespmem:$0x1FDA0] =	vst v0;
	v0, _, _ =	vpop (xrf2);
	v50 =	vld [tilespmem:s7+$0xFFFFFF00]  }
0x3b6: {  	s4 =	sadd.s32 $0x2, s5;
	v18 =	vmov s12;
	[tilespmem:$0x1FDF0] =	vst v1;
	v1, _, _ =	vpop (xrf2);
	v12 =	vld [tilespmem:s6+$0xFFFFFFD0]  }
0x3b7: {  	v14 =	vmov s5;
	v0 =	vbroadcast v0, $0xF;
	v16 =	vmov s4;
	v15, _, _ =	vpop (xrf2);
	v5 =	vld [tilespmem:s9+$0xFFFFFF20]  }
0x3b8: {  	s28 =	sadd.s32 $0x1, s5;
	v1 =	vbroadcast v1, $0xF;
	v15 =	vbroadcast v15, $0xF;
	v10 =	vld [tilespmem:s7+$0xFFFFFF90];
	[tilespmem:$0x1FD70] =	vst v2;
	v2 =	vlaneseq.u32  }
0x3b9: {  	v3 =	vmov s28;
	vm0 =	veq.s32 v14, v2;
	vm15 =	veq.s32 v18, v2;
	v18 =	vld [tilespmem:s6+$0x30]  }
0x3ba: {  	vm13 =	veq.s32 v3, v2;
	vm14 =	veq.s32 v16, v2;
	v16 =	vld [tilespmem:s6+$0xFFFFFFB0];
	v6 =	vsel vm0, v15, v54;
	v14, _, _ =	vpop (xrf2)  }
0x3bb: {  	v2 =	vld [tilespmem:s7+$0xFFFFFFA0];
	v1 =	vsel vm13, v1, v6;
	v6 =	vbroadcast v14, $0xF  }
0x3bc: {  	v0 =	vsel vm14, v0, v1;
	v1 =	vld [tilespmem:s9+$0xFFFFFF60]  }
0x3bd: {  	v11 =	vsel vm15, v6, v0;
	v0 =	vld [tilespmem:s7+$0xFFFFFF60]  }
0x3be: {  	v3 =	vld [tilespmem:s9+$0x90]  }
0x3bf: {  	v15 =	vld [tilespmem:s6+$0x40]  }
0x3c0: {  	v54 =	vld [tilespmem:s7+$0x30]  }
0x3c1: {  	v26 =	vsub.f32 v59, v60;
	v6 =	vld [tilespmem:s7+$0xFFFFFF20]  }
0x3c2: {  	v36 =	vsub.f32 v19, v20;
	v19 =	vsub.f32 v1, v0;
	v0 =	vld [tilespmem:s9+$0x80]  }
0x3c3: {  	p1 =	slt.u32 s8, $0xC;
	v20 =	vsub.f32 v39, v41;
	v25 =	vsub.f32 v57, v58;
	v1 =	vld [tilespmem:s7+$0x80]  }
.Ltmp6:
0x3c4: {  	v17 =	vsub.f32 v29, v30;
	v29 =	vsub.f32 v55, v56;
	v14 =	vld [tilespmem:s6+$0xFFFFFFC0];
	(pc) =	sbr.rel @p1 .LBB2_16-.Ltmp6, $4  }
0x3c5: {  	v30 =	vsub.f32 v3, v4;
	v3 =	vld [tilespmem:$0x1FD80];
	v39 =	vsub.f32 v53, v54  }
0x3c6: {  	v53 =	vsub.f32 v42, v45;
	v45 =	vsub.f32 v9, v10;
	v10 =	vld [tilespmem:$0x1FDA0]  }
0x3c7: {  	v43 =	vsub.f32 v61, v62;
	v41 =	vsub.f32 v63, v2;
	v9 =	vld [tilespmem:$0x1FDB0]  }
0x3c8: {  	s5 =	smov.u32 s8;
	s8 =	sadd.s32 $0x4, s8;
	v54 =	vmov v11;
	v11 =	vld [tilespmem:$0x1FD70];
	v31 =	vsub.f32 v5, v6;
	v42 =	vsub.f32 v0, v1  }
0x3c9: {  	v1 =	vld [tilespmem:s6+$0xFFFFFF90]  }
0x3ca: {  	v4 =	vld [tilespmem:s6+$0xFFFFFF00]  }
0x3cb: {  	v5 =	vsub.f32 v47, v51;
	v47 =	vld [tilespmem:s6+$0xFFFFFF10]  }
0x3cc: {  	v2 =	vmul.f32 v53, v32;
	v6 =	vmul.f32 v36, v8;
	v46 =	vsub.f32 v46, v50;
	v50 =	vld [tilespmem:s6+$0x80]  }
0x3cd: {  	v0 =	vsub.f32 v44, v49;
	v44 =	vmul.f32 v52, v24;
	v49 =	vmul.f32 v43, v48;
	v51 =	vld [tilespmem:s6+$0xFFFFFF20]  }
0x3ce: {  	v12 =	vmul.f32 v33, v12;
	v15 =	vmul.f32 v35, v15;
	v52 =	vld [tilespmem:s6+$0x90]  }
0x3cf: {  	v18 =	vmul.f32 v39, v18;
	v53 =	vld [tilespmem:s6+$0xFFFFFF30];
	v56 =	vmul.f32 v28, v14  }
0x3d0: {  	v57 =	vld [tilespmem:s6+$0xA0];
	v59 =	vmul.f32 v29, v16;
	v3 =	vmul.f32 v37, v3  }
0x3d1: {  	v2 =	vadd.f32 $0.0e+00, v2;
	v10 =	vmul.f32 v34, v10;
	v7 =	vmul.f32 v40, v9;
	v40 =	vld [tilespmem:s6+$0xFFFFFFA0]  }
0x3d2: {  	v58 =	vld [tilespmem:s6+$0xFFFFFF40];
	v5 =	vmul.f32 v5, v27;
	v11 =	vmul.f32 v38, v11  }
0x3d3: {  	v62 =	vld [tilespmem:s6+$0xB0];
	v2 =	vadd.f32 v44, v2;
	v1 =	vmul.f32 v45, v1;
	v4 =	vmul.f32 v46, v4  }
0x3d4: {  	v63 =	vld [tilespmem:s6+$0xFFFFFF50];
	v5 =	vadd.f32 $0.0e+00, v5;
	v0 =	vmul.f32 v0, v47;
	v60 =	vmul.f32 v42, v50  }
0x3d5: {  	v32 =	vld [tilespmem:s6+$0xC0];
	v9 =	vmul.f32 v30, v52;
	v2 =	vadd.f32 v49, v2;
	v4 =	vadd.f32 $0.0e+00, v4  }
0x3d6: {  	v33 =	vld [tilespmem:s7+$0xFFFFFF70];
	v1 =	vadd.f32 v1, v5;
	v29 =	vadd.f32 $0.0e+00, v60;
	v55 =	vmul.f32 v41, v40  }
0x3d7: {  	v36 =	vld [tilespmem:s6+$0xD0];
	v61 =	vmul.f32 v31, v51;
	v2 =	vadd.f32 v18, v2;
	v0 =	vadd.f32 v0, v4  }
0x3d8: {  	v43 =	vld [tilespmem:$0x1FDE0];
	v34 =	vmul.f32 v25, v57;
	v5 =	vadd.f32 v9, v29;
	v1 =	vadd.f32 v55, v1  }
0x3d9: {  	v48 =	vld [tilespmem:$0x1FDC0];
	v31 =	vmul.f32 v26, v53;
	v2 =	vadd.f32 v15, v2;
	v0 =	vadd.f32 v61, v0  }
0x3da: {  	v44 =	vld [tilespmem:$0x1FDF0];
	v38 =	vmul.f32 v22, v62;
	v5 =	vadd.f32 v34, v5;
	v1 =	vadd.f32 v59, v1  }
0x3db: {  	v37 =	vld [tilespmem:s6+$0xFFFFFF70];
	v35 =	vmul.f32 v23, v58;
	v2 =	vadd.f32 v11, v2;
	v0 =	vadd.f32 v31, v0  }
0x3dc: {  	v49 =	vld [tilespmem:$0x1FDD0];
	v41 =	vmul.f32 v20, v32;
	v5 =	vadd.f32 v38, v5;
	v1 =	vadd.f32 v56, v1  }
0x3dd: {  	v39 =	vmul.f32 v21, v63;
	v40 =	vld [tilespmem:s7+$0xF0];
	v2 =	vadd.f32 v7, v2;
	v0 =	vadd.f32 v35, v0  }
0x3de: {  	v46 =	vmul.f32 v17, v36;
	v45 =	vadd.f32 v41, v5;
	v1 =	vadd.f32 v12, v1  }
0x3df: {  	v42 =	vld [tilespmem:s6+$0xF0];
	v4 =	vmul.f32 v19, v43;
	v12 =	vsub.f32 v44, v33;
	v0 =	vadd.f32 v39, v0  }
0x3e0: {  	v2 =	vadd.f32 v3, v2;
	v1 =	vadd.f32 v10, v1  }
0x3e1: {  	v3 =	vadd.f32 v46, v45;
	v47 =	vmul.f32 v12, v37;
	v0 =	vadd.f32 v4, v0  }
0x3e2: {  	v5 =	vmul.f32 v13, v48;
	v1 =	vadd.f32 v6, v1;
	v6 =	vsub.f32 v49, v40  }
0x3e3: {  	(xrf2) =	vadd.scan.msk.f32 $0xffff, v2;
	v0 =	vadd.f32 v47, v0  }
0x3e4: {  	v50 =	vadd.f32 v5, v3;
	(xrf2) =	vadd.scan.msk.f32 $0xffff, v1;
	v51 =	vmul.f32 v6, v42  }
0x3e5: {  	(xrf2) =	vadd.scan.msk.f32 $0xffff, v0  }
0x3e6: {  	v52 =	vadd.f32 v51, v50;
	_ =	sdelay $0x1  }
0x3e7: {  	(xrf2) =	vadd.scan.msk.f32 $0xffff, v52;
	_ =	sdelay $0x4  }
0x3e8: {  	v53, _, _ =	vpop (xrf2)  }
0x3e9: {  	s4 =	sadd.s32 $0x2, s5;
	v63 =	vld [tilespmem:$0x1FE00];
	v55, _, _ =	vpop (xrf2)  }
0x3ea: {  	v58 =	vmov s4;
	v60 =	vlaneseq.u32;
	v57, _, _ =	vpop (xrf2)  }
0x3eb: {  	s28 =	sadd.s32 $0x1, s5;
	s30 =	sshll.u32 s29, $0x4;
	s29 =	sadd.s32 $0x1, s29;
	vm14 =	veq.s32 v58, v60;
	v56 =	vmov s5;
	v3 =	vbroadcast v57, $0xF  }
0x3ec: {  	p1 =	sne.s32 s29, $0x4;
	v61 =	vmov s28;
	vm0 =	veq.s32 v56, v60;
	v1 =	vbroadcast v55, $0xF  }
.Ltmp7:
0x3ed: {  	s12 =	sadd.s32 $0x3, s5;
	vm13 =	veq.s32 v61, v60;
	v0 =	vbroadcast v53, $0xF;
	v3 =	vsel vm0, v3, v54;
	v62, _, _ =	vpop (xrf2);
	(pc) =	sbr.rel @p1 .LBB2_15-.Ltmp7, $4  }
0x3ee: {  	v59 =	vmov s12;
	v1 =	vsel vm13, v1, v3;
	v2 =	vbroadcast v62, $0xF  }
0x3ef: {  	vm15 =	veq.s32 v59, v60;
	v0 =	vsel vm14, v0, v1  }
0x3f0: {  	s4 =	sand.u32 $0x3FFFFFF0, s30;
	v0 =	vsel vm15, v2, v0  }
0x3f1: {  	s26 =	sadd.s32 $0x800, s26;
	s10 =	sadd.s32 $0x800, s10;
	s11 =	sadd.s32 $0x800, s11;
	[tilespmem:v63+s4+$0x0 ss:$0x1] =	vst.idx.msk $0xffff, v0  }
.Ltmp8:
0x3f2: {  	(pc) =	sbr.rel @p0 .LBB2_2-.Ltmp8, $3  }
0x3f3: {  	_ =	sdelay $0x1  }
0x3f4: {  	s5 =	simm.s32 $0x400;
	p1 =	por $0x0, $0x0  }
0x3f5: {  	s6 =	simm.s32 $0x5C0;
	s7 =	simm.s32 $0x3C0;
	s8 =	simm.s32 $0x1C0  }
0x3f6: {  	s11 =	simm.s32 $0x0  }
0x3f7: {  	s4 =	rddreg [dreg:$0xa];
	s5 =	simm.s32 $0x18600;
	s7 =	simm.s32 $0xD  }
0x3f8: {  	[hbm4b:s4+s11] =	stream.linear.scatter [tilespmem:s5], [sflag:$0xD], $0x200, $0x38;
	[tilespmem:$0x18800] =	vst v63  }
0x3f9: {  	_ =	swait.ge [sflag:s7], $0x200  }
0x3fa: {  	s29 =	rddreg [dreg:$0xc]  }
0x3fb: {  	s30 =	rddreg [dreg:$0xb];
	s5 =	sadd.s32 $0x1, s29  }
0x3fc: {  	p0 =	sne.s32 s5, s30  }
.Ltmp9:
0x3fd: {  	_ = 	snop;
	(pc) =	sbr.rel @p0 .LBB2_1-.Ltmp9, $3  }
0x3fe: {  	_ =	sdelay $0x1  }
0x3ff: {  	[sflag:s7] =	ssyncset.done $0x0  }
0x400: {  	[sflag:s7] =	ssyncadd.s32 $0xFFFFFE00  }
0x401: {  	_ =	sfence.sel $0x180000  }
0x402: {  	[bflag:$0x0] =	sbarrier.arrive $0xFFFF  }
0x403: {  	_ =	strace $0x90000047  }
0x404: {  	s0 =	stileid.u32;
	[bflag:$0x2] =	sbarrier.arrive $0xFFFF  }
0x405: {  	p0 =	sne.s32 s0, $0x0;
	s0 =	rddreg [dreg:$0x6]  }
0x406: {  	s0 =	sadd.s32 @!p0 $0x100000, s0  }
0x407: {  	[sflag:s0] =	ssyncadd.tile.s32 @!p0 $0x1;
	_ =	shalt  }
.Lfunc_end2:
_tile_overlayer_lowered:
.L_overlay_start_2:
0x408: {  	(tag) =	ssettag $0x2  }
0x409: {  	s0 =	rddreg [dreg:$0x0];
	s2 =	stileid.u32  }
0x40a: {  	s1 =	rddreg [dreg:$0x1];
	p0 =	sne.s32 s2, $0x0  }
0x40b: {  	s3 =	rddreg [dreg:$0x2];
	[bflag:$0x3] =	sbarrier.arrive $0xFFFF;
	s2 =	simm.s32 @!p0 $0x1C0E  }
0x40c: {  	[timem:s3], [sflag:s2] =	dma.local @!p0 [hbm:s0], s1  }
0x40d: {  	s0 =	simm.s32 @!p0 $0xE  }
0x40e: {  	_ =	swait.ge @!p0 [sflag:s0], s1  }
0x40f: {  	s1 =	ssub.s32 @!p0 $0x0, s1;
	[sflag:s0] =	ssyncset.done @!p0 $0x0  }
0x410: {  	[sflag:s0] =	ssyncadd.s32 @!p0 s1  }
0x411: {  	[bflag:$0x3] =	sbarrier.arrive $0xFFFF  }
0x412: {  	_ =	shalt  }

</sc_bundles>
